<compile_context>
chip_gen: v7x
topology: tpu7x:2x2x1
jax: 0.10.2.dev20260603
libtpu: 0.0.44.dev20260713+nightly
codegen_flags: <defaults>
</compile_context>

<pallas_src>
import functools

import jax
import jax.numpy as jnp
from jax import lax
from jax.experimental import pallas as pl
from jax.experimental.pallas import tpu as pltpu
from jax.experimental.pallas import tpu_sc as plsc

NSC = 2
NT = 16
CH = 120


def _gelu(x):
    return 0.5 * x * (1.0 + lax.erf(x * 0.7071067811865475))



def _tc_input_body(x_ref, mt_ref, w_ref, b_ref, g_ref, bb_ref, out_ref):
    x = x_ref[...]
    n = x.shape[0]
    row0 = lax.broadcasted_iota(jnp.int32, x.shape, 0) == 0
    xm = jnp.where(row0, mt_ref[...], x)
    h = lax.dot_general(xm, w_ref[...], (((1,), (1,)), ((), ())))
    h = h + b_ref[...]
    mu = jnp.mean(h, axis=-1, keepdims=True)
    d = h - mu
    var = jnp.mean(d * d, axis=-1, keepdims=True)
    h = d * lax.rsqrt(var + 1e-5) * g_ref[...] + bb_ref[...]
    h = _gelu(h)
    hw = h.shape[1] // 2
    out_ref[0:n] = h[:, :hw]
    out_ref[n:2 * n] = h[:, hw:]


def _tc_layer_body(n, n_pad, h2_ref, agg2_ref, deg_ref, wl_ref, bl_ref,
                   wr_ref, bng_ref, bnb_ref, gwh_ref, gwc_ref, gb_ref,
                   out_ref):
    h = jnp.concatenate([h2_ref[0:n], h2_ref[n:2 * n]], axis=1)
    agg = jnp.concatenate([agg2_ref[0:n], agg2_ref[n_pad:n_pad + n]], axis=1)
    deg = jnp.maximum(deg_ref[0:n, 0:1] + deg_ref[n_pad:n_pad + n, 0:1], 1.0)
    agg = agg / deg
    c = (lax.dot_general(agg, wl_ref[...], (((1,), (1,)), ((), ())))
         + bl_ref[...]
         + lax.dot_general(h, wr_ref[...], (((1,), (1,)), ((), ()))))
    m = jnp.mean(c, axis=0, keepdims=True)
    d = c - m
    v = jnp.mean(d * d, axis=0, keepdims=True)
    cbn = d * lax.rsqrt(v + 1e-5) * bng_ref[...] + bnb_ref[...]
    cg = _gelu(cbn)
    z = (lax.dot_general(h, gwh_ref[...], (((1,), (1,)), ((), ())))
         + lax.dot_general(cg, gwc_ref[...], (((1,), (1,)), ((), ())))
         + gb_ref[...])
    gate = jax.nn.sigmoid(z)
    hn = gate * h + (1.0 - gate) * cg
    hw = hn.shape[1] // 2
    out_ref[0:n] = hn[:, :hw]
    out_ref[n:2 * n] = hn[:, hw:]


def _make_tc_out_body(num_layers, hdim):
    def body(*refs):
        h2_refs = refs[:num_layers]
        w_ref, b_ref, out_ref = refs[num_layers:]
        n = out_ref.shape[0]
        w = w_ref[...]
        acc = jnp.broadcast_to(b_ref[...], (n, w.shape[0]))
        for i, r in enumerate(h2_refs):
            hl = jnp.concatenate([r[0:n], r[n:2 * n]], axis=1)
            wsl = w[:, i * hdim:(i + 1) * hdim]
            acc = acc + lax.dot_general(hl, wsl, (((1,), (1,)), ((), ())))
        out_ref[...] = acc
    return body



def _sc_agg_body(n_nodes, n_pad, k_chunks, *refs):
    (h_hbm, src_hbm, dst_hbm, z128_hbm,
     agg_out,
     agg_sh, sidx, didx, rows,
     gsem0, gsem1, gsem2, isem0, isem1, isem2,
     ssem0, ssem1, ssem2) = refs
    c = lax.axis_index("c")
    s = lax.axis_index("s")
    zr = n_pad // NT
    gsems = (gsem0, gsem1, gsem2)
    isems = (isem0, isem1, isem2)
    ssems = (ssem0, ssem1, ssem2)
    pltpu.sync_copy(z128_hbm.at[pl.ds(s * zr, zr)], agg_sh.at[pl.ds(s * zr, zr)])
    plsc.subcore_barrier()

    nb = 3
    ns = 2 * nb

    def idx_start(j, sl):
        pltpu.async_copy(src_hbm.at[c, s, j], sidx.at[sl], isems[sl % nb])
        pltpu.async_copy(dst_hbm.at[s, j], didx.at[sl], isems[sl % nb])

    def idx_wait(j, sl):
        pltpu.make_async_copy(src_hbm.at[c, s, j], sidx.at[sl],
                              isems[sl % nb]).wait()
        pltpu.make_async_copy(dst_hbm.at[s, j], didx.at[sl],
                              isems[sl % nb]).wait()

    def gather_start(b, sl):
        pltpu.async_copy(h_hbm.at[sidx.at[sl]], rows.at[b], gsems[b])

    def gather_wait(b, sl):
        pltpu.make_async_copy(h_hbm.at[sidx.at[sl]], rows.at[b],
                              gsems[b]).wait()

    def scatter_start(b, sl):
        pltpu.async_copy(rows.at[b], agg_sh.at[didx.at[sl]], ssems[b],
                         add=True)

    def scatter_wait(b, sl):
        pltpu.make_async_copy(rows.at[b], agg_sh.at[didx.at[sl]],
                              ssems[b]).wait()

    for m in range(nb):
        idx_start(m, m)
    for m in range(nb - 1):
        idx_wait(m, m)
        gather_start(m, m)

    loop_hi = -(-k_chunks // ns) * ns

    @pl.loop(0, loop_hi, step=ns)
    def _loop(j0):
        for bb in range(ns):
            j = j0 + bb
            rb = bb % nb

            @pl.when(j + nb - 1 < k_chunks)
            def _next_gather():
                idx_wait(j + nb - 1, (bb + nb - 1) % ns)

                @pl.when(j >= 1)
                def _drain_prev_scatter():
                    scatter_wait((bb + nb - 1) % nb, (bb + ns - 1) % ns)

                gather_start((bb + nb - 1) % nb, (bb + nb - 1) % ns)

            @pl.when(j < k_chunks)
            def _body():
                gather_wait(rb, bb)
                scatter_start(rb, bb)

            @pl.when(j + nb < k_chunks)
            def _next_idx():
                idx_start(j + nb, (bb + nb) % ns)

    for m in range(k_chunks - nb, k_chunks):
        scatter_wait(m % nb, m % ns)

    plsc.subcore_barrier()
    pltpu.sync_copy(agg_sh.at[pl.ds(s * zr, zr)],
                    agg_out.at[pl.ds(c * n_pad + s * zr, zr)])


def _sc_deg_body(n_pad, k_half, *refs):
    (dst_hbm, z128_hbm, ones_hbm,
     deg_out,
     deg_sh, didx, onesv, isem0, isem1) = refs
    c = lax.axis_index("c")
    s = lax.axis_index("s")
    zr = n_pad // NT
    isems = (isem0, isem1)
    pltpu.sync_copy(z128_hbm.at[pl.ds(s * zr, zr)], deg_sh.at[pl.ds(s * zr, zr)])
    pltpu.sync_copy(ones_hbm, onesv)
    plsc.subcore_barrier()

    def didx_start(j, b):
        pltpu.async_copy(dst_hbm.at[s, c * k_half + j], didx.at[b], isems[b])

    def didx_wait(j, b):
        pltpu.make_async_copy(dst_hbm.at[s, c * k_half + j], didx.at[b],
                              isems[b]).wait()

    didx_start(0, 0)

    @pl.loop(0, k_half, step=2)
    def _deg_loop(j0):
        for bb in range(2):
            j = j0 + bb
            didx_wait(j, bb)

            @pl.when(j + 1 < k_half)
            def _dnext():
                didx_start(j + 1, 1 - bb)

            pltpu.sync_copy(onesv, deg_sh.at[didx.at[bb]], add=True)

    plsc.subcore_barrier()
    pltpu.sync_copy(deg_sh.at[pl.ds(s * zr, zr)],
                    deg_out.at[pl.ds(c * n_pad + s * zr, zr)])


@functools.lru_cache(maxsize=None)
def _make_sc_agg(n_nodes, n_pad, k_chunks, hw):
    mesh = plsc.VectorSubcoreMesh(core_axis_name="c", subcore_axis_name="s")
    out_type = jax.ShapeDtypeStruct((NSC * n_pad, hw), jnp.float32)
    scratch = [
        pltpu.VMEM_SHARED((n_pad, hw), jnp.float32),
        pltpu.VMEM((6, CH), jnp.int32),
        pltpu.VMEM((6, CH), jnp.int32),
        pltpu.VMEM((3, CH, hw), jnp.float32),
    ] + [pltpu.SemaphoreType.DMA] * 9
    return pl.kernel(
        functools.partial(_sc_agg_body, n_nodes, n_pad, k_chunks),
        out_type=out_type,
        mesh=mesh,
        scratch_types=scratch,
    )


@functools.lru_cache(maxsize=None)
def _make_sc_deg(n_pad, k_half):
    mesh = plsc.VectorSubcoreMesh(core_axis_name="c", subcore_axis_name="s")
    out_type = jax.ShapeDtypeStruct((NSC * n_pad, 128), jnp.float32)
    scratch = [
        pltpu.VMEM_SHARED((n_pad, 128), jnp.float32),
        pltpu.VMEM((2, CH), jnp.int32),
        pltpu.VMEM((CH, 128), jnp.float32),
        pltpu.SemaphoreType.DMA,
        pltpu.SemaphoreType.DMA,
    ]
    return pl.kernel(
        functools.partial(_sc_deg_body, n_pad, k_half),
        out_type=out_type,
        mesh=mesh,
        scratch_types=scratch,
    )


def _sc_aggregate(h2, src2, dst3, z128):
    n_nodes = h2.shape[0] // NSC
    hw = h2.shape[1]
    n_pad = z128.shape[0]
    k_chunks = dst3.shape[1]
    return _make_sc_agg(n_nodes, n_pad, k_chunks, hw)(h2, src2, dst3, z128)


def _sc_degree(dst3, z128, ones128):
    n_pad = z128.shape[0]
    k_half = dst3.shape[1] // NSC
    return _make_sc_deg(n_pad, k_half)(dst3, z128, ones128)



def kernel(x, edge_index, mask_token, in_W, in_b, ln_g, ln_b,
           sage_Wl, sage_bl, sage_Wr, bn_g, bn_b, gate_W, gate_b,
           out_W, out_b):
    n, in_dim = x.shape
    e = edge_index.shape[1]
    h = in_W.shape[0]
    num_layers = sage_Wl.shape[0]
    hw = h // 2
    assert n % NT == 0

    k_chunks = -(-(-(-e // (NT * CH))) // 4) * 4
    e_pad = k_chunks * CH * NT
    pad = e_pad - e
    n_pad = -(-(n + 64) // (NT * 8)) * (NT * 8)

    src = edge_index[0]
    dst = edge_index[1]
    pad_ar = jnp.arange(pad, dtype=jnp.int32)
    src_p = jnp.concatenate([src, pad_ar % n])
    dst_p = jnp.concatenate([dst, n + pad_ar % (n_pad - n)])
    src3 = src_p.reshape(NT, k_chunks, CH)
    src2 = jnp.stack([src3, src3 + n])
    dst3 = dst_p.reshape(NT, k_chunks, CH)

    z128 = jnp.zeros((n_pad, hw), jnp.float32)
    ones128 = jnp.ones((CH, 128), jnp.float32)

    tc_params = pltpu.CompilerParams(vmem_limit_bytes=100 * 1024 * 1024)
    no = jax.ShapeDtypeStruct((n, out_W.shape[0]), jnp.float32)
    tc_input = pl.pallas_call(
        _tc_input_body,
        out_shape=jax.ShapeDtypeStruct((NSC * n, hw), jnp.float32),
        compiler_params=tc_params,
    )
    tc_layer = pl.pallas_call(
        functools.partial(_tc_layer_body, n, n_pad),
        out_shape=jax.ShapeDtypeStruct((NSC * n, hw), jnp.float32),
        compiler_params=tc_params,
    )
    tc_out = pl.pallas_call(
        _make_tc_out_body(num_layers, h),
        out_shape=no,
        compiler_params=tc_params,
    )

    deg2 = _sc_degree(dst3, z128, ones128)
    h2 = tc_input(x, mask_token[None], in_W, in_b[None], ln_g[None], ln_b[None])

    outs2 = []
    for l in range(num_layers):
        agg2 = _sc_aggregate(h2, src2, dst3, z128)
        h2 = tc_layer(h2, agg2, deg2, sage_Wl[l], sage_bl[l][None],
                      sage_Wr[l], bn_g[l][None], bn_b[l][None],
                      gate_W[l, :, :h], gate_W[l, :, h:], gate_b[l][None])
        outs2.append(h2)

    return tc_out(*outs2, out_W, out_b[None])

# --- scband reference (transcript-rebuilt; emitter-appended) ---
"""Pipeline reference for scband-embedder-gnnv5-85555748536465 (READ-ONLY COPY).

The authoritative reference and input builder live on the scoring server;
editing this copy changes nothing except your own understanding.
"""

import jax, jax.numpy as jnp
import numpy as np

N = 10000
E = 160000
IN = 256
H = 256
OUT = 256
L = 3


def setup_inputs(seed: int = 0) -> dict:
    key = jax.random.key(seed)
    ks = jax.random.split(key, 18)
    inp = {}
    inp["x"] = jax.random.normal(ks[0], (N, IN), jnp.float32)
    inp["edge_index"] = jax.random.randint(ks[1], (2, E), 0, N, jnp.int32)
    inp["mask_token"] = jax.random.normal(ks[2], (IN,), jnp.float32)
    s_in = 1.0 / np.sqrt(IN)
    s_h = 1.0 / np.sqrt(H)
    s_2h = 1.0 / np.sqrt(2 * H)
    s_jk = 1.0 / np.sqrt(H * L)
    inp["in_W"] = jax.random.normal(ks[3], (H, IN), jnp.float32) * s_in
    inp["in_b"] = jnp.zeros((H,), jnp.float32)
    inp["ln_g"] = jnp.ones((H,), jnp.float32)
    inp["ln_b"] = jnp.zeros((H,), jnp.float32)
    inp["sage_Wl"] = jax.random.normal(ks[4], (L, H, H), jnp.float32) * s_h
    inp["sage_bl"] = jnp.zeros((L, H), jnp.float32)
    inp["sage_Wr"] = jax.random.normal(ks[5], (L, H, H), jnp.float32) * s_h
    inp["bn_g"] = jnp.ones((L, H), jnp.float32)
    inp["bn_b"] = jnp.zeros((L, H), jnp.float32)
    inp["gate_W"] = jax.random.normal(ks[6], (L, H, 2 * H), jnp.float32) * s_2h
    inp["gate_b"] = jnp.zeros((L, H), jnp.float32)
    inp["out_W"] = jax.random.normal(ks[7], (OUT, H * L), jnp.float32) * s_jk
    inp["out_b"] = jnp.zeros((OUT,), jnp.float32)
    return inp


def reference(x, edge_index, mask_token, in_W, in_b, ln_g, ln_b,
              sage_Wl, sage_bl, sage_Wr, bn_g, bn_b, gate_W, gate_b,
              out_W, out_b):
    src = edge_index[0]
    dst = edge_index[1]
    # mask token replaces node 0; remaining node features are detached
    x_masked = jnp.concatenate([mask_token[None, :], jax.lax.stop_gradient(x[1:])], axis=0)
    h = x_masked @ in_W.T + in_b
    # LayerNorm
    mu = h.mean(axis=-1, keepdims=True)
    var = ((h - mu) ** 2).mean(axis=-1, keepdims=True)
    h = (h - mu) / jnp.sqrt(var + 1e-5) * ln_g + ln_b
    h = jax.nn.gelu(h, approximate=False)
    n = h.shape[0]
    deg = jnp.zeros((n,), h.dtype).at[dst].add(1.0)
    deg = jnp.clip(deg, 1.0, None)
    outs = []
    for l in range(L):
        # SAGEConv mean aggregation: out = lin_l(mean_j x_j) + lin_r(x)
        msg = h[src]
        agg = jnp.zeros_like(h).at[dst].add(msg) / deg[:, None]
        c = agg @ sage_Wl[l].T + sage_bl[l] + h @ sage_Wr[l].T
        # BatchNorm1d (training-mode batch statistics, biased var)
        m = c.mean(axis=0)
        v = c.var(axis=0)
        c = (c - m) / jnp.sqrt(v + 1e-5) * bn_g[l] + bn_b[l]
        c = jax.nn.gelu(c, approximate=False)
        # dropout omitted (eval / deterministic)
        gate = jax.nn.sigmoid(jnp.concatenate([h, c], axis=1) @ gate_W[l].T + gate_b[l])
        h = gate * h + (1.0 - gate) * c
        outs.append(h)
    jk = jnp.concatenate(outs, axis=1)
    return jk @ out_W.T + out_b

if __name__ == "__main__":
    import jax
    _d = setup_inputs()
    print(jax.jit(kernel)(*tuple(_d.values())))

</pallas_src>

<mosaic_0001>
#map = affine_map<(d0, d1) -> (0, 0)>
#map1 = affine_map<(d0, d1) -> (0, 0, 0, 0)>
#map2 = affine_map<(d0, d1) -> (0, 0, 0)>
module attributes {stable_mosaic.version = 14 : i64} {
  func.func @_sc_agg_body(%arg0: i32, %arg1: i32, %arg2: memref<20000x128xf32, #tpu.memory_space<hbm>>, %arg3: memref<2x16x84x120xi32, #tpu.memory_space<hbm>>, %arg4: memref<16x84x120xi32, #tpu.memory_space<hbm>>, %arg5: memref<10112x128xf32, #tpu.memory_space<hbm>>, %arg6: memref<20224x128xf32, #tpu.memory_space<hbm>>, %arg7: memref<10112x128xf32, #tpu.memory_space<vmem_shared>>, %arg8: memref<6x120xi32, #tpu.memory_space<vmem>>, %arg9: memref<6x120xi32, #tpu.memory_space<vmem>>, %arg10: memref<3x120x128xf32, #tpu.memory_space<vmem>>, %arg11: memref<!tpu.dma_semaphore, #tpu.memory_space<semaphore_mem>>, %arg12: memref<!tpu.dma_semaphore, #tpu.memory_space<semaphore_mem>>, %arg13: memref<!tpu.dma_semaphore, #tpu.memory_space<semaphore_mem>>, %arg14: memref<!tpu.dma_semaphore, #tpu.memory_space<semaphore_mem>>, %arg15: memref<!tpu.dma_semaphore, #tpu.memory_space<semaphore_mem>>, %arg16: memref<!tpu.dma_semaphore, #tpu.memory_space<semaphore_mem>>, %arg17: memref<!tpu.dma_semaphore, #tpu.memory_space<semaphore_mem>>, %arg18: memref<!tpu.dma_semaphore, #tpu.memory_space<semaphore_mem>>, %arg19: memref<!tpu.dma_semaphore, #tpu.memory_space<semaphore_mem>>) attributes {dimension_semantics = [#tpu.dimension_semantics<core_parallel>, #tpu.dimension_semantics<subcore_parallel>], iteration_bounds = array<i64: 2, 16>, scalar_prefetch = 0 : i64, scratch_operands = 13 : i64, tpu.core_type = #tpu.core_type<sc_vector_subcore>, window_params = [{transform_indices = #map}, {transform_indices = #map1}, {transform_indices = #map2}, {transform_indices = #map}, {transform_indices = #map}]} {
    %mul3A = arith.constant 632 : i32
    %mul3A_0 = arith.muli %arg1, %mul3A : i32
    %mul3A_1 = arith.constant 632 : i32
    %mul3A_2 = arith.muli %arg1, %mul3A_1 : i32
    "tpu.region"() ({
      %run_scoped3A = tpu.sem_alloc : memref<!tpu.dma_semaphore, #tpu.memory_space<semaphore_mem>>
      %dma_start3A_212 = arith.constant 0 : i32
      %dma_start3A_213 = tpu.memref_slice %arg7[%mul3A_2, %dma_start3A_212] : memref<10112x128xf32, #tpu.memory_space<vmem_shared>> -> memref<632x128xf32, #tpu.memory_space<vmem_shared>>
      %dma_start3A_214 = arith.constant 0 : i32
      %dma_start3A_215 = tpu.memref_slice %arg5[%mul3A_0, %dma_start3A_214] : memref<10112x128xf32, #tpu.memory_space<hbm>> -> memref<632x128xf32, #tpu.memory_space<hbm>>
      tpu.enqueue_dma source(%dma_start3A_215 : memref<632x128xf32, #tpu.memory_space<hbm>>) target(%dma_start3A_213 : memref<632x128xf32, #tpu.memory_space<vmem_shared>>) target_semaphore(%run_scoped3A : memref<!tpu.dma_semaphore, #tpu.memory_space<semaphore_mem>>)
      %dma_wait3A_216 = arith.constant 0 : i32
      %dma_wait3A_217 = tpu.memref_slice %arg7[%mul3A_2, %dma_wait3A_216] : memref<10112x128xf32, #tpu.memory_space<vmem_shared>> -> memref<632x128xf32, #tpu.memory_space<vmem_shared>>
      %dma_wait3A_218 = arith.constant 0 : i32
      %dma_wait3A_219 = tpu.memref_slice %arg5[%mul3A_0, %dma_wait3A_218] : memref<10112x128xf32, #tpu.memory_space<hbm>> -> memref<632x128xf32, #tpu.memory_space<hbm>>
      tpu.wait_dma2 semaphore(%run_scoped3A : memref<!tpu.dma_semaphore, #tpu.memory_space<semaphore_mem>>) src(%dma_wait3A_219 : memref<632x128xf32, #tpu.memory_space<hbm>>) dst(%dma_wait3A_217 : memref<632x128xf32, #tpu.memory_space<vmem_shared>>)
      tpu.yield
    }) : () -> ()
    %barrier3A = arith.constant 0 : index
    tpu.barrier barrier_id(%barrier3A)
    %dma_start3A = arith.constant 0 : i32
    %dma_start3A_3 = arith.constant 0 : i32
    %dma_start3A_4 = arith.constant 0 : i32
    %dma_start3A_5 = tpu.memref_slice %arg8[%dma_start3A_3, %dma_start3A_4] : memref<6x120xi32, #tpu.memory_space<vmem>> -> memref<1x120xi32, #tpu.memory_space<vmem>>
    %dma_start3A_6 = tpu.memref_squeeze %dma_start3A_5 : memref<1x120xi32, #tpu.memory_space<vmem>> -> memref<120xi32, #tpu.memory_space<vmem>>
    %dma_start3A_7 = arith.constant 0 : i32
    %dma_start3A_8 = tpu.memref_slice %arg3[%arg0, %arg1, %dma_start3A, %dma_start3A_7] : memref<2x16x84x120xi32, #tpu.memory_space<hbm>> -> memref<1x1x1x120xi32, #tpu.memory_space<hbm>>
    %dma_start3A_9 = tpu.memref_squeeze %dma_start3A_8 : memref<1x1x1x120xi32, #tpu.memory_space<hbm>> -> memref<120xi32, #tpu.memory_space<hbm>>
    %dma_start3A_10 = arith.constant 0 : i32
    %dma_start3A_11 = tpu.memref_slice %arg8[%dma_start3A_3, %dma_start3A_10] : memref<6x120xi32, #tpu.memory_space<vmem>> -> memref<1x120xi32, #tpu.memory_space<vmem>>
    %dma_start3A_12 = tpu.memref_squeeze %dma_start3A_11 : memref<1x120xi32, #tpu.memory_space<vmem>> -> memref<120xi32, #tpu.memory_space<vmem>>
    %dma_start3A_13 = arith.constant 0 : i32
    %dma_start3A_14 = tpu.memref_slice %arg3[%arg0, %arg1, %dma_start3A, %dma_start3A_13] : memref<2x16x84x120xi32, #tpu.memory_space<hbm>> -> memref<1x1x1x120xi32, #tpu.memory_space<hbm>>
    %dma_start3A_15 = tpu.memref_squeeze %dma_start3A_14 : memref<1x1x1x120xi32, #tpu.memory_space<hbm>> -> memref<120xi32, #tpu.memory_space<hbm>>
    tpu.enqueue_dma source(%dma_start3A_15 : memref<120xi32, #tpu.memory_space<hbm>>) target(%dma_start3A_12 : memref<120xi32, #tpu.memory_space<vmem>>) target_semaphore(%arg14 : memref<!tpu.dma_semaphore, #tpu.memory_space<semaphore_mem>>)
    %dma_start3A_16 = arith.constant 0 : i32
    %dma_start3A_17 = arith.constant 0 : i32
    %dma_start3A_18 = arith.constant 0 : i32
    %dma_start3A_19 = tpu.memref_slice %arg9[%dma_start3A_17, %dma_start3A_18] : memref<6x120xi32, #tpu.memory_space<vmem>> -> memref<1x120xi32, #tpu.memory_space<vmem>>
    %dma_start3A_20 = tpu.memref_squeeze %dma_start3A_19 : memref<1x120xi32, #tpu.memory_space<vmem>> -> memref<120xi32, #tpu.memory_space<vmem>>
    %dma_start3A_21 = arith.constant 0 : i32
    %dma_start3A_22 = tpu.memref_slice %arg4[%arg1, %dma_start3A_16, %dma_start3A_21] : memref<16x84x120xi32, #tpu.memory_space<hbm>> -> memref<1x1x120xi32, #tpu.memory_space<hbm>>
    %dma_start3A_23 = tpu.memref_squeeze %dma_start3A_22 : memref<1x1x120xi32, #tpu.memory_space<hbm>> -> memref<120xi32, #tpu.memory_space<hbm>>
    %dma_start3A_24 = arith.constant 0 : i32
    %dma_start3A_25 = tpu.memref_slice %arg9[%dma_start3A_17, %dma_start3A_24] : memref<6x120xi32, #tpu.memory_space<vmem>> -> memref<1x120xi32, #tpu.memory_space<vmem>>
    %dma_start3A_26 = tpu.memref_squeeze %dma_start3A_25 : memref<1x120xi32, #tpu.memory_space<vmem>> -> memref<120xi32, #tpu.memory_space<vmem>>
    %dma_start3A_27 = arith.constant 0 : i32
    %dma_start3A_28 = tpu.memref_slice %arg4[%arg1, %dma_start3A_16, %dma_start3A_27] : memref<16x84x120xi32, #tpu.memory_space<hbm>> -> memref<1x1x120xi32, #tpu.memory_space<hbm>>
    %dma_start3A_29 = tpu.memref_squeeze %dma_start3A_28 : memref<1x1x120xi32, #tpu.memory_space<hbm>> -> memref<120xi32, #tpu.memory_space<hbm>>
    tpu.enqueue_dma source(%dma_start3A_29 : memref<120xi32, #tpu.memory_space<hbm>>) target(%dma_start3A_26 : memref<120xi32, #tpu.memory_space<vmem>>) target_semaphore(%arg14 : memref<!tpu.dma_semaphore, #tpu.memory_space<semaphore_mem>>)
    %dma_start3A_30 = arith.constant 1 : i32
    %dma_start3A_31 = arith.constant 1 : i32
    %dma_start3A_32 = arith.constant 0 : i32
    %dma_start3A_33 = tpu.memref_slice %arg8[%dma_start3A_31, %dma_start3A_32] : memref<6x120xi32, #tpu.memory_space<vmem>> -> memref<1x120xi32, #tpu.memory_space<vmem>>
    %dma_start3A_34 = tpu.memref_squeeze %dma_start3A_33 : memref<1x120xi32, #tpu.memory_space<vmem>> -> memref<120xi32, #tpu.memory_space<vmem>>
    %dma_start3A_35 = arith.constant 0 : i32
    %dma_start3A_36 = tpu.memref_slice %arg3[%arg0, %arg1, %dma_start3A_30, %dma_start3A_35] : memref<2x16x84x120xi32, #tpu.memory_space<hbm>> -> memref<1x1x1x120xi32, #tpu.memory_space<hbm>>
    %dma_start3A_37 = tpu.memref_squeeze %dma_start3A_36 : memref<1x1x1x120xi32, #tpu.memory_space<hbm>> -> memref<120xi32, #tpu.memory_space<hbm>>
    %dma_start3A_38 = arith.constant 0 : i32
    %dma_start3A_39 = tpu.memref_slice %arg8[%dma_start3A_31, %dma_start3A_38] : memref<6x120xi32, #tpu.memory_space<vmem>> -> memref<1x120xi32, #tpu.memory_space<vmem>>
    %dma_start3A_40 = tpu.memref_squeeze %dma_start3A_39 : memref<1x120xi32, #tpu.memory_space<vmem>> -> memref<120xi32, #tpu.memory_space<vmem>>
    %dma_start3A_41 = arith.constant 0 : i32
    %dma_start3A_42 = tpu.memref_slice %arg3[%arg0, %arg1, %dma_start3A_30, %dma_start3A_41] : memref<2x16x84x120xi32, #tpu.memory_space<hbm>> -> memref<1x1x1x120xi32, #tpu.memory_space<hbm>>
    %dma_start3A_43 = tpu.memref_squeeze %dma_start3A_42 : memref<1x1x1x120xi32, #tpu.memory_space<hbm>> -> memref<120xi32, #tpu.memory_space<hbm>>
    tpu.enqueue_dma source(%dma_start3A_43 : memref<120xi32, #tpu.memory_space<hbm>>) target(%dma_start3A_40 : memref<120xi32, #tpu.memory_space<vmem>>) target_semaphore(%arg15 : memref<!tpu.dma_semaphore, #tpu.memory_space<semaphore_mem>>)
    %dma_start3A_44 = arith.constant 1 : i32
    %dma_start3A_45 = arith.constant 1 : i32
    %dma_start3A_46 = arith.constant 0 : i32
    %dma_start3A_47 = tpu.memref_slice %arg9[%dma_start3A_45, %dma_start3A_46] : memref<6x120xi32, #tpu.memory_space<vmem>> -> memref<1x120xi32, #tpu.memory_space<vmem>>
    %dma_start3A_48 = tpu.memref_squeeze %dma_start3A_47 : memref<1x120xi32, #tpu.memory_space<vmem>> -> memref<120xi32, #tpu.memory_space<vmem>>
    %dma_start3A_49 = arith.constant 0 : i32
    %dma_start3A_50 = tpu.memref_slice %arg4[%arg1, %dma_start3A_44, %dma_start3A_49] : memref<16x84x120xi32, #tpu.memory_space<hbm>> -> memref<1x1x120xi32, #tpu.memory_space<hbm>>
    %dma_start3A_51 = tpu.memref_squeeze %dma_start3A_50 : memref<1x1x120xi32, #tpu.memory_space<hbm>> -> memref<120xi32, #tpu.memory_space<hbm>>
    %dma_start3A_52 = arith.constant 0 : i32
    %dma_start3A_53 = tpu.memref_slice %arg9[%dma_start3A_45, %dma_start3A_52] : memref<6x120xi32, #tpu.memory_space<vmem>> -> memref<1x120xi32, #tpu.memory_space<vmem>>
    %dma_start3A_54 = tpu.memref_squeeze %dma_start3A_53 : memref<1x120xi32, #tpu.memory_space<vmem>> -> memref<120xi32, #tpu.memory_space<vmem>>
    %dma_start3A_55 = arith.constant 0 : i32
    %dma_start3A_56 = tpu.memref_slice %arg4[%arg1, %dma_start3A_44, %dma_start3A_55] : memref<16x84x120xi32, #tpu.memory_space<hbm>> -> memref<1x1x120xi32, #tpu.memory_space<hbm>>
    %dma_start3A_57 = tpu.memref_squeeze %dma_start3A_56 : memref<1x1x120xi32, #tpu.memory_space<hbm>> -> memref<120xi32, #tpu.memory_space<hbm>>
    tpu.enqueue_dma source(%dma_start3A_57 : memref<120xi32, #tpu.memory_space<hbm>>) target(%dma_start3A_54 : memref<120xi32, #tpu.memory_space<vmem>>) target_semaphore(%arg15 : memref<!tpu.dma_semaphore, #tpu.memory_space<semaphore_mem>>)
    %dma_start3A_58 = arith.constant 2 : i32
    %dma_start3A_59 = arith.constant 2 : i32
    %dma_start3A_60 = arith.constant 0 : i32
    %dma_start3A_61 = tpu.memref_slice %arg8[%dma_start3A_59, %dma_start3A_60] : memref<6x120xi32, #tpu.memory_space<vmem>> -> memref<1x120xi32, #tpu.memory_space<vmem>>
    %dma_start3A_62 = tpu.memref_squeeze %dma_start3A_61 : memref<1x120xi32, #tpu.memory_space<vmem>> -> memref<120xi32, #tpu.memory_space<vmem>>
    %dma_start3A_63 = arith.constant 0 : i32
    %dma_start3A_64 = tpu.memref_slice %arg3[%arg0, %arg1, %dma_start3A_58, %dma_start3A_63] : memref<2x16x84x120xi32, #tpu.memory_space<hbm>> -> memref<1x1x1x120xi32, #tpu.memory_space<hbm>>
    %dma_start3A_65 = tpu.memref_squeeze %dma_start3A_64 : memref<1x1x1x120xi32, #tpu.memory_space<hbm>> -> memref<120xi32, #tpu.memory_space<hbm>>
    %dma_start3A_66 = arith.constant 0 : i32
    %dma_start3A_67 = tpu.memref_slice %arg8[%dma_start3A_59, %dma_start3A_66] : memref<6x120xi32, #tpu.memory_space<vmem>> -> memref<1x120xi32, #tpu.memory_space<vmem>>
    %dma_start3A_68 = tpu.memref_squeeze %dma_start3A_67 : memref<1x120xi32, #tpu.memory_space<vmem>> -> memref<120xi32, #tpu.memory_space<vmem>>
    %dma_start3A_69 = arith.constant 0 : i32
    %dma_start3A_70 = tpu.memref_slice %arg3[%arg0, %arg1, %dma_start3A_58, %dma_start3A_69] : memref<2x16x84x120xi32, #tpu.memory_space<hbm>> -> memref<1x1x1x120xi32, #tpu.memory_space<hbm>>
    %dma_start3A_71 = tpu.memref_squeeze %dma_start3A_70 : memref<1x1x1x120xi32, #tpu.memory_space<hbm>> -> memref<120xi32, #tpu.memory_space<hbm>>
    tpu.enqueue_dma source(%dma_start3A_71 : memref<120xi32, #tpu.memory_space<hbm>>) target(%dma_start3A_68 : memref<120xi32, #tpu.memory_space<vmem>>) target_semaphore(%arg16 : memref<!tpu.dma_semaphore, #tpu.memory_space<semaphore_mem>>)
    %dma_start3A_72 = arith.constant 2 : i32
    %dma_start3A_73 = arith.constant 2 : i32
    %dma_start3A_74 = arith.constant 0 : i32
    %dma_start3A_75 = tpu.memref_slice %arg9[%dma_start3A_73, %dma_start3A_74] : memref<6x120xi32, #tpu.memory_space<vmem>> -> memref<1x120xi32, #tpu.memory_space<vmem>>
    %dma_start3A_76 = tpu.memref_squeeze %dma_start3A_75 : memref<1x120xi32, #tpu.memory_space<vmem>> -> memref<120xi32, #tpu.memory_space<vmem>>
    %dma_start3A_77 = arith.constant 0 : i32
    %dma_start3A_78 = tpu.memref_slice %arg4[%arg1, %dma_start3A_72, %dma_start3A_77] : memref<16x84x120xi32, #tpu.memory_space<hbm>> -> memref<1x1x120xi32, #tpu.memory_space<hbm>>
    %dma_start3A_79 = tpu.memref_squeeze %dma_start3A_78 : memref<1x1x120xi32, #tpu.memory_space<hbm>> -> memref<120xi32, #tpu.memory_space<hbm>>
    %dma_start3A_80 = arith.constant 0 : i32
    %dma_start3A_81 = tpu.memref_slice %arg9[%dma_start3A_73, %dma_start3A_80] : memref<6x120xi32, #tpu.memory_space<vmem>> -> memref<1x120xi32, #tpu.memory_space<vmem>>
    %dma_start3A_82 = tpu.memref_squeeze %dma_start3A_81 : memref<1x120xi32, #tpu.memory_space<vmem>> -> memref<120xi32, #tpu.memory_space<vmem>>
    %dma_start3A_83 = arith.constant 0 : i32
    %dma_start3A_84 = tpu.memref_slice %arg4[%arg1, %dma_start3A_72, %dma_start3A_83] : memref<16x84x120xi32, #tpu.memory_space<hbm>> -> memref<1x1x120xi32, #tpu.memory_space<hbm>>
    %dma_start3A_85 = tpu.memref_squeeze %dma_start3A_84 : memref<1x1x120xi32, #tpu.memory_space<hbm>> -> memref<120xi32, #tpu.memory_space<hbm>>
    tpu.enqueue_dma source(%dma_start3A_85 : memref<120xi32, #tpu.memory_space<hbm>>) target(%dma_start3A_82 : memref<120xi32, #tpu.memory_space<vmem>>) target_semaphore(%arg16 : memref<!tpu.dma_semaphore, #tpu.memory_space<semaphore_mem>>)
    %dma_wait3A = arith.constant 0 : i32
    %dma_wait3A_86 = arith.constant 0 : i32
    %dma_wait3A_87 = arith.constant 0 : i32
    %dma_wait3A_88 = tpu.memref_slice %arg8[%dma_wait3A_86, %dma_wait3A_87] : memref<6x120xi32, #tpu.memory_space<vmem>> -> memref<1x120xi32, #tpu.memory_space<vmem>>
    %dma_wait3A_89 = tpu.memref_squeeze %dma_wait3A_88 : memref<1x120xi32, #tpu.memory_space<vmem>> -> memref<120xi32, #tpu.memory_space<vmem>>
    %dma_wait3A_90 = arith.constant 0 : i32
    %dma_wait3A_91 = tpu.memref_slice %arg3[%arg0, %arg1, %dma_wait3A, %dma_wait3A_90] : memref<2x16x84x120xi32, #tpu.memory_space<hbm>> -> memref<1x1x1x120xi32, #tpu.memory_space<hbm>>
    %dma_wait3A_92 = tpu.memref_squeeze %dma_wait3A_91 : memref<1x1x1x120xi32, #tpu.memory_space<hbm>> -> memref<120xi32, #tpu.memory_space<hbm>>
    %dma_wait3A_93 = arith.constant 0 : i32
    %dma_wait3A_94 = tpu.memref_slice %arg8[%dma_wait3A_86, %dma_wait3A_93] : memref<6x120xi32, #tpu.memory_space<vmem>> -> memref<1x120xi32, #tpu.memory_space<vmem>>
    %dma_wait3A_95 = tpu.memref_squeeze %dma_wait3A_94 : memref<1x120xi32, #tpu.memory_space<vmem>> -> memref<120xi32, #tpu.memory_space<vmem>>
    %dma_wait3A_96 = arith.constant 0 : i32
    %dma_wait3A_97 = tpu.memref_slice %arg3[%arg0, %arg1, %dma_wait3A, %dma_wait3A_96] : memref<2x16x84x120xi32, #tpu.memory_space<hbm>> -> memref<1x1x1x120xi32, #tpu.memory_space<hbm>>
    %dma_wait3A_98 = tpu.memref_squeeze %dma_wait3A_97 : memref<1x1x1x120xi32, #tpu.memory_space<hbm>> -> memref<120xi32, #tpu.memory_space<hbm>>
    tpu.wait_dma2 semaphore(%arg14 : memref<!tpu.dma_semaphore, #tpu.memory_space<semaphore_mem>>) src(%dma_wait3A_98 : memref<120xi32, #tpu.memory_space<hbm>>) dst(%dma_wait3A_95 : memref<120xi32, #tpu.memory_space<vmem>>)
    %dma_wait3A_99 = arith.constant 0 : i32
    %dma_wait3A_100 = arith.constant 0 : i32
    %dma_wait3A_101 = arith.constant 0 : i32
    %dma_wait3A_102 = tpu.memref_slice %arg9[%dma_wait3A_100, %dma_wait3A_101] : memref<6x120xi32, #tpu.memory_space<vmem>> -> memref<1x120xi32, #tpu.memory_space<vmem>>
    %dma_wait3A_103 = tpu.memref_squeeze %dma_wait3A_102 : memref<1x120xi32, #tpu.memory_space<vmem>> -> memref<120xi32, #tpu.memory_space<vmem>>
    %dma_wait3A_104 = arith.constant 0 : i32
    %dma_wait3A_105 = tpu.memref_slice %arg4[%arg1, %dma_wait3A_99, %dma_wait3A_104] : memref<16x84x120xi32, #tpu.memory_space<hbm>> -> memref<1x1x120xi32, #tpu.memory_space<hbm>>
    %dma_wait3A_106 = tpu.memref_squeeze %dma_wait3A_105 : memref<1x1x120xi32, #tpu.memory_space<hbm>> -> memref<120xi32, #tpu.memory_space<hbm>>
    %dma_wait3A_107 = arith.constant 0 : i32
    %dma_wait3A_108 = tpu.memref_slice %arg9[%dma_wait3A_100, %dma_wait3A_107] : memref<6x120xi32, #tpu.memory_space<vmem>> -> memref<1x120xi32, #tpu.memory_space<vmem>>
    %dma_wait3A_109 = tpu.memref_squeeze %dma_wait3A_108 : memref<1x120xi32, #tpu.memory_space<vmem>> -> memref<120xi32, #tpu.memory_space<vmem>>
    %dma_wait3A_110 = arith.constant 0 : i32
    %dma_wait3A_111 = tpu.memref_slice %arg4[%arg1, %dma_wait3A_99, %dma_wait3A_110] : memref<16x84x120xi32, #tpu.memory_space<hbm>> -> memref<1x1x120xi32, #tpu.memory_space<hbm>>
    %dma_wait3A_112 = tpu.memref_squeeze %dma_wait3A_111 : memref<1x1x120xi32, #tpu.memory_space<hbm>> -> memref<120xi32, #tpu.memory_space<hbm>>
    tpu.wait_dma2 semaphore(%arg14 : memref<!tpu.dma_semaphore, #tpu.memory_space<semaphore_mem>>) src(%dma_wait3A_112 : memref<120xi32, #tpu.memory_space<hbm>>) dst(%dma_wait3A_109 : memref<120xi32, #tpu.memory_space<vmem>>)
    %dma_start3A_113 = arith.constant 0 : i32
    %dma_start3A_114 = arith.constant 0 : i32
    %dma_start3A_115 = arith.constant 0 : i32
    %dma_start3A_116 = arith.constant 0 : i32
    %dma_start3A_117 = tpu.memref_slice %arg10[%dma_start3A_114, %dma_start3A_115, %dma_start3A_116] : memref<3x120x128xf32, #tpu.memory_space<vmem>> -> memref<1x120x128xf32, #tpu.memory_space<vmem>>
    %dma_start3A_118 = tpu.memref_squeeze %dma_start3A_117 : memref<1x120x128xf32, #tpu.memory_space<vmem>> -> memref<120x128xf32, #tpu.memory_space<vmem>>
    %dma_start3A_119 = arith.constant 0 : i32
    %dma_start3A_120 = tpu.memref_slice %arg8[%dma_start3A_113, %dma_start3A_119] : memref<6x120xi32, #tpu.memory_space<vmem>> -> memref<1x120xi32, #tpu.memory_space<vmem>>
    %dma_start3A_121 = tpu.memref_squeeze %dma_start3A_120 : memref<1x120xi32, #tpu.memory_space<vmem>> -> memref<120xi32, #tpu.memory_space<vmem>>
    %dma_start3A_122 = arith.constant 0 : i32
    %dma_start3A_123 = arith.constant 0 : i32
    %dma_start3A_124 = tpu.memref_slice %arg2[%dma_start3A_122, %dma_start3A_123] : memref<20000x128xf32, #tpu.memory_space<hbm>> -> memref<20000x128xf32, #tpu.memory_space<hbm>>
    tpu.enqueue_indirect_dma source(%dma_start3A_124 : memref<20000x128xf32, #tpu.memory_space<hbm>>) target(%dma_start3A_118 : memref<120x128xf32, #tpu.memory_space<vmem>>) offsets(%dma_start3A_121 : memref<120xi32, #tpu.memory_space<vmem>>) semaphore(%arg11 : memref<!tpu.dma_semaphore, #tpu.memory_space<semaphore_mem>>)
    %dma_wait3A_125 = arith.constant 1 : i32
    %dma_wait3A_126 = arith.constant 1 : i32
    %dma_wait3A_127 = arith.constant 0 : i32
    %dma_wait3A_128 = tpu.memref_slice %arg8[%dma_wait3A_126, %dma_wait3A_127] : memref<6x120xi32, #tpu.memory_space<vmem>> -> memref<1x120xi32, #tpu.memory_space<vmem>>
    %dma_wait3A_129 = tpu.memref_squeeze %dma_wait3A_128 : memref<1x120xi32, #tpu.memory_space<vmem>> -> memref<120xi32, #tpu.memory_space<vmem>>
    %dma_wait3A_130 = arith.constant 0 : i32
    %dma_wait3A_131 = tpu.memref_slice %arg3[%arg0, %arg1, %dma_wait3A_125, %dma_wait3A_130] : memref<2x16x84x120xi32, #tpu.memory_space<hbm>> -> memref<1x1x1x120xi32, #tpu.memory_space<hbm>>
    %dma_wait3A_132 = tpu.memref_squeeze %dma_wait3A_131 : memref<1x1x1x120xi32, #tpu.memory_space<hbm>> -> memref<120xi32, #tpu.memory_space<hbm>>
    %dma_wait3A_133 = arith.constant 0 : i32
    %dma_wait3A_134 = tpu.memref_slice %arg8[%dma_wait3A_126, %dma_wait3A_133] : memref<6x120xi32, #tpu.memory_space<vmem>> -> memref<1x120xi32, #tpu.memory_space<vmem>>
    %dma_wait3A_135 = tpu.memref_squeeze %dma_wait3A_134 : memref<1x120xi32, #tpu.memory_space<vmem>> -> memref<120xi32, #tpu.memory_space<vmem>>
    %dma_wait3A_136 = arith.constant 0 : i32
    %dma_wait3A_137 = tpu.memref_slice %arg3[%arg0, %arg1, %dma_wait3A_125, %dma_wait3A_136] : memref<2x16x84x120xi32, #tpu.memory_space<hbm>> -> memref<1x1x1x120xi32, #tpu.memory_space<hbm>>
    %dma_wait3A_138 = tpu.memref_squeeze %dma_wait3A_137 : memref<1x1x1x120xi32, #tpu.memory_space<hbm>> -> memref<120xi32, #tpu.memory_space<hbm>>
    tpu.wait_dma2 semaphore(%arg15 : memref<!tpu.dma_semaphore, #tpu.memory_space<semaphore_mem>>) src(%dma_wait3A_138 : memref<120xi32, #tpu.memory_space<hbm>>) dst(%dma_wait3A_135 : memref<120xi32, #tpu.memory_space<vmem>>)
    %dma_wait3A_139 = arith.constant 1 : i32
    %dma_wait3A_140 = arith.constant 1 : i32
    %dma_wait3A_141 = arith.constant 0 : i32
    %dma_wait3A_142 = tpu.memref_slice %arg9[%dma_wait3A_140, %dma_wait3A_141] : memref<6x120xi32, #tpu.memory_space<vmem>> -> memref<1x120xi32, #tpu.memory_space<vmem>>
    %dma_wait3A_143 = tpu.memref_squeeze %dma_wait3A_142 : memref<1x120xi32, #tpu.memory_space<vmem>> -> memref<120xi32, #tpu.memory_space<vmem>>
    %dma_wait3A_144 = arith.constant 0 : i32
    %dma_wait3A_145 = tpu.memref_slice %arg4[%arg1, %dma_wait3A_139, %dma_wait3A_144] : memref<16x84x120xi32, #tpu.memory_space<hbm>> -> memref<1x1x120xi32, #tpu.memory_space<hbm>>
    %dma_wait3A_146 = tpu.memref_squeeze %dma_wait3A_145 : memref<1x1x120xi32, #tpu.memory_space<hbm>> -> memref<120xi32, #tpu.memory_space<hbm>>
    %dma_wait3A_147 = arith.constant 0 : i32
    %dma_wait3A_148 = tpu.memref_slice %arg9[%dma_wait3A_140, %dma_wait3A_147] : memref<6x120xi32, #tpu.memory_space<vmem>> -> memref<1x120xi32, #tpu.memory_space<vmem>>
    %dma_wait3A_149 = tpu.memref_squeeze %dma_wait3A_148 : memref<1x120xi32, #tpu.memory_space<vmem>> -> memref<120xi32, #tpu.memory_space<vmem>>
    %dma_wait3A_150 = arith.constant 0 : i32
    %dma_wait3A_151 = tpu.memref_slice %arg4[%arg1, %dma_wait3A_139, %dma_wait3A_150] : memref<16x84x120xi32, #tpu.memory_space<hbm>> -> memref<1x1x120xi32, #tpu.memory_space<hbm>>
    %dma_wait3A_152 = tpu.memref_squeeze %dma_wait3A_151 : memref<1x1x120xi32, #tpu.memory_space<hbm>> -> memref<120xi32, #tpu.memory_space<hbm>>
    tpu.wait_dma2 semaphore(%arg15 : memref<!tpu.dma_semaphore, #tpu.memory_space<semaphore_mem>>) src(%dma_wait3A_152 : memref<120xi32, #tpu.memory_space<hbm>>) dst(%dma_wait3A_149 : memref<120xi32, #tpu.memory_space<vmem>>)
    %dma_start3A_153 = arith.constant 1 : i32
    %dma_start3A_154 = arith.constant 1 : i32
    %dma_start3A_155 = arith.constant 0 : i32
    %dma_start3A_156 = arith.constant 0 : i32
    %dma_start3A_157 = tpu.memref_slice %arg10[%dma_start3A_154, %dma_start3A_155, %dma_start3A_156] : memref<3x120x128xf32, #tpu.memory_space<vmem>> -> memref<1x120x128xf32, #tpu.memory_space<vmem>>
    %dma_start3A_158 = tpu.memref_squeeze %dma_start3A_157 : memref<1x120x128xf32, #tpu.memory_space<vmem>> -> memref<120x128xf32, #tpu.memory_space<vmem>>
    %dma_start3A_159 = arith.constant 0 : i32
    %dma_start3A_160 = tpu.memref_slice %arg8[%dma_start3A_153, %dma_start3A_159] : memref<6x120xi32, #tpu.memory_space<vmem>> -> memref<1x120xi32, #tpu.memory_space<vmem>>
    %dma_start3A_161 = tpu.memref_squeeze %dma_start3A_160 : memref<1x120xi32, #tpu.memory_space<vmem>> -> memref<120xi32, #tpu.memory_space<vmem>>
    %dma_start3A_162 = arith.constant 0 : i32
    %dma_start3A_163 = arith.constant 0 : i32
    %dma_start3A_164 = tpu.memref_slice %arg2[%dma_start3A_162, %dma_start3A_163] : memref<20000x128xf32, #tpu.memory_space<hbm>> -> memref<20000x128xf32, #tpu.memory_space<hbm>>
    tpu.enqueue_indirect_dma source(%dma_start3A_164 : memref<20000x128xf32, #tpu.memory_space<hbm>>) target(%dma_start3A_158 : memref<120x128xf32, #tpu.memory_space<vmem>>) offsets(%dma_start3A_161 : memref<120xi32, #tpu.memory_space<vmem>>) semaphore(%arg12 : memref<!tpu.dma_semaphore, #tpu.memory_space<semaphore_mem>>)
    %scan3A = arith.constant 0 : i32
    %scan3A_165 = arith.constant 14 : i32
    %scan3A_166 = arith.addi %scan3A, %scan3A_165 : i32
    %scan3A_167 = arith.constant 1 : i32
    scf.for %scan3A_212 = %scan3A to %scan3A_166 step %scan3A_167  : i32 {
      %mul3A_213 = arith.constant 6 : i32
      %mul3A_214 = arith.muli %scan3A_212, %mul3A_213 : i32
      %add3A_215 = arith.constant 0 : i32
      %add3A_216 = arith.addi %add3A_215, %mul3A_214 : i32
      %add3A_217 = arith.constant 0 : i32
      %add3A_218 = arith.addi %add3A_216, %add3A_217 : i32
      %add3A_219 = arith.constant 3 : i32
      %add3A_220 = arith.addi %add3A_218, %add3A_219 : i32
      %sub3A = arith.constant 1 : i32
      %sub3A_221 = arith.subi %add3A_220, %sub3A : i32
      %lt3A = arith.constant 84 : i32
      %lt3A_222 = arith.cmpi slt, %sub3A_221, %lt3A : i32
      %convert_element_type3A = arith.extui %lt3A_222 : i1 to i32
      %cond3A = arith.constant 0 : i32
      %cond3A_223 = arith.cmpi ne, %convert_element_type3A, %cond3A : i32
      scf.if %cond3A_223 {
        %add3A_351 = arith.constant 3 : i32
        %add3A_352 = arith.addi %add3A_218, %add3A_351 : i32
        %sub3A_353 = arith.constant 1 : i32
        %sub3A_354 = arith.subi %add3A_352, %sub3A_353 : i32
        %dma_wait3A_355 = arith.constant 2 : i32
        %dma_wait3A_356 = arith.constant 0 : i32
        %dma_wait3A_357 = tpu.memref_slice %arg8[%dma_wait3A_355, %dma_wait3A_356] : memref<6x120xi32, #tpu.memory_space<vmem>> -> memref<1x120xi32, #tpu.memory_space<vmem>>
        %dma_wait3A_358 = tpu.memref_squeeze %dma_wait3A_357 : memref<1x120xi32, #tpu.memory_space<vmem>> -> memref<120xi32, #tpu.memory_space<vmem>>
        %dma_wait3A_359 = arith.constant 0 : i32
        %dma_wait3A_360 = tpu.memref_slice %arg3[%arg0, %arg1, %sub3A_354, %dma_wait3A_359] : memref<2x16x84x120xi32, #tpu.memory_space<hbm>> -> memref<1x1x1x120xi32, #tpu.memory_space<hbm>>
        %dma_wait3A_361 = tpu.memref_squeeze %dma_wait3A_360 : memref<1x1x1x120xi32, #tpu.memory_space<hbm>> -> memref<120xi32, #tpu.memory_space<hbm>>
        %dma_wait3A_362 = arith.constant 0 : i32
        %dma_wait3A_363 = tpu.memref_slice %arg8[%dma_wait3A_355, %dma_wait3A_362] : memref<6x120xi32, #tpu.memory_space<vmem>> -> memref<1x120xi32, #tpu.memory_space<vmem>>
        %dma_wait3A_364 = tpu.memref_squeeze %dma_wait3A_363 : memref<1x120xi32, #tpu.memory_space<vmem>> -> memref<120xi32, #tpu.memory_space<vmem>>
        %dma_wait3A_365 = arith.constant 0 : i32
        %dma_wait3A_366 = tpu.memref_slice %arg3[%arg0, %arg1, %sub3A_354, %dma_wait3A_365] : memref<2x16x84x120xi32, #tpu.memory_space<hbm>> -> memref<1x1x1x120xi32, #tpu.memory_space<hbm>>
        %dma_wait3A_367 = tpu.memref_squeeze %dma_wait3A_366 : memref<1x1x1x120xi32, #tpu.memory_space<hbm>> -> memref<120xi32, #tpu.memory_space<hbm>>
        tpu.wait_dma2 semaphore(%arg16 : memref<!tpu.dma_semaphore, #tpu.memory_space<semaphore_mem>>) src(%dma_wait3A_367 : memref<120xi32, #tpu.memory_space<hbm>>) dst(%dma_wait3A_364 : memref<120xi32, #tpu.memory_space<vmem>>)
        %dma_wait3A_368 = arith.constant 2 : i32
        %dma_wait3A_369 = arith.constant 0 : i32
        %dma_wait3A_370 = tpu.memref_slice %arg9[%dma_wait3A_368, %dma_wait3A_369] : memref<6x120xi32, #tpu.memory_space<vmem>> -> memref<1x120xi32, #tpu.memory_space<vmem>>
        %dma_wait3A_371 = tpu.memref_squeeze %dma_wait3A_370 : memref<1x120xi32, #tpu.memory_space<vmem>> -> memref<120xi32, #tpu.memory_space<vmem>>
        %dma_wait3A_372 = arith.constant 0 : i32
        %dma_wait3A_373 = tpu.memref_slice %arg4[%arg1, %sub3A_354, %dma_wait3A_372] : memref<16x84x120xi32, #tpu.memory_space<hbm>> -> memref<1x1x120xi32, #tpu.memory_space<hbm>>
        %dma_wait3A_374 = tpu.memref_squeeze %dma_wait3A_373 : memref<1x1x120xi32, #tpu.memory_space<hbm>> -> memref<120xi32, #tpu.memory_space<hbm>>
        %dma_wait3A_375 = arith.constant 0 : i32
        %dma_wait3A_376 = tpu.memref_slice %arg9[%dma_wait3A_368, %dma_wait3A_375] : memref<6x120xi32, #tpu.memory_space<vmem>> -> memref<1x120xi32, #tpu.memory_space<vmem>>
        %dma_wait3A_377 = tpu.memref_squeeze %dma_wait3A_376 : memref<1x120xi32, #tpu.memory_space<vmem>> -> memref<120xi32, #tpu.memory_space<vmem>>
        %dma_wait3A_378 = arith.constant 0 : i32
        %dma_wait3A_379 = tpu.memref_slice %arg4[%arg1, %sub3A_354, %dma_wait3A_378] : memref<16x84x120xi32, #tpu.memory_space<hbm>> -> memref<1x1x120xi32, #tpu.memory_space<hbm>>
        %dma_wait3A_380 = tpu.memref_squeeze %dma_wait3A_379 : memref<1x1x120xi32, #tpu.memory_space<hbm>> -> memref<120xi32, #tpu.memory_space<hbm>>
        tpu.wait_dma2 semaphore(%arg16 : memref<!tpu.dma_semaphore, #tpu.memory_space<semaphore_mem>>) src(%dma_wait3A_380 : memref<120xi32, #tpu.memory_space<hbm>>) dst(%dma_wait3A_377 : memref<120xi32, #tpu.memory_space<vmem>>)
        %ge3A = arith.constant 1 : i32
        %ge3A_381 = arith.cmpi sge, %add3A_218, %ge3A : i32
        %convert_element_type3A_382 = arith.extui %ge3A_381 : i1 to i32
        %cond3A_383 = arith.constant 0 : i32
        %cond3A_384 = arith.cmpi ne, %convert_element_type3A_382, %cond3A_383 : i32
        scf.if %cond3A_384 {
          %dma_wait3A_397 = arith.constant 2 : i32
          %dma_wait3A_398 = arith.constant 5 : i32
          %dma_wait3A_399 = arith.constant 0 : i32
          %dma_wait3A_400 = arith.constant 0 : i32
          %dma_wait3A_401 = tpu.memref_slice %arg10[%dma_wait3A_397, %dma_wait3A_399, %dma_wait3A_400] : memref<3x120x128xf32, #tpu.memory_space<vmem>> -> memref<1x120x128xf32, #tpu.memory_space<vmem>>
          %dma_wait3A_402 = tpu.memref_squeeze %dma_wait3A_401 : memref<1x120x128xf32, #tpu.memory_space<vmem>> -> memref<120x128xf32, #tpu.memory_space<vmem>>
          %dma_wait3A_403 = arith.constant 0 : i32
          %dma_wait3A_404 = tpu.memref_slice %arg9[%dma_wait3A_398, %dma_wait3A_403] : memref<6x120xi32, #tpu.memory_space<vmem>> -> memref<1x120xi32, #tpu.memory_space<vmem>>
          %dma_wait3A_405 = tpu.memref_squeeze %dma_wait3A_404 : memref<1x120xi32, #tpu.memory_space<vmem>> -> memref<120xi32, #tpu.memory_space<vmem>>
          %dma_wait3A_406 = arith.constant 0 : i32
          %dma_wait3A_407 = arith.constant 0 : i32
          %dma_wait3A_408 = tpu.memref_slice %arg7[%dma_wait3A_406, %dma_wait3A_407] : memref<10112x128xf32, #tpu.memory_space<vmem_shared>> -> memref<10112x128xf32, #tpu.memory_space<vmem_shared>>
          tpu.wait_indirect_dma semaphore(%arg19 : memref<!tpu.dma_semaphore, #tpu.memory_space<semaphore_mem>>) src(%dma_wait3A_402 : memref<120x128xf32, #tpu.memory_space<vmem>>) dst(%dma_wait3A_408 : memref<10112x128xf32, #tpu.memory_space<vmem_shared>>)
        } else {
        }
        %dma_start3A_385 = arith.constant 2 : i32
        %dma_start3A_386 = arith.constant 2 : i32
        %dma_start3A_387 = arith.constant 0 : i32
        %dma_start3A_388 = arith.constant 0 : i32
        %dma_start3A_389 = tpu.memref_slice %arg10[%dma_start3A_386, %dma_start3A_387, %dma_start3A_388] : memref<3x120x128xf32, #tpu.memory_space<vmem>> -> memref<1x120x128xf32, #tpu.memory_space<vmem>>
        %dma_start3A_390 = tpu.memref_squeeze %dma_start3A_389 : memref<1x120x128xf32, #tpu.memory_space<vmem>> -> memref<120x128xf32, #tpu.memory_space<vmem>>
        %dma_start3A_391 = arith.constant 0 : i32
        %dma_start3A_392 = tpu.memref_slice %arg8[%dma_start3A_385, %dma_start3A_391] : memref<6x120xi32, #tpu.memory_space<vmem>> -> memref<1x120xi32, #tpu.memory_space<vmem>>
        %dma_start3A_393 = tpu.memref_squeeze %dma_start3A_392 : memref<1x120xi32, #tpu.memory_space<vmem>> -> memref<120xi32, #tpu.memory_space<vmem>>
        %dma_start3A_394 = arith.constant 0 : i32
        %dma_start3A_395 = arith.constant 0 : i32
        %dma_start3A_396 = tpu.memref_slice %arg2[%dma_start3A_394, %dma_start3A_395] : memref<20000x128xf32, #tpu.memory_space<hbm>> -> memref<20000x128xf32, #tpu.memory_space<hbm>>
        tpu.enqueue_indirect_dma source(%dma_start3A_396 : memref<20000x128xf32, #tpu.memory_space<hbm>>) target(%dma_start3A_390 : memref<120x128xf32, #tpu.memory_space<vmem>>) offsets(%dma_start3A_393 : memref<120xi32, #tpu.memory_space<vmem>>) semaphore(%arg13 : memref<!tpu.dma_semaphore, #tpu.memory_space<semaphore_mem>>)
      } else {
      }
      %lt3A_224 = arith.constant 84 : i32
      %lt3A_225 = arith.cmpi slt, %add3A_218, %lt3A_224 : i32
      %convert_element_type3A_226 = arith.extui %lt3A_225 : i1 to i32
      %cond3A_227 = arith.constant 0 : i32
      %cond3A_228 = arith.cmpi ne, %convert_element_type3A_226, %cond3A_227 : i32
      scf.if %cond3A_228 {
        %dma_wait3A_351 = arith.constant 0 : i32
        %dma_wait3A_352 = arith.constant 0 : i32
        %dma_wait3A_353 = arith.constant 0 : i32
        %dma_wait3A_354 = arith.constant 0 : i32
        %dma_wait3A_355 = tpu.memref_slice %arg10[%dma_wait3A_352, %dma_wait3A_353, %dma_wait3A_354] : memref<3x120x128xf32, #tpu.memory_space<vmem>> -> memref<1x120x128xf32, #tpu.memory_space<vmem>>
        %dma_wait3A_356 = tpu.memref_squeeze %dma_wait3A_355 : memref<1x120x128xf32, #tpu.memory_space<vmem>> -> memref<120x128xf32, #tpu.memory_space<vmem>>
        %dma_wait3A_357 = arith.constant 0 : i32
        %dma_wait3A_358 = tpu.memref_slice %arg8[%dma_wait3A_351, %dma_wait3A_357] : memref<6x120xi32, #tpu.memory_space<vmem>> -> memref<1x120xi32, #tpu.memory_space<vmem>>
        %dma_wait3A_359 = tpu.memref_squeeze %dma_wait3A_358 : memref<1x120xi32, #tpu.memory_space<vmem>> -> memref<120xi32, #tpu.memory_space<vmem>>
        %dma_wait3A_360 = arith.constant 0 : i32
        %dma_wait3A_361 = arith.constant 0 : i32
        %dma_wait3A_362 = tpu.memref_slice %arg2[%dma_wait3A_360, %dma_wait3A_361] : memref<20000x128xf32, #tpu.memory_space<hbm>> -> memref<20000x128xf32, #tpu.memory_space<hbm>>
        tpu.wait_indirect_dma semaphore(%arg11 : memref<!tpu.dma_semaphore, #tpu.memory_space<semaphore_mem>>) src(%dma_wait3A_362 : memref<20000x128xf32, #tpu.memory_space<hbm>>) dst(%dma_wait3A_356 : memref<120x128xf32, #tpu.memory_space<vmem>>)
        %dma_start3A_363 = arith.constant 0 : i32
        %dma_start3A_364 = arith.constant 0 : i32
        %dma_start3A_365 = arith.constant 0 : i32
        %dma_start3A_366 = arith.constant 0 : i32
        %dma_start3A_367 = tpu.memref_slice %arg10[%dma_start3A_363, %dma_start3A_365, %dma_start3A_366] : memref<3x120x128xf32, #tpu.memory_space<vmem>> -> memref<1x120x128xf32, #tpu.memory_space<vmem>>
        %dma_start3A_368 = tpu.memref_squeeze %dma_start3A_367 : memref<1x120x128xf32, #tpu.memory_space<vmem>> -> memref<120x128xf32, #tpu.memory_space<vmem>>
        %dma_start3A_369 = arith.constant 0 : i32
        %dma_start3A_370 = tpu.memref_slice %arg9[%dma_start3A_364, %dma_start3A_369] : memref<6x120xi32, #tpu.memory_space<vmem>> -> memref<1x120xi32, #tpu.memory_space<vmem>>
        %dma_start3A_371 = tpu.memref_squeeze %dma_start3A_370 : memref<1x120xi32, #tpu.memory_space<vmem>> -> memref<120xi32, #tpu.memory_space<vmem>>
        %dma_start3A_372 = arith.constant 0 : i32
        %dma_start3A_373 = arith.constant 0 : i32
        %dma_start3A_374 = tpu.memref_slice %arg7[%dma_start3A_372, %dma_start3A_373] : memref<10112x128xf32, #tpu.memory_space<vmem_shared>> -> memref<10112x128xf32, #tpu.memory_space<vmem_shared>>
        tpu.enqueue_indirect_dma source(%dma_start3A_368 : memref<120x128xf32, #tpu.memory_space<vmem>>) target(%dma_start3A_374 : memref<10112x128xf32, #tpu.memory_space<vmem_shared>>) offsets(%dma_start3A_371 : memref<120xi32, #tpu.memory_space<vmem>>) semaphore(%arg17 : memref<!tpu.dma_semaphore, #tpu.memory_space<semaphore_mem>>) {add = true}
      } else {
      }
      %add3A_229 = arith.constant 3 : i32
      %add3A_230 = arith.addi %add3A_218, %add3A_229 : i32
      %lt3A_231 = arith.constant 84 : i32
      %lt3A_232 = arith.cmpi slt, %add3A_230, %lt3A_231 : i32
      %convert_element_type3A_233 = arith.extui %lt3A_232 : i1 to i32
      %cond3A_234 = arith.constant 0 : i32
      %cond3A_235 = arith.cmpi ne, %convert_element_type3A_233, %cond3A_234 : i32
      scf.if %cond3A_235 {
        %add3A_351 = arith.constant 3 : i32
        %add3A_352 = arith.addi %add3A_218, %add3A_351 : i32
        %dma_start3A_353 = arith.constant 3 : i32
        %dma_start3A_354 = arith.constant 0 : i32
        %dma_start3A_355 = tpu.memref_slice %arg8[%dma_start3A_353, %dma_start3A_354] : memref<6x120xi32, #tpu.memory_space<vmem>> -> memref<1x120xi32, #tpu.memory_space<vmem>>
        %dma_start3A_356 = tpu.memref_squeeze %dma_start3A_355 : memref<1x120xi32, #tpu.memory_space<vmem>> -> memref<120xi32, #tpu.memory_space<vmem>>
        %dma_start3A_357 = arith.constant 0 : i32
        %dma_start3A_358 = tpu.memref_slice %arg3[%arg0, %arg1, %add3A_352, %dma_start3A_357] : memref<2x16x84x120xi32, #tpu.memory_space<hbm>> -> memref<1x1x1x120xi32, #tpu.memory_space<hbm>>
        %dma_start3A_359 = tpu.memref_squeeze %dma_start3A_358 : memref<1x1x1x120xi32, #tpu.memory_space<hbm>> -> memref<120xi32, #tpu.memory_space<hbm>>
        %dma_start3A_360 = arith.constant 0 : i32
        %dma_start3A_361 = tpu.memref_slice %arg8[%dma_start3A_353, %dma_start3A_360] : memref<6x120xi32, #tpu.memory_space<vmem>> -> memref<1x120xi32, #tpu.memory_space<vmem>>
        %dma_start3A_362 = tpu.memref_squeeze %dma_start3A_361 : memref<1x120xi32, #tpu.memory_space<vmem>> -> memref<120xi32, #tpu.memory_space<vmem>>
        %dma_start3A_363 = arith.constant 0 : i32
        %dma_start3A_364 = tpu.memref_slice %arg3[%arg0, %arg1, %add3A_352, %dma_start3A_363] : memref<2x16x84x120xi32, #tpu.memory_space<hbm>> -> memref<1x1x1x120xi32, #tpu.memory_space<hbm>>
        %dma_start3A_365 = tpu.memref_squeeze %dma_start3A_364 : memref<1x1x1x120xi32, #tpu.memory_space<hbm>> -> memref<120xi32, #tpu.memory_space<hbm>>
        tpu.enqueue_dma source(%dma_start3A_365 : memref<120xi32, #tpu.memory_space<hbm>>) target(%dma_start3A_362 : memref<120xi32, #tpu.memory_space<vmem>>) target_semaphore(%arg14 : memref<!tpu.dma_semaphore, #tpu.memory_space<semaphore_mem>>)
        %dma_start3A_366 = arith.constant 3 : i32
        %dma_start3A_367 = arith.constant 0 : i32
        %dma_start3A_368 = tpu.memref_slice %arg9[%dma_start3A_366, %dma_start3A_367] : memref<6x120xi32, #tpu.memory_space<vmem>> -> memref<1x120xi32, #tpu.memory_space<vmem>>
        %dma_start3A_369 = tpu.memref_squeeze %dma_start3A_368 : memref<1x120xi32, #tpu.memory_space<vmem>> -> memref<120xi32, #tpu.memory_space<vmem>>
        %dma_start3A_370 = arith.constant 0 : i32
        %dma_start3A_371 = tpu.memref_slice %arg4[%arg1, %add3A_352, %dma_start3A_370] : memref<16x84x120xi32, #tpu.memory_space<hbm>> -> memref<1x1x120xi32, #tpu.memory_space<hbm>>
        %dma_start3A_372 = tpu.memref_squeeze %dma_start3A_371 : memref<1x1x120xi32, #tpu.memory_space<hbm>> -> memref<120xi32, #tpu.memory_space<hbm>>
        %dma_start3A_373 = arith.constant 0 : i32
        %dma_start3A_374 = tpu.memref_slice %arg9[%dma_start3A_366, %dma_start3A_373] : memref<6x120xi32, #tpu.memory_space<vmem>> -> memref<1x120xi32, #tpu.memory_space<vmem>>
        %dma_start3A_375 = tpu.memref_squeeze %dma_start3A_374 : memref<1x120xi32, #tpu.memory_space<vmem>> -> memref<120xi32, #tpu.memory_space<vmem>>
        %dma_start3A_376 = arith.constant 0 : i32
        %dma_start3A_377 = tpu.memref_slice %arg4[%arg1, %add3A_352, %dma_start3A_376] : memref<16x84x120xi32, #tpu.memory_space<hbm>> -> memref<1x1x120xi32, #tpu.memory_space<hbm>>
        %dma_start3A_378 = tpu.memref_squeeze %dma_start3A_377 : memref<1x1x120xi32, #tpu.memory_space<hbm>> -> memref<120xi32, #tpu.memory_space<hbm>>
        tpu.enqueue_dma source(%dma_start3A_378 : memref<120xi32, #tpu.memory_space<hbm>>) target(%dma_start3A_375 : memref<120xi32, #tpu.memory_space<vmem>>) target_semaphore(%arg14 : memref<!tpu.dma_semaphore, #tpu.memory_space<semaphore_mem>>)
      } else {
      }
      %add3A_236 = arith.constant 1 : i32
      %add3A_237 = arith.addi %add3A_216, %add3A_236 : i32
      %add3A_238 = arith.constant 3 : i32
      %add3A_239 = arith.addi %add3A_237, %add3A_238 : i32
      %sub3A_240 = arith.constant 1 : i32
      %sub3A_241 = arith.subi %add3A_239, %sub3A_240 : i32
      %lt3A_242 = arith.constant 84 : i32
      %lt3A_243 = arith.cmpi slt, %sub3A_241, %lt3A_242 : i32
      %convert_element_type3A_244 = arith.extui %lt3A_243 : i1 to i32
      %cond3A_245 = arith.constant 0 : i32
      %cond3A_246 = arith.cmpi ne, %convert_element_type3A_244, %cond3A_245 : i32
      scf.if %cond3A_246 {
        %add3A_351 = arith.constant 3 : i32
        %add3A_352 = arith.addi %add3A_237, %add3A_351 : i32
        %sub3A_353 = arith.constant 1 : i32
        %sub3A_354 = arith.subi %add3A_352, %sub3A_353 : i32
        %dma_wait3A_355 = arith.constant 3 : i32
        %dma_wait3A_356 = arith.constant 0 : i32
        %dma_wait3A_357 = tpu.memref_slice %arg8[%dma_wait3A_355, %dma_wait3A_356] : memref<6x120xi32, #tpu.memory_space<vmem>> -> memref<1x120xi32, #tpu.memory_space<vmem>>
        %dma_wait3A_358 = tpu.memref_squeeze %dma_wait3A_357 : memref<1x120xi32, #tpu.memory_space<vmem>> -> memref<120xi32, #tpu.memory_space<vmem>>
        %dma_wait3A_359 = arith.constant 0 : i32
        %dma_wait3A_360 = tpu.memref_slice %arg3[%arg0, %arg1, %sub3A_354, %dma_wait3A_359] : memref<2x16x84x120xi32, #tpu.memory_space<hbm>> -> memref<1x1x1x120xi32, #tpu.memory_space<hbm>>
        %dma_wait3A_361 = tpu.memref_squeeze %dma_wait3A_360 : memref<1x1x1x120xi32, #tpu.memory_space<hbm>> -> memref<120xi32, #tpu.memory_space<hbm>>
        %dma_wait3A_362 = arith.constant 0 : i32
        %dma_wait3A_363 = tpu.memref_slice %arg8[%dma_wait3A_355, %dma_wait3A_362] : memref<6x120xi32, #tpu.memory_space<vmem>> -> memref<1x120xi32, #tpu.memory_space<vmem>>
        %dma_wait3A_364 = tpu.memref_squeeze %dma_wait3A_363 : memref<1x120xi32, #tpu.memory_space<vmem>> -> memref<120xi32, #tpu.memory_space<vmem>>
        %dma_wait3A_365 = arith.constant 0 : i32
        %dma_wait3A_366 = tpu.memref_slice %arg3[%arg0, %arg1, %sub3A_354, %dma_wait3A_365] : memref<2x16x84x120xi32, #tpu.memory_space<hbm>> -> memref<1x1x1x120xi32, #tpu.memory_space<hbm>>
        %dma_wait3A_367 = tpu.memref_squeeze %dma_wait3A_366 : memref<1x1x1x120xi32, #tpu.memory_space<hbm>> -> memref<120xi32, #tpu.memory_space<hbm>>
        tpu.wait_dma2 semaphore(%arg14 : memref<!tpu.dma_semaphore, #tpu.memory_space<semaphore_mem>>) src(%dma_wait3A_367 : memref<120xi32, #tpu.memory_space<hbm>>) dst(%dma_wait3A_364 : memref<120xi32, #tpu.memory_space<vmem>>)
        %dma_wait3A_368 = arith.constant 3 : i32
        %dma_wait3A_369 = arith.constant 0 : i32
        %dma_wait3A_370 = tpu.memref_slice %arg9[%dma_wait3A_368, %dma_wait3A_369] : memref<6x120xi32, #tpu.memory_space<vmem>> -> memref<1x120xi32, #tpu.memory_space<vmem>>
        %dma_wait3A_371 = tpu.memref_squeeze %dma_wait3A_370 : memref<1x120xi32, #tpu.memory_space<vmem>> -> memref<120xi32, #tpu.memory_space<vmem>>
        %dma_wait3A_372 = arith.constant 0 : i32
        %dma_wait3A_373 = tpu.memref_slice %arg4[%arg1, %sub3A_354, %dma_wait3A_372] : memref<16x84x120xi32, #tpu.memory_space<hbm>> -> memref<1x1x120xi32, #tpu.memory_space<hbm>>
        %dma_wait3A_374 = tpu.memref_squeeze %dma_wait3A_373 : memref<1x1x120xi32, #tpu.memory_space<hbm>> -> memref<120xi32, #tpu.memory_space<hbm>>
        %dma_wait3A_375 = arith.constant 0 : i32
        %dma_wait3A_376 = tpu.memref_slice %arg9[%dma_wait3A_368, %dma_wait3A_375] : memref<6x120xi32, #tpu.memory_space<vmem>> -> memref<1x120xi32, #tpu.memory_space<vmem>>
        %dma_wait3A_377 = tpu.memref_squeeze %dma_wait3A_376 : memref<1x120xi32, #tpu.memory_space<vmem>> -> memref<120xi32, #tpu.memory_space<vmem>>
        %dma_wait3A_378 = arith.constant 0 : i32
        %dma_wait3A_379 = tpu.memref_slice %arg4[%arg1, %sub3A_354, %dma_wait3A_378] : memref<16x84x120xi32, #tpu.memory_space<hbm>> -> memref<1x1x120xi32, #tpu.memory_space<hbm>>
        %dma_wait3A_380 = tpu.memref_squeeze %dma_wait3A_379 : memref<1x1x120xi32, #tpu.memory_space<hbm>> -> memref<120xi32, #tpu.memory_space<hbm>>
        tpu.wait_dma2 semaphore(%arg14 : memref<!tpu.dma_semaphore, #tpu.memory_space<semaphore_mem>>) src(%dma_wait3A_380 : memref<120xi32, #tpu.memory_space<hbm>>) dst(%dma_wait3A_377 : memref<120xi32, #tpu.memory_space<vmem>>)
        %ge3A = arith.constant 1 : i32
        %ge3A_381 = arith.cmpi sge, %add3A_237, %ge3A : i32
        %convert_element_type3A_382 = arith.extui %ge3A_381 : i1 to i32
        %cond3A_383 = arith.constant 0 : i32
        %cond3A_384 = arith.cmpi ne, %convert_element_type3A_382, %cond3A_383 : i32
        scf.if %cond3A_384 {
          %dma_wait3A_397 = arith.constant 0 : i32
          %dma_wait3A_398 = arith.constant 0 : i32
          %dma_wait3A_399 = arith.constant 0 : i32
          %dma_wait3A_400 = arith.constant 0 : i32
          %dma_wait3A_401 = tpu.memref_slice %arg10[%dma_wait3A_397, %dma_wait3A_399, %dma_wait3A_400] : memref<3x120x128xf32, #tpu.memory_space<vmem>> -> memref<1x120x128xf32, #tpu.memory_space<vmem>>
          %dma_wait3A_402 = tpu.memref_squeeze %dma_wait3A_401 : memref<1x120x128xf32, #tpu.memory_space<vmem>> -> memref<120x128xf32, #tpu.memory_space<vmem>>
          %dma_wait3A_403 = arith.constant 0 : i32
          %dma_wait3A_404 = tpu.memref_slice %arg9[%dma_wait3A_398, %dma_wait3A_403] : memref<6x120xi32, #tpu.memory_space<vmem>> -> memref<1x120xi32, #tpu.memory_space<vmem>>
          %dma_wait3A_405 = tpu.memref_squeeze %dma_wait3A_404 : memref<1x120xi32, #tpu.memory_space<vmem>> -> memref<120xi32, #tpu.memory_space<vmem>>
          %dma_wait3A_406 = arith.constant 0 : i32
          %dma_wait3A_407 = arith.constant 0 : i32
          %dma_wait3A_408 = tpu.memref_slice %arg7[%dma_wait3A_406, %dma_wait3A_407] : memref<10112x128xf32, #tpu.memory_space<vmem_shared>> -> memref<10112x128xf32, #tpu.memory_space<vmem_shared>>
          tpu.wait_indirect_dma semaphore(%arg17 : memref<!tpu.dma_semaphore, #tpu.memory_space<semaphore_mem>>) src(%dma_wait3A_402 : memref<120x128xf32, #tpu.memory_space<vmem>>) dst(%dma_wait3A_408 : memref<10112x128xf32, #tpu.memory_space<vmem_shared>>)
        } else {
        }
        %dma_start3A_385 = arith.constant 3 : i32
        %dma_start3A_386 = arith.constant 0 : i32
        %dma_start3A_387 = arith.constant 0 : i32
        %dma_start3A_388 = arith.constant 0 : i32
        %dma_start3A_389 = tpu.memref_slice %arg10[%dma_start3A_386, %dma_start3A_387, %dma_start3A_388] : memref<3x120x128xf32, #tpu.memory_space<vmem>> -> memref<1x120x128xf32, #tpu.memory_space<vmem>>
        %dma_start3A_390 = tpu.memref_squeeze %dma_start3A_389 : memref<1x120x128xf32, #tpu.memory_space<vmem>> -> memref<120x128xf32, #tpu.memory_space<vmem>>
        %dma_start3A_391 = arith.constant 0 : i32
        %dma_start3A_392 = tpu.memref_slice %arg8[%dma_start3A_385, %dma_start3A_391] : memref<6x120xi32, #tpu.memory_space<vmem>> -> memref<1x120xi32, #tpu.memory_space<vmem>>
        %dma_start3A_393 = tpu.memref_squeeze %dma_start3A_392 : memref<1x120xi32, #tpu.memory_space<vmem>> -> memref<120xi32, #tpu.memory_space<vmem>>
        %dma_start3A_394 = arith.constant 0 : i32
        %dma_start3A_395 = arith.constant 0 : i32
        %dma_start3A_396 = tpu.memref_slice %arg2[%dma_start3A_394, %dma_start3A_395] : memref<20000x128xf32, #tpu.memory_space<hbm>> -> memref<20000x128xf32, #tpu.memory_space<hbm>>
        tpu.enqueue_indirect_dma source(%dma_start3A_396 : memref<20000x128xf32, #tpu.memory_space<hbm>>) target(%dma_start3A_390 : memref<120x128xf32, #tpu.memory_space<vmem>>) offsets(%dma_start3A_393 : memref<120xi32, #tpu.memory_space<vmem>>) semaphore(%arg11 : memref<!tpu.dma_semaphore, #tpu.memory_space<semaphore_mem>>)
      } else {
      }
      %lt3A_247 = arith.constant 84 : i32
      %lt3A_248 = arith.cmpi slt, %add3A_237, %lt3A_247 : i32
      %convert_element_type3A_249 = arith.extui %lt3A_248 : i1 to i32
      %cond3A_250 = arith.constant 0 : i32
      %cond3A_251 = arith.cmpi ne, %convert_element_type3A_249, %cond3A_250 : i32
      scf.if %cond3A_251 {
        %dma_wait3A_351 = arith.constant 1 : i32
        %dma_wait3A_352 = arith.constant 1 : i32
        %dma_wait3A_353 = arith.constant 0 : i32
        %dma_wait3A_354 = arith.constant 0 : i32
        %dma_wait3A_355 = tpu.memref_slice %arg10[%dma_wait3A_352, %dma_wait3A_353, %dma_wait3A_354] : memref<3x120x128xf32, #tpu.memory_space<vmem>> -> memref<1x120x128xf32, #tpu.memory_space<vmem>>
        %dma_wait3A_356 = tpu.memref_squeeze %dma_wait3A_355 : memref<1x120x128xf32, #tpu.memory_space<vmem>> -> memref<120x128xf32, #tpu.memory_space<vmem>>
        %dma_wait3A_357 = arith.constant 0 : i32
        %dma_wait3A_358 = tpu.memref_slice %arg8[%dma_wait3A_351, %dma_wait3A_357] : memref<6x120xi32, #tpu.memory_space<vmem>> -> memref<1x120xi32, #tpu.memory_space<vmem>>
        %dma_wait3A_359 = tpu.memref_squeeze %dma_wait3A_358 : memref<1x120xi32, #tpu.memory_space<vmem>> -> memref<120xi32, #tpu.memory_space<vmem>>
        %dma_wait3A_360 = arith.constant 0 : i32
        %dma_wait3A_361 = arith.constant 0 : i32
        %dma_wait3A_362 = tpu.memref_slice %arg2[%dma_wait3A_360, %dma_wait3A_361] : memref<20000x128xf32, #tpu.memory_space<hbm>> -> memref<20000x128xf32, #tpu.memory_space<hbm>>
        tpu.wait_indirect_dma semaphore(%arg12 : memref<!tpu.dma_semaphore, #tpu.memory_space<semaphore_mem>>) src(%dma_wait3A_362 : memref<20000x128xf32, #tpu.memory_space<hbm>>) dst(%dma_wait3A_356 : memref<120x128xf32, #tpu.memory_space<vmem>>)
        %dma_start3A_363 = arith.constant 1 : i32
        %dma_start3A_364 = arith.constant 1 : i32
        %dma_start3A_365 = arith.constant 0 : i32
        %dma_start3A_366 = arith.constant 0 : i32
        %dma_start3A_367 = tpu.memref_slice %arg10[%dma_start3A_363, %dma_start3A_365, %dma_start3A_366] : memref<3x120x128xf32, #tpu.memory_space<vmem>> -> memref<1x120x128xf32, #tpu.memory_space<vmem>>
        %dma_start3A_368 = tpu.memref_squeeze %dma_start3A_367 : memref<1x120x128xf32, #tpu.memory_space<vmem>> -> memref<120x128xf32, #tpu.memory_space<vmem>>
        %dma_start3A_369 = arith.constant 0 : i32
        %dma_start3A_370 = tpu.memref_slice %arg9[%dma_start3A_364, %dma_start3A_369] : memref<6x120xi32, #tpu.memory_space<vmem>> -> memref<1x120xi32, #tpu.memory_space<vmem>>
        %dma_start3A_371 = tpu.memref_squeeze %dma_start3A_370 : memref<1x120xi32, #tpu.memory_space<vmem>> -> memref<120xi32, #tpu.memory_space<vmem>>
        %dma_start3A_372 = arith.constant 0 : i32
        %dma_start3A_373 = arith.constant 0 : i32
        %dma_start3A_374 = tpu.memref_slice %arg7[%dma_start3A_372, %dma_start3A_373] : memref<10112x128xf32, #tpu.memory_space<vmem_shared>> -> memref<10112x128xf32, #tpu.memory_space<vmem_shared>>
        tpu.enqueue_indirect_dma source(%dma_start3A_368 : memref<120x128xf32, #tpu.memory_space<vmem>>) target(%dma_start3A_374 : memref<10112x128xf32, #tpu.memory_space<vmem_shared>>) offsets(%dma_start3A_371 : memref<120xi32, #tpu.memory_space<vmem>>) semaphore(%arg18 : memref<!tpu.dma_semaphore, #tpu.memory_space<semaphore_mem>>) {add = true}
      } else {
      }
      %add3A_252 = arith.constant 3 : i32
      %add3A_253 = arith.addi %add3A_237, %add3A_252 : i32
      %lt3A_254 = arith.constant 84 : i32
      %lt3A_255 = arith.cmpi slt, %add3A_253, %lt3A_254 : i32
      %convert_element_type3A_256 = arith.extui %lt3A_255 : i1 to i32
      %cond3A_257 = arith.constant 0 : i32
      %cond3A_258 = arith.cmpi ne, %convert_element_type3A_256, %cond3A_257 : i32
      scf.if %cond3A_258 {
        %add3A_351 = arith.constant 3 : i32
        %add3A_352 = arith.addi %add3A_237, %add3A_351 : i32
        %dma_start3A_353 = arith.constant 4 : i32
        %dma_start3A_354 = arith.constant 0 : i32
        %dma_start3A_355 = tpu.memref_slice %arg8[%dma_start3A_353, %dma_start3A_354] : memref<6x120xi32, #tpu.memory_space<vmem>> -> memref<1x120xi32, #tpu.memory_space<vmem>>
        %dma_start3A_356 = tpu.memref_squeeze %dma_start3A_355 : memref<1x120xi32, #tpu.memory_space<vmem>> -> memref<120xi32, #tpu.memory_space<vmem>>
        %dma_start3A_357 = arith.constant 0 : i32
        %dma_start3A_358 = tpu.memref_slice %arg3[%arg0, %arg1, %add3A_352, %dma_start3A_357] : memref<2x16x84x120xi32, #tpu.memory_space<hbm>> -> memref<1x1x1x120xi32, #tpu.memory_space<hbm>>
        %dma_start3A_359 = tpu.memref_squeeze %dma_start3A_358 : memref<1x1x1x120xi32, #tpu.memory_space<hbm>> -> memref<120xi32, #tpu.memory_space<hbm>>
        %dma_start3A_360 = arith.constant 0 : i32
        %dma_start3A_361 = tpu.memref_slice %arg8[%dma_start3A_353, %dma_start3A_360] : memref<6x120xi32, #tpu.memory_space<vmem>> -> memref<1x120xi32, #tpu.memory_space<vmem>>
        %dma_start3A_362 = tpu.memref_squeeze %dma_start3A_361 : memref<1x120xi32, #tpu.memory_space<vmem>> -> memref<120xi32, #tpu.memory_space<vmem>>
        %dma_start3A_363 = arith.constant 0 : i32
        %dma_start3A_364 = tpu.memref_slice %arg3[%arg0, %arg1, %add3A_352, %dma_start3A_363] : memref<2x16x84x120xi32, #tpu.memory_space<hbm>> -> memref<1x1x1x120xi32, #tpu.memory_space<hbm>>
        %dma_start3A_365 = tpu.memref_squeeze %dma_start3A_364 : memref<1x1x1x120xi32, #tpu.memory_space<hbm>> -> memref<120xi32, #tpu.memory_space<hbm>>
        tpu.enqueue_dma source(%dma_start3A_365 : memref<120xi32, #tpu.memory_space<hbm>>) target(%dma_start3A_362 : memref<120xi32, #tpu.memory_space<vmem>>) target_semaphore(%arg15 : memref<!tpu.dma_semaphore, #tpu.memory_space<semaphore_mem>>)
        %dma_start3A_366 = arith.constant 4 : i32
        %dma_start3A_367 = arith.constant 0 : i32
        %dma_start3A_368 = tpu.memref_slice %arg9[%dma_start3A_366, %dma_start3A_367] : memref<6x120xi32, #tpu.memory_space<vmem>> -> memref<1x120xi32, #tpu.memory_space<vmem>>
        %dma_start3A_369 = tpu.memref_squeeze %dma_start3A_368 : memref<1x120xi32, #tpu.memory_space<vmem>> -> memref<120xi32, #tpu.memory_space<vmem>>
        %dma_start3A_370 = arith.constant 0 : i32
        %dma_start3A_371 = tpu.memref_slice %arg4[%arg1, %add3A_352, %dma_start3A_370] : memref<16x84x120xi32, #tpu.memory_space<hbm>> -> memref<1x1x120xi32, #tpu.memory_space<hbm>>
        %dma_start3A_372 = tpu.memref_squeeze %dma_start3A_371 : memref<1x1x120xi32, #tpu.memory_space<hbm>> -> memref<120xi32, #tpu.memory_space<hbm>>
        %dma_start3A_373 = arith.constant 0 : i32
        %dma_start3A_374 = tpu.memref_slice %arg9[%dma_start3A_366, %dma_start3A_373] : memref<6x120xi32, #tpu.memory_space<vmem>> -> memref<1x120xi32, #tpu.memory_space<vmem>>
        %dma_start3A_375 = tpu.memref_squeeze %dma_start3A_374 : memref<1x120xi32, #tpu.memory_space<vmem>> -> memref<120xi32, #tpu.memory_space<vmem>>
        %dma_start3A_376 = arith.constant 0 : i32
        %dma_start3A_377 = tpu.memref_slice %arg4[%arg1, %add3A_352, %dma_start3A_376] : memref<16x84x120xi32, #tpu.memory_space<hbm>> -> memref<1x1x120xi32, #tpu.memory_space<hbm>>
        %dma_start3A_378 = tpu.memref_squeeze %dma_start3A_377 : memref<1x1x120xi32, #tpu.memory_space<hbm>> -> memref<120xi32, #tpu.memory_space<hbm>>
        tpu.enqueue_dma source(%dma_start3A_378 : memref<120xi32, #tpu.memory_space<hbm>>) target(%dma_start3A_375 : memref<120xi32, #tpu.memory_space<vmem>>) target_semaphore(%arg15 : memref<!tpu.dma_semaphore, #tpu.memory_space<semaphore_mem>>)
      } else {
      }
      %add3A_259 = arith.constant 2 : i32
      %add3A_260 = arith.addi %add3A_216, %add3A_259 : i32
      %add3A_261 = arith.constant 3 : i32
      %add3A_262 = arith.addi %add3A_260, %add3A_261 : i32
      %sub3A_263 = arith.constant 1 : i32
      %sub3A_264 = arith.subi %add3A_262, %sub3A_263 : i32
      %lt3A_265 = arith.constant 84 : i32
      %lt3A_266 = arith.cmpi slt, %sub3A_264, %lt3A_265 : i32
      %convert_element_type3A_267 = arith.extui %lt3A_266 : i1 to i32
      %cond3A_268 = arith.constant 0 : i32
      %cond3A_269 = arith.cmpi ne, %convert_element_type3A_267, %cond3A_268 : i32
      scf.if %cond3A_269 {
        %add3A_351 = arith.constant 3 : i32
        %add3A_352 = arith.addi %add3A_260, %add3A_351 : i32
        %sub3A_353 = arith.constant 1 : i32
        %sub3A_354 = arith.subi %add3A_352, %sub3A_353 : i32
        %dma_wait3A_355 = arith.constant 4 : i32
        %dma_wait3A_356 = arith.constant 0 : i32
        %dma_wait3A_357 = tpu.memref_slice %arg8[%dma_wait3A_355, %dma_wait3A_356] : memref<6x120xi32, #tpu.memory_space<vmem>> -> memref<1x120xi32, #tpu.memory_space<vmem>>
        %dma_wait3A_358 = tpu.memref_squeeze %dma_wait3A_357 : memref<1x120xi32, #tpu.memory_space<vmem>> -> memref<120xi32, #tpu.memory_space<vmem>>
        %dma_wait3A_359 = arith.constant 0 : i32
        %dma_wait3A_360 = tpu.memref_slice %arg3[%arg0, %arg1, %sub3A_354, %dma_wait3A_359] : memref<2x16x84x120xi32, #tpu.memory_space<hbm>> -> memref<1x1x1x120xi32, #tpu.memory_space<hbm>>
        %dma_wait3A_361 = tpu.memref_squeeze %dma_wait3A_360 : memref<1x1x1x120xi32, #tpu.memory_space<hbm>> -> memref<120xi32, #tpu.memory_space<hbm>>
        %dma_wait3A_362 = arith.constant 0 : i32
        %dma_wait3A_363 = tpu.memref_slice %arg8[%dma_wait3A_355, %dma_wait3A_362] : memref<6x120xi32, #tpu.memory_space<vmem>> -> memref<1x120xi32, #tpu.memory_space<vmem>>
        %dma_wait3A_364 = tpu.memref_squeeze %dma_wait3A_363 : memref<1x120xi32, #tpu.memory_space<vmem>> -> memref<120xi32, #tpu.memory_space<vmem>>
        %dma_wait3A_365 = arith.constant 0 : i32
        %dma_wait3A_366 = tpu.memref_slice %arg3[%arg0, %arg1, %sub3A_354, %dma_wait3A_365] : memref<2x16x84x120xi32, #tpu.memory_space<hbm>> -> memref<1x1x1x120xi32, #tpu.memory_space<hbm>>
        %dma_wait3A_367 = tpu.memref_squeeze %dma_wait3A_366 : memref<1x1x1x120xi32, #tpu.memory_space<hbm>> -> memref<120xi32, #tpu.memory_space<hbm>>
        tpu.wait_dma2 semaphore(%arg15 : memref<!tpu.dma_semaphore, #tpu.memory_space<semaphore_mem>>) src(%dma_wait3A_367 : memref<120xi32, #tpu.memory_space<hbm>>) dst(%dma_wait3A_364 : memref<120xi32, #tpu.memory_space<vmem>>)
        %dma_wait3A_368 = arith.constant 4 : i32
        %dma_wait3A_369 = arith.constant 0 : i32
        %dma_wait3A_370 = tpu.memref_slice %arg9[%dma_wait3A_368, %dma_wait3A_369] : memref<6x120xi32, #tpu.memory_space<vmem>> -> memref<1x120xi32, #tpu.memory_space<vmem>>
        %dma_wait3A_371 = tpu.memref_squeeze %dma_wait3A_370 : memref<1x120xi32, #tpu.memory_space<vmem>> -> memref<120xi32, #tpu.memory_space<vmem>>
        %dma_wait3A_372 = arith.constant 0 : i32
        %dma_wait3A_373 = tpu.memref_slice %arg4[%arg1, %sub3A_354, %dma_wait3A_372] : memref<16x84x120xi32, #tpu.memory_space<hbm>> -> memref<1x1x120xi32, #tpu.memory_space<hbm>>
        %dma_wait3A_374 = tpu.memref_squeeze %dma_wait3A_373 : memref<1x1x120xi32, #tpu.memory_space<hbm>> -> memref<120xi32, #tpu.memory_space<hbm>>
        %dma_wait3A_375 = arith.constant 0 : i32
        %dma_wait3A_376 = tpu.memref_slice %arg9[%dma_wait3A_368, %dma_wait3A_375] : memref<6x120xi32, #tpu.memory_space<vmem>> -> memref<1x120xi32, #tpu.memory_space<vmem>>
        %dma_wait3A_377 = tpu.memref_squeeze %dma_wait3A_376 : memref<1x120xi32, #tpu.memory_space<vmem>> -> memref<120xi32, #tpu.memory_space<vmem>>
        %dma_wait3A_378 = arith.constant 0 : i32
        %dma_wait3A_379 = tpu.memref_slice %arg4[%arg1, %sub3A_354, %dma_wait3A_378] : memref<16x84x120xi32, #tpu.memory_space<hbm>> -> memref<1x1x120xi32, #tpu.memory_space<hbm>>
        %dma_wait3A_380 = tpu.memref_squeeze %dma_wait3A_379 : memref<1x1x120xi32, #tpu.memory_space<hbm>> -> memref<120xi32, #tpu.memory_space<hbm>>
        tpu.wait_dma2 semaphore(%arg15 : memref<!tpu.dma_semaphore, #tpu.memory_space<semaphore_mem>>) src(%dma_wait3A_380 : memref<120xi32, #tpu.memory_space<hbm>>) dst(%dma_wait3A_377 : memref<120xi32, #tpu.memory_space<vmem>>)
        %ge3A = arith.constant 1 : i32
        %ge3A_381 = arith.cmpi sge, %add3A_260, %ge3A : i32
        %convert_element_type3A_382 = arith.extui %ge3A_381 : i1 to i32
        %cond3A_383 = arith.constant 0 : i32
        %cond3A_384 = arith.cmpi ne, %convert_element_type3A_382, %cond3A_383 : i32
        scf.if %cond3A_384 {
          %dma_wait3A_397 = arith.constant 1 : i32
          %dma_wait3A_398 = arith.constant 1 : i32
          %dma_wait3A_399 = arith.constant 0 : i32
          %dma_wait3A_400 = arith.constant 0 : i32
          %dma_wait3A_401 = tpu.memref_slice %arg10[%dma_wait3A_397, %dma_wait3A_399, %dma_wait3A_400] : memref<3x120x128xf32, #tpu.memory_space<vmem>> -> memref<1x120x128xf32, #tpu.memory_space<vmem>>
          %dma_wait3A_402 = tpu.memref_squeeze %dma_wait3A_401 : memref<1x120x128xf32, #tpu.memory_space<vmem>> -> memref<120x128xf32, #tpu.memory_space<vmem>>
          %dma_wait3A_403 = arith.constant 0 : i32
          %dma_wait3A_404 = tpu.memref_slice %arg9[%dma_wait3A_398, %dma_wait3A_403] : memref<6x120xi32, #tpu.memory_space<vmem>> -> memref<1x120xi32, #tpu.memory_space<vmem>>
          %dma_wait3A_405 = tpu.memref_squeeze %dma_wait3A_404 : memref<1x120xi32, #tpu.memory_space<vmem>> -> memref<120xi32, #tpu.memory_space<vmem>>
          %dma_wait3A_406 = arith.constant 0 : i32
          %dma_wait3A_407 = arith.constant 0 : i32
          %dma_wait3A_408 = tpu.memref_slice %arg7[%dma_wait3A_406, %dma_wait3A_407] : memref<10112x128xf32, #tpu.memory_space<vmem_shared>> -> memref<10112x128xf32, #tpu.memory_space<vmem_shared>>
          tpu.wait_indirect_dma semaphore(%arg18 : memref<!tpu.dma_semaphore, #tpu.memory_space<semaphore_mem>>) src(%dma_wait3A_402 : memref<120x128xf32, #tpu.memory_space<vmem>>) dst(%dma_wait3A_408 : memref<10112x128xf32, #tpu.memory_space<vmem_shared>>)
        } else {
        }
        %dma_start3A_385 = arith.constant 4 : i32
        %dma_start3A_386 = arith.constant 1 : i32
        %dma_start3A_387 = arith.constant 0 : i32
        %dma_start3A_388 = arith.constant 0 : i32
        %dma_start3A_389 = tpu.memref_slice %arg10[%dma_start3A_386, %dma_start3A_387, %dma_start3A_388] : memref<3x120x128xf32, #tpu.memory_space<vmem>> -> memref<1x120x128xf32, #tpu.memory_space<vmem>>
        %dma_start3A_390 = tpu.memref_squeeze %dma_start3A_389 : memref<1x120x128xf32, #tpu.memory_space<vmem>> -> memref<120x128xf32, #tpu.memory_space<vmem>>
        %dma_start3A_391 = arith.constant 0 : i32
        %dma_start3A_392 = tpu.memref_slice %arg8[%dma_start3A_385, %dma_start3A_391] : memref<6x120xi32, #tpu.memory_space<vmem>> -> memref<1x120xi32, #tpu.memory_space<vmem>>
        %dma_start3A_393 = tpu.memref_squeeze %dma_start3A_392 : memref<1x120xi32, #tpu.memory_space<vmem>> -> memref<120xi32, #tpu.memory_space<vmem>>
        %dma_start3A_394 = arith.constant 0 : i32
        %dma_start3A_395 = arith.constant 0 : i32
        %dma_start3A_396 = tpu.memref_slice %arg2[%dma_start3A_394, %dma_start3A_395] : memref<20000x128xf32, #tpu.memory_space<hbm>> -> memref<20000x128xf32, #tpu.memory_space<hbm>>
        tpu.enqueue_indirect_dma source(%dma_start3A_396 : memref<20000x128xf32, #tpu.memory_space<hbm>>) target(%dma_start3A_390 : memref<120x128xf32, #tpu.memory_space<vmem>>) offsets(%dma_start3A_393 : memref<120xi32, #tpu.memory_space<vmem>>) semaphore(%arg12 : memref<!tpu.dma_semaphore, #tpu.memory_space<semaphore_mem>>)
      } else {
      }
      %lt3A_270 = arith.constant 84 : i32
      %lt3A_271 = arith.cmpi slt, %add3A_260, %lt3A_270 : i32
      %convert_element_type3A_272 = arith.extui %lt3A_271 : i1 to i32
      %cond3A_273 = arith.constant 0 : i32
      %cond3A_274 = arith.cmpi ne, %convert_element_type3A_272, %cond3A_273 : i32
      scf.if %cond3A_274 {
        %dma_wait3A_351 = arith.constant 2 : i32
        %dma_wait3A_352 = arith.constant 2 : i32
        %dma_wait3A_353 = arith.constant 0 : i32
        %dma_wait3A_354 = arith.constant 0 : i32
        %dma_wait3A_355 = tpu.memref_slice %arg10[%dma_wait3A_352, %dma_wait3A_353, %dma_wait3A_354] : memref<3x120x128xf32, #tpu.memory_space<vmem>> -> memref<1x120x128xf32, #tpu.memory_space<vmem>>
        %dma_wait3A_356 = tpu.memref_squeeze %dma_wait3A_355 : memref<1x120x128xf32, #tpu.memory_space<vmem>> -> memref<120x128xf32, #tpu.memory_space<vmem>>
        %dma_wait3A_357 = arith.constant 0 : i32
        %dma_wait3A_358 = tpu.memref_slice %arg8[%dma_wait3A_351, %dma_wait3A_357] : memref<6x120xi32, #tpu.memory_space<vmem>> -> memref<1x120xi32, #tpu.memory_space<vmem>>
        %dma_wait3A_359 = tpu.memref_squeeze %dma_wait3A_358 : memref<1x120xi32, #tpu.memory_space<vmem>> -> memref<120xi32, #tpu.memory_space<vmem>>
        %dma_wait3A_360 = arith.constant 0 : i32
        %dma_wait3A_361 = arith.constant 0 : i32
        %dma_wait3A_362 = tpu.memref_slice %arg2[%dma_wait3A_360, %dma_wait3A_361] : memref<20000x128xf32, #tpu.memory_space<hbm>> -> memref<20000x128xf32, #tpu.memory_space<hbm>>
        tpu.wait_indirect_dma semaphore(%arg13 : memref<!tpu.dma_semaphore, #tpu.memory_space<semaphore_mem>>) src(%dma_wait3A_362 : memref<20000x128xf32, #tpu.memory_space<hbm>>) dst(%dma_wait3A_356 : memref<120x128xf32, #tpu.memory_space<vmem>>)
        %dma_start3A_363 = arith.constant 2 : i32
        %dma_start3A_364 = arith.constant 2 : i32
        %dma_start3A_365 = arith.constant 0 : i32
        %dma_start3A_366 = arith.constant 0 : i32
        %dma_start3A_367 = tpu.memref_slice %arg10[%dma_start3A_363, %dma_start3A_365, %dma_start3A_366] : memref<3x120x128xf32, #tpu.memory_space<vmem>> -> memref<1x120x128xf32, #tpu.memory_space<vmem>>
        %dma_start3A_368 = tpu.memref_squeeze %dma_start3A_367 : memref<1x120x128xf32, #tpu.memory_space<vmem>> -> memref<120x128xf32, #tpu.memory_space<vmem>>
        %dma_start3A_369 = arith.constant 0 : i32
        %dma_start3A_370 = tpu.memref_slice %arg9[%dma_start3A_364, %dma_start3A_369] : memref<6x120xi32, #tpu.memory_space<vmem>> -> memref<1x120xi32, #tpu.memory_space<vmem>>
        %dma_start3A_371 = tpu.memref_squeeze %dma_start3A_370 : memref<1x120xi32, #tpu.memory_space<vmem>> -> memref<120xi32, #tpu.memory_space<vmem>>
        %dma_start3A_372 = arith.constant 0 : i32
        %dma_start3A_373 = arith.constant 0 : i32
        %dma_start3A_374 = tpu.memref_slice %arg7[%dma_start3A_372, %dma_start3A_373] : memref<10112x128xf32, #tpu.memory_space<vmem_shared>> -> memref<10112x128xf32, #tpu.memory_space<vmem_shared>>
        tpu.enqueue_indirect_dma source(%dma_start3A_368 : memref<120x128xf32, #tpu.memory_space<vmem>>) target(%dma_start3A_374 : memref<10112x128xf32, #tpu.memory_space<vmem_shared>>) offsets(%dma_start3A_371 : memref<120xi32, #tpu.memory_space<vmem>>) semaphore(%arg19 : memref<!tpu.dma_semaphore, #tpu.memory_space<semaphore_mem>>) {add = true}
      } else {
      }
      %add3A_275 = arith.constant 3 : i32
      %add3A_276 = arith.addi %add3A_260, %add3A_275 : i32
      %lt3A_277 = arith.constant 84 : i32
      %lt3A_278 = arith.cmpi slt, %add3A_276, %lt3A_277 : i32
      %convert_element_type3A_279 = arith.extui %lt3A_278 : i1 to i32
      %cond3A_280 = arith.constant 0 : i32
      %cond3A_281 = arith.cmpi ne, %convert_element_type3A_279, %cond3A_280 : i32
      scf.if %cond3A_281 {
        %add3A_351 = arith.constant 3 : i32
        %add3A_352 = arith.addi %add3A_260, %add3A_351 : i32
        %dma_start3A_353 = arith.constant 5 : i32
        %dma_start3A_354 = arith.constant 0 : i32
        %dma_start3A_355 = tpu.memref_slice %arg8[%dma_start3A_353, %dma_start3A_354] : memref<6x120xi32, #tpu.memory_space<vmem>> -> memref<1x120xi32, #tpu.memory_space<vmem>>
        %dma_start3A_356 = tpu.memref_squeeze %dma_start3A_355 : memref<1x120xi32, #tpu.memory_space<vmem>> -> memref<120xi32, #tpu.memory_space<vmem>>
        %dma_start3A_357 = arith.constant 0 : i32
        %dma_start3A_358 = tpu.memref_slice %arg3[%arg0, %arg1, %add3A_352, %dma_start3A_357] : memref<2x16x84x120xi32, #tpu.memory_space<hbm>> -> memref<1x1x1x120xi32, #tpu.memory_space<hbm>>
        %dma_start3A_359 = tpu.memref_squeeze %dma_start3A_358 : memref<1x1x1x120xi32, #tpu.memory_space<hbm>> -> memref<120xi32, #tpu.memory_space<hbm>>
        %dma_start3A_360 = arith.constant 0 : i32
        %dma_start3A_361 = tpu.memref_slice %arg8[%dma_start3A_353, %dma_start3A_360] : memref<6x120xi32, #tpu.memory_space<vmem>> -> memref<1x120xi32, #tpu.memory_space<vmem>>
        %dma_start3A_362 = tpu.memref_squeeze %dma_start3A_361 : memref<1x120xi32, #tpu.memory_space<vmem>> -> memref<120xi32, #tpu.memory_space<vmem>>
        %dma_start3A_363 = arith.constant 0 : i32
        %dma_start3A_364 = tpu.memref_slice %arg3[%arg0, %arg1, %add3A_352, %dma_start3A_363] : memref<2x16x84x120xi32, #tpu.memory_space<hbm>> -> memref<1x1x1x120xi32, #tpu.memory_space<hbm>>
        %dma_start3A_365 = tpu.memref_squeeze %dma_start3A_364 : memref<1x1x1x120xi32, #tpu.memory_space<hbm>> -> memref<120xi32, #tpu.memory_space<hbm>>
        tpu.enqueue_dma source(%dma_start3A_365 : memref<120xi32, #tpu.memory_space<hbm>>) target(%dma_start3A_362 : memref<120xi32, #tpu.memory_space<vmem>>) target_semaphore(%arg16 : memref<!tpu.dma_semaphore, #tpu.memory_space<semaphore_mem>>)
        %dma_start3A_366 = arith.constant 5 : i32
        %dma_start3A_367 = arith.constant 0 : i32
        %dma_start3A_368 = tpu.memref_slice %arg9[%dma_start3A_366, %dma_start3A_367] : memref<6x120xi32, #tpu.memory_space<vmem>> -> memref<1x120xi32, #tpu.memory_space<vmem>>
        %dma_start3A_369 = tpu.memref_squeeze %dma_start3A_368 : memref<1x120xi32, #tpu.memory_space<vmem>> -> memref<120xi32, #tpu.memory_space<vmem>>
        %dma_start3A_370 = arith.constant 0 : i32
        %dma_start3A_371 = tpu.memref_slice %arg4[%arg1, %add3A_352, %dma_start3A_370] : memref<16x84x120xi32, #tpu.memory_space<hbm>> -> memref<1x1x120xi32, #tpu.memory_space<hbm>>
        %dma_start3A_372 = tpu.memref_squeeze %dma_start3A_371 : memref<1x1x120xi32, #tpu.memory_space<hbm>> -> memref<120xi32, #tpu.memory_space<hbm>>
        %dma_start3A_373 = arith.constant 0 : i32
        %dma_start3A_374 = tpu.memref_slice %arg9[%dma_start3A_366, %dma_start3A_373] : memref<6x120xi32, #tpu.memory_space<vmem>> -> memref<1x120xi32, #tpu.memory_space<vmem>>
        %dma_start3A_375 = tpu.memref_squeeze %dma_start3A_374 : memref<1x120xi32, #tpu.memory_space<vmem>> -> memref<120xi32, #tpu.memory_space<vmem>>
        %dma_start3A_376 = arith.constant 0 : i32
        %dma_start3A_377 = tpu.memref_slice %arg4[%arg1, %add3A_352, %dma_start3A_376] : memref<16x84x120xi32, #tpu.memory_space<hbm>> -> memref<1x1x120xi32, #tpu.memory_space<hbm>>
        %dma_start3A_378 = tpu.memref_squeeze %dma_start3A_377 : memref<1x1x120xi32, #tpu.memory_space<hbm>> -> memref<120xi32, #tpu.memory_space<hbm>>
        tpu.enqueue_dma source(%dma_start3A_378 : memref<120xi32, #tpu.memory_space<hbm>>) target(%dma_start3A_375 : memref<120xi32, #tpu.memory_space<vmem>>) target_semaphore(%arg16 : memref<!tpu.dma_semaphore, #tpu.memory_space<semaphore_mem>>)
      } else {
      }
      %add3A_282 = arith.constant 3 : i32
      %add3A_283 = arith.addi %add3A_216, %add3A_282 : i32
      %add3A_284 = arith.constant 3 : i32
      %add3A_285 = arith.addi %add3A_283, %add3A_284 : i32
      %sub3A_286 = arith.constant 1 : i32
      %sub3A_287 = arith.subi %add3A_285, %sub3A_286 : i32
      %lt3A_288 = arith.constant 84 : i32
      %lt3A_289 = arith.cmpi slt, %sub3A_287, %lt3A_288 : i32
      %convert_element_type3A_290 = arith.extui %lt3A_289 : i1 to i32
      %cond3A_291 = arith.constant 0 : i32
      %cond3A_292 = arith.cmpi ne, %convert_element_type3A_290, %cond3A_291 : i32
      scf.if %cond3A_292 {
        %add3A_351 = arith.constant 3 : i32
        %add3A_352 = arith.addi %add3A_283, %add3A_351 : i32
        %sub3A_353 = arith.constant 1 : i32
        %sub3A_354 = arith.subi %add3A_352, %sub3A_353 : i32
        %dma_wait3A_355 = arith.constant 5 : i32
        %dma_wait3A_356 = arith.constant 0 : i32
        %dma_wait3A_357 = tpu.memref_slice %arg8[%dma_wait3A_355, %dma_wait3A_356] : memref<6x120xi32, #tpu.memory_space<vmem>> -> memref<1x120xi32, #tpu.memory_space<vmem>>
        %dma_wait3A_358 = tpu.memref_squeeze %dma_wait3A_357 : memref<1x120xi32, #tpu.memory_space<vmem>> -> memref<120xi32, #tpu.memory_space<vmem>>
        %dma_wait3A_359 = arith.constant 0 : i32
        %dma_wait3A_360 = tpu.memref_slice %arg3[%arg0, %arg1, %sub3A_354, %dma_wait3A_359] : memref<2x16x84x120xi32, #tpu.memory_space<hbm>> -> memref<1x1x1x120xi32, #tpu.memory_space<hbm>>
        %dma_wait3A_361 = tpu.memref_squeeze %dma_wait3A_360 : memref<1x1x1x120xi32, #tpu.memory_space<hbm>> -> memref<120xi32, #tpu.memory_space<hbm>>
        %dma_wait3A_362 = arith.constant 0 : i32
        %dma_wait3A_363 = tpu.memref_slice %arg8[%dma_wait3A_355, %dma_wait3A_362] : memref<6x120xi32, #tpu.memory_space<vmem>> -> memref<1x120xi32, #tpu.memory_space<vmem>>
        %dma_wait3A_364 = tpu.memref_squeeze %dma_wait3A_363 : memref<1x120xi32, #tpu.memory_space<vmem>> -> memref<120xi32, #tpu.memory_space<vmem>>
        %dma_wait3A_365 = arith.constant 0 : i32
        %dma_wait3A_366 = tpu.memref_slice %arg3[%arg0, %arg1, %sub3A_354, %dma_wait3A_365] : memref<2x16x84x120xi32, #tpu.memory_space<hbm>> -> memref<1x1x1x120xi32, #tpu.memory_space<hbm>>
        %dma_wait3A_367 = tpu.memref_squeeze %dma_wait3A_366 : memref<1x1x1x120xi32, #tpu.memory_space<hbm>> -> memref<120xi32, #tpu.memory_space<hbm>>
        tpu.wait_dma2 semaphore(%arg16 : memref<!tpu.dma_semaphore, #tpu.memory_space<semaphore_mem>>) src(%dma_wait3A_367 : memref<120xi32, #tpu.memory_space<hbm>>) dst(%dma_wait3A_364 : memref<120xi32, #tpu.memory_space<vmem>>)
        %dma_wait3A_368 = arith.constant 5 : i32
        %dma_wait3A_369 = arith.constant 0 : i32
        %dma_wait3A_370 = tpu.memref_slice %arg9[%dma_wait3A_368, %dma_wait3A_369] : memref<6x120xi32, #tpu.memory_space<vmem>> -> memref<1x120xi32, #tpu.memory_space<vmem>>
        %dma_wait3A_371 = tpu.memref_squeeze %dma_wait3A_370 : memref<1x120xi32, #tpu.memory_space<vmem>> -> memref<120xi32, #tpu.memory_space<vmem>>
        %dma_wait3A_372 = arith.constant 0 : i32
        %dma_wait3A_373 = tpu.memref_slice %arg4[%arg1, %sub3A_354, %dma_wait3A_372] : memref<16x84x120xi32, #tpu.memory_space<hbm>> -> memref<1x1x120xi32, #tpu.memory_space<hbm>>
        %dma_wait3A_374 = tpu.memref_squeeze %dma_wait3A_373 : memref<1x1x120xi32, #tpu.memory_space<hbm>> -> memref<120xi32, #tpu.memory_space<hbm>>
        %dma_wait3A_375 = arith.constant 0 : i32
        %dma_wait3A_376 = tpu.memref_slice %arg9[%dma_wait3A_368, %dma_wait3A_375] : memref<6x120xi32, #tpu.memory_space<vmem>> -> memref<1x120xi32, #tpu.memory_space<vmem>>
        %dma_wait3A_377 = tpu.memref_squeeze %dma_wait3A_376 : memref<1x120xi32, #tpu.memory_space<vmem>> -> memref<120xi32, #tpu.memory_space<vmem>>
        %dma_wait3A_378 = arith.constant 0 : i32
        %dma_wait3A_379 = tpu.memref_slice %arg4[%arg1, %sub3A_354, %dma_wait3A_378] : memref<16x84x120xi32, #tpu.memory_space<hbm>> -> memref<1x1x120xi32, #tpu.memory_space<hbm>>
        %dma_wait3A_380 = tpu.memref_squeeze %dma_wait3A_379 : memref<1x1x120xi32, #tpu.memory_space<hbm>> -> memref<120xi32, #tpu.memory_space<hbm>>
        tpu.wait_dma2 semaphore(%arg16 : memref<!tpu.dma_semaphore, #tpu.memory_space<semaphore_mem>>) src(%dma_wait3A_380 : memref<120xi32, #tpu.memory_space<hbm>>) dst(%dma_wait3A_377 : memref<120xi32, #tpu.memory_space<vmem>>)
        %ge3A = arith.constant 1 : i32
        %ge3A_381 = arith.cmpi sge, %add3A_283, %ge3A : i32
        %convert_element_type3A_382 = arith.extui %ge3A_381 : i1 to i32
        %cond3A_383 = arith.constant 0 : i32
        %cond3A_384 = arith.cmpi ne, %convert_element_type3A_382, %cond3A_383 : i32
        scf.if %cond3A_384 {
          %dma_wait3A_397 = arith.constant 2 : i32
          %dma_wait3A_398 = arith.constant 2 : i32
          %dma_wait3A_399 = arith.constant 0 : i32
          %dma_wait3A_400 = arith.constant 0 : i32
          %dma_wait3A_401 = tpu.memref_slice %arg10[%dma_wait3A_397, %dma_wait3A_399, %dma_wait3A_400] : memref<3x120x128xf32, #tpu.memory_space<vmem>> -> memref<1x120x128xf32, #tpu.memory_space<vmem>>
          %dma_wait3A_402 = tpu.memref_squeeze %dma_wait3A_401 : memref<1x120x128xf32, #tpu.memory_space<vmem>> -> memref<120x128xf32, #tpu.memory_space<vmem>>
          %dma_wait3A_403 = arith.constant 0 : i32
          %dma_wait3A_404 = tpu.memref_slice %arg9[%dma_wait3A_398, %dma_wait3A_403] : memref<6x120xi32, #tpu.memory_space<vmem>> -> memref<1x120xi32, #tpu.memory_space<vmem>>
          %dma_wait3A_405 = tpu.memref_squeeze %dma_wait3A_404 : memref<1x120xi32, #tpu.memory_space<vmem>> -> memref<120xi32, #tpu.memory_space<vmem>>
          %dma_wait3A_406 = arith.constant 0 : i32
          %dma_wait3A_407 = arith.constant 0 : i32
          %dma_wait3A_408 = tpu.memref_slice %arg7[%dma_wait3A_406, %dma_wait3A_407] : memref<10112x128xf32, #tpu.memory_space<vmem_shared>> -> memref<10112x128xf32, #tpu.memory_space<vmem_shared>>
          tpu.wait_indirect_dma semaphore(%arg19 : memref<!tpu.dma_semaphore, #tpu.memory_space<semaphore_mem>>) src(%dma_wait3A_402 : memref<120x128xf32, #tpu.memory_space<vmem>>) dst(%dma_wait3A_408 : memref<10112x128xf32, #tpu.memory_space<vmem_shared>>)
        } else {
        }
        %dma_start3A_385 = arith.constant 5 : i32
        %dma_start3A_386 = arith.constant 2 : i32
        %dma_start3A_387 = arith.constant 0 : i32
        %dma_start3A_388 = arith.constant 0 : i32
        %dma_start3A_389 = tpu.memref_slice %arg10[%dma_start3A_386, %dma_start3A_387, %dma_start3A_388] : memref<3x120x128xf32, #tpu.memory_space<vmem>> -> memref<1x120x128xf32, #tpu.memory_space<vmem>>
        %dma_start3A_390 = tpu.memref_squeeze %dma_start3A_389 : memref<1x120x128xf32, #tpu.memory_space<vmem>> -> memref<120x128xf32, #tpu.memory_space<vmem>>
        %dma_start3A_391 = arith.constant 0 : i32
        %dma_start3A_392 = tpu.memref_slice %arg8[%dma_start3A_385, %dma_start3A_391] : memref<6x120xi32, #tpu.memory_space<vmem>> -> memref<1x120xi32, #tpu.memory_space<vmem>>
        %dma_start3A_393 = tpu.memref_squeeze %dma_start3A_392 : memref<1x120xi32, #tpu.memory_space<vmem>> -> memref<120xi32, #tpu.memory_space<vmem>>
        %dma_start3A_394 = arith.constant 0 : i32
        %dma_start3A_395 = arith.constant 0 : i32
        %dma_start3A_396 = tpu.memref_slice %arg2[%dma_start3A_394, %dma_start3A_395] : memref<20000x128xf32, #tpu.memory_space<hbm>> -> memref<20000x128xf32, #tpu.memory_space<hbm>>
        tpu.enqueue_indirect_dma source(%dma_start3A_396 : memref<20000x128xf32, #tpu.memory_space<hbm>>) target(%dma_start3A_390 : memref<120x128xf32, #tpu.memory_space<vmem>>) offsets(%dma_start3A_393 : memref<120xi32, #tpu.memory_space<vmem>>) semaphore(%arg13 : memref<!tpu.dma_semaphore, #tpu.memory_space<semaphore_mem>>)
      } else {
      }
      %lt3A_293 = arith.constant 84 : i32
      %lt3A_294 = arith.cmpi slt, %add3A_283, %lt3A_293 : i32
      %convert_element_type3A_295 = arith.extui %lt3A_294 : i1 to i32
      %cond3A_296 = arith.constant 0 : i32
      %cond3A_297 = arith.cmpi ne, %convert_element_type3A_295, %cond3A_296 : i32
      scf.if %cond3A_297 {
        %dma_wait3A_351 = arith.constant 3 : i32
        %dma_wait3A_352 = arith.constant 0 : i32
        %dma_wait3A_353 = arith.constant 0 : i32
        %dma_wait3A_354 = arith.constant 0 : i32
        %dma_wait3A_355 = tpu.memref_slice %arg10[%dma_wait3A_352, %dma_wait3A_353, %dma_wait3A_354] : memref<3x120x128xf32, #tpu.memory_space<vmem>> -> memref<1x120x128xf32, #tpu.memory_space<vmem>>
        %dma_wait3A_356 = tpu.memref_squeeze %dma_wait3A_355 : memref<1x120x128xf32, #tpu.memory_space<vmem>> -> memref<120x128xf32, #tpu.memory_space<vmem>>
        %dma_wait3A_357 = arith.constant 0 : i32
        %dma_wait3A_358 = tpu.memref_slice %arg8[%dma_wait3A_351, %dma_wait3A_357] : memref<6x120xi32, #tpu.memory_space<vmem>> -> memref<1x120xi32, #tpu.memory_space<vmem>>
        %dma_wait3A_359 = tpu.memref_squeeze %dma_wait3A_358 : memref<1x120xi32, #tpu.memory_space<vmem>> -> memref<120xi32, #tpu.memory_space<vmem>>
        %dma_wait3A_360 = arith.constant 0 : i32
        %dma_wait3A_361 = arith.constant 0 : i32
        %dma_wait3A_362 = tpu.memref_slice %arg2[%dma_wait3A_360, %dma_wait3A_361] : memref<20000x128xf32, #tpu.memory_space<hbm>> -> memref<20000x128xf32, #tpu.memory_space<hbm>>
        tpu.wait_indirect_dma semaphore(%arg11 : memref<!tpu.dma_semaphore, #tpu.memory_space<semaphore_mem>>) src(%dma_wait3A_362 : memref<20000x128xf32, #tpu.memory_space<hbm>>) dst(%dma_wait3A_356 : memref<120x128xf32, #tpu.memory_space<vmem>>)
        %dma_start3A_363 = arith.constant 0 : i32
        %dma_start3A_364 = arith.constant 3 : i32
        %dma_start3A_365 = arith.constant 0 : i32
        %dma_start3A_366 = arith.constant 0 : i32
        %dma_start3A_367 = tpu.memref_slice %arg10[%dma_start3A_363, %dma_start3A_365, %dma_start3A_366] : memref<3x120x128xf32, #tpu.memory_space<vmem>> -> memref<1x120x128xf32, #tpu.memory_space<vmem>>
        %dma_start3A_368 = tpu.memref_squeeze %dma_start3A_367 : memref<1x120x128xf32, #tpu.memory_space<vmem>> -> memref<120x128xf32, #tpu.memory_space<vmem>>
        %dma_start3A_369 = arith.constant 0 : i32
        %dma_start3A_370 = tpu.memref_slice %arg9[%dma_start3A_364, %dma_start3A_369] : memref<6x120xi32, #tpu.memory_space<vmem>> -> memref<1x120xi32, #tpu.memory_space<vmem>>
        %dma_start3A_371 = tpu.memref_squeeze %dma_start3A_370 : memref<1x120xi32, #tpu.memory_space<vmem>> -> memref<120xi32, #tpu.memory_space<vmem>>
        %dma_start3A_372 = arith.constant 0 : i32
        %dma_start3A_373 = arith.constant 0 : i32
        %dma_start3A_374 = tpu.memref_slice %arg7[%dma_start3A_372, %dma_start3A_373] : memref<10112x128xf32, #tpu.memory_space<vmem_shared>> -> memref<10112x128xf32, #tpu.memory_space<vmem_shared>>
        tpu.enqueue_indirect_dma source(%dma_start3A_368 : memref<120x128xf32, #tpu.memory_space<vmem>>) target(%dma_start3A_374 : memref<10112x128xf32, #tpu.memory_space<vmem_shared>>) offsets(%dma_start3A_371 : memref<120xi32, #tpu.memory_space<vmem>>) semaphore(%arg17 : memref<!tpu.dma_semaphore, #tpu.memory_space<semaphore_mem>>) {add = true}
      } else {
      }
      %add3A_298 = arith.constant 3 : i32
      %add3A_299 = arith.addi %add3A_283, %add3A_298 : i32
      %lt3A_300 = arith.constant 84 : i32
      %lt3A_301 = arith.cmpi slt, %add3A_299, %lt3A_300 : i32
      %convert_element_type3A_302 = arith.extui %lt3A_301 : i1 to i32
      %cond3A_303 = arith.constant 0 : i32
      %cond3A_304 = arith.cmpi ne, %convert_element_type3A_302, %cond3A_303 : i32
      scf.if %cond3A_304 {
        %add3A_351 = arith.constant 3 : i32
        %add3A_352 = arith.addi %add3A_283, %add3A_351 : i32
        %dma_start3A_353 = arith.constant 0 : i32
        %dma_start3A_354 = arith.constant 0 : i32
        %dma_start3A_355 = tpu.memref_slice %arg8[%dma_start3A_353, %dma_start3A_354] : memref<6x120xi32, #tpu.memory_space<vmem>> -> memref<1x120xi32, #tpu.memory_space<vmem>>
        %dma_start3A_356 = tpu.memref_squeeze %dma_start3A_355 : memref<1x120xi32, #tpu.memory_space<vmem>> -> memref<120xi32, #tpu.memory_space<vmem>>
        %dma_start3A_357 = arith.constant 0 : i32
        %dma_start3A_358 = tpu.memref_slice %arg3[%arg0, %arg1, %add3A_352, %dma_start3A_357] : memref<2x16x84x120xi32, #tpu.memory_space<hbm>> -> memref<1x1x1x120xi32, #tpu.memory_space<hbm>>
        %dma_start3A_359 = tpu.memref_squeeze %dma_start3A_358 : memref<1x1x1x120xi32, #tpu.memory_space<hbm>> -> memref<120xi32, #tpu.memory_space<hbm>>
        %dma_start3A_360 = arith.constant 0 : i32
        %dma_start3A_361 = tpu.memref_slice %arg8[%dma_start3A_353, %dma_start3A_360] : memref<6x120xi32, #tpu.memory_space<vmem>> -> memref<1x120xi32, #tpu.memory_space<vmem>>
        %dma_start3A_362 = tpu.memref_squeeze %dma_start3A_361 : memref<1x120xi32, #tpu.memory_space<vmem>> -> memref<120xi32, #tpu.memory_space<vmem>>
        %dma_start3A_363 = arith.constant 0 : i32
        %dma_start3A_364 = tpu.memref_slice %arg3[%arg0, %arg1, %add3A_352, %dma_start3A_363] : memref<2x16x84x120xi32, #tpu.memory_space<hbm>> -> memref<1x1x1x120xi32, #tpu.memory_space<hbm>>
        %dma_start3A_365 = tpu.memref_squeeze %dma_start3A_364 : memref<1x1x1x120xi32, #tpu.memory_space<hbm>> -> memref<120xi32, #tpu.memory_space<hbm>>
        tpu.enqueue_dma source(%dma_start3A_365 : memref<120xi32, #tpu.memory_space<hbm>>) target(%dma_start3A_362 : memref<120xi32, #tpu.memory_space<vmem>>) target_semaphore(%arg14 : memref<!tpu.dma_semaphore, #tpu.memory_space<semaphore_mem>>)
        %dma_start3A_366 = arith.constant 0 : i32
        %dma_start3A_367 = arith.constant 0 : i32
        %dma_start3A_368 = tpu.memref_slice %arg9[%dma_start3A_366, %dma_start3A_367] : memref<6x120xi32, #tpu.memory_space<vmem>> -> memref<1x120xi32, #tpu.memory_space<vmem>>
        %dma_start3A_369 = tpu.memref_squeeze %dma_start3A_368 : memref<1x120xi32, #tpu.memory_space<vmem>> -> memref<120xi32, #tpu.memory_space<vmem>>
        %dma_start3A_370 = arith.constant 0 : i32
        %dma_start3A_371 = tpu.memref_slice %arg4[%arg1, %add3A_352, %dma_start3A_370] : memref<16x84x120xi32, #tpu.memory_space<hbm>> -> memref<1x1x120xi32, #tpu.memory_space<hbm>>
        %dma_start3A_372 = tpu.memref_squeeze %dma_start3A_371 : memref<1x1x120xi32, #tpu.memory_space<hbm>> -> memref<120xi32, #tpu.memory_space<hbm>>
        %dma_start3A_373 = arith.constant 0 : i32
        %dma_start3A_374 = tpu.memref_slice %arg9[%dma_start3A_366, %dma_start3A_373] : memref<6x120xi32, #tpu.memory_space<vmem>> -> memref<1x120xi32, #tpu.memory_space<vmem>>
        %dma_start3A_375 = tpu.memref_squeeze %dma_start3A_374 : memref<1x120xi32, #tpu.memory_space<vmem>> -> memref<120xi32, #tpu.memory_space<vmem>>
        %dma_start3A_376 = arith.constant 0 : i32
        %dma_start3A_377 = tpu.memref_slice %arg4[%arg1, %add3A_352, %dma_start3A_376] : memref<16x84x120xi32, #tpu.memory_space<hbm>> -> memref<1x1x120xi32, #tpu.memory_space<hbm>>
        %dma_start3A_378 = tpu.memref_squeeze %dma_start3A_377 : memref<1x1x120xi32, #tpu.memory_space<hbm>> -> memref<120xi32, #tpu.memory_space<hbm>>
        tpu.enqueue_dma source(%dma_start3A_378 : memref<120xi32, #tpu.memory_space<hbm>>) target(%dma_start3A_375 : memref<120xi32, #tpu.memory_space<vmem>>) target_semaphore(%arg14 : memref<!tpu.dma_semaphore, #tpu.memory_space<semaphore_mem>>)
      } else {
      }
      %add3A_305 = arith.constant 4 : i32
      %add3A_306 = arith.addi %add3A_216, %add3A_305 : i32
      %add3A_307 = arith.constant 3 : i32
      %add3A_308 = arith.addi %add3A_306, %add3A_307 : i32
      %sub3A_309 = arith.constant 1 : i32
      %sub3A_310 = arith.subi %add3A_308, %sub3A_309 : i32
      %lt3A_311 = arith.constant 84 : i32
      %lt3A_312 = arith.cmpi slt, %sub3A_310, %lt3A_311 : i32
      %convert_element_type3A_313 = arith.extui %lt3A_312 : i1 to i32
      %cond3A_314 = arith.constant 0 : i32
      %cond3A_315 = arith.cmpi ne, %convert_element_type3A_313, %cond3A_314 : i32
      scf.if %cond3A_315 {
        %add3A_351 = arith.constant 3 : i32
        %add3A_352 = arith.addi %add3A_306, %add3A_351 : i32
        %sub3A_353 = arith.constant 1 : i32
        %sub3A_354 = arith.subi %add3A_352, %sub3A_353 : i32
        %dma_wait3A_355 = arith.constant 0 : i32
        %dma_wait3A_356 = arith.constant 0 : i32
        %dma_wait3A_357 = tpu.memref_slice %arg8[%dma_wait3A_355, %dma_wait3A_356] : memref<6x120xi32, #tpu.memory_space<vmem>> -> memref<1x120xi32, #tpu.memory_space<vmem>>
        %dma_wait3A_358 = tpu.memref_squeeze %dma_wait3A_357 : memref<1x120xi32, #tpu.memory_space<vmem>> -> memref<120xi32, #tpu.memory_space<vmem>>
        %dma_wait3A_359 = arith.constant 0 : i32
        %dma_wait3A_360 = tpu.memref_slice %arg3[%arg0, %arg1, %sub3A_354, %dma_wait3A_359] : memref<2x16x84x120xi32, #tpu.memory_space<hbm>> -> memref<1x1x1x120xi32, #tpu.memory_space<hbm>>
        %dma_wait3A_361 = tpu.memref_squeeze %dma_wait3A_360 : memref<1x1x1x120xi32, #tpu.memory_space<hbm>> -> memref<120xi32, #tpu.memory_space<hbm>>
        %dma_wait3A_362 = arith.constant 0 : i32
        %dma_wait3A_363 = tpu.memref_slice %arg8[%dma_wait3A_355, %dma_wait3A_362] : memref<6x120xi32, #tpu.memory_space<vmem>> -> memref<1x120xi32, #tpu.memory_space<vmem>>
        %dma_wait3A_364 = tpu.memref_squeeze %dma_wait3A_363 : memref<1x120xi32, #tpu.memory_space<vmem>> -> memref<120xi32, #tpu.memory_space<vmem>>
        %dma_wait3A_365 = arith.constant 0 : i32
        %dma_wait3A_366 = tpu.memref_slice %arg3[%arg0, %arg1, %sub3A_354, %dma_wait3A_365] : memref<2x16x84x120xi32, #tpu.memory_space<hbm>> -> memref<1x1x1x120xi32, #tpu.memory_space<hbm>>
        %dma_wait3A_367 = tpu.memref_squeeze %dma_wait3A_366 : memref<1x1x1x120xi32, #tpu.memory_space<hbm>> -> memref<120xi32, #tpu.memory_space<hbm>>
        tpu.wait_dma2 semaphore(%arg14 : memref<!tpu.dma_semaphore, #tpu.memory_space<semaphore_mem>>) src(%dma_wait3A_367 : memref<120xi32, #tpu.memory_space<hbm>>) dst(%dma_wait3A_364 : memref<120xi32, #tpu.memory_space<vmem>>)
        %dma_wait3A_368 = arith.constant 0 : i32
        %dma_wait3A_369 = arith.constant 0 : i32
        %dma_wait3A_370 = tpu.memref_slice %arg9[%dma_wait3A_368, %dma_wait3A_369] : memref<6x120xi32, #tpu.memory_space<vmem>> -> memref<1x120xi32, #tpu.memory_space<vmem>>
        %dma_wait3A_371 = tpu.memref_squeeze %dma_wait3A_370 : memref<1x120xi32, #tpu.memory_space<vmem>> -> memref<120xi32, #tpu.memory_space<vmem>>
        %dma_wait3A_372 = arith.constant 0 : i32
        %dma_wait3A_373 = tpu.memref_slice %arg4[%arg1, %sub3A_354, %dma_wait3A_372] : memref<16x84x120xi32, #tpu.memory_space<hbm>> -> memref<1x1x120xi32, #tpu.memory_space<hbm>>
        %dma_wait3A_374 = tpu.memref_squeeze %dma_wait3A_373 : memref<1x1x120xi32, #tpu.memory_space<hbm>> -> memref<120xi32, #tpu.memory_space<hbm>>
        %dma_wait3A_375 = arith.constant 0 : i32
        %dma_wait3A_376 = tpu.memref_slice %arg9[%dma_wait3A_368, %dma_wait3A_375] : memref<6x120xi32, #tpu.memory_space<vmem>> -> memref<1x120xi32, #tpu.memory_space<vmem>>
        %dma_wait3A_377 = tpu.memref_squeeze %dma_wait3A_376 : memref<1x120xi32, #tpu.memory_space<vmem>> -> memref<120xi32, #tpu.memory_space<vmem>>
        %dma_wait3A_378 = arith.constant 0 : i32
        %dma_wait3A_379 = tpu.memref_slice %arg4[%arg1, %sub3A_354, %dma_wait3A_378] : memref<16x84x120xi32, #tpu.memory_space<hbm>> -> memref<1x1x120xi32, #tpu.memory_space<hbm>>
        %dma_wait3A_380 = tpu.memref_squeeze %dma_wait3A_379 : memref<1x1x120xi32, #tpu.memory_space<hbm>> -> memref<120xi32, #tpu.memory_space<hbm>>
        tpu.wait_dma2 semaphore(%arg14 : memref<!tpu.dma_semaphore, #tpu.memory_space<semaphore_mem>>) src(%dma_wait3A_380 : memref<120xi32, #tpu.memory_space<hbm>>) dst(%dma_wait3A_377 : memref<120xi32, #tpu.memory_space<vmem>>)
        %ge3A = arith.constant 1 : i32
        %ge3A_381 = arith.cmpi sge, %add3A_306, %ge3A : i32
        %convert_element_type3A_382 = arith.extui %ge3A_381 : i1 to i32
        %cond3A_383 = arith.constant 0 : i32
        %cond3A_384 = arith.cmpi ne, %convert_element_type3A_382, %cond3A_383 : i32
        scf.if %cond3A_384 {
          %dma_wait3A_397 = arith.constant 0 : i32
          %dma_wait3A_398 = arith.constant 3 : i32
          %dma_wait3A_399 = arith.constant 0 : i32
          %dma_wait3A_400 = arith.constant 0 : i32
          %dma_wait3A_401 = tpu.memref_slice %arg10[%dma_wait3A_397, %dma_wait3A_399, %dma_wait3A_400] : memref<3x120x128xf32, #tpu.memory_space<vmem>> -> memref<1x120x128xf32, #tpu.memory_space<vmem>>
          %dma_wait3A_402 = tpu.memref_squeeze %dma_wait3A_401 : memref<1x120x128xf32, #tpu.memory_space<vmem>> -> memref<120x128xf32, #tpu.memory_space<vmem>>
          %dma_wait3A_403 = arith.constant 0 : i32
          %dma_wait3A_404 = tpu.memref_slice %arg9[%dma_wait3A_398, %dma_wait3A_403] : memref<6x120xi32, #tpu.memory_space<vmem>> -> memref<1x120xi32, #tpu.memory_space<vmem>>
          %dma_wait3A_405 = tpu.memref_squeeze %dma_wait3A_404 : memref<1x120xi32, #tpu.memory_space<vmem>> -> memref<120xi32, #tpu.memory_space<vmem>>
          %dma_wait3A_406 = arith.constant 0 : i32
          %dma_wait3A_407 = arith.constant 0 : i32
          %dma_wait3A_408 = tpu.memref_slice %arg7[%dma_wait3A_406, %dma_wait3A_407] : memref<10112x128xf32, #tpu.memory_space<vmem_shared>> -> memref<10112x128xf32, #tpu.memory_space<vmem_shared>>
          tpu.wait_indirect_dma semaphore(%arg17 : memref<!tpu.dma_semaphore, #tpu.memory_space<semaphore_mem>>) src(%dma_wait3A_402 : memref<120x128xf32, #tpu.memory_space<vmem>>) dst(%dma_wait3A_408 : memref<10112x128xf32, #tpu.memory_space<vmem_shared>>)
        } else {
        }
        %dma_start3A_385 = arith.constant 0 : i32
        %dma_start3A_386 = arith.constant 0 : i32
        %dma_start3A_387 = arith.constant 0 : i32
        %dma_start3A_388 = arith.constant 0 : i32
        %dma_start3A_389 = tpu.memref_slice %arg10[%dma_start3A_386, %dma_start3A_387, %dma_start3A_388] : memref<3x120x128xf32, #tpu.memory_space<vmem>> -> memref<1x120x128xf32, #tpu.memory_space<vmem>>
        %dma_start3A_390 = tpu.memref_squeeze %dma_start3A_389 : memref<1x120x128xf32, #tpu.memory_space<vmem>> -> memref<120x128xf32, #tpu.memory_space<vmem>>
        %dma_start3A_391 = arith.constant 0 : i32
        %dma_start3A_392 = tpu.memref_slice %arg8[%dma_start3A_385, %dma_start3A_391] : memref<6x120xi32, #tpu.memory_space<vmem>> -> memref<1x120xi32, #tpu.memory_space<vmem>>
        %dma_start3A_393 = tpu.memref_squeeze %dma_start3A_392 : memref<1x120xi32, #tpu.memory_space<vmem>> -> memref<120xi32, #tpu.memory_space<vmem>>
        %dma_start3A_394 = arith.constant 0 : i32
        %dma_start3A_395 = arith.constant 0 : i32
        %dma_start3A_396 = tpu.memref_slice %arg2[%dma_start3A_394, %dma_start3A_395] : memref<20000x128xf32, #tpu.memory_space<hbm>> -> memref<20000x128xf32, #tpu.memory_space<hbm>>
        tpu.enqueue_indirect_dma source(%dma_start3A_396 : memref<20000x128xf32, #tpu.memory_space<hbm>>) target(%dma_start3A_390 : memref<120x128xf32, #tpu.memory_space<vmem>>) offsets(%dma_start3A_393 : memref<120xi32, #tpu.memory_space<vmem>>) semaphore(%arg11 : memref<!tpu.dma_semaphore, #tpu.memory_space<semaphore_mem>>)
      } else {
      }
      %lt3A_316 = arith.constant 84 : i32
      %lt3A_317 = arith.cmpi slt, %add3A_306, %lt3A_316 : i32
      %convert_element_type3A_318 = arith.extui %lt3A_317 : i1 to i32
      %cond3A_319 = arith.constant 0 : i32
      %cond3A_320 = arith.cmpi ne, %convert_element_type3A_318, %cond3A_319 : i32
      scf.if %cond3A_320 {
        %dma_wait3A_351 = arith.constant 4 : i32
        %dma_wait3A_352 = arith.constant 1 : i32
        %dma_wait3A_353 = arith.constant 0 : i32
        %dma_wait3A_354 = arith.constant 0 : i32
        %dma_wait3A_355 = tpu.memref_slice %arg10[%dma_wait3A_352, %dma_wait3A_353, %dma_wait3A_354] : memref<3x120x128xf32, #tpu.memory_space<vmem>> -> memref<1x120x128xf32, #tpu.memory_space<vmem>>
        %dma_wait3A_356 = tpu.memref_squeeze %dma_wait3A_355 : memref<1x120x128xf32, #tpu.memory_space<vmem>> -> memref<120x128xf32, #tpu.memory_space<vmem>>
        %dma_wait3A_357 = arith.constant 0 : i32
        %dma_wait3A_358 = tpu.memref_slice %arg8[%dma_wait3A_351, %dma_wait3A_357] : memref<6x120xi32, #tpu.memory_space<vmem>> -> memref<1x120xi32, #tpu.memory_space<vmem>>
        %dma_wait3A_359 = tpu.memref_squeeze %dma_wait3A_358 : memref<1x120xi32, #tpu.memory_space<vmem>> -> memref<120xi32, #tpu.memory_space<vmem>>
        %dma_wait3A_360 = arith.constant 0 : i32
        %dma_wait3A_361 = arith.constant 0 : i32
        %dma_wait3A_362 = tpu.memref_slice %arg2[%dma_wait3A_360, %dma_wait3A_361] : memref<20000x128xf32, #tpu.memory_space<hbm>> -> memref<20000x128xf32, #tpu.memory_space<hbm>>
        tpu.wait_indirect_dma semaphore(%arg12 : memref<!tpu.dma_semaphore, #tpu.memory_space<semaphore_mem>>) src(%dma_wait3A_362 : memref<20000x128xf32, #tpu.memory_space<hbm>>) dst(%dma_wait3A_356 : memref<120x128xf32, #tpu.memory_space<vmem>>)
        %dma_start3A_363 = arith.constant 1 : i32
        %dma_start3A_364 = arith.constant 4 : i32
        %dma_start3A_365 = arith.constant 0 : i32
        %dma_start3A_366 = arith.constant 0 : i32
        %dma_start3A_367 = tpu.memref_slice %arg10[%dma_start3A_363, %dma_start3A_365, %dma_start3A_366] : memref<3x120x128xf32, #tpu.memory_space<vmem>> -> memref<1x120x128xf32, #tpu.memory_space<vmem>>
        %dma_start3A_368 = tpu.memref_squeeze %dma_start3A_367 : memref<1x120x128xf32, #tpu.memory_space<vmem>> -> memref<120x128xf32, #tpu.memory_space<vmem>>
        %dma_start3A_369 = arith.constant 0 : i32
        %dma_start3A_370 = tpu.memref_slice %arg9[%dma_start3A_364, %dma_start3A_369] : memref<6x120xi32, #tpu.memory_space<vmem>> -> memref<1x120xi32, #tpu.memory_space<vmem>>
        %dma_start3A_371 = tpu.memref_squeeze %dma_start3A_370 : memref<1x120xi32, #tpu.memory_space<vmem>> -> memref<120xi32, #tpu.memory_space<vmem>>
        %dma_start3A_372 = arith.constant 0 : i32
        %dma_start3A_373 = arith.constant 0 : i32
        %dma_start3A_374 = tpu.memref_slice %arg7[%dma_start3A_372, %dma_start3A_373] : memref<10112x128xf32, #tpu.memory_space<vmem_shared>> -> memref<10112x128xf32, #tpu.memory_space<vmem_shared>>
        tpu.enqueue_indirect_dma source(%dma_start3A_368 : memref<120x128xf32, #tpu.memory_space<vmem>>) target(%dma_start3A_374 : memref<10112x128xf32, #tpu.memory_space<vmem_shared>>) offsets(%dma_start3A_371 : memref<120xi32, #tpu.memory_space<vmem>>) semaphore(%arg18 : memref<!tpu.dma_semaphore, #tpu.memory_space<semaphore_mem>>) {add = true}
      } else {
      }
      %add3A_321 = arith.constant 3 : i32
      %add3A_322 = arith.addi %add3A_306, %add3A_321 : i32
      %lt3A_323 = arith.constant 84 : i32
      %lt3A_324 = arith.cmpi slt, %add3A_322, %lt3A_323 : i32
      %convert_element_type3A_325 = arith.extui %lt3A_324 : i1 to i32
      %cond3A_326 = arith.constant 0 : i32
      %cond3A_327 = arith.cmpi ne, %convert_element_type3A_325, %cond3A_326 : i32
      scf.if %cond3A_327 {
        %add3A_351 = arith.constant 3 : i32
        %add3A_352 = arith.addi %add3A_306, %add3A_351 : i32
        %dma_start3A_353 = arith.constant 1 : i32
        %dma_start3A_354 = arith.constant 0 : i32
        %dma_start3A_355 = tpu.memref_slice %arg8[%dma_start3A_353, %dma_start3A_354] : memref<6x120xi32, #tpu.memory_space<vmem>> -> memref<1x120xi32, #tpu.memory_space<vmem>>
        %dma_start3A_356 = tpu.memref_squeeze %dma_start3A_355 : memref<1x120xi32, #tpu.memory_space<vmem>> -> memref<120xi32, #tpu.memory_space<vmem>>
        %dma_start3A_357 = arith.constant 0 : i32
        %dma_start3A_358 = tpu.memref_slice %arg3[%arg0, %arg1, %add3A_352, %dma_start3A_357] : memref<2x16x84x120xi32, #tpu.memory_space<hbm>> -> memref<1x1x1x120xi32, #tpu.memory_space<hbm>>
        %dma_start3A_359 = tpu.memref_squeeze %dma_start3A_358 : memref<1x1x1x120xi32, #tpu.memory_space<hbm>> -> memref<120xi32, #tpu.memory_space<hbm>>
        %dma_start3A_360 = arith.constant 0 : i32
        %dma_start3A_361 = tpu.memref_slice %arg8[%dma_start3A_353, %dma_start3A_360] : memref<6x120xi32, #tpu.memory_space<vmem>> -> memref<1x120xi32, #tpu.memory_space<vmem>>
        %dma_start3A_362 = tpu.memref_squeeze %dma_start3A_361 : memref<1x120xi32, #tpu.memory_space<vmem>> -> memref<120xi32, #tpu.memory_space<vmem>>
        %dma_start3A_363 = arith.constant 0 : i32
        %dma_start3A_364 = tpu.memref_slice %arg3[%arg0, %arg1, %add3A_352, %dma_start3A_363] : memref<2x16x84x120xi32, #tpu.memory_space<hbm>> -> memref<1x1x1x120xi32, #tpu.memory_space<hbm>>
        %dma_start3A_365 = tpu.memref_squeeze %dma_start3A_364 : memref<1x1x1x120xi32, #tpu.memory_space<hbm>> -> memref<120xi32, #tpu.memory_space<hbm>>
        tpu.enqueue_dma source(%dma_start3A_365 : memref<120xi32, #tpu.memory_space<hbm>>) target(%dma_start3A_362 : memref<120xi32, #tpu.memory_space<vmem>>) target_semaphore(%arg15 : memref<!tpu.dma_semaphore, #tpu.memory_space<semaphore_mem>>)
        %dma_start3A_366 = arith.constant 1 : i32
        %dma_start3A_367 = arith.constant 0 : i32
        %dma_start3A_368 = tpu.memref_slice %arg9[%dma_start3A_366, %dma_start3A_367] : memref<6x120xi32, #tpu.memory_space<vmem>> -> memref<1x120xi32, #tpu.memory_space<vmem>>
        %dma_start3A_369 = tpu.memref_squeeze %dma_start3A_368 : memref<1x120xi32, #tpu.memory_space<vmem>> -> memref<120xi32, #tpu.memory_space<vmem>>
        %dma_start3A_370 = arith.constant 0 : i32
        %dma_start3A_371 = tpu.memref_slice %arg4[%arg1, %add3A_352, %dma_start3A_370] : memref<16x84x120xi32, #tpu.memory_space<hbm>> -> memref<1x1x120xi32, #tpu.memory_space<hbm>>
        %dma_start3A_372 = tpu.memref_squeeze %dma_start3A_371 : memref<1x1x120xi32, #tpu.memory_space<hbm>> -> memref<120xi32, #tpu.memory_space<hbm>>
        %dma_start3A_373 = arith.constant 0 : i32
        %dma_start3A_374 = tpu.memref_slice %arg9[%dma_start3A_366, %dma_start3A_373] : memref<6x120xi32, #tpu.memory_space<vmem>> -> memref<1x120xi32, #tpu.memory_space<vmem>>
        %dma_start3A_375 = tpu.memref_squeeze %dma_start3A_374 : memref<1x120xi32, #tpu.memory_space<vmem>> -> memref<120xi32, #tpu.memory_space<vmem>>
        %dma_start3A_376 = arith.constant 0 : i32
        %dma_start3A_377 = tpu.memref_slice %arg4[%arg1, %add3A_352, %dma_start3A_376] : memref<16x84x120xi32, #tpu.memory_space<hbm>> -> memref<1x1x120xi32, #tpu.memory_space<hbm>>
        %dma_start3A_378 = tpu.memref_squeeze %dma_start3A_377 : memref<1x1x120xi32, #tpu.memory_space<hbm>> -> memref<120xi32, #tpu.memory_space<hbm>>
        tpu.enqueue_dma source(%dma_start3A_378 : memref<120xi32, #tpu.memory_space<hbm>>) target(%dma_start3A_375 : memref<120xi32, #tpu.memory_space<vmem>>) target_semaphore(%arg15 : memref<!tpu.dma_semaphore, #tpu.memory_space<semaphore_mem>>)
      } else {
      }
      %add3A_328 = arith.constant 5 : i32
      %add3A_329 = arith.addi %add3A_216, %add3A_328 : i32
      %add3A_330 = arith.constant 3 : i32
      %add3A_331 = arith.addi %add3A_329, %add3A_330 : i32
      %sub3A_332 = arith.constant 1 : i32
      %sub3A_333 = arith.subi %add3A_331, %sub3A_332 : i32
      %lt3A_334 = arith.constant 84 : i32
      %lt3A_335 = arith.cmpi slt, %sub3A_333, %lt3A_334 : i32
      %convert_element_type3A_336 = arith.extui %lt3A_335 : i1 to i32
      %cond3A_337 = arith.constant 0 : i32
      %cond3A_338 = arith.cmpi ne, %convert_element_type3A_336, %cond3A_337 : i32
      scf.if %cond3A_338 {
        %add3A_351 = arith.constant 3 : i32
        %add3A_352 = arith.addi %add3A_329, %add3A_351 : i32
        %sub3A_353 = arith.constant 1 : i32
        %sub3A_354 = arith.subi %add3A_352, %sub3A_353 : i32
        %dma_wait3A_355 = arith.constant 1 : i32
        %dma_wait3A_356 = arith.constant 0 : i32
        %dma_wait3A_357 = tpu.memref_slice %arg8[%dma_wait3A_355, %dma_wait3A_356] : memref<6x120xi32, #tpu.memory_space<vmem>> -> memref<1x120xi32, #tpu.memory_space<vmem>>
        %dma_wait3A_358 = tpu.memref_squeeze %dma_wait3A_357 : memref<1x120xi32, #tpu.memory_space<vmem>> -> memref<120xi32, #tpu.memory_space<vmem>>
        %dma_wait3A_359 = arith.constant 0 : i32
        %dma_wait3A_360 = tpu.memref_slice %arg3[%arg0, %arg1, %sub3A_354, %dma_wait3A_359] : memref<2x16x84x120xi32, #tpu.memory_space<hbm>> -> memref<1x1x1x120xi32, #tpu.memory_space<hbm>>
        %dma_wait3A_361 = tpu.memref_squeeze %dma_wait3A_360 : memref<1x1x1x120xi32, #tpu.memory_space<hbm>> -> memref<120xi32, #tpu.memory_space<hbm>>
        %dma_wait3A_362 = arith.constant 0 : i32
        %dma_wait3A_363 = tpu.memref_slice %arg8[%dma_wait3A_355, %dma_wait3A_362] : memref<6x120xi32, #tpu.memory_space<vmem>> -> memref<1x120xi32, #tpu.memory_space<vmem>>
        %dma_wait3A_364 = tpu.memref_squeeze %dma_wait3A_363 : memref<1x120xi32, #tpu.memory_space<vmem>> -> memref<120xi32, #tpu.memory_space<vmem>>
        %dma_wait3A_365 = arith.constant 0 : i32
        %dma_wait3A_366 = tpu.memref_slice %arg3[%arg0, %arg1, %sub3A_354, %dma_wait3A_365] : memref<2x16x84x120xi32, #tpu.memory_space<hbm>> -> memref<1x1x1x120xi32, #tpu.memory_space<hbm>>
        %dma_wait3A_367 = tpu.memref_squeeze %dma_wait3A_366 : memref<1x1x1x120xi32, #tpu.memory_space<hbm>> -> memref<120xi32, #tpu.memory_space<hbm>>
        tpu.wait_dma2 semaphore(%arg15 : memref<!tpu.dma_semaphore, #tpu.memory_space<semaphore_mem>>) src(%dma_wait3A_367 : memref<120xi32, #tpu.memory_space<hbm>>) dst(%dma_wait3A_364 : memref<120xi32, #tpu.memory_space<vmem>>)
        %dma_wait3A_368 = arith.constant 1 : i32
        %dma_wait3A_369 = arith.constant 0 : i32
        %dma_wait3A_370 = tpu.memref_slice %arg9[%dma_wait3A_368, %dma_wait3A_369] : memref<6x120xi32, #tpu.memory_space<vmem>> -> memref<1x120xi32, #tpu.memory_space<vmem>>
        %dma_wait3A_371 = tpu.memref_squeeze %dma_wait3A_370 : memref<1x120xi32, #tpu.memory_space<vmem>> -> memref<120xi32, #tpu.memory_space<vmem>>
        %dma_wait3A_372 = arith.constant 0 : i32
        %dma_wait3A_373 = tpu.memref_slice %arg4[%arg1, %sub3A_354, %dma_wait3A_372] : memref<16x84x120xi32, #tpu.memory_space<hbm>> -> memref<1x1x120xi32, #tpu.memory_space<hbm>>
        %dma_wait3A_374 = tpu.memref_squeeze %dma_wait3A_373 : memref<1x1x120xi32, #tpu.memory_space<hbm>> -> memref<120xi32, #tpu.memory_space<hbm>>
        %dma_wait3A_375 = arith.constant 0 : i32
        %dma_wait3A_376 = tpu.memref_slice %arg9[%dma_wait3A_368, %dma_wait3A_375] : memref<6x120xi32, #tpu.memory_space<vmem>> -> memref<1x120xi32, #tpu.memory_space<vmem>>
        %dma_wait3A_377 = tpu.memref_squeeze %dma_wait3A_376 : memref<1x120xi32, #tpu.memory_space<vmem>> -> memref<120xi32, #tpu.memory_space<vmem>>
        %dma_wait3A_378 = arith.constant 0 : i32
        %dma_wait3A_379 = tpu.memref_slice %arg4[%arg1, %sub3A_354, %dma_wait3A_378] : memref<16x84x120xi32, #tpu.memory_space<hbm>> -> memref<1x1x120xi32, #tpu.memory_space<hbm>>
        %dma_wait3A_380 = tpu.memref_squeeze %dma_wait3A_379 : memref<1x1x120xi32, #tpu.memory_space<hbm>> -> memref<120xi32, #tpu.memory_space<hbm>>
        tpu.wait_dma2 semaphore(%arg15 : memref<!tpu.dma_semaphore, #tpu.memory_space<semaphore_mem>>) src(%dma_wait3A_380 : memref<120xi32, #tpu.memory_space<hbm>>) dst(%dma_wait3A_377 : memref<120xi32, #tpu.memory_space<vmem>>)
        %ge3A = arith.constant 1 : i32
        %ge3A_381 = arith.cmpi sge, %add3A_329, %ge3A : i32
        %convert_element_type3A_382 = arith.extui %ge3A_381 : i1 to i32
        %cond3A_383 = arith.constant 0 : i32
        %cond3A_384 = arith.cmpi ne, %convert_element_type3A_382, %cond3A_383 : i32
        scf.if %cond3A_384 {
          %dma_wait3A_397 = arith.constant 1 : i32
          %dma_wait3A_398 = arith.constant 4 : i32
          %dma_wait3A_399 = arith.constant 0 : i32
          %dma_wait3A_400 = arith.constant 0 : i32
          %dma_wait3A_401 = tpu.memref_slice %arg10[%dma_wait3A_397, %dma_wait3A_399, %dma_wait3A_400] : memref<3x120x128xf32, #tpu.memory_space<vmem>> -> memref<1x120x128xf32, #tpu.memory_space<vmem>>
          %dma_wait3A_402 = tpu.memref_squeeze %dma_wait3A_401 : memref<1x120x128xf32, #tpu.memory_space<vmem>> -> memref<120x128xf32, #tpu.memory_space<vmem>>
          %dma_wait3A_403 = arith.constant 0 : i32
          %dma_wait3A_404 = tpu.memref_slice %arg9[%dma_wait3A_398, %dma_wait3A_403] : memref<6x120xi32, #tpu.memory_space<vmem>> -> memref<1x120xi32, #tpu.memory_space<vmem>>
          %dma_wait3A_405 = tpu.memref_squeeze %dma_wait3A_404 : memref<1x120xi32, #tpu.memory_space<vmem>> -> memref<120xi32, #tpu.memory_space<vmem>>
          %dma_wait3A_406 = arith.constant 0 : i32
          %dma_wait3A_407 = arith.constant 0 : i32
          %dma_wait3A_408 = tpu.memref_slice %arg7[%dma_wait3A_406, %dma_wait3A_407] : memref<10112x128xf32, #tpu.memory_space<vmem_shared>> -> memref<10112x128xf32, #tpu.memory_space<vmem_shared>>
          tpu.wait_indirect_dma semaphore(%arg18 : memref<!tpu.dma_semaphore, #tpu.memory_space<semaphore_mem>>) src(%dma_wait3A_402 : memref<120x128xf32, #tpu.memory_space<vmem>>) dst(%dma_wait3A_408 : memref<10112x128xf32, #tpu.memory_space<vmem_shared>>)
        } else {
        }
        %dma_start3A_385 = arith.constant 1 : i32
        %dma_start3A_386 = arith.constant 1 : i32
        %dma_start3A_387 = arith.constant 0 : i32
        %dma_start3A_388 = arith.constant 0 : i32
        %dma_start3A_389 = tpu.memref_slice %arg10[%dma_start3A_386, %dma_start3A_387, %dma_start3A_388] : memref<3x120x128xf32, #tpu.memory_space<vmem>> -> memref<1x120x128xf32, #tpu.memory_space<vmem>>
        %dma_start3A_390 = tpu.memref_squeeze %dma_start3A_389 : memref<1x120x128xf32, #tpu.memory_space<vmem>> -> memref<120x128xf32, #tpu.memory_space<vmem>>
        %dma_start3A_391 = arith.constant 0 : i32
        %dma_start3A_392 = tpu.memref_slice %arg8[%dma_start3A_385, %dma_start3A_391] : memref<6x120xi32, #tpu.memory_space<vmem>> -> memref<1x120xi32, #tpu.memory_space<vmem>>
        %dma_start3A_393 = tpu.memref_squeeze %dma_start3A_392 : memref<1x120xi32, #tpu.memory_space<vmem>> -> memref<120xi32, #tpu.memory_space<vmem>>
        %dma_start3A_394 = arith.constant 0 : i32
        %dma_start3A_395 = arith.constant 0 : i32
        %dma_start3A_396 = tpu.memref_slice %arg2[%dma_start3A_394, %dma_start3A_395] : memref<20000x128xf32, #tpu.memory_space<hbm>> -> memref<20000x128xf32, #tpu.memory_space<hbm>>
        tpu.enqueue_indirect_dma source(%dma_start3A_396 : memref<20000x128xf32, #tpu.memory_space<hbm>>) target(%dma_start3A_390 : memref<120x128xf32, #tpu.memory_space<vmem>>) offsets(%dma_start3A_393 : memref<120xi32, #tpu.memory_space<vmem>>) semaphore(%arg12 : memref<!tpu.dma_semaphore, #tpu.memory_space<semaphore_mem>>)
      } else {
      }
      %lt3A_339 = arith.constant 84 : i32
      %lt3A_340 = arith.cmpi slt, %add3A_329, %lt3A_339 : i32
      %convert_element_type3A_341 = arith.extui %lt3A_340 : i1 to i32
      %cond3A_342 = arith.constant 0 : i32
      %cond3A_343 = arith.cmpi ne, %convert_element_type3A_341, %cond3A_342 : i32
      scf.if %cond3A_343 {
        %dma_wait3A_351 = arith.constant 5 : i32
        %dma_wait3A_352 = arith.constant 2 : i32
        %dma_wait3A_353 = arith.constant 0 : i32
        %dma_wait3A_354 = arith.constant 0 : i32
        %dma_wait3A_355 = tpu.memref_slice %arg10[%dma_wait3A_352, %dma_wait3A_353, %dma_wait3A_354] : memref<3x120x128xf32, #tpu.memory_space<vmem>> -> memref<1x120x128xf32, #tpu.memory_space<vmem>>
        %dma_wait3A_356 = tpu.memref_squeeze %dma_wait3A_355 : memref<1x120x128xf32, #tpu.memory_space<vmem>> -> memref<120x128xf32, #tpu.memory_space<vmem>>
        %dma_wait3A_357 = arith.constant 0 : i32
        %dma_wait3A_358 = tpu.memref_slice %arg8[%dma_wait3A_351, %dma_wait3A_357] : memref<6x120xi32, #tpu.memory_space<vmem>> -> memref<1x120xi32, #tpu.memory_space<vmem>>
        %dma_wait3A_359 = tpu.memref_squeeze %dma_wait3A_358 : memref<1x120xi32, #tpu.memory_space<vmem>> -> memref<120xi32, #tpu.memory_space<vmem>>
        %dma_wait3A_360 = arith.constant 0 : i32
        %dma_wait3A_361 = arith.constant 0 : i32
        %dma_wait3A_362 = tpu.memref_slice %arg2[%dma_wait3A_360, %dma_wait3A_361] : memref<20000x128xf32, #tpu.memory_space<hbm>> -> memref<20000x128xf32, #tpu.memory_space<hbm>>
        tpu.wait_indirect_dma semaphore(%arg13 : memref<!tpu.dma_semaphore, #tpu.memory_space<semaphore_mem>>) src(%dma_wait3A_362 : memref<20000x128xf32, #tpu.memory_space<hbm>>) dst(%dma_wait3A_356 : memref<120x128xf32, #tpu.memory_space<vmem>>)
        %dma_start3A_363 = arith.constant 2 : i32
        %dma_start3A_364 = arith.constant 5 : i32
        %dma_start3A_365 = arith.constant 0 : i32
        %dma_start3A_366 = arith.constant 0 : i32
        %dma_start3A_367 = tpu.memref_slice %arg10[%dma_start3A_363, %dma_start3A_365, %dma_start3A_366] : memref<3x120x128xf32, #tpu.memory_space<vmem>> -> memref<1x120x128xf32, #tpu.memory_space<vmem>>
        %dma_start3A_368 = tpu.memref_squeeze %dma_start3A_367 : memref<1x120x128xf32, #tpu.memory_space<vmem>> -> memref<120x128xf32, #tpu.memory_space<vmem>>
        %dma_start3A_369 = arith.constant 0 : i32
        %dma_start3A_370 = tpu.memref_slice %arg9[%dma_start3A_364, %dma_start3A_369] : memref<6x120xi32, #tpu.memory_space<vmem>> -> memref<1x120xi32, #tpu.memory_space<vmem>>
        %dma_start3A_371 = tpu.memref_squeeze %dma_start3A_370 : memref<1x120xi32, #tpu.memory_space<vmem>> -> memref<120xi32, #tpu.memory_space<vmem>>
        %dma_start3A_372 = arith.constant 0 : i32
        %dma_start3A_373 = arith.constant 0 : i32
        %dma_start3A_374 = tpu.memref_slice %arg7[%dma_start3A_372, %dma_start3A_373] : memref<10112x128xf32, #tpu.memory_space<vmem_shared>> -> memref<10112x128xf32, #tpu.memory_space<vmem_shared>>
        tpu.enqueue_indirect_dma source(%dma_start3A_368 : memref<120x128xf32, #tpu.memory_space<vmem>>) target(%dma_start3A_374 : memref<10112x128xf32, #tpu.memory_space<vmem_shared>>) offsets(%dma_start3A_371 : memref<120xi32, #tpu.memory_space<vmem>>) semaphore(%arg19 : memref<!tpu.dma_semaphore, #tpu.memory_space<semaphore_mem>>) {add = true}
      } else {
      }
      %add3A_344 = arith.constant 3 : i32
      %add3A_345 = arith.addi %add3A_329, %add3A_344 : i32
      %lt3A_346 = arith.constant 84 : i32
      %lt3A_347 = arith.cmpi slt, %add3A_345, %lt3A_346 : i32
      %convert_element_type3A_348 = arith.extui %lt3A_347 : i1 to i32
      %cond3A_349 = arith.constant 0 : i32
      %cond3A_350 = arith.cmpi ne, %convert_element_type3A_348, %cond3A_349 : i32
      scf.if %cond3A_350 {
        %add3A_351 = arith.constant 3 : i32
        %add3A_352 = arith.addi %add3A_329, %add3A_351 : i32
        %dma_start3A_353 = arith.constant 2 : i32
        %dma_start3A_354 = arith.constant 0 : i32
        %dma_start3A_355 = tpu.memref_slice %arg8[%dma_start3A_353, %dma_start3A_354] : memref<6x120xi32, #tpu.memory_space<vmem>> -> memref<1x120xi32, #tpu.memory_space<vmem>>
        %dma_start3A_356 = tpu.memref_squeeze %dma_start3A_355 : memref<1x120xi32, #tpu.memory_space<vmem>> -> memref<120xi32, #tpu.memory_space<vmem>>
        %dma_start3A_357 = arith.constant 0 : i32
        %dma_start3A_358 = tpu.memref_slice %arg3[%arg0, %arg1, %add3A_352, %dma_start3A_357] : memref<2x16x84x120xi32, #tpu.memory_space<hbm>> -> memref<1x1x1x120xi32, #tpu.memory_space<hbm>>
        %dma_start3A_359 = tpu.memref_squeeze %dma_start3A_358 : memref<1x1x1x120xi32, #tpu.memory_space<hbm>> -> memref<120xi32, #tpu.memory_space<hbm>>
        %dma_start3A_360 = arith.constant 0 : i32
        %dma_start3A_361 = tpu.memref_slice %arg8[%dma_start3A_353, %dma_start3A_360] : memref<6x120xi32, #tpu.memory_space<vmem>> -> memref<1x120xi32, #tpu.memory_space<vmem>>
        %dma_start3A_362 = tpu.memref_squeeze %dma_start3A_361 : memref<1x120xi32, #tpu.memory_space<vmem>> -> memref<120xi32, #tpu.memory_space<vmem>>
        %dma_start3A_363 = arith.constant 0 : i32
        %dma_start3A_364 = tpu.memref_slice %arg3[%arg0, %arg1, %add3A_352, %dma_start3A_363] : memref<2x16x84x120xi32, #tpu.memory_space<hbm>> -> memref<1x1x1x120xi32, #tpu.memory_space<hbm>>
        %dma_start3A_365 = tpu.memref_squeeze %dma_start3A_364 : memref<1x1x1x120xi32, #tpu.memory_space<hbm>> -> memref<120xi32, #tpu.memory_space<hbm>>
        tpu.enqueue_dma source(%dma_start3A_365 : memref<120xi32, #tpu.memory_space<hbm>>) target(%dma_start3A_362 : memref<120xi32, #tpu.memory_space<vmem>>) target_semaphore(%arg16 : memref<!tpu.dma_semaphore, #tpu.memory_space<semaphore_mem>>)
        %dma_start3A_366 = arith.constant 2 : i32
        %dma_start3A_367 = arith.constant 0 : i32
        %dma_start3A_368 = tpu.memref_slice %arg9[%dma_start3A_366, %dma_start3A_367] : memref<6x120xi32, #tpu.memory_space<vmem>> -> memref<1x120xi32, #tpu.memory_space<vmem>>
        %dma_start3A_369 = tpu.memref_squeeze %dma_start3A_368 : memref<1x120xi32, #tpu.memory_space<vmem>> -> memref<120xi32, #tpu.memory_space<vmem>>
        %dma_start3A_370 = arith.constant 0 : i32
        %dma_start3A_371 = tpu.memref_slice %arg4[%arg1, %add3A_352, %dma_start3A_370] : memref<16x84x120xi32, #tpu.memory_space<hbm>> -> memref<1x1x120xi32, #tpu.memory_space<hbm>>
        %dma_start3A_372 = tpu.memref_squeeze %dma_start3A_371 : memref<1x1x120xi32, #tpu.memory_space<hbm>> -> memref<120xi32, #tpu.memory_space<hbm>>
        %dma_start3A_373 = arith.constant 0 : i32
        %dma_start3A_374 = tpu.memref_slice %arg9[%dma_start3A_366, %dma_start3A_373] : memref<6x120xi32, #tpu.memory_space<vmem>> -> memref<1x120xi32, #tpu.memory_space<vmem>>
        %dma_start3A_375 = tpu.memref_squeeze %dma_start3A_374 : memref<1x120xi32, #tpu.memory_space<vmem>> -> memref<120xi32, #tpu.memory_space<vmem>>
        %dma_start3A_376 = arith.constant 0 : i32
        %dma_start3A_377 = tpu.memref_slice %arg4[%arg1, %add3A_352, %dma_start3A_376] : memref<16x84x120xi32, #tpu.memory_space<hbm>> -> memref<1x1x120xi32, #tpu.memory_space<hbm>>
        %dma_start3A_378 = tpu.memref_squeeze %dma_start3A_377 : memref<1x1x120xi32, #tpu.memory_space<hbm>> -> memref<120xi32, #tpu.memory_space<hbm>>
        tpu.enqueue_dma source(%dma_start3A_378 : memref<120xi32, #tpu.memory_space<hbm>>) target(%dma_start3A_375 : memref<120xi32, #tpu.memory_space<vmem>>) target_semaphore(%arg16 : memref<!tpu.dma_semaphore, #tpu.memory_space<semaphore_mem>>)
      } else {
      }
    }
    %scan3A_168 = arith.constant 14 : i32
    %dma_wait3A_169 = arith.constant 0 : i32
    %dma_wait3A_170 = arith.constant 3 : i32
    %dma_wait3A_171 = arith.constant 0 : i32
    %dma_wait3A_172 = arith.constant 0 : i32
    %dma_wait3A_173 = tpu.memref_slice %arg10[%dma_wait3A_169, %dma_wait3A_171, %dma_wait3A_172] : memref<3x120x128xf32, #tpu.memory_space<vmem>> -> memref<1x120x128xf32, #tpu.memory_space<vmem>>
    %dma_wait3A_174 = tpu.memref_squeeze %dma_wait3A_173 : memref<1x120x128xf32, #tpu.memory_space<vmem>> -> memref<120x128xf32, #tpu.memory_space<vmem>>
    %dma_wait3A_175 = arith.constant 0 : i32
    %dma_wait3A_176 = tpu.memref_slice %arg9[%dma_wait3A_170, %dma_wait3A_175] : memref<6x120xi32, #tpu.memory_space<vmem>> -> memref<1x120xi32, #tpu.memory_space<vmem>>
    %dma_wait3A_177 = tpu.memref_squeeze %dma_wait3A_176 : memref<1x120xi32, #tpu.memory_space<vmem>> -> memref<120xi32, #tpu.memory_space<vmem>>
    %dma_wait3A_178 = arith.constant 0 : i32
    %dma_wait3A_179 = arith.constant 0 : i32
    %dma_wait3A_180 = tpu.memref_slice %arg7[%dma_wait3A_178, %dma_wait3A_179] : memref<10112x128xf32, #tpu.memory_space<vmem_shared>> -> memref<10112x128xf32, #tpu.memory_space<vmem_shared>>
    tpu.wait_indirect_dma semaphore(%arg17 : memref<!tpu.dma_semaphore, #tpu.memory_space<semaphore_mem>>) src(%dma_wait3A_174 : memref<120x128xf32, #tpu.memory_space<vmem>>) dst(%dma_wait3A_180 : memref<10112x128xf32, #tpu.memory_space<vmem_shared>>)
    %dma_wait3A_181 = arith.constant 1 : i32
    %dma_wait3A_182 = arith.constant 4 : i32
    %dma_wait3A_183 = arith.constant 0 : i32
    %dma_wait3A_184 = arith.constant 0 : i32
    %dma_wait3A_185 = tpu.memref_slice %arg10[%dma_wait3A_181, %dma_wait3A_183, %dma_wait3A_184] : memref<3x120x128xf32, #tpu.memory_space<vmem>> -> memref<1x120x128xf32, #tpu.memory_space<vmem>>
    %dma_wait3A_186 = tpu.memref_squeeze %dma_wait3A_185 : memref<1x120x128xf32, #tpu.memory_space<vmem>> -> memref<120x128xf32, #tpu.memory_space<vmem>>
    %dma_wait3A_187 = arith.constant 0 : i32
    %dma_wait3A_188 = tpu.memref_slice %arg9[%dma_wait3A_182, %dma_wait3A_187] : memref<6x120xi32, #tpu.memory_space<vmem>> -> memref<1x120xi32, #tpu.memory_space<vmem>>
    %dma_wait3A_189 = tpu.memref_squeeze %dma_wait3A_188 : memref<1x120xi32, #tpu.memory_space<vmem>> -> memref<120xi32, #tpu.memory_space<vmem>>
    %dma_wait3A_190 = arith.constant 0 : i32
    %dma_wait3A_191 = arith.constant 0 : i32
    %dma_wait3A_192 = tpu.memref_slice %arg7[%dma_wait3A_190, %dma_wait3A_191] : memref<10112x128xf32, #tpu.memory_space<vmem_shared>> -> memref<10112x128xf32, #tpu.memory_space<vmem_shared>>
    tpu.wait_indirect_dma semaphore(%arg18 : memref<!tpu.dma_semaphore, #tpu.memory_space<semaphore_mem>>) src(%dma_wait3A_186 : memref<120x128xf32, #tpu.memory_space<vmem>>) dst(%dma_wait3A_192 : memref<10112x128xf32, #tpu.memory_space<vmem_shared>>)
    %dma_wait3A_193 = arith.constant 2 : i32
    %dma_wait3A_194 = arith.constant 5 : i32
    %dma_wait3A_195 = arith.constant 0 : i32
    %dma_wait3A_196 = arith.constant 0 : i32
    %dma_wait3A_197 = tpu.memref_slice %arg10[%dma_wait3A_193, %dma_wait3A_195, %dma_wait3A_196] : memref<3x120x128xf32, #tpu.memory_space<vmem>> -> memref<1x120x128xf32, #tpu.memory_space<vmem>>
    %dma_wait3A_198 = tpu.memref_squeeze %dma_wait3A_197 : memref<1x120x128xf32, #tpu.memory_space<vmem>> -> memref<120x128xf32, #tpu.memory_space<vmem>>
    %dma_wait3A_199 = arith.constant 0 : i32
    %dma_wait3A_200 = tpu.memref_slice %arg9[%dma_wait3A_194, %dma_wait3A_199] : memref<6x120xi32, #tpu.memory_space<vmem>> -> memref<1x120xi32, #tpu.memory_space<vmem>>
    %dma_wait3A_201 = tpu.memref_squeeze %dma_wait3A_200 : memref<1x120xi32, #tpu.memory_space<vmem>> -> memref<120xi32, #tpu.memory_space<vmem>>
    %dma_wait3A_202 = arith.constant 0 : i32
    %dma_wait3A_203 = arith.constant 0 : i32
    %dma_wait3A_204 = tpu.memref_slice %arg7[%dma_wait3A_202, %dma_wait3A_203] : memref<10112x128xf32, #tpu.memory_space<vmem_shared>> -> memref<10112x128xf32, #tpu.memory_space<vmem_shared>>
    tpu.wait_indirect_dma semaphore(%arg19 : memref<!tpu.dma_semaphore, #tpu.memory_space<semaphore_mem>>) src(%dma_wait3A_198 : memref<120x128xf32, #tpu.memory_space<vmem>>) dst(%dma_wait3A_204 : memref<10112x128xf32, #tpu.memory_space<vmem_shared>>)
    %barrier3A_205 = arith.constant 0 : index
    tpu.barrier barrier_id(%barrier3A_205)
    %mul3A_206 = arith.constant 632 : i32
    %mul3A_207 = arith.muli %arg1, %mul3A_206 : i32
    %mul3A_208 = arith.constant 10112 : i32
    %mul3A_209 = arith.muli %arg0, %mul3A_208 : i32
    %mul3A_210 = arith.constant 632 : i32
    %mul3A_211 = arith.muli %arg1, %mul3A_210 : i32
    %add3A = arith.addi %mul3A_209, %mul3A_211 : i32
    "tpu.region"() ({
      %run_scoped3A = tpu.sem_alloc : memref<!tpu.dma_semaphore, #tpu.memory_space<semaphore_mem>>
      %dma_start3A_212 = arith.constant 0 : i32
      %dma_start3A_213 = tpu.memref_slice %arg6[%add3A, %dma_start3A_212] : memref<20224x128xf32, #tpu.memory_space<hbm>> -> memref<632x128xf32, #tpu.memory_space<hbm>>
      %dma_start3A_214 = arith.constant 0 : i32
      %dma_start3A_215 = tpu.memref_slice %arg7[%mul3A_207, %dma_start3A_214] : memref<10112x128xf32, #tpu.memory_space<vmem_shared>> -> memref<632x128xf32, #tpu.memory_space<vmem_shared>>
      tpu.enqueue_dma source(%dma_start3A_215 : memref<632x128xf32, #tpu.memory_space<vmem_shared>>) target(%dma_start3A_213 : memref<632x128xf32, #tpu.memory_space<hbm>>) target_semaphore(%run_scoped3A : memref<!tpu.dma_semaphore, #tpu.memory_space<semaphore_mem>>)
      %dma_wait3A_216 = arith.constant 0 : i32
      %dma_wait3A_217 = tpu.memref_slice %arg6[%add3A, %dma_wait3A_216] : memref<20224x128xf32, #tpu.memory_space<hbm>> -> memref<632x128xf32, #tpu.memory_space<hbm>>
      %dma_wait3A_218 = arith.constant 0 : i32
      %dma_wait3A_219 = tpu.memref_slice %arg7[%mul3A_207, %dma_wait3A_218] : memref<10112x128xf32, #tpu.memory_space<vmem_shared>> -> memref<632x128xf32, #tpu.memory_space<vmem_shared>>
      tpu.wait_dma2 semaphore(%run_scoped3A : memref<!tpu.dma_semaphore, #tpu.memory_space<semaphore_mem>>) src(%dma_wait3A_219 : memref<632x128xf32, #tpu.memory_space<vmem_shared>>) dst(%dma_wait3A_217 : memref<632x128xf32, #tpu.memory_space<hbm>>)
      tpu.yield
    }) : () -> ()
    return
  }
}

#map = affine_map<(d0, d1) -> (0, 0)>
#map1 = affine_map<(d0, d1) -> (0, 0, 0, 0)>
#map2 = affine_map<(d0, d1) -> (0, 0, 0)>
module attributes {stable_mosaic.version = 14 : i64} {
  func.func @_sc_agg_body(%arg0: i32, %arg1: i32, %arg2: memref<20000x128xf32, #tpu.memory_space<hbm>>, %arg3: memref<2x16x84x120xi32, #tpu.memory_space<hbm>>, %arg4: memref<16x84x120xi32, #tpu.memory_space<hbm>>, %arg5: memref<10112x128xf32, #tpu.memory_space<hbm>>, %arg6: memref<20224x128xf32, #tpu.memory_space<hbm>>, %arg7: memref<10112x128xf32, #tpu.memory_space<vmem_shared>>, %arg8: memref<6x120xi32, #tpu.memory_space<vmem>>, %arg9: memref<6x120xi32, #tpu.memory_space<vmem>>, %arg10: memref<3x120x128xf32, #tpu.memory_space<vmem>>, %arg11: memref<!tpu.dma_semaphore, #tpu.memory_space<semaphore_mem>>, %arg12: memref<!tpu.dma_semaphore, #tpu.memory_space<semaphore_mem>>, %arg13: memref<!tpu.dma_semaphore, #tpu.memory_space<semaphore_mem>>, %arg14: memref<!tpu.dma_semaphore, #tpu.memory_space<semaphore_mem>>, %arg15: memref<!tpu.dma_semaphore, #tpu.memory_space<semaphore_mem>>, %arg16: memref<!tpu.dma_semaphore, #tpu.memory_space<semaphore_mem>>, %arg17: memref<!tpu.dma_semaphore, #tpu.memory_space<semaphore_mem>>, %arg18: memref<!tpu.dma_semaphore, #tpu.memory_space<semaphore_mem>>, %arg19: memref<!tpu.dma_semaphore, #tpu.memory_space<semaphore_mem>>) attributes {dimension_semantics = [#tpu.dimension_semantics<core_parallel>, #tpu.dimension_semantics<subcore_parallel>], iteration_bounds = array<i64: 2, 16>, scalar_prefetch = 0 : i64, scratch_operands = 13 : i64, tpu.core_type = #tpu.core_type<sc_vector_subcore>, window_params = [{transform_indices = #map}, {transform_indices = #map1}, {transform_indices = #map2}, {transform_indices = #map}, {transform_indices = #map}]} {
    %mul3A = arith.constant 632 : i32
    %mul3A_0 = arith.muli %arg1, %mul3A : i32
    %mul3A_1 = arith.constant 632 : i32
    %mul3A_2 = arith.muli %arg1, %mul3A_1 : i32
    "tpu.region"() ({
      %run_scoped3A = tpu.sem_alloc : memref<!tpu.dma_semaphore, #tpu.memory_space<semaphore_mem>>
      %dma_start3A_212 = arith.constant 0 : i32
      %dma_start3A_213 = tpu.memref_slice %arg7[%mul3A_2, %dma_start3A_212] : memref<10112x128xf32, #tpu.memory_space<vmem_shared>> -> memref<632x128xf32, #tpu.memory_space<vmem_shared>>
      %dma_start3A_214 = arith.constant 0 : i32
      %dma_start3A_215 = tpu.memref_slice %arg5[%mul3A_0, %dma_start3A_214] : memref<10112x128xf32, #tpu.memory_space<hbm>> -> memref<632x128xf32, #tpu.memory_space<hbm>>
      tpu.enqueue_dma source(%dma_start3A_215 : memref<632x128xf32, #tpu.memory_space<hbm>>) target(%dma_start3A_213 : memref<632x128xf32, #tpu.memory_space<vmem_shared>>) target_semaphore(%run_scoped3A : memref<!tpu.dma_semaphore, #tpu.memory_space<semaphore_mem>>)
      %dma_wait3A_216 = arith.constant 0 : i32
      %dma_wait3A_217 = tpu.memref_slice %arg7[%mul3A_2, %dma_wait3A_216] : memref<10112x128xf32, #tpu.memory_space<vmem_shared>> -> memref<632x128xf32, #tpu.memory_space<vmem_shared>>
      %dma_wait3A_218 = arith.constant 0 : i32
      %dma_wait3A_219 = tpu.memref_slice %arg5[%mul3A_0, %dma_wait3A_218] : memref<10112x128xf32, #tpu.memory_space<hbm>> -> memref<632x128xf32, #tpu.memory_space<hbm>>
      tpu.wait_dma2 semaphore(%run_scoped3A : memref<!tpu.dma_semaphore, #tpu.memory_space<semaphore_mem>>) src(%dma_wait3A_219 : memref<632x128xf32, #tpu.memory_space<hbm>>) dst(%dma_wait3A_217 : memref<632x128xf32, #tpu.memory_space<vmem_shared>>)
      tpu.yield
    }) : () -> ()
    %barrier3A = arith.constant 0 : index
    tpu.barrier barrier_id(%barrier3A)
    %dma_start3A = arith.constant 0 : i32
    %dma_start3A_3 = arith.constant 0 : i32
    %dma_start3A_4 = arith.constant 0 : i32
    %dma_start3A_5 = tpu.memref_slice %arg8[%dma_start3A_3, %dma_start3A_4] : memref<6x120xi32, #tpu.memory_space<vmem>> -> memref<1x120xi32, #tpu.memory_space<vmem>>
    %dma_start3A_6 = tpu.memref_squeeze %dma_start3A_5 : memref<1x120xi32, #tpu.memory_space<vmem>> -> memref<120xi32, #tpu.memory_space<vmem>>
    %dma_start3A_7 = arith.constant 0 : i32
    %dma_start3A_8 = tpu.memref_slice %arg3[%arg0, %arg1, %dma_start3A, %dma_start3A_7] : memref<2x16x84x120xi32, #tpu.memory_space<hbm>> -> memref<1x1x1x120xi32, #tpu.memory_space<hbm>>
    %dma_start3A_9 = tpu.memref_squeeze %dma_start3A_8 : memref<1x1x1x120xi32, #tpu.memory_space<hbm>> -> memref<120xi32, #tpu.memory_space<hbm>>
    %dma_start3A_10 = arith.constant 0 : i32
    %dma_start3A_11 = tpu.memref_slice %arg8[%dma_start3A_3, %dma_start3A_10] : memref<6x120xi32, #tpu.memory_space<vmem>> -> memref<1x120xi32, #tpu.memory_space<vmem>>
    %dma_start3A_12 = tpu.memref_squeeze %dma_start3A_11 : memref<1x120xi32, #tpu.memory_space<vmem>> -> memref<120xi32, #tpu.memory_space<vmem>>
    %dma_start3A_13 = arith.constant 0 : i32
    %dma_start3A_14 = tpu.memref_slice %arg3[%arg0, %arg1, %dma_start3A, %dma_start3A_13] : memref<2x16x84x120xi32, #tpu.memory_space<hbm>> -> memref<1x1x1x120xi32, #tpu.memory_space<hbm>>
    %dma_start3A_15 = tpu.memref_squeeze %dma_start3A_14 : memref<1x1x1x120xi32, #tpu.memory_space<hbm>> -> memref<120xi32, #tpu.memory_space<hbm>>
    tpu.enqueue_dma source(%dma_start3A_15 : memref<120xi32, #tpu.memory_space<hbm>>) target(%dma_start3A_12 : memref<120xi32, #tpu.memory_space<vmem>>) target_semaphore(%arg14 : memref<!tpu.dma_semaphore, #tpu.memory_space<semaphore_mem>>)
    %dma_start3A_16 = arith.constant 0 : i32
    %dma_start3A_17 = arith.constant 0 : i32
    %dma_start3A_18 = arith.constant 0 : i32
    %dma_start3A_19 = tpu.memref_slice %arg9[%dma_start3A_17, %dma_start3A_18] : memref<6x120xi32, #tpu.memory_space<vmem>> -> memref<1x120xi32, #tpu.memory_space<vmem>>
    %dma_start3A_20 = tpu.memref_squeeze %dma_start3A_19 : memref<1x120xi32, #tpu.memory_space<vmem>> -> memref<120xi32, #tpu.memory_space<vmem>>
    %dma_start3A_21 = arith.constant 0 : i32
    %dma_start3A_22 = tpu.memref_slice %arg4[%arg1, %dma_start3A_16, %dma_start3A_21] : memref<16x84x120xi32, #tpu.memory_space<hbm>> -> memref<1x1x120xi32, #tpu.memory_space<hbm>>
    %dma_start3A_23 = tpu.memref_squeeze %dma_start3A_22 : memref<1x1x120xi32, #tpu.memory_space<hbm>> -> memref<120xi32, #tpu.memory_space<hbm>>
    %dma_start3A_24 = arith.constant 0 : i32
    %dma_start3A_25 = tpu.memref_slice %arg9[%dma_start3A_17, %dma_start3A_24] : memref<6x120xi32, #tpu.memory_space<vmem>> -> memref<1x120xi32, #tpu.memory_space<vmem>>
    %dma_start3A_26 = tpu.memref_squeeze %dma_start3A_25 : memref<1x120xi32, #tpu.memory_space<vmem>> -> memref<120xi32, #tpu.memory_space<vmem>>
    %dma_start3A_27 = arith.constant 0 : i32
    %dma_start3A_28 = tpu.memref_slice %arg4[%arg1, %dma_start3A_16, %dma_start3A_27] : memref<16x84x120xi32, #tpu.memory_space<hbm>> -> memref<1x1x120xi32, #tpu.memory_space<hbm>>
    %dma_start3A_29 = tpu.memref_squeeze %dma_start3A_28 : memref<1x1x120xi32, #tpu.memory_space<hbm>> -> memref<120xi32, #tpu.memory_space<hbm>>
    tpu.enqueue_dma source(%dma_start3A_29 : memref<120xi32, #tpu.memory_space<hbm>>) target(%dma_start3A_26 : memref<120xi32, #tpu.memory_space<vmem>>) target_semaphore(%arg14 : memref<!tpu.dma_semaphore, #tpu.memory_space<semaphore_mem>>)
    %dma_start3A_30 = arith.constant 1 : i32
    %dma_start3A_31 = arith.constant 1 : i32
    %dma_start3A_32 = arith.constant 0 : i32
    %dma_start3A_33 = tpu.memref_slice %arg8[%dma_start3A_31, %dma_start3A_32] : memref<6x120xi32, #tpu.memory_space<vmem>> -> memref<1x120xi32, #tpu.memory_space<vmem>>
    %dma_start3A_34 = tpu.memref_squeeze %dma_start3A_33 : memref<1x120xi32, #tpu.memory_space<vmem>> -> memref<120xi32, #tpu.memory_space<vmem>>
    %dma_start3A_35 = arith.constant 0 : i32
    %dma_start3A_36 = tpu.memref_slice %arg3[%arg0, %arg1, %dma_start3A_30, %dma_start3A_35] : memref<2x16x84x120xi32, #tpu.memory_space<hbm>> -> memref<1x1x1x120xi32, #tpu.memory_space<hbm>>
    %dma_start3A_37 = tpu.memref_squeeze %dma_start3A_36 : memref<1x1x1x120xi32, #tpu.memory_space<hbm>> -> memref<120xi32, #tpu.memory_space<hbm>>
    %dma_start3A_38 = arith.constant 0 : i32
    %dma_start3A_39 = tpu.memref_slice %arg8[%dma_start3A_31, %dma_start3A_38] : memref<6x120xi32, #tpu.memory_space<vmem>> -> memref<1x120xi32, #tpu.memory_space<vmem>>
    %dma_start3A_40 = tpu.memref_squeeze %dma_start3A_39 : memref<1x120xi32, #tpu.memory_space<vmem>> -> memref<120xi32, #tpu.memory_space<vmem>>
    %dma_start3A_41 = arith.constant 0 : i32
    %dma_start3A_42 = tpu.memref_slice %arg3[%arg0, %arg1, %dma_start3A_30, %dma_start3A_41] : memref<2x16x84x120xi32, #tpu.memory_space<hbm>> -> memref<1x1x1x120xi32, #tpu.memory_space<hbm>>
    %dma_start3A_43 = tpu.memref_squeeze %dma_start3A_42 : memref<1x1x1x120xi32, #tpu.memory_space<hbm>> -> memref<120xi32, #tpu.memory_space<hbm>>
    tpu.enqueue_dma source(%dma_start3A_43 : memref<120xi32, #tpu.memory_space<hbm>>) target(%dma_start3A_40 : memref<120xi32, #tpu.memory_space<vmem>>) target_semaphore(%arg15 : memref<!tpu.dma_semaphore, #tpu.memory_space<semaphore_mem>>)
    %dma_start3A_44 = arith.constant 1 : i32
    %dma_start3A_45 = arith.constant 1 : i32
    %dma_start3A_46 = arith.constant 0 : i32
    %dma_start3A_47 = tpu.memref_slice %arg9[%dma_start3A_45, %dma_start3A_46] : memref<6x120xi32, #tpu.memory_space<vmem>> -> memref<1x120xi32, #tpu.memory_space<vmem>>
    %dma_start3A_48 = tpu.memref_squeeze %dma_start3A_47 : memref<1x120xi32, #tpu.memory_space<vmem>> -> memref<120xi32, #tpu.memory_space<vmem>>
    %dma_start3A_49 = arith.constant 0 : i32
    %dma_start3A_50 = tpu.memref_slice %arg4[%arg1, %dma_start3A_44, %dma_start3A_49] : memref<16x84x120xi32, #tpu.memory_space<hbm>> -> memref<1x1x120xi32, #tpu.memory_space<hbm>>
    %dma_start3A_51 = tpu.memref_squeeze %dma_start3A_50 : memref<1x1x120xi32, #tpu.memory_space<hbm>> -> memref<120xi32, #tpu.memory_space<hbm>>
    %dma_start3A_52 = arith.constant 0 : i32
    %dma_start3A_53 = tpu.memref_slice %arg9[%dma_start3A_45, %dma_start3A_52] : memref<6x120xi32, #tpu.memory_space<vmem>> -> memref<1x120xi32, #tpu.memory_space<vmem>>
    %dma_start3A_54 = tpu.memref_squeeze %dma_start3A_53 : memref<1x120xi32, #tpu.memory_space<vmem>> -> memref<120xi32, #tpu.memory_space<vmem>>
    %dma_start3A_55 = arith.constant 0 : i32
    %dma_start3A_56 = tpu.memref_slice %arg4[%arg1, %dma_start3A_44, %dma_start3A_55] : memref<16x84x120xi32, #tpu.memory_space<hbm>> -> memref<1x1x120xi32, #tpu.memory_space<hbm>>
    %dma_start3A_57 = tpu.memref_squeeze %dma_start3A_56 : memref<1x1x120xi32, #tpu.memory_space<hbm>> -> memref<120xi32, #tpu.memory_space<hbm>>
    tpu.enqueue_dma source(%dma_start3A_57 : memref<120xi32, #tpu.memory_space<hbm>>) target(%dma_start3A_54 : memref<120xi32, #tpu.memory_space<vmem>>) target_semaphore(%arg15 : memref<!tpu.dma_semaphore, #tpu.memory_space<semaphore_mem>>)
    %dma_start3A_58 = arith.constant 2 : i32
    %dma_start3A_59 = arith.constant 2 : i32
    %dma_start3A_60 = arith.constant 0 : i32
    %dma_start3A_61 = tpu.memref_slice %arg8[%dma_start3A_59, %dma_start3A_60] : memref<6x120xi32, #tpu.memory_space<vmem>> -> memref<1x120xi32, #tpu.memory_space<vmem>>
    %dma_start3A_62 = tpu.memref_squeeze %dma_start3A_61 : memref<1x120xi32, #tpu.memory_space<vmem>> -> memref<120xi32, #tpu.memory_space<vmem>>
    %dma_start3A_63 = arith.constant 0 : i32
    %dma_start3A_64 = tpu.memref_slice %arg3[%arg0, %arg1, %dma_start3A_58, %dma_start3A_63] : memref<2x16x84x120xi32, #tpu.memory_space<hbm>> -> memref<1x1x1x120xi32, #tpu.memory_space<hbm>>
    %dma_start3A_65 = tpu.memref_squeeze %dma_start3A_64 : memref<1x1x1x120xi32, #tpu.memory_space<hbm>> -> memref<120xi32, #tpu.memory_space<hbm>>
    %dma_start3A_66 = arith.constant 0 : i32
    %dma_start3A_67 = tpu.memref_slice %arg8[%dma_start3A_59, %dma_start3A_66] : memref<6x120xi32, #tpu.memory_space<vmem>> -> memref<1x120xi32, #tpu.memory_space<vmem>>
    %dma_start3A_68 = tpu.memref_squeeze %dma_start3A_67 : memref<1x120xi32, #tpu.memory_space<vmem>> -> memref<120xi32, #tpu.memory_space<vmem>>
    %dma_start3A_69 = arith.constant 0 : i32
    %dma_start3A_70 = tpu.memref_slice %arg3[%arg0, %arg1, %dma_start3A_58, %dma_start3A_69] : memref<2x16x84x120xi32, #tpu.memory_space<hbm>> -> memref<1x1x1x120xi32, #tpu.memory_space<hbm>>
    %dma_start3A_71 = tpu.memref_squeeze %dma_start3A_70 : memref<1x1x1x120xi32, #tpu.memory_space<hbm>> -> memref<120xi32, #tpu.memory_space<hbm>>
    tpu.enqueue_dma source(%dma_start3A_71 : memref<120xi32, #tpu.memory_space<hbm>>) target(%dma_start3A_68 : memref<120xi32, #tpu.memory_space<vmem>>) target_semaphore(%arg16 : memref<!tpu.dma_semaphore, #tpu.memory_space<semaphore_mem>>)
    %dma_start3A_72 = arith.constant 2 : i32
    %dma_start3A_73 = arith.constant 2 : i32
    %dma_start3A_74 = arith.constant 0 : i32
    %dma_start3A_75 = tpu.memref_slice %arg9[%dma_start3A_73, %dma_start3A_74] : memref<6x120xi32, #tpu.memory_space<vmem>> -> memref<1x120xi32, #tpu.memory_space<vmem>>
    %dma_start3A_76 = tpu.memref_squeeze %dma_start3A_75 : memref<1x120xi32, #tpu.memory_space<vmem>> -> memref<120xi32, #tpu.memory_space<vmem>>
    %dma_start3A_77 = arith.constant 0 : i32
    %dma_start3A_78 = tpu.memref_slice %arg4[%arg1, %dma_start3A_72, %dma_start3A_77] : memref<16x84x120xi32, #tpu.memory_space<hbm>> -> memref<1x1x120xi32, #tpu.memory_space<hbm>>
    %dma_start3A_79 = tpu.memref_squeeze %dma_start3A_78 : memref<1x1x120xi32, #tpu.memory_space<hbm>> -> memref<120xi32, #tpu.memory_space<hbm>>
    %dma_start3A_80 = arith.constant 0 : i32
    %dma_start3A_81 = tpu.memref_slice %arg9[%dma_start3A_73, %dma_start3A_80] : memref<6x120xi32, #tpu.memory_space<vmem>> -> memref<1x120xi32, #tpu.memory_space<vmem>>
    %dma_start3A_82 = tpu.memref_squeeze %dma_start3A_81 : memref<1x120xi32, #tpu.memory_space<vmem>> -> memref<120xi32, #tpu.memory_space<vmem>>
    %dma_start3A_83 = arith.constant 0 : i32
    %dma_start3A_84 = tpu.memref_slice %arg4[%arg1, %dma_start3A_72, %dma_start3A_83] : memref<16x84x120xi32, #tpu.memory_space<hbm>> -> memref<1x1x120xi32, #tpu.memory_space<hbm>>
    %dma_start3A_85 = tpu.memref_squeeze %dma_start3A_84 : memref<1x1x120xi32, #tpu.memory_space<hbm>> -> memref<120xi32, #tpu.memory_space<hbm>>
    tpu.enqueue_dma source(%dma_start3A_85 : memref<120xi32, #tpu.memory_space<hbm>>) target(%dma_start3A_82 : memref<120xi32, #tpu.memory_space<vmem>>) target_semaphore(%arg16 : memref<!tpu.dma_semaphore, #tpu.memory_space<semaphore_mem>>)
    %dma_wait3A = arith.constant 0 : i32
    %dma_wait3A_86 = arith.constant 0 : i32
    %dma_wait3A_87 = arith.constant 0 : i32
    %dma_wait3A_88 = tpu.memref_slice %arg8[%dma_wait3A_86, %dma_wait3A_87] : memref<6x120xi32, #tpu.memory_space<vmem>> -> memref<1x120xi32, #tpu.memory_space<vmem>>
    %dma_wait3A_89 = tpu.memref_squeeze %dma_wait3A_88 : memref<1x120xi32, #tpu.memory_space<vmem>> -> memref<120xi32, #tpu.memory_space<vmem>>
    %dma_wait3A_90 = arith.constant 0 : i32
    %dma_wait3A_91 = tpu.memref_slice %arg3[%arg0, %arg1, %dma_wait3A, %dma_wait3A_90] : memref<2x16x84x120xi32, #tpu.memory_space<hbm>> -> memref<1x1x1x120xi32, #tpu.memory_space<hbm>>
    %dma_wait3A_92 = tpu.memref_squeeze %dma_wait3A_91 : memref<1x1x1x120xi32, #tpu.memory_space<hbm>> -> memref<120xi32, #tpu.memory_space<hbm>>
    %dma_wait3A_93 = arith.constant 0 : i32
    %dma_wait3A_94 = tpu.memref_slice %arg8[%dma_wait3A_86, %dma_wait3A_93] : memref<6x120xi32, #tpu.memory_space<vmem>> -> memref<1x120xi32, #tpu.memory_space<vmem>>
    %dma_wait3A_95 = tpu.memref_squeeze %dma_wait3A_94 : memref<1x120xi32, #tpu.memory_space<vmem>> -> memref<120xi32, #tpu.memory_space<vmem>>
    %dma_wait3A_96 = arith.constant 0 : i32
    %dma_wait3A_97 = tpu.memref_slice %arg3[%arg0, %arg1, %dma_wait3A, %dma_wait3A_96] : memref<2x16x84x120xi32, #tpu.memory_space<hbm>> -> memref<1x1x1x120xi32, #tpu.memory_space<hbm>>
    %dma_wait3A_98 = tpu.memref_squeeze %dma_wait3A_97 : memref<1x1x1x120xi32, #tpu.memory_space<hbm>> -> memref<120xi32, #tpu.memory_space<hbm>>
    tpu.wait_dma2 semaphore(%arg14 : memref<!tpu.dma_semaphore, #tpu.memory_space<semaphore_mem>>) src(%dma_wait3A_98 : memref<120xi32, #tpu.memory_space<hbm>>) dst(%dma_wait3A_95 : memref<120xi32, #tpu.memory_space<vmem>>)
    %dma_wait3A_99 = arith.constant 0 : i32
    %dma_wait3A_100 = arith.constant 0 : i32
    %dma_wait3A_101 = arith.constant 0 : i32
    %dma_wait3A_102 = tpu.memref_slice %arg9[%dma_wait3A_100, %dma_wait3A_101] : memref<6x120xi32, #tpu.memory_space<vmem>> -> memref<1x120xi32, #tpu.memory_space<vmem>>
    %dma_wait3A_103 = tpu.memref_squeeze %dma_wait3A_102 : memref<1x120xi32, #tpu.memory_space<vmem>> -> memref<120xi32, #tpu.memory_space<vmem>>
    %dma_wait3A_104 = arith.constant 0 : i32
    %dma_wait3A_105 = tpu.memref_slice %arg4[%arg1, %dma_wait3A_99, %dma_wait3A_104] : memref<16x84x120xi32, #tpu.memory_space<hbm>> -> memref<1x1x120xi32, #tpu.memory_space<hbm>>
    %dma_wait3A_106 = tpu.memref_squeeze %dma_wait3A_105 : memref<1x1x120xi32, #tpu.memory_space<hbm>> -> memref<120xi32, #tpu.memory_space<hbm>>
    %dma_wait3A_107 = arith.constant 0 : i32
    %dma_wait3A_108 = tpu.memref_slice %arg9[%dma_wait3A_100, %dma_wait3A_107] : memref<6x120xi32, #tpu.memory_space<vmem>> -> memref<1x120xi32, #tpu.memory_space<vmem>>
    %dma_wait3A_109 = tpu.memref_squeeze %dma_wait3A_108 : memref<1x120xi32, #tpu.memory_space<vmem>> -> memref<120xi32, #tpu.memory_space<vmem>>
    %dma_wait3A_110 = arith.constant 0 : i32
    %dma_wait3A_111 = tpu.memref_slice %arg4[%arg1, %dma_wait3A_99, %dma_wait3A_110] : memref<16x84x120xi32, #tpu.memory_space<hbm>> -> memref<1x1x120xi32, #tpu.memory_space<hbm>>
    %dma_wait3A_112 = tpu.memref_squeeze %dma_wait3A_111 : memref<1x1x120xi32, #tpu.memory_space<hbm>> -> memref<120xi32, #tpu.memory_space<hbm>>
    tpu.wait_dma2 semaphore(%arg14 : memref<!tpu.dma_semaphore, #tpu.memory_space<semaphore_mem>>) src(%dma_wait3A_112 : memref<120xi32, #tpu.memory_space<hbm>>) dst(%dma_wait3A_109 : memref<120xi32, #tpu.memory_space<vmem>>)
    %dma_start3A_113 = arith.constant 0 : i32
    %dma_start3A_114 = arith.constant 0 : i32
    %dma_start3A_115 = arith.constant 0 : i32
    %dma_start3A_116 = arith.constant 0 : i32
    %dma_start3A_117 = tpu.memref_slice %arg10[%dma_start3A_114, %dma_start3A_115, %dma_start3A_116] : memref<3x120x128xf32, #tpu.memory_space<vmem>> -> memref<1x120x128xf32, #tpu.memory_space<vmem>>
    %dma_start3A_118 = tpu.memref_squeeze %dma_start3A_117 : memref<1x120x128xf32, #tpu.memory_space<vmem>> -> memref<120x128xf32, #tpu.memory_space<vmem>>
    %dma_start3A_119 = arith.constant 0 : i32
    %dma_start3A_120 = tpu.memref_slice %arg8[%dma_start3A_113, %dma_start3A_119] : memref<6x120xi32, #tpu.memory_space<vmem>> -> memref<1x120xi32, #tpu.memory_space<vmem>>
    %dma_start3A_121 = tpu.memref_squeeze %dma_start3A_120 : memref<1x120xi32, #tpu.memory_space<vmem>> -> memref<120xi32, #tpu.memory_space<vmem>>
    %dma_start3A_122 = arith.constant 0 : i32
    %dma_start3A_123 = arith.constant 0 : i32
    %dma_start3A_124 = tpu.memref_slice %arg2[%dma_start3A_122, %dma_start3A_123] : memref<20000x128xf32, #tpu.memory_space<hbm>> -> memref<20000x128xf32, #tpu.memory_space<hbm>>
    tpu.enqueue_indirect_dma source(%dma_start3A_124 : memref<20000x128xf32, #tpu.memory_space<hbm>>) target(%dma_start3A_118 : memref<120x128xf32, #tpu.memory_space<vmem>>) offsets(%dma_start3A_121 : memref<120xi32, #tpu.memory_space<vmem>>) semaphore(%arg11 : memref<!tpu.dma_semaphore, #tpu.memory_space<semaphore_mem>>)
    %dma_wait3A_125 = arith.constant 1 : i32
    %dma_wait3A_126 = arith.constant 1 : i32
    %dma_wait3A_127 = arith.constant 0 : i32
    %dma_wait3A_128 = tpu.memref_slice %arg8[%dma_wait3A_126, %dma_wait3A_127] : memref<6x120xi32, #tpu.memory_space<vmem>> -> memref<1x120xi32, #tpu.memory_space<vmem>>
    %dma_wait3A_129 = tpu.memref_squeeze %dma_wait3A_128 : memref<1x120xi32, #tpu.memory_space<vmem>> -> memref<120xi32, #tpu.memory_space<vmem>>
    %dma_wait3A_130 = arith.constant 0 : i32
    %dma_wait3A_131 = tpu.memref_slice %arg3[%arg0, %arg1, %dma_wait3A_125, %dma_wait3A_130] : memref<2x16x84x120xi32, #tpu.memory_space<hbm>> -> memref<1x1x1x120xi32, #tpu.memory_space<hbm>>
    %dma_wait3A_132 = tpu.memref_squeeze %dma_wait3A_131 : memref<1x1x1x120xi32, #tpu.memory_space<hbm>> -> memref<120xi32, #tpu.memory_space<hbm>>
    %dma_wait3A_133 = arith.constant 0 : i32
    %dma_wait3A_134 = tpu.memref_slice %arg8[%dma_wait3A_126, %dma_wait3A_133] : memref<6x120xi32, #tpu.memory_space<vmem>> -> memref<1x120xi32, #tpu.memory_space<vmem>>
    %dma_wait3A_135 = tpu.memref_squeeze %dma_wait3A_134 : memref<1x120xi32, #tpu.memory_space<vmem>> -> memref<120xi32, #tpu.memory_space<vmem>>
    %dma_wait3A_136 = arith.constant 0 : i32
    %dma_wait3A_137 = tpu.memref_slice %arg3[%arg0, %arg1, %dma_wait3A_125, %dma_wait3A_136] : memref<2x16x84x120xi32, #tpu.memory_space<hbm>> -> memref<1x1x1x120xi32, #tpu.memory_space<hbm>>
    %dma_wait3A_138 = tpu.memref_squeeze %dma_wait3A_137 : memref<1x1x1x120xi32, #tpu.memory_space<hbm>> -> memref<120xi32, #tpu.memory_space<hbm>>
    tpu.wait_dma2 semaphore(%arg15 : memref<!tpu.dma_semaphore, #tpu.memory_space<semaphore_mem>>) src(%dma_wait3A_138 : memref<120xi32, #tpu.memory_space<hbm>>) dst(%dma_wait3A_135 : memref<120xi32, #tpu.memory_space<vmem>>)
    %dma_wait3A_139 = arith.constant 1 : i32
    %dma_wait3A_140 = arith.constant 1 : i32
    %dma_wait3A_141 = arith.constant 0 : i32
    %dma_wait3A_142 = tpu.memref_slice %arg9[%dma_wait3A_140, %dma_wait3A_141] : memref<6x120xi32, #tpu.memory_space<vmem>> -> memref<1x120xi32, #tpu.memory_space<vmem>>
    %dma_wait3A_143 = tpu.memref_squeeze %dma_wait3A_142 : memref<1x120xi32, #tpu.memory_space<vmem>> -> memref<120xi32, #tpu.memory_space<vmem>>
    %dma_wait3A_144 = arith.constant 0 : i32
    %dma_wait3A_145 = tpu.memref_slice %arg4[%arg1, %dma_wait3A_139, %dma_wait3A_144] : memref<16x84x120xi32, #tpu.memory_space<hbm>> -> memref<1x1x120xi32, #tpu.memory_space<hbm>>
    %dma_wait3A_146 = tpu.memref_squeeze %dma_wait3A_145 : memref<1x1x120xi32, #tpu.memory_space<hbm>> -> memref<120xi32, #tpu.memory_space<hbm>>
    %dma_wait3A_147 = arith.constant 0 : i32
    %dma_wait3A_148 = tpu.memref_slice %arg9[%dma_wait3A_140, %dma_wait3A_147] : memref<6x120xi32, #tpu.memory_space<vmem>> -> memref<1x120xi32, #tpu.memory_space<vmem>>
    %dma_wait3A_149 = tpu.memref_squeeze %dma_wait3A_148 : memref<1x120xi32, #tpu.memory_space<vmem>> -> memref<120xi32, #tpu.memory_space<vmem>>
    %dma_wait3A_150 = arith.constant 0 : i32
    %dma_wait3A_151 = tpu.memref_slice %arg4[%arg1, %dma_wait3A_139, %dma_wait3A_150] : memref<16x84x120xi32, #tpu.memory_space<hbm>> -> memref<1x1x120xi32, #tpu.memory_space<hbm>>
    %dma_wait3A_152 = tpu.memref_squeeze %dma_wait3A_151 : memref<1x1x120xi32, #tpu.memory_space<hbm>> -> memref<120xi32, #tpu.memory_space<hbm>>
    tpu.wait_dma2 semaphore(%arg15 : memref<!tpu.dma_semaphore, #tpu.memory_space<semaphore_mem>>) src(%dma_wait3A_152 : memref<120xi32, #tpu.memory_space<hbm>>) dst(%dma_wait3A_149 : memref<120xi32, #tpu.memory_space<vmem>>)
    %dma_start3A_153 = arith.constant 1 : i32
    %dma_start3A_154 = arith.constant 1 : i32
    %dma_start3A_155 = arith.constant 0 : i32
    %dma_start3A_156 = arith.constant 0 : i32
    %dma_start3A_157 = tpu.memref_slice %arg10[%dma_start3A_154, %dma_start3A_155, %dma_start3A_156] : memref<3x120x128xf32, #tpu.memory_space<vmem>> -> memref<1x120x128xf32, #tpu.memory_space<vmem>>
    %dma_start3A_158 = tpu.memref_squeeze %dma_start3A_157 : memref<1x120x128xf32, #tpu.memory_space<vmem>> -> memref<120x128xf32, #tpu.memory_space<vmem>>
    %dma_start3A_159 = arith.constant 0 : i32
    %dma_start3A_160 = tpu.memref_slice %arg8[%dma_start3A_153, %dma_start3A_159] : memref<6x120xi32, #tpu.memory_space<vmem>> -> memref<1x120xi32, #tpu.memory_space<vmem>>
    %dma_start3A_161 = tpu.memref_squeeze %dma_start3A_160 : memref<1x120xi32, #tpu.memory_space<vmem>> -> memref<120xi32, #tpu.memory_space<vmem>>
    %dma_start3A_162 = arith.constant 0 : i32
    %dma_start3A_163 = arith.constant 0 : i32
    %dma_start3A_164 = tpu.memref_slice %arg2[%dma_start3A_162, %dma_start3A_163] : memref<20000x128xf32, #tpu.memory_space<hbm>> -> memref<20000x128xf32, #tpu.memory_space<hbm>>
    tpu.enqueue_indirect_dma source(%dma_start3A_164 : memref<20000x128xf32, #tpu.memory_space<hbm>>) target(%dma_start3A_158 : memref<120x128xf32, #tpu.memory_space<vmem>>) offsets(%dma_start3A_161 : memref<120xi32, #tpu.memory_space<vmem>>) semaphore(%arg12 : memref<!tpu.dma_semaphore, #tpu.memory_space<semaphore_mem>>)
    %scan3A = arith.constant 0 : i32
    %scan3A_165 = arith.constant 14 : i32
    %scan3A_166 = arith.addi %scan3A, %scan3A_165 : i32
    %scan3A_167 = arith.constant 1 : i32
    scf.for %scan3A_212 = %scan3A to %scan3A_166 step %scan3A_167  : i32 {
      %mul3A_213 = arith.constant 6 : i32
      %mul3A_214 = arith.muli %scan3A_212, %mul3A_213 : i32
      %add3A_215 = arith.constant 0 : i32
      %add3A_216 = arith.addi %add3A_215, %mul3A_214 : i32
      %add3A_217 = arith.constant 0 : i32
      %add3A_218 = arith.addi %add3A_216, %add3A_217 : i32
      %add3A_219 = arith.constant 3 : i32
      %add3A_220 = arith.addi %add3A_218, %add3A_219 : i32
      %sub3A = arith.constant 1 : i32
      %sub3A_221 = arith.subi %add3A_220, %sub3A : i32
      %lt3A = arith.constant 84 : i32
      %lt3A_222 = arith.cmpi slt, %sub3A_221, %lt3A : i32
      %convert_element_type3A = arith.extui %lt3A_222 : i1 to i32
      %cond3A = arith.constant 0 : i32
      %cond3A_223 = arith.cmpi ne, %convert_element_type3A, %cond3A : i32
      scf.if %cond3A_223 {
        %add3A_351 = arith.constant 3 : i32
        %add3A_352 = arith.addi %add3A_218, %add3A_351 : i32
        %sub3A_353 = arith.constant 1 : i32
        %sub3A_354 = arith.subi %add3A_352, %sub3A_353 : i32
        %dma_wait3A_355 = arith.constant 2 : i32
        %dma_wait3A_356 = arith.constant 0 : i32
        %dma_wait3A_357 = tpu.memref_slice %arg8[%dma_wait3A_355, %dma_wait3A_356] : memref<6x120xi32, #tpu.memory_space<vmem>> -> memref<1x120xi32, #tpu.memory_space<vmem>>
        %dma_wait3A_358 = tpu.memref_squeeze %dma_wait3A_357 : memref<1x120xi32, #tpu.memory_space<vmem>> -> memref<120xi32, #tpu.memory_space<vmem>>
        %dma_wait3A_359 = arith.constant 0 : i32
        %dma_wait3A_360 = tpu.memref_slice %arg3[%arg0, %arg1, %sub3A_354, %dma_wait3A_359] : memref<2x16x84x120xi32, #tpu.memory_space<hbm>> -> memref<1x1x1x120xi32, #tpu.memory_space<hbm>>
        %dma_wait3A_361 = tpu.memref_squeeze %dma_wait3A_360 : memref<1x1x1x120xi32, #tpu.memory_space<hbm>> -> memref<120xi32, #tpu.memory_space<hbm>>
        %dma_wait3A_362 = arith.constant 0 : i32
        %dma_wait3A_363 = tpu.memref_slice %arg8[%dma_wait3A_355, %dma_wait3A_362] : memref<6x120xi32, #tpu.memory_space<vmem>> -> memref<1x120xi32, #tpu.memory_space<vmem>>
        %dma_wait3A_364 = tpu.memref_squeeze %dma_wait3A_363 : memref<1x120xi32, #tpu.memory_space<vmem>> -> memref<120xi32, #tpu.memory_space<vmem>>
        %dma_wait3A_365 = arith.constant 0 : i32
        %dma_wait3A_366 = tpu.memref_slice %arg3[%arg0, %arg1, %sub3A_354, %dma_wait3A_365] : memref<2x16x84x120xi32, #tpu.memory_space<hbm>> -> memref<1x1x1x120xi32, #tpu.memory_space<hbm>>
        %dma_wait3A_367 = tpu.memref_squeeze %dma_wait3A_366 : memref<1x1x1x120xi32, #tpu.memory_space<hbm>> -> memref<120xi32, #tpu.memory_space<hbm>>
        tpu.wait_dma2 semaphore(%arg16 : memref<!tpu.dma_semaphore, #tpu.memory_space<semaphore_mem>>) src(%dma_wait3A_367 : memref<120xi32, #tpu.memory_space<hbm>>) dst(%dma_wait3A_364 : memref<120xi32, #tpu.memory_space<vmem>>)
        %dma_wait3A_368 = arith.constant 2 : i32
        %dma_wait3A_369 = arith.constant 0 : i32
        %dma_wait3A_370 = tpu.memref_slice %arg9[%dma_wait3A_368, %dma_wait3A_369] : memref<6x120xi32, #tpu.memory_space<vmem>> -> memref<1x120xi32, #tpu.memory_space<vmem>>
        %dma_wait3A_371 = tpu.memref_squeeze %dma_wait3A_370 : memref<1x120xi32, #tpu.memory_space<vmem>> -> memref<120xi32, #tpu.memory_space<vmem>>
        %dma_wait3A_372 = arith.constant 0 : i32
        %dma_wait3A_373 = tpu.memref_slice %arg4[%arg1, %sub3A_354, %dma_wait3A_372] : memref<16x84x120xi32, #tpu.memory_space<hbm>> -> memref<1x1x120xi32, #tpu.memory_space<hbm>>
        %dma_wait3A_374 = tpu.memref_squeeze %dma_wait3A_373 : memref<1x1x120xi32, #tpu.memory_space<hbm>> -> memref<120xi32, #tpu.memory_space<hbm>>
        %dma_wait3A_375 = arith.constant 0 : i32
        %dma_wait3A_376 = tpu.memref_slice %arg9[%dma_wait3A_368, %dma_wait3A_375] : memref<6x120xi32, #tpu.memory_space<vmem>> -> memref<1x120xi32, #tpu.memory_space<vmem>>
        %dma_wait3A_377 = tpu.memref_squeeze %dma_wait3A_376 : memref<1x120xi32, #tpu.memory_space<vmem>> -> memref<120xi32, #tpu.memory_space<vmem>>
        %dma_wait3A_378 = arith.constant 0 : i32
        %dma_wait3A_379 = tpu.memref_slice %arg4[%arg1, %sub3A_354, %dma_wait3A_378] : memref<16x84x120xi32, #tpu.memory_space<hbm>> -> memref<1x1x120xi32, #tpu.memory_space<hbm>>
        %dma_wait3A_380 = tpu.memref_squeeze %dma_wait3A_379 : memref<1x1x120xi32, #tpu.memory_space<hbm>> -> memref<120xi32, #tpu.memory_space<hbm>>
        tpu.wait_dma2 semaphore(%arg16 : memref<!tpu.dma_semaphore, #tpu.memory_space<semaphore_mem>>) src(%dma_wait3A_380 : memref<120xi32, #tpu.memory_space<hbm>>) dst(%dma_wait3A_377 : memref<120xi32, #tpu.memory_space<vmem>>)
        %ge3A = arith.constant 1 : i32
        %ge3A_381 = arith.cmpi sge, %add3A_218, %ge3A : i32
        %convert_element_type3A_382 = arith.extui %ge3A_381 : i1 to i32
        %cond3A_383 = arith.constant 0 : i32
        %cond3A_384 = arith.cmpi ne, %convert_element_type3A_382, %cond3A_383 : i32
        scf.if %cond3A_384 {
          %dma_wait3A_397 = arith.constant 2 : i32
          %dma_wait3A_398 = arith.constant 5 : i32
          %dma_wait3A_399 = arith.constant 0 : i32
          %dma_wait3A_400 = arith.constant 0 : i32
          %dma_wait3A_401 = tpu.memref_slice %arg10[%dma_wait3A_397, %dma_wait3A_399, %dma_wait3A_400] : memref<3x120x128xf32, #tpu.memory_space<vmem>> -> memref<1x120x128xf32, #tpu.memory_space<vmem>>
          %dma_wait3A_402 = tpu.memref_squeeze %dma_wait3A_401 : memref<1x120x128xf32, #tpu.memory_space<vmem>> -> memref<120x128xf32, #tpu.memory_space<vmem>>
          %dma_wait3A_403 = arith.constant 0 : i32
          %dma_wait3A_404 = tpu.memref_slice %arg9[%dma_wait3A_398, %dma_wait3A_403] : memref<6x120xi32, #tpu.memory_space<vmem>> -> memref<1x120xi32, #tpu.memory_space<vmem>>
          %dma_wait3A_405 = tpu.memref_squeeze %dma_wait3A_404 : memref<1x120xi32, #tpu.memory_space<vmem>> -> memref<120xi32, #tpu.memory_space<vmem>>
          %dma_wait3A_406 = arith.constant 0 : i32
          %dma_wait3A_407 = arith.constant 0 : i32
          %dma_wait3A_408 = tpu.memref_slice %arg7[%dma_wait3A_406, %dma_wait3A_407] : memref<10112x128xf32, #tpu.memory_space<vmem_shared>> -> memref<10112x128xf32, #tpu.memory_space<vmem_shared>>
          tpu.wait_indirect_dma semaphore(%arg19 : memref<!tpu.dma_semaphore, #tpu.memory_space<semaphore_mem>>) src(%dma_wait3A_402 : memref<120x128xf32, #tpu.memory_space<vmem>>) dst(%dma_wait3A_408 : memref<10112x128xf32, #tpu.memory_space<vmem_shared>>)
        } else {
        }
        %dma_start3A_385 = arith.constant 2 : i32
        %dma_start3A_386 = arith.constant 2 : i32
        %dma_start3A_387 = arith.constant 0 : i32
        %dma_start3A_388 = arith.constant 0 : i32
        %dma_start3A_389 = tpu.memref_slice %arg10[%dma_start3A_386, %dma_start3A_387, %dma_start3A_388] : memref<3x120x128xf32, #tpu.memory_space<vmem>> -> memref<1x120x128xf32, #tpu.memory_space<vmem>>
        %dma_start3A_390 = tpu.memref_squeeze %dma_start3A_389 : memref<1x120x128xf32, #tpu.memory_space<vmem>> -> memref<120x128xf32, #tpu.memory_space<vmem>>
        %dma_start3A_391 = arith.constant 0 : i32
        %dma_start3A_392 = tpu.memref_slice %arg8[%dma_start3A_385, %dma_start3A_391] : memref<6x120xi32, #tpu.memory_space<vmem>> -> memref<1x120xi32, #tpu.memory_space<vmem>>
        %dma_start3A_393 = tpu.memref_squeeze %dma_start3A_392 : memref<1x120xi32, #tpu.memory_space<vmem>> -> memref<120xi32, #tpu.memory_space<vmem>>
        %dma_start3A_394 = arith.constant 0 : i32
        %dma_start3A_395 = arith.constant 0 : i32
        %dma_start3A_396 = tpu.memref_slice %arg2[%dma_start3A_394, %dma_start3A_395] : memref<20000x128xf32, #tpu.memory_space<hbm>> -> memref<20000x128xf32, #tpu.memory_space<hbm>>
        tpu.enqueue_indirect_dma source(%dma_start3A_396 : memref<20000x128xf32, #tpu.memory_space<hbm>>) target(%dma_start3A_390 : memref<120x128xf32, #tpu.memory_space<vmem>>) offsets(%dma_start3A_393 : memref<120xi32, #tpu.memory_space<vmem>>) semaphore(%arg13 : memref<!tpu.dma_semaphore, #tpu.memory_space<semaphore_mem>>)
      } else {
      }
      %lt3A_224 = arith.constant 84 : i32
      %lt3A_225 = arith.cmpi slt, %add3A_218, %lt3A_224 : i32
      %convert_element_type3A_226 = arith.extui %lt3A_225 : i1 to i32
      %cond3A_227 = arith.constant 0 : i32
      %cond3A_228 = arith.cmpi ne, %convert_element_type3A_226, %cond3A_227 : i32
      scf.if %cond3A_228 {
        %dma_wait3A_351 = arith.constant 0 : i32
        %dma_wait3A_352 = arith.constant 0 : i32
        %dma_wait3A_353 = arith.constant 0 : i32
        %dma_wait3A_354 = arith.constant 0 : i32
        %dma_wait3A_355 = tpu.memref_slice %arg10[%dma_wait3A_352, %dma_wait3A_353, %dma_wait3A_354] : memref<3x120x128xf32, #tpu.memory_space<vmem>> -> memref<1x120x128xf32, #tpu.memory_space<vmem>>
        %dma_wait3A_356 = tpu.memref_squeeze %dma_wait3A_355 : memref<1x120x128xf32, #tpu.memory_space<vmem>> -> memref<120x128xf32, #tpu.memory_space<vmem>>
        %dma_wait3A_357 = arith.constant 0 : i32
        %dma_wait3A_358 = tpu.memref_slice %arg8[%dma_wait3A_351, %dma_wait3A_357] : memref<6x120xi32, #tpu.memory_space<vmem>> -> memref<1x120xi32, #tpu.memory_space<vmem>>
        %dma_wait3A_359 = tpu.memref_squeeze %dma_wait3A_358 : memref<1x120xi32, #tpu.memory_space<vmem>> -> memref<120xi32, #tpu.memory_space<vmem>>
        %dma_wait3A_360 = arith.constant 0 : i32
        %dma_wait3A_361 = arith.constant 0 : i32
        %dma_wait3A_362 = tpu.memref_slice %arg2[%dma_wait3A_360, %dma_wait3A_361] : memref<20000x128xf32, #tpu.memory_space<hbm>> -> memref<20000x128xf32, #tpu.memory_space<hbm>>
        tpu.wait_indirect_dma semaphore(%arg11 : memref<!tpu.dma_semaphore, #tpu.memory_space<semaphore_mem>>) src(%dma_wait3A_362 : memref<20000x128xf32, #tpu.memory_space<hbm>>) dst(%dma_wait3A_356 : memref<120x128xf32, #tpu.memory_space<vmem>>)
        %dma_start3A_363 = arith.constant 0 : i32
        %dma_start3A_364 = arith.constant 0 : i32
        %dma_start3A_365 = arith.constant 0 : i32
        %dma_start3A_366 = arith.constant 0 : i32
        %dma_start3A_367 = tpu.memref_slice %arg10[%dma_start3A_363, %dma_start3A_365, %dma_start3A_366] : memref<3x120x128xf32, #tpu.memory_space<vmem>> -> memref<1x120x128xf32, #tpu.memory_space<vmem>>
        %dma_start3A_368 = tpu.memref_squeeze %dma_start3A_367 : memref<1x120x128xf32, #tpu.memory_space<vmem>> -> memref<120x128xf32, #tpu.memory_space<vmem>>
        %dma_start3A_369 = arith.constant 0 : i32
        %dma_start3A_370 = tpu.memref_slice %arg9[%dma_start3A_364, %dma_start3A_369] : memref<6x120xi32, #tpu.memory_space<vmem>> -> memref<1x120xi32, #tpu.memory_space<vmem>>
        %dma_start3A_371 = tpu.memref_squeeze %dma_start3A_370 : memref<1x120xi32, #tpu.memory_space<vmem>> -> memref<120xi32, #tpu.memory_space<vmem>>
        %dma_start3A_372 = arith.constant 0 : i32
        %dma_start3A_373 = arith.constant 0 : i32
        %dma_start3A_374 = tpu.memref_slice %arg7[%dma_start3A_372, %dma_start3A_373] : memref<10112x128xf32, #tpu.memory_space<vmem_shared>> -> memref<10112x128xf32, #tpu.memory_space<vmem_shared>>
        tpu.enqueue_indirect_dma source(%dma_start3A_368 : memref<120x128xf32, #tpu.memory_space<vmem>>) target(%dma_start3A_374 : memref<10112x128xf32, #tpu.memory_space<vmem_shared>>) offsets(%dma_start3A_371 : memref<120xi32, #tpu.memory_space<vmem>>) semaphore(%arg17 : memref<!tpu.dma_semaphore, #tpu.memory_space<semaphore_mem>>) {add = true}
      } else {
      }
      %add3A_229 = arith.constant 3 : i32
      %add3A_230 = arith.addi %add3A_218, %add3A_229 : i32
      %lt3A_231 = arith.constant 84 : i32
      %lt3A_232 = arith.cmpi slt, %add3A_230, %lt3A_231 : i32
      %convert_element_type3A_233 = arith.extui %lt3A_232 : i1 to i32
      %cond3A_234 = arith.constant 0 : i32
      %cond3A_235 = arith.cmpi ne, %convert_element_type3A_233, %cond3A_234 : i32
      scf.if %cond3A_235 {
        %add3A_351 = arith.constant 3 : i32
        %add3A_352 = arith.addi %add3A_218, %add3A_351 : i32
        %dma_start3A_353 = arith.constant 3 : i32
        %dma_start3A_354 = arith.constant 0 : i32
        %dma_start3A_355 = tpu.memref_slice %arg8[%dma_start3A_353, %dma_start3A_354] : memref<6x120xi32, #tpu.memory_space<vmem>> -> memref<1x120xi32, #tpu.memory_space<vmem>>
        %dma_start3A_356 = tpu.memref_squeeze %dma_start3A_355 : memref<1x120xi32, #tpu.memory_space<vmem>> -> memref<120xi32, #tpu.memory_space<vmem>>
        %dma_start3A_357 = arith.constant 0 : i32
        %dma_start3A_358 = tpu.memref_slice %arg3[%arg0, %arg1, %add3A_352, %dma_start3A_357] : memref<2x16x84x120xi32, #tpu.memory_space<hbm>> -> memref<1x1x1x120xi32, #tpu.memory_space<hbm>>
        %dma_start3A_359 = tpu.memref_squeeze %dma_start3A_358 : memref<1x1x1x120xi32, #tpu.memory_space<hbm>> -> memref<120xi32, #tpu.memory_space<hbm>>
        %dma_start3A_360 = arith.constant 0 : i32
        %dma_start3A_361 = tpu.memref_slice %arg8[%dma_start3A_353, %dma_start3A_360] : memref<6x120xi32, #tpu.memory_space<vmem>> -> memref<1x120xi32, #tpu.memory_space<vmem>>
        %dma_start3A_362 = tpu.memref_squeeze %dma_start3A_361 : memref<1x120xi32, #tpu.memory_space<vmem>> -> memref<120xi32, #tpu.memory_space<vmem>>
        %dma_start3A_363 = arith.constant 0 : i32
        %dma_start3A_364 = tpu.memref_slice %arg3[%arg0, %arg1, %add3A_352, %dma_start3A_363] : memref<2x16x84x120xi32, #tpu.memory_space<hbm>> -> memref<1x1x1x120xi32, #tpu.memory_space<hbm>>
        %dma_start3A_365 = tpu.memref_squeeze %dma_start3A_364 : memref<1x1x1x120xi32, #tpu.memory_space<hbm>> -> memref<120xi32, #tpu.memory_space<hbm>>
        tpu.enqueue_dma source(%dma_start3A_365 : memref<120xi32, #tpu.memory_space<hbm>>) target(%dma_start3A_362 : memref<120xi32, #tpu.memory_space<vmem>>) target_semaphore(%arg14 : memref<!tpu.dma_semaphore, #tpu.memory_space<semaphore_mem>>)
        %dma_start3A_366 = arith.constant 3 : i32
        %dma_start3A_367 = arith.constant 0 : i32
        %dma_start3A_368 = tpu.memref_slice %arg9[%dma_start3A_366, %dma_start3A_367] : memref<6x120xi32, #tpu.memory_space<vmem>> -> memref<1x120xi32, #tpu.memory_space<vmem>>
        %dma_start3A_369 = tpu.memref_squeeze %dma_start3A_368 : memref<1x120xi32, #tpu.memory_space<vmem>> -> memref<120xi32, #tpu.memory_space<vmem>>
        %dma_start3A_370 = arith.constant 0 : i32
        %dma_start3A_371 = tpu.memref_slice %arg4[%arg1, %add3A_352, %dma_start3A_370] : memref<16x84x120xi32, #tpu.memory_space<hbm>> -> memref<1x1x120xi32, #tpu.memory_space<hbm>>
        %dma_start3A_372 = tpu.memref_squeeze %dma_start3A_371 : memref<1x1x120xi32, #tpu.memory_space<hbm>> -> memref<120xi32, #tpu.memory_space<hbm>>
        %dma_start3A_373 = arith.constant 0 : i32
        %dma_start3A_374 = tpu.memref_slice %arg9[%dma_start3A_366, %dma_start3A_373] : memref<6x120xi32, #tpu.memory_space<vmem>> -> memref<1x120xi32, #tpu.memory_space<vmem>>
        %dma_start3A_375 = tpu.memref_squeeze %dma_start3A_374 : memref<1x120xi32, #tpu.memory_space<vmem>> -> memref<120xi32, #tpu.memory_space<vmem>>
        %dma_start3A_376 = arith.constant 0 : i32
        %dma_start3A_377 = tpu.memref_slice %arg4[%arg1, %add3A_352, %dma_start3A_376] : memref<16x84x120xi32, #tpu.memory_space<hbm>> -> memref<1x1x120xi32, #tpu.memory_space<hbm>>
        %dma_start3A_378 = tpu.memref_squeeze %dma_start3A_377 : memref<1x1x120xi32, #tpu.memory_space<hbm>> -> memref<120xi32, #tpu.memory_space<hbm>>
        tpu.enqueue_dma source(%dma_start3A_378 : memref<120xi32, #tpu.memory_space<hbm>>) target(%dma_start3A_375 : memref<120xi32, #tpu.memory_space<vmem>>) target_semaphore(%arg14 : memref<!tpu.dma_semaphore, #tpu.memory_space<semaphore_mem>>)
      } else {
      }
      %add3A_236 = arith.constant 1 : i32
      %add3A_237 = arith.addi %add3A_216, %add3A_236 : i32
      %add3A_238 = arith.constant 3 : i32
      %add3A_239 = arith.addi %add3A_237, %add3A_238 : i32
      %sub3A_240 = arith.constant 1 : i32
      %sub3A_241 = arith.subi %add3A_239, %sub3A_240 : i32
      %lt3A_242 = arith.constant 84 : i32
      %lt3A_243 = arith.cmpi slt, %sub3A_241, %lt3A_242 : i32
      %convert_element_type3A_244 = arith.extui %lt3A_243 : i1 to i32
      %cond3A_245 = arith.constant 0 : i32
      %cond3A_246 = arith.cmpi ne, %convert_element_type3A_244, %cond3A_245 : i32
      scf.if %cond3A_246 {
        %add3A_351 = arith.constant 3 : i32
        %add3A_352 = arith.addi %add3A_237, %add3A_351 : i32
        %sub3A_353 = arith.constant 1 : i32
        %sub3A_354 = arith.subi %add3A_352, %sub3A_353 : i32
        %dma_wait3A_355 = arith.constant 3 : i32
        %dma_wait3A_356 = arith.constant 0 : i32
        %dma_wait3A_357 = tpu.memref_slice %arg8[%dma_wait3A_355, %dma_wait3A_356] : memref<6x120xi32, #tpu.memory_space<vmem>> -> memref<1x120xi32, #tpu.memory_space<vmem>>
        %dma_wait3A_358 = tpu.memref_squeeze %dma_wait3A_357 : memref<1x120xi32, #tpu.memory_space<vmem>> -> memref<120xi32, #tpu.memory_space<vmem>>
        %dma_wait3A_359 = arith.constant 0 : i32
        %dma_wait3A_360 = tpu.memref_slice %arg3[%arg0, %arg1, %sub3A_354, %dma_wait3A_359] : memref<2x16x84x120xi32, #tpu.memory_space<hbm>> -> memref<1x1x1x120xi32, #tpu.memory_space<hbm>>
        %dma_wait3A_361 = tpu.memref_squeeze %dma_wait3A_360 : memref<1x1x1x120xi32, #tpu.memory_space<hbm>> -> memref<120xi32, #tpu.memory_space<hbm>>
        %dma_wait3A_362 = arith.constant 0 : i32
        %dma_wait3A_363 = tpu.memref_slice %arg8[%dma_wait3A_355, %dma_wait3A_362] : memref<6x120xi32, #tpu.memory_space<vmem>> -> memref<1x120xi32, #tpu.memory_space<vmem>>
        %dma_wait3A_364 = tpu.memref_squeeze %dma_wait3A_363 : memref<1x120xi32, #tpu.memory_space<vmem>> -> memref<120xi32, #tpu.memory_space<vmem>>
        %dma_wait3A_365 = arith.constant 0 : i32
        %dma_wait3A_366 = tpu.memref_slice %arg3[%arg0, %arg1, %sub3A_354, %dma_wait3A_365] : memref<2x16x84x120xi32, #tpu.memory_space<hbm>> -> memref<1x1x1x120xi32, #tpu.memory_space<hbm>>
        %dma_wait3A_367 = tpu.memref_squeeze %dma_wait3A_366 : memref<1x1x1x120xi32, #tpu.memory_space<hbm>> -> memref<120xi32, #tpu.memory_space<hbm>>
        tpu.wait_dma2 semaphore(%arg14 : memref<!tpu.dma_semaphore, #tpu.memory_space<semaphore_mem>>) src(%dma_wait3A_367 : memref<120xi32, #tpu.memory_space<hbm>>) dst(%dma_wait3A_364 : memref<120xi32, #tpu.memory_space<vmem>>)
        %dma_wait3A_368 = arith.constant 3 : i32
        %dma_wait3A_369 = arith.constant 0 : i32
        %dma_wait3A_370 = tpu.memref_slice %arg9[%dma_wait3A_368, %dma_wait3A_369] : memref<6x120xi32, #tpu.memory_space<vmem>> -> memref<1x120xi32, #tpu.memory_space<vmem>>
        %dma_wait3A_371 = tpu.memref_squeeze %dma_wait3A_370 : memref<1x120xi32, #tpu.memory_space<vmem>> -> memref<120xi32, #tpu.memory_space<vmem>>
        %dma_wait3A_372 = arith.constant 0 : i32
        %dma_wait3A_373 = tpu.memref_slice %arg4[%arg1, %sub3A_354, %dma_wait3A_372] : memref<16x84x120xi32, #tpu.memory_space<hbm>> -> memref<1x1x120xi32, #tpu.memory_space<hbm>>
        %dma_wait3A_374 = tpu.memref_squeeze %dma_wait3A_373 : memref<1x1x120xi32, #tpu.memory_space<hbm>> -> memref<120xi32, #tpu.memory_space<hbm>>
        %dma_wait3A_375 = arith.constant 0 : i32
        %dma_wait3A_376 = tpu.memref_slice %arg9[%dma_wait3A_368, %dma_wait3A_375] : memref<6x120xi32, #tpu.memory_space<vmem>> -> memref<1x120xi32, #tpu.memory_space<vmem>>
        %dma_wait3A_377 = tpu.memref_squeeze %dma_wait3A_376 : memref<1x120xi32, #tpu.memory_space<vmem>> -> memref<120xi32, #tpu.memory_space<vmem>>
        %dma_wait3A_378 = arith.constant 0 : i32
        %dma_wait3A_379 = tpu.memref_slice %arg4[%arg1, %sub3A_354, %dma_wait3A_378] : memref<16x84x120xi32, #tpu.memory_space<hbm>> -> memref<1x1x120xi32, #tpu.memory_space<hbm>>
        %dma_wait3A_380 = tpu.memref_squeeze %dma_wait3A_379 : memref<1x1x120xi32, #tpu.memory_space<hbm>> -> memref<120xi32, #tpu.memory_space<hbm>>
        tpu.wait_dma2 semaphore(%arg14 : memref<!tpu.dma_semaphore, #tpu.memory_space<semaphore_mem>>) src(%dma_wait3A_380 : memref<120xi32, #tpu.memory_space<hbm>>) dst(%dma_wait3A_377 : memref<120xi32, #tpu.memory_space<vmem>>)
        %ge3A = arith.constant 1 : i32
        %ge3A_381 = arith.cmpi sge, %add3A_237, %ge3A : i32
        %convert_element_type3A_382 = arith.extui %ge3A_381 : i1 to i32
        %cond3A_383 = arith.constant 0 : i32
        %cond3A_384 = arith.cmpi ne, %convert_element_type3A_382, %cond3A_383 : i32
        scf.if %cond3A_384 {
          %dma_wait3A_397 = arith.constant 0 : i32
          %dma_wait3A_398 = arith.constant 0 : i32
          %dma_wait3A_399 = arith.constant 0 : i32
          %dma_wait3A_400 = arith.constant 0 : i32
          %dma_wait3A_401 = tpu.memref_slice %arg10[%dma_wait3A_397, %dma_wait3A_399, %dma_wait3A_400] : memref<3x120x128xf32, #tpu.memory_space<vmem>> -> memref<1x120x128xf32, #tpu.memory_space<vmem>>
          %dma_wait3A_402 = tpu.memref_squeeze %dma_wait3A_401 : memref<1x120x128xf32, #tpu.memory_space<vmem>> -> memref<120x128xf32, #tpu.memory_space<vmem>>
          %dma_wait3A_403 = arith.constant 0 : i32
          %dma_wait3A_404 = tpu.memref_slice %arg9[%dma_wait3A_398, %dma_wait3A_403] : memref<6x120xi32, #tpu.memory_space<vmem>> -> memref<1x120xi32, #tpu.memory_space<vmem>>
          %dma_wait3A_405 = tpu.memref_squeeze %dma_wait3A_404 : memref<1x120xi32, #tpu.memory_space<vmem>> -> memref<120xi32, #tpu.memory_space<vmem>>
          %dma_wait3A_406 = arith.constant 0 : i32
          %dma_wait3A_407 = arith.constant 0 : i32
          %dma_wait3A_408 = tpu.memref_slice %arg7[%dma_wait3A_406, %dma_wait3A_407] : memref<10112x128xf32, #tpu.memory_space<vmem_shared>> -> memref<10112x128xf32, #tpu.memory_space<vmem_shared>>
          tpu.wait_indirect_dma semaphore(%arg17 : memref<!tpu.dma_semaphore, #tpu.memory_space<semaphore_mem>>) src(%dma_wait3A_402 : memref<120x128xf32, #tpu.memory_space<vmem>>) dst(%dma_wait3A_408 : memref<10112x128xf32, #tpu.memory_space<vmem_shared>>)
        } else {
        }
        %dma_start3A_385 = arith.constant 3 : i32
        %dma_start3A_386 = arith.constant 0 : i32
        %dma_start3A_387 = arith.constant 0 : i32
        %dma_start3A_388 = arith.constant 0 : i32
        %dma_start3A_389 = tpu.memref_slice %arg10[%dma_start3A_386, %dma_start3A_387, %dma_start3A_388] : memref<3x120x128xf32, #tpu.memory_space<vmem>> -> memref<1x120x128xf32, #tpu.memory_space<vmem>>
        %dma_start3A_390 = tpu.memref_squeeze %dma_start3A_389 : memref<1x120x128xf32, #tpu.memory_space<vmem>> -> memref<120x128xf32, #tpu.memory_space<vmem>>
        %dma_start3A_391 = arith.constant 0 : i32
        %dma_start3A_392 = tpu.memref_slice %arg8[%dma_start3A_385, %dma_start3A_391] : memref<6x120xi32, #tpu.memory_space<vmem>> -> memref<1x120xi32, #tpu.memory_space<vmem>>
        %dma_start3A_393 = tpu.memref_squeeze %dma_start3A_392 : memref<1x120xi32, #tpu.memory_space<vmem>> -> memref<120xi32, #tpu.memory_space<vmem>>
        %dma_start3A_394 = arith.constant 0 : i32
        %dma_start3A_395 = arith.constant 0 : i32
        %dma_start3A_396 = tpu.memref_slice %arg2[%dma_start3A_394, %dma_start3A_395] : memref<20000x128xf32, #tpu.memory_space<hbm>> -> memref<20000x128xf32, #tpu.memory_space<hbm>>
        tpu.enqueue_indirect_dma source(%dma_start3A_396 : memref<20000x128xf32, #tpu.memory_space<hbm>>) target(%dma_start3A_390 : memref<120x128xf32, #tpu.memory_space<vmem>>) offsets(%dma_start3A_393 : memref<120xi32, #tpu.memory_space<vmem>>) semaphore(%arg11 : memref<!tpu.dma_semaphore, #tpu.memory_space<semaphore_mem>>)
      } else {
      }
      %lt3A_247 = arith.constant 84 : i32
      %lt3A_248 = arith.cmpi slt, %add3A_237, %lt3A_247 : i32
      %convert_element_type3A_249 = arith.extui %lt3A_248 : i1 to i32
      %cond3A_250 = arith.constant 0 : i32
      %cond3A_251 = arith.cmpi ne, %convert_element_type3A_249, %cond3A_250 : i32
      scf.if %cond3A_251 {
        %dma_wait3A_351 = arith.constant 1 : i32
        %dma_wait3A_352 = arith.constant 1 : i32
        %dma_wait3A_353 = arith.constant 0 : i32
        %dma_wait3A_354 = arith.constant 0 : i32
        %dma_wait3A_355 = tpu.memref_slice %arg10[%dma_wait3A_352, %dma_wait3A_353, %dma_wait3A_354] : memref<3x120x128xf32, #tpu.memory_space<vmem>> -> memref<1x120x128xf32, #tpu.memory_space<vmem>>
        %dma_wait3A_356 = tpu.memref_squeeze %dma_wait3A_355 : memref<1x120x128xf32, #tpu.memory_space<vmem>> -> memref<120x128xf32, #tpu.memory_space<vmem>>
        %dma_wait3A_357 = arith.constant 0 : i32
        %dma_wait3A_358 = tpu.memref_slice %arg8[%dma_wait3A_351, %dma_wait3A_357] : memref<6x120xi32, #tpu.memory_space<vmem>> -> memref<1x120xi32, #tpu.memory_space<vmem>>
        %dma_wait3A_359 = tpu.memref_squeeze %dma_wait3A_358 : memref<1x120xi32, #tpu.memory_space<vmem>> -> memref<120xi32, #tpu.memory_space<vmem>>
        %dma_wait3A_360 = arith.constant 0 : i32
        %dma_wait3A_361 = arith.constant 0 : i32
        %dma_wait3A_362 = tpu.memref_slice %arg2[%dma_wait3A_360, %dma_wait3A_361] : memref<20000x128xf32, #tpu.memory_space<hbm>> -> memref<20000x128xf32, #tpu.memory_space<hbm>>
        tpu.wait_indirect_dma semaphore(%arg12 : memref<!tpu.dma_semaphore, #tpu.memory_space<semaphore_mem>>) src(%dma_wait3A_362 : memref<20000x128xf32, #tpu.memory_space<hbm>>) dst(%dma_wait3A_356 : memref<120x128xf32, #tpu.memory_space<vmem>>)
        %dma_start3A_363 = arith.constant 1 : i32
        %dma_start3A_364 = arith.constant 1 : i32
        %dma_start3A_365 = arith.constant 0 : i32
        %dma_start3A_366 = arith.constant 0 : i32
        %dma_start3A_367 = tpu.memref_slice %arg10[%dma_start3A_363, %dma_start3A_365, %dma_start3A_366] : memref<3x120x128xf32, #tpu.memory_space<vmem>> -> memref<1x120x128xf32, #tpu.memory_space<vmem>>
        %dma_start3A_368 = tpu.memref_squeeze %dma_start3A_367 : memref<1x120x128xf32, #tpu.memory_space<vmem>> -> memref<120x128xf32, #tpu.memory_space<vmem>>
        %dma_start3A_369 = arith.constant 0 : i32
        %dma_start3A_370 = tpu.memref_slice %arg9[%dma_start3A_364, %dma_start3A_369] : memref<6x120xi32, #tpu.memory_space<vmem>> -> memref<1x120xi32, #tpu.memory_space<vmem>>
        %dma_start3A_371 = tpu.memref_squeeze %dma_start3A_370 : memref<1x120xi32, #tpu.memory_space<vmem>> -> memref<120xi32, #tpu.memory_space<vmem>>
        %dma_start3A_372 = arith.constant 0 : i32
        %dma_start3A_373 = arith.constant 0 : i32
        %dma_start3A_374 = tpu.memref_slice %arg7[%dma_start3A_372, %dma_start3A_373] : memref<10112x128xf32, #tpu.memory_space<vmem_shared>> -> memref<10112x128xf32, #tpu.memory_space<vmem_shared>>
        tpu.enqueue_indirect_dma source(%dma_start3A_368 : memref<120x128xf32, #tpu.memory_space<vmem>>) target(%dma_start3A_374 : memref<10112x128xf32, #tpu.memory_space<vmem_shared>>) offsets(%dma_start3A_371 : memref<120xi32, #tpu.memory_space<vmem>>) semaphore(%arg18 : memref<!tpu.dma_semaphore, #tpu.memory_space<semaphore_mem>>) {add = true}
      } else {
      }
      %add3A_252 = arith.constant 3 : i32
      %add3A_253 = arith.addi %add3A_237, %add3A_252 : i32
      %lt3A_254 = arith.constant 84 : i32
      %lt3A_255 = arith.cmpi slt, %add3A_253, %lt3A_254 : i32
      %convert_element_type3A_256 = arith.extui %lt3A_255 : i1 to i32
      %cond3A_257 = arith.constant 0 : i32
      %cond3A_258 = arith.cmpi ne, %convert_element_type3A_256, %cond3A_257 : i32
      scf.if %cond3A_258 {
        %add3A_351 = arith.constant 3 : i32
        %add3A_352 = arith.addi %add3A_237, %add3A_351 : i32
        %dma_start3A_353 = arith.constant 4 : i32
        %dma_start3A_354 = arith.constant 0 : i32
        %dma_start3A_355 = tpu.memref_slice %arg8[%dma_start3A_353, %dma_start3A_354] : memref<6x120xi32, #tpu.memory_space<vmem>> -> memref<1x120xi32, #tpu.memory_space<vmem>>
        %dma_start3A_356 = tpu.memref_squeeze %dma_start3A_355 : memref<1x120xi32, #tpu.memory_space<vmem>> -> memref<120xi32, #tpu.memory_space<vmem>>
        %dma_start3A_357 = arith.constant 0 : i32
        %dma_start3A_358 = tpu.memref_slice %arg3[%arg0, %arg1, %add3A_352, %dma_start3A_357] : memref<2x16x84x120xi32, #tpu.memory_space<hbm>> -> memref<1x1x1x120xi32, #tpu.memory_space<hbm>>
        %dma_start3A_359 = tpu.memref_squeeze %dma_start3A_358 : memref<1x1x1x120xi32, #tpu.memory_space<hbm>> -> memref<120xi32, #tpu.memory_space<hbm>>
        %dma_start3A_360 = arith.constant 0 : i32
        %dma_start3A_361 = tpu.memref_slice %arg8[%dma_start3A_353, %dma_start3A_360] : memref<6x120xi32, #tpu.memory_space<vmem>> -> memref<1x120xi32, #tpu.memory_space<vmem>>
        %dma_start3A_362 = tpu.memref_squeeze %dma_start3A_361 : memref<1x120xi32, #tpu.memory_space<vmem>> -> memref<120xi32, #tpu.memory_space<vmem>>
        %dma_start3A_363 = arith.constant 0 : i32
        %dma_start3A_364 = tpu.memref_slice %arg3[%arg0, %arg1, %add3A_352, %dma_start3A_363] : memref<2x16x84x120xi32, #tpu.memory_space<hbm>> -> memref<1x1x1x120xi32, #tpu.memory_space<hbm>>
        %dma_start3A_365 = tpu.memref_squeeze %dma_start3A_364 : memref<1x1x1x120xi32, #tpu.memory_space<hbm>> -> memref<120xi32, #tpu.memory_space<hbm>>
        tpu.enqueue_dma source(%dma_start3A_365 : memref<120xi32, #tpu.memory_space<hbm>>) target(%dma_start3A_362 : memref<120xi32, #tpu.memory_space<vmem>>) target_semaphore(%arg15 : memref<!tpu.dma_semaphore, #tpu.memory_space<semaphore_mem>>)
        %dma_start3A_366 = arith.constant 4 : i32
        %dma_start3A_367 = arith.constant 0 : i32
        %dma_start3A_368 = tpu.memref_slice %arg9[%dma_start3A_366, %dma_start3A_367] : memref<6x120xi32, #tpu.memory_space<vmem>> -> memref<1x120xi32, #tpu.memory_space<vmem>>
        %dma_start3A_369 = tpu.memref_squeeze %dma_start3A_368 : memref<1x120xi32, #tpu.memory_space<vmem>> -> memref<120xi32, #tpu.memory_space<vmem>>
        %dma_start3A_370 = arith.constant 0 : i32
        %dma_start3A_371 = tpu.memref_slice %arg4[%arg1, %add3A_352, %dma_start3A_370] : memref<16x84x120xi32, #tpu.memory_space<hbm>> -> memref<1x1x120xi32, #tpu.memory_space<hbm>>
        %dma_start3A_372 = tpu.memref_squeeze %dma_start3A_371 : memref<1x1x120xi32, #tpu.memory_space<hbm>> -> memref<120xi32, #tpu.memory_space<hbm>>
        %dma_start3A_373 = arith.constant 0 : i32
        %dma_start3A_374 = tpu.memref_slice %arg9[%dma_start3A_366, %dma_start3A_373] : memref<6x120xi32, #tpu.memory_space<vmem>> -> memref<1x120xi32, #tpu.memory_space<vmem>>
        %dma_start3A_375 = tpu.memref_squeeze %dma_start3A_374 : memref<1x120xi32, #tpu.memory_space<vmem>> -> memref<120xi32, #tpu.memory_space<vmem>>
        %dma_start3A_376 = arith.constant 0 : i32
        %dma_start3A_377 = tpu.memref_slice %arg4[%arg1, %add3A_352, %dma_start3A_376] : memref<16x84x120xi32, #tpu.memory_space<hbm>> -> memref<1x1x120xi32, #tpu.memory_space<hbm>>
        %dma_start3A_378 = tpu.memref_squeeze %dma_start3A_377 : memref<1x1x120xi32, #tpu.memory_space<hbm>> -> memref<120xi32, #tpu.memory_space<hbm>>
        tpu.enqueue_dma source(%dma_start3A_378 : memref<120xi32, #tpu.memory_space<hbm>>) target(%dma_start3A_375 : memref<120xi32, #tpu.memory_space<vmem>>) target_semaphore(%arg15 : memref<!tpu.dma_semaphore, #tpu.memory_space<semaphore_mem>>)
      } else {
      }
      %add3A_259 = arith.constant 2 : i32
      %add3A_260 = arith.addi %add3A_216, %add3A_259 : i32
      %add3A_261 = arith.constant 3 : i32
      %add3A_262 = arith.addi %add3A_260, %add3A_261 : i32
      %sub3A_263 = arith.constant 1 : i32
      %sub3A_264 = arith.subi %add3A_262, %sub3A_263 : i32
      %lt3A_265 = arith.constant 84 : i32
      %lt3A_266 = arith.cmpi slt, %sub3A_264, %lt3A_265 : i32
      %convert_element_type3A_267 = arith.extui %lt3A_266 : i1 to i32
      %cond3A_268 = arith.constant 0 : i32
      %cond3A_269 = arith.cmpi ne, %convert_element_type3A_267, %cond3A_268 : i32
      scf.if %cond3A_269 {
        %add3A_351 = arith.constant 3 : i32
        %add3A_352 = arith.addi %add3A_260, %add3A_351 : i32
        %sub3A_353 = arith.constant 1 : i32
        %sub3A_354 = arith.subi %add3A_352, %sub3A_353 : i32
        %dma_wait3A_355 = arith.constant 4 : i32
        %dma_wait3A_356 = arith.constant 0 : i32
        %dma_wait3A_357 = tpu.memref_slice %arg8[%dma_wait3A_355, %dma_wait3A_356] : memref<6x120xi32, #tpu.memory_space<vmem>> -> memref<1x120xi32, #tpu.memory_space<vmem>>
        %dma_wait3A_358 = tpu.memref_squeeze %dma_wait3A_357 : memref<1x120xi32, #tpu.memory_space<vmem>> -> memref<120xi32, #tpu.memory_space<vmem>>
        %dma_wait3A_359 = arith.constant 0 : i32
        %dma_wait3A_360 = tpu.memref_slice %arg3[%arg0, %arg1, %sub3A_354, %dma_wait3A_359] : memref<2x16x84x120xi32, #tpu.memory_space<hbm>> -> memref<1x1x1x120xi32, #tpu.memory_space<hbm>>
        %dma_wait3A_361 = tpu.memref_squeeze %dma_wait3A_360 : memref<1x1x1x120xi32, #tpu.memory_space<hbm>> -> memref<120xi32, #tpu.memory_space<hbm>>
        %dma_wait3A_362 = arith.constant 0 : i32
        %dma_wait3A_363 = tpu.memref_slice %arg8[%dma_wait3A_355, %dma_wait3A_362] : memref<6x120xi32, #tpu.memory_space<vmem>> -> memref<1x120xi32, #tpu.memory_space<vmem>>
        %dma_wait3A_364 = tpu.memref_squeeze %dma_wait3A_363 : memref<1x120xi32, #tpu.memory_space<vmem>> -> memref<120xi32, #tpu.memory_space<vmem>>
        %dma_wait3A_365 = arith.constant 0 : i32
        %dma_wait3A_366 = tpu.memref_slice %arg3[%arg0, %arg1, %sub3A_354, %dma_wait3A_365] : memref<2x16x84x120xi32, #tpu.memory_space<hbm>> -> memref<1x1x1x120xi32, #tpu.memory_space<hbm>>
        %dma_wait3A_367 = tpu.memref_squeeze %dma_wait3A_366 : memref<1x1x1x120xi32, #tpu.memory_space<hbm>> -> memref<120xi32, #tpu.memory_space<hbm>>
        tpu.wait_dma2 semaphore(%arg15 : memref<!tpu.dma_semaphore, #tpu.memory_space<semaphore_mem>>) src(%dma_wait3A_367 : memref<120xi32, #tpu.memory_space<hbm>>) dst(%dma_wait3A_364 : memref<120xi32, #tpu.memory_space<vmem>>)
        %dma_wait3A_368 = arith.constant 4 : i32
        %dma_wait3A_369 = arith.constant 0 : i32
        %dma_wait3A_370 = tpu.memref_slice %arg9[%dma_wait3A_368, %dma_wait3A_369] : memref<6x120xi32, #tpu.memory_space<vmem>> -> memref<1x120xi32, #tpu.memory_space<vmem>>
        %dma_wait3A_371 = tpu.memref_squeeze %dma_wait3A_370 : memref<1x120xi32, #tpu.memory_space<vmem>> -> memref<120xi32, #tpu.memory_space<vmem>>
        %dma_wait3A_372 = arith.constant 0 : i32
        %dma_wait3A_373 = tpu.memref_slice %arg4[%arg1, %sub3A_354, %dma_wait3A_372] : memref<16x84x120xi32, #tpu.memory_space<hbm>> -> memref<1x1x120xi32, #tpu.memory_space<hbm>>
        %dma_wait3A_374 = tpu.memref_squeeze %dma_wait3A_373 : memref<1x1x120xi32, #tpu.memory_space<hbm>> -> memref<120xi32, #tpu.memory_space<hbm>>
        %dma_wait3A_375 = arith.constant 0 : i32
        %dma_wait3A_376 = tpu.memref_slice %arg9[%dma_wait3A_368, %dma_wait3A_375] : memref<6x120xi32, #tpu.memory_space<vmem>> -> memref<1x120xi32, #tpu.memory_space<vmem>>
        %dma_wait3A_377 = tpu.memref_squeeze %dma_wait3A_376 : memref<1x120xi32, #tpu.memory_space<vmem>> -> memref<120xi32, #tpu.memory_space<vmem>>
        %dma_wait3A_378 = arith.constant 0 : i32
        %dma_wait3A_379 = tpu.memref_slice %arg4[%arg1, %sub3A_354, %dma_wait3A_378] : memref<16x84x120xi32, #tpu.memory_space<hbm>> -> memref<1x1x120xi32, #tpu.memory_space<hbm>>
        %dma_wait3A_380 = tpu.memref_squeeze %dma_wait3A_379 : memref<1x1x120xi32, #tpu.memory_space<hbm>> -> memref<120xi32, #tpu.memory_space<hbm>>
        tpu.wait_dma2 semaphore(%arg15 : memref<!tpu.dma_semaphore, #tpu.memory_space<semaphore_mem>>) src(%dma_wait3A_380 : memref<120xi32, #tpu.memory_space<hbm>>) dst(%dma_wait3A_377 : memref<120xi32, #tpu.memory_space<vmem>>)
        %ge3A = arith.constant 1 : i32
        %ge3A_381 = arith.cmpi sge, %add3A_260, %ge3A : i32
        %convert_element_type3A_382 = arith.extui %ge3A_381 : i1 to i32
        %cond3A_383 = arith.constant 0 : i32
        %cond3A_384 = arith.cmpi ne, %convert_element_type3A_382, %cond3A_383 : i32
        scf.if %cond3A_384 {
          %dma_wait3A_397 = arith.constant 1 : i32
          %dma_wait3A_398 = arith.constant 1 : i32
          %dma_wait3A_399 = arith.constant 0 : i32
          %dma_wait3A_400 = arith.constant 0 : i32
          %dma_wait3A_401 = tpu.memref_slice %arg10[%dma_wait3A_397, %dma_wait3A_399, %dma_wait3A_400] : memref<3x120x128xf32, #tpu.memory_space<vmem>> -> memref<1x120x128xf32, #tpu.memory_space<vmem>>
          %dma_wait3A_402 = tpu.memref_squeeze %dma_wait3A_401 : memref<1x120x128xf32, #tpu.memory_space<vmem>> -> memref<120x128xf32, #tpu.memory_space<vmem>>
          %dma_wait3A_403 = arith.constant 0 : i32
          %dma_wait3A_404 = tpu.memref_slice %arg9[%dma_wait3A_398, %dma_wait3A_403] : memref<6x120xi32, #tpu.memory_space<vmem>> -> memref<1x120xi32, #tpu.memory_space<vmem>>
          %dma_wait3A_405 = tpu.memref_squeeze %dma_wait3A_404 : memref<1x120xi32, #tpu.memory_space<vmem>> -> memref<120xi32, #tpu.memory_space<vmem>>
          %dma_wait3A_406 = arith.constant 0 : i32
          %dma_wait3A_407 = arith.constant 0 : i32
          %dma_wait3A_408 = tpu.memref_slice %arg7[%dma_wait3A_406, %dma_wait3A_407] : memref<10112x128xf32, #tpu.memory_space<vmem_shared>> -> memref<10112x128xf32, #tpu.memory_space<vmem_shared>>
          tpu.wait_indirect_dma semaphore(%arg18 : memref<!tpu.dma_semaphore, #tpu.memory_space<semaphore_mem>>) src(%dma_wait3A_402 : memref<120x128xf32, #tpu.memory_space<vmem>>) dst(%dma_wait3A_408 : memref<10112x128xf32, #tpu.memory_space<vmem_shared>>)
        } else {
        }
        %dma_start3A_385 = arith.constant 4 : i32
        %dma_start3A_386 = arith.constant 1 : i32
        %dma_start3A_387 = arith.constant 0 : i32
        %dma_start3A_388 = arith.constant 0 : i32
        %dma_start3A_389 = tpu.memref_slice %arg10[%dma_start3A_386, %dma_start3A_387, %dma_start3A_388] : memref<3x120x128xf32, #tpu.memory_space<vmem>> -> memref<1x120x128xf32, #tpu.memory_space<vmem>>
        %dma_start3A_390 = tpu.memref_squeeze %dma_start3A_389 : memref<1x120x128xf32, #tpu.memory_space<vmem>> -> memref<120x128xf32, #tpu.memory_space<vmem>>
        %dma_start3A_391 = arith.constant 0 : i32
        %dma_start3A_392 = tpu.memref_slice %arg8[%dma_start3A_385, %dma_start3A_391] : memref<6x120xi32, #tpu.memory_space<vmem>> -> memref<1x120xi32, #tpu.memory_space<vmem>>
        %dma_start3A_393 = tpu.memref_squeeze %dma_start3A_392 : memref<1x120xi32, #tpu.memory_space<vmem>> -> memref<120xi32, #tpu.memory_space<vmem>>
        %dma_start3A_394 = arith.constant 0 : i32
        %dma_start3A_395 = arith.constant 0 : i32
        %dma_start3A_396 = tpu.memref_slice %arg2[%dma_start3A_394, %dma_start3A_395] : memref<20000x128xf32, #tpu.memory_space<hbm>> -> memref<20000x128xf32, #tpu.memory_space<hbm>>
        tpu.enqueue_indirect_dma source(%dma_start3A_396 : memref<20000x128xf32, #tpu.memory_space<hbm>>) target(%dma_start3A_390 : memref<120x128xf32, #tpu.memory_space<vmem>>) offsets(%dma_start3A_393 : memref<120xi32, #tpu.memory_space<vmem>>) semaphore(%arg12 : memref<!tpu.dma_semaphore, #tpu.memory_space<semaphore_mem>>)
      } else {
      }
      %lt3A_270 = arith.constant 84 : i32
      %lt3A_271 = arith.cmpi slt, %add3A_260, %lt3A_270 : i32
      %convert_element_type3A_272 = arith.extui %lt3A_271 : i1 to i32
      %cond3A_273 = arith.constant 0 : i32
      %cond3A_274 = arith.cmpi ne, %convert_element_type3A_272, %cond3A_273 : i32
      scf.if %cond3A_274 {
        %dma_wait3A_351 = arith.constant 2 : i32
        %dma_wait3A_352 = arith.constant 2 : i32
        %dma_wait3A_353 = arith.constant 0 : i32
        %dma_wait3A_354 = arith.constant 0 : i32
        %dma_wait3A_355 = tpu.memref_slice %arg10[%dma_wait3A_352, %dma_wait3A_353, %dma_wait3A_354] : memref<3x120x128xf32, #tpu.memory_space<vmem>> -> memref<1x120x128xf32, #tpu.memory_space<vmem>>
        %dma_wait3A_356 = tpu.memref_squeeze %dma_wait3A_355 : memref<1x120x128xf32, #tpu.memory_space<vmem>> -> memref<120x128xf32, #tpu.memory_space<vmem>>
        %dma_wait3A_357 = arith.constant 0 : i32
        %dma_wait3A_358 = tpu.memref_slice %arg8[%dma_wait3A_351, %dma_wait3A_357] : memref<6x120xi32, #tpu.memory_space<vmem>> -> memref<1x120xi32, #tpu.memory_space<vmem>>
        %dma_wait3A_359 = tpu.memref_squeeze %dma_wait3A_358 : memref<1x120xi32, #tpu.memory_space<vmem>> -> memref<120xi32, #tpu.memory_space<vmem>>
        %dma_wait3A_360 = arith.constant 0 : i32
        %dma_wait3A_361 = arith.constant 0 : i32
        %dma_wait3A_362 = tpu.memref_slice %arg2[%dma_wait3A_360, %dma_wait3A_361] : memref<20000x128xf32, #tpu.memory_space<hbm>> -> memref<20000x128xf32, #tpu.memory_space<hbm>>
        tpu.wait_indirect_dma semaphore(%arg13 : memref<!tpu.dma_semaphore, #tpu.memory_space<semaphore_mem>>) src(%dma_wait3A_362 : memref<20000x128xf32, #tpu.memory_space<hbm>>) dst(%dma_wait3A_356 : memref<120x128xf32, #tpu.memory_space<vmem>>)
        %dma_start3A_363 = arith.constant 2 : i32
        %dma_start3A_364 = arith.constant 2 : i32
        %dma_start3A_365 = arith.constant 0 : i32
        %dma_start3A_366 = arith.constant 0 : i32
        %dma_start3A_367 = tpu.memref_slice %arg10[%dma_start3A_363, %dma_start3A_365, %dma_start3A_366] : memref<3x120x128xf32, #tpu.memory_space<vmem>> -> memref<1x120x128xf32, #tpu.memory_space<vmem>>
        %dma_start3A_368 = tpu.memref_squeeze %dma_start3A_367 : memref<1x120x128xf32, #tpu.memory_space<vmem>> -> memref<120x128xf32, #tpu.memory_space<vmem>>
        %dma_start3A_369 = arith.constant 0 : i32
        %dma_start3A_370 = tpu.memref_slice %arg9[%dma_start3A_364, %dma_start3A_369] : memref<6x120xi32, #tpu.memory_space<vmem>> -> memref<1x120xi32, #tpu.memory_space<vmem>>
        %dma_start3A_371 = tpu.memref_squeeze %dma_start3A_370 : memref<1x120xi32, #tpu.memory_space<vmem>> -> memref<120xi32, #tpu.memory_space<vmem>>
        %dma_start3A_372 = arith.constant 0 : i32
        %dma_start3A_373 = arith.constant 0 : i32
        %dma_start3A_374 = tpu.memref_slice %arg7[%dma_start3A_372, %dma_start3A_373] : memref<10112x128xf32, #tpu.memory_space<vmem_shared>> -> memref<10112x128xf32, #tpu.memory_space<vmem_shared>>
        tpu.enqueue_indirect_dma source(%dma_start3A_368 : memref<120x128xf32, #tpu.memory_space<vmem>>) target(%dma_start3A_374 : memref<10112x128xf32, #tpu.memory_space<vmem_shared>>) offsets(%dma_start3A_371 : memref<120xi32, #tpu.memory_space<vmem>>) semaphore(%arg19 : memref<!tpu.dma_semaphore, #tpu.memory_space<semaphore_mem>>) {add = true}
      } else {
      }
      %add3A_275 = arith.constant 3 : i32
      %add3A_276 = arith.addi %add3A_260, %add3A_275 : i32
      %lt3A_277 = arith.constant 84 : i32
      %lt3A_278 = arith.cmpi slt, %add3A_276, %lt3A_277 : i32
      %convert_element_type3A_279 = arith.extui %lt3A_278 : i1 to i32
      %cond3A_280 = arith.constant 0 : i32
      %cond3A_281 = arith.cmpi ne, %convert_element_type3A_279, %cond3A_280 : i32
      scf.if %cond3A_281 {
        %add3A_351 = arith.constant 3 : i32
        %add3A_352 = arith.addi %add3A_260, %add3A_351 : i32
        %dma_start3A_353 = arith.constant 5 : i32
        %dma_start3A_354 = arith.constant 0 : i32
        %dma_start3A_355 = tpu.memref_slice %arg8[%dma_start3A_353, %dma_start3A_354] : memref<6x120xi32, #tpu.memory_space<vmem>> -> memref<1x120xi32, #tpu.memory_space<vmem>>
        %dma_start3A_356 = tpu.memref_squeeze %dma_start3A_355 : memref<1x120xi32, #tpu.memory_space<vmem>> -> memref<120xi32, #tpu.memory_space<vmem>>
        %dma_start3A_357 = arith.constant 0 : i32
        %dma_start3A_358 = tpu.memref_slice %arg3[%arg0, %arg1, %add3A_352, %dma_start3A_357] : memref<2x16x84x120xi32, #tpu.memory_space<hbm>> -> memref<1x1x1x120xi32, #tpu.memory_space<hbm>>
        %dma_start3A_359 = tpu.memref_squeeze %dma_start3A_358 : memref<1x1x1x120xi32, #tpu.memory_space<hbm>> -> memref<120xi32, #tpu.memory_space<hbm>>
        %dma_start3A_360 = arith.constant 0 : i32
        %dma_start3A_361 = tpu.memref_slice %arg8[%dma_start3A_353, %dma_start3A_360] : memref<6x120xi32, #tpu.memory_space<vmem>> -> memref<1x120xi32, #tpu.memory_space<vmem>>
        %dma_start3A_362 = tpu.memref_squeeze %dma_start3A_361 : memref<1x120xi32, #tpu.memory_space<vmem>> -> memref<120xi32, #tpu.memory_space<vmem>>
        %dma_start3A_363 = arith.constant 0 : i32
        %dma_start3A_364 = tpu.memref_slice %arg3[%arg0, %arg1, %add3A_352, %dma_start3A_363] : memref<2x16x84x120xi32, #tpu.memory_space<hbm>> -> memref<1x1x1x120xi32, #tpu.memory_space<hbm>>
        %dma_start3A_365 = tpu.memref_squeeze %dma_start3A_364 : memref<1x1x1x120xi32, #tpu.memory_space<hbm>> -> memref<120xi32, #tpu.memory_space<hbm>>
        tpu.enqueue_dma source(%dma_start3A_365 : memref<120xi32, #tpu.memory_space<hbm>>) target(%dma_start3A_362 : memref<120xi32, #tpu.memory_space<vmem>>) target_semaphore(%arg16 : memref<!tpu.dma_semaphore, #tpu.memory_space<semaphore_mem>>)
        %dma_start3A_366 = arith.constant 5 : i32
        %dma_start3A_367 = arith.constant 0 : i32
        %dma_start3A_368 = tpu.memref_slice %arg9[%dma_start3A_366, %dma_start3A_367] : memref<6x120xi32, #tpu.memory_space<vmem>> -> memref<1x120xi32, #tpu.memory_space<vmem>>
        %dma_start3A_369 = tpu.memref_squeeze %dma_start3A_368 : memref<1x120xi32, #tpu.memory_space<vmem>> -> memref<120xi32, #tpu.memory_space<vmem>>
        %dma_start3A_370 = arith.constant 0 : i32
        %dma_start3A_371 = tpu.memref_slice %arg4[%arg1, %add3A_352, %dma_start3A_370] : memref<16x84x120xi32, #tpu.memory_space<hbm>> -> memref<1x1x120xi32, #tpu.memory_space<hbm>>
        %dma_start3A_372 = tpu.memref_squeeze %dma_start3A_371 : memref<1x1x120xi32, #tpu.memory_space<hbm>> -> memref<120xi32, #tpu.memory_space<hbm>>
        %dma_start3A_373 = arith.constant 0 : i32
        %dma_start3A_374 = tpu.memref_slice %arg9[%dma_start3A_366, %dma_start3A_373] : memref<6x120xi32, #tpu.memory_space<vmem>> -> memref<1x120xi32, #tpu.memory_space<vmem>>
        %dma_start3A_375 = tpu.memref_squeeze %dma_start3A_374 : memref<1x120xi32, #tpu.memory_space<vmem>> -> memref<120xi32, #tpu.memory_space<vmem>>
        %dma_start3A_376 = arith.constant 0 : i32
        %dma_start3A_377 = tpu.memref_slice %arg4[%arg1, %add3A_352, %dma_start3A_376] : memref<16x84x120xi32, #tpu.memory_space<hbm>> -> memref<1x1x120xi32, #tpu.memory_space<hbm>>
        %dma_start3A_378 = tpu.memref_squeeze %dma_start3A_377 : memref<1x1x120xi32, #tpu.memory_space<hbm>> -> memref<120xi32, #tpu.memory_space<hbm>>
        tpu.enqueue_dma source(%dma_start3A_378 : memref<120xi32, #tpu.memory_space<hbm>>) target(%dma_start3A_375 : memref<120xi32, #tpu.memory_space<vmem>>) target_semaphore(%arg16 : memref<!tpu.dma_semaphore, #tpu.memory_space<semaphore_mem>>)
      } else {
      }
      %add3A_282 = arith.constant 3 : i32
      %add3A_283 = arith.addi %add3A_216, %add3A_282 : i32
      %add3A_284 = arith.constant 3 : i32
      %add3A_285 = arith.addi %add3A_283, %add3A_284 : i32
      %sub3A_286 = arith.constant 1 : i32
      %sub3A_287 = arith.subi %add3A_285, %sub3A_286 : i32
      %lt3A_288 = arith.constant 84 : i32
      %lt3A_289 = arith.cmpi slt, %sub3A_287, %lt3A_288 : i32
      %convert_element_type3A_290 = arith.extui %lt3A_289 : i1 to i32
      %cond3A_291 = arith.constant 0 : i32
      %cond3A_292 = arith.cmpi ne, %convert_element_type3A_290, %cond3A_291 : i32
      scf.if %cond3A_292 {
        %add3A_351 = arith.constant 3 : i32
        %add3A_352 = arith.addi %add3A_283, %add3A_351 : i32
        %sub3A_353 = arith.constant 1 : i32
        %sub3A_354 = arith.subi %add3A_352, %sub3A_353 : i32
        %dma_wait3A_355 = arith.constant 5 : i32
        %dma_wait3A_356 = arith.constant 0 : i32
        %dma_wait3A_357 = tpu.memref_slice %arg8[%dma_wait3A_355, %dma_wait3A_356] : memref<6x120xi32, #tpu.memory_space<vmem>> -> memref<1x120xi32, #tpu.memory_space<vmem>>
        %dma_wait3A_358 = tpu.memref_squeeze %dma_wait3A_357 : memref<1x120xi32, #tpu.memory_space<vmem>> -> memref<120xi32, #tpu.memory_space<vmem>>
        %dma_wait3A_359 = arith.constant 0 : i32
        %dma_wait3A_360 = tpu.memref_slice %arg3[%arg0, %arg1, %sub3A_354, %dma_wait3A_359] : memref<2x16x84x120xi32, #tpu.memory_space<hbm>> -> memref<1x1x1x120xi32, #tpu.memory_space<hbm>>
        %dma_wait3A_361 = tpu.memref_squeeze %dma_wait3A_360 : memref<1x1x1x120xi32, #tpu.memory_space<hbm>> -> memref<120xi32, #tpu.memory_space<hbm>>
        %dma_wait3A_362 = arith.constant 0 : i32
        %dma_wait3A_363 = tpu.memref_slice %arg8[%dma_wait3A_355, %dma_wait3A_362] : memref<6x120xi32, #tpu.memory_space<vmem>> -> memref<1x120xi32, #tpu.memory_space<vmem>>
        %dma_wait3A_364 = tpu.memref_squeeze %dma_wait3A_363 : memref<1x120xi32, #tpu.memory_space<vmem>> -> memref<120xi32, #tpu.memory_space<vmem>>
        %dma_wait3A_365 = arith.constant 0 : i32
        %dma_wait3A_366 = tpu.memref_slice %arg3[%arg0, %arg1, %sub3A_354, %dma_wait3A_365] : memref<2x16x84x120xi32, #tpu.memory_space<hbm>> -> memref<1x1x1x120xi32, #tpu.memory_space<hbm>>
        %dma_wait3A_367 = tpu.memref_squeeze %dma_wait3A_366 : memref<1x1x1x120xi32, #tpu.memory_space<hbm>> -> memref<120xi32, #tpu.memory_space<hbm>>
        tpu.wait_dma2 semaphore(%arg16 : memref<!tpu.dma_semaphore, #tpu.memory_space<semaphore_mem>>) src(%dma_wait3A_367 : memref<120xi32, #tpu.memory_space<hbm>>) dst(%dma_wait3A_364 : memref<120xi32, #tpu.memory_space<vmem>>)
        %dma_wait3A_368 = arith.constant 5 : i32
        %dma_wait3A_369 = arith.constant 0 : i32
        %dma_wait3A_370 = tpu.memref_slice %arg9[%dma_wait3A_368, %dma_wait3A_369] : memref<6x120xi32, #tpu.memory_space<vmem>> -> memref<1x120xi32, #tpu.memory_space<vmem>>
        %dma_wait3A_371 = tpu.memref_squeeze %dma_wait3A_370 : memref<1x120xi32, #tpu.memory_space<vmem>> -> memref<120xi32, #tpu.memory_space<vmem>>
        %dma_wait3A_372 = arith.constant 0 : i32
        %dma_wait3A_373 = tpu.memref_slice %arg4[%arg1, %sub3A_354, %dma_wait3A_372] : memref<16x84x120xi32, #tpu.memory_space<hbm>> -> memref<1x1x120xi32, #tpu.memory_space<hbm>>
        %dma_wait3A_374 = tpu.memref_squeeze %dma_wait3A_373 : memref<1x1x120xi32, #tpu.memory_space<hbm>> -> memref<120xi32, #tpu.memory_space<hbm>>
        %dma_wait3A_375 = arith.constant 0 : i32
        %dma_wait3A_376 = tpu.memref_slice %arg9[%dma_wait3A_368, %dma_wait3A_375] : memref<6x120xi32, #tpu.memory_space<vmem>> -> memref<1x120xi32, #tpu.memory_space<vmem>>
        %dma_wait3A_377 = tpu.memref_squeeze %dma_wait3A_376 : memref<1x120xi32, #tpu.memory_space<vmem>> -> memref<120xi32, #tpu.memory_space<vmem>>
        %dma_wait3A_378 = arith.constant 0 : i32
        %dma_wait3A_379 = tpu.memref_slice %arg4[%arg1, %sub3A_354, %dma_wait3A_378] : memref<16x84x120xi32, #tpu.memory_space<hbm>> -> memref<1x1x120xi32, #tpu.memory_space<hbm>>
        %dma_wait3A_380 = tpu.memref_squeeze %dma_wait3A_379 : memref<1x1x120xi32, #tpu.memory_space<hbm>> -> memref<120xi32, #tpu.memory_space<hbm>>
        tpu.wait_dma2 semaphore(%arg16 : memref<!tpu.dma_semaphore, #tpu.memory_space<semaphore_mem>>) src(%dma_wait3A_380 : memref<120xi32, #tpu.memory_space<hbm>>) dst(%dma_wait3A_377 : memref<120xi32, #tpu.memory_space<vmem>>)
        %ge3A = arith.constant 1 : i32
        %ge3A_381 = arith.cmpi sge, %add3A_283, %ge3A : i32
        %convert_element_type3A_382 = arith.extui %ge3A_381 : i1 to i32
        %cond3A_383 = arith.constant 0 : i32
        %cond3A_384 = arith.cmpi ne, %convert_element_type3A_382, %cond3A_383 : i32
        scf.if %cond3A_384 {
          %dma_wait3A_397 = arith.constant 2 : i32
          %dma_wait3A_398 = arith.constant 2 : i32
          %dma_wait3A_399 = arith.constant 0 : i32
          %dma_wait3A_400 = arith.constant 0 : i32
          %dma_wait3A_401 = tpu.memref_slice %arg10[%dma_wait3A_397, %dma_wait3A_399, %dma_wait3A_400] : memref<3x120x128xf32, #tpu.memory_space<vmem>> -> memref<1x120x128xf32, #tpu.memory_space<vmem>>
          %dma_wait3A_402 = tpu.memref_squeeze %dma_wait3A_401 : memref<1x120x128xf32, #tpu.memory_space<vmem>> -> memref<120x128xf32, #tpu.memory_space<vmem>>
          %dma_wait3A_403 = arith.constant 0 : i32
          %dma_wait3A_404 = tpu.memref_slice %arg9[%dma_wait3A_398, %dma_wait3A_403] : memref<6x120xi32, #tpu.memory_space<vmem>> -> memref<1x120xi32, #tpu.memory_space<vmem>>
          %dma_wait3A_405 = tpu.memref_squeeze %dma_wait3A_404 : memref<1x120xi32, #tpu.memory_space<vmem>> -> memref<120xi32, #tpu.memory_space<vmem>>
          %dma_wait3A_406 = arith.constant 0 : i32
          %dma_wait3A_407 = arith.constant 0 : i32
          %dma_wait3A_408 = tpu.memref_slice %arg7[%dma_wait3A_406, %dma_wait3A_407] : memref<10112x128xf32, #tpu.memory_space<vmem_shared>> -> memref<10112x128xf32, #tpu.memory_space<vmem_shared>>
          tpu.wait_indirect_dma semaphore(%arg19 : memref<!tpu.dma_semaphore, #tpu.memory_space<semaphore_mem>>) src(%dma_wait3A_402 : memref<120x128xf32, #tpu.memory_space<vmem>>) dst(%dma_wait3A_408 : memref<10112x128xf32, #tpu.memory_space<vmem_shared>>)
        } else {
        }
        %dma_start3A_385 = arith.constant 5 : i32
        %dma_start3A_386 = arith.constant 2 : i32
        %dma_start3A_387 = arith.constant 0 : i32
        %dma_start3A_388 = arith.constant 0 : i32
        %dma_start3A_389 = tpu.memref_slice %arg10[%dma_start3A_386, %dma_start3A_387, %dma_start3A_388] : memref<3x120x128xf32, #tpu.memory_space<vmem>> -> memref<1x120x128xf32, #tpu.memory_space<vmem>>
        %dma_start3A_390 = tpu.memref_squeeze %dma_start3A_389 : memref<1x120x128xf32, #tpu.memory_space<vmem>> -> memref<120x128xf32, #tpu.memory_space<vmem>>
        %dma_start3A_391 = arith.constant 0 : i32
        %dma_start3A_392 = tpu.memref_slice %arg8[%dma_start3A_385, %dma_start3A_391] : memref<6x120xi32, #tpu.memory_space<vmem>> -> memref<1x120xi32, #tpu.memory_space<vmem>>
        %dma_start3A_393 = tpu.memref_squeeze %dma_start3A_392 : memref<1x120xi32, #tpu.memory_space<vmem>> -> memref<120xi32, #tpu.memory_space<vmem>>
        %dma_start3A_394 = arith.constant 0 : i32
        %dma_start3A_395 = arith.constant 0 : i32
        %dma_start3A_396 = tpu.memref_slice %arg2[%dma_start3A_394, %dma_start3A_395] : memref<20000x128xf32, #tpu.memory_space<hbm>> -> memref<20000x128xf32, #tpu.memory_space<hbm>>
        tpu.enqueue_indirect_dma source(%dma_start3A_396 : memref<20000x128xf32, #tpu.memory_space<hbm>>) target(%dma_start3A_390 : memref<120x128xf32, #tpu.memory_space<vmem>>) offsets(%dma_start3A_393 : memref<120xi32, #tpu.memory_space<vmem>>) semaphore(%arg13 : memref<!tpu.dma_semaphore, #tpu.memory_space<semaphore_mem>>)
      } else {
      }
      %lt3A_293 = arith.constant 84 : i32
      %lt3A_294 = arith.cmpi slt, %add3A_283, %lt3A_293 : i32
      %convert_element_type3A_295 = arith.extui %lt3A_294 : i1 to i32
      %cond3A_296 = arith.constant 0 : i32
      %cond3A_297 = arith.cmpi ne, %convert_element_type3A_295, %cond3A_296 : i32
      scf.if %cond3A_297 {
        %dma_wait3A_351 = arith.constant 3 : i32
        %dma_wait3A_352 = arith.constant 0 : i32
        %dma_wait3A_353 = arith.constant 0 : i32
        %dma_wait3A_354 = arith.constant 0 : i32
        %dma_wait3A_355 = tpu.memref_slice %arg10[%dma_wait3A_352, %dma_wait3A_353, %dma_wait3A_354] : memref<3x120x128xf32, #tpu.memory_space<vmem>> -> memref<1x120x128xf32, #tpu.memory_space<vmem>>
        %dma_wait3A_356 = tpu.memref_squeeze %dma_wait3A_355 : memref<1x120x128xf32, #tpu.memory_space<vmem>> -> memref<120x128xf32, #tpu.memory_space<vmem>>
        %dma_wait3A_357 = arith.constant 0 : i32
        %dma_wait3A_358 = tpu.memref_slice %arg8[%dma_wait3A_351, %dma_wait3A_357] : memref<6x120xi32, #tpu.memory_space<vmem>> -> memref<1x120xi32, #tpu.memory_space<vmem>>
        %dma_wait3A_359 = tpu.memref_squeeze %dma_wait3A_358 : memref<1x120xi32, #tpu.memory_space<vmem>> -> memref<120xi32, #tpu.memory_space<vmem>>
        %dma_wait3A_360 = arith.constant 0 : i32
        %dma_wait3A_361 = arith.constant 0 : i32
        %dma_wait3A_362 = tpu.memref_slice %arg2[%dma_wait3A_360, %dma_wait3A_361] : memref<20000x128xf32, #tpu.memory_space<hbm>> -> memref<20000x128xf32, #tpu.memory_space<hbm>>
        tpu.wait_indirect_dma semaphore(%arg11 : memref<!tpu.dma_semaphore, #tpu.memory_space<semaphore_mem>>) src(%dma_wait3A_362 : memref<20000x128xf32, #tpu.memory_space<hbm>>) dst(%dma_wait3A_356 : memref<120x128xf32, #tpu.memory_space<vmem>>)
        %dma_start3A_363 = arith.constant 0 : i32
        %dma_start3A_364 = arith.constant 3 : i32
        %dma_start3A_365 = arith.constant 0 : i32
        %dma_start3A_366 = arith.constant 0 : i32
        %dma_start3A_367 = tpu.memref_slice %arg10[%dma_start3A_363, %dma_start3A_365, %dma_start3A_366] : memref<3x120x128xf32, #tpu.memory_space<vmem>> -> memref<1x120x128xf32, #tpu.memory_space<vmem>>
        %dma_start3A_368 = tpu.memref_squeeze %dma_start3A_367 : memref<1x120x128xf32, #tpu.memory_space<vmem>> -> memref<120x128xf32, #tpu.memory_space<vmem>>
        %dma_start3A_369 = arith.constant 0 : i32
        %dma_start3A_370 = tpu.memref_slice %arg9[%dma_start3A_364, %dma_start3A_369] : memref<6x120xi32, #tpu.memory_space<vmem>> -> memref<1x120xi32, #tpu.memory_space<vmem>>
        %dma_start3A_371 = tpu.memref_squeeze %dma_start3A_370 : memref<1x120xi32, #tpu.memory_space<vmem>> -> memref<120xi32, #tpu.memory_space<vmem>>
        %dma_start3A_372 = arith.constant 0 : i32
        %dma_start3A_373 = arith.constant 0 : i32
        %dma_start3A_374 = tpu.memref_slice %arg7[%dma_start3A_372, %dma_start3A_373] : memref<10112x128xf32, #tpu.memory_space<vmem_shared>> -> memref<10112x128xf32, #tpu.memory_space<vmem_shared>>
        tpu.enqueue_indirect_dma source(%dma_start3A_368 : memref<120x128xf32, #tpu.memory_space<vmem>>) target(%dma_start3A_374 : memref<10112x128xf32, #tpu.memory_space<vmem_shared>>) offsets(%dma_start3A_371 : memref<120xi32, #tpu.memory_space<vmem>>) semaphore(%arg17 : memref<!tpu.dma_semaphore, #tpu.memory_space<semaphore_mem>>) {add = true}
      } else {
      }
      %add3A_298 = arith.constant 3 : i32
      %add3A_299 = arith.addi %add3A_283, %add3A_298 : i32
      %lt3A_300 = arith.constant 84 : i32
      %lt3A_301 = arith.cmpi slt, %add3A_299, %lt3A_300 : i32
      %convert_element_type3A_302 = arith.extui %lt3A_301 : i1 to i32
      %cond3A_303 = arith.constant 0 : i32
      %cond3A_304 = arith.cmpi ne, %convert_element_type3A_302, %cond3A_303 : i32
      scf.if %cond3A_304 {
        %add3A_351 = arith.constant 3 : i32
        %add3A_352 = arith.addi %add3A_283, %add3A_351 : i32
        %dma_start3A_353 = arith.constant 0 : i32
        %dma_start3A_354 = arith.constant 0 : i32
        %dma_start3A_355 = tpu.memref_slice %arg8[%dma_start3A_353, %dma_start3A_354] : memref<6x120xi32, #tpu.memory_space<vmem>> -> memref<1x120xi32, #tpu.memory_space<vmem>>
        %dma_start3A_356 = tpu.memref_squeeze %dma_start3A_355 : memref<1x120xi32, #tpu.memory_space<vmem>> -> memref<120xi32, #tpu.memory_space<vmem>>
        %dma_start3A_357 = arith.constant 0 : i32
        %dma_start3A_358 = tpu.memref_slice %arg3[%arg0, %arg1, %add3A_352, %dma_start3A_357] : memref<2x16x84x120xi32, #tpu.memory_space<hbm>> -> memref<1x1x1x120xi32, #tpu.memory_space<hbm>>
        %dma_start3A_359 = tpu.memref_squeeze %dma_start3A_358 : memref<1x1x1x120xi32, #tpu.memory_space<hbm>> -> memref<120xi32, #tpu.memory_space<hbm>>
        %dma_start3A_360 = arith.constant 0 : i32
        %dma_start3A_361 = tpu.memref_slice %arg8[%dma_start3A_353, %dma_start3A_360] : memref<6x120xi32, #tpu.memory_space<vmem>> -> memref<1x120xi32, #tpu.memory_space<vmem>>
        %dma_start3A_362 = tpu.memref_squeeze %dma_start3A_361 : memref<1x120xi32, #tpu.memory_space<vmem>> -> memref<120xi32, #tpu.memory_space<vmem>>
        %dma_start3A_363 = arith.constant 0 : i32
        %dma_start3A_364 = tpu.memref_slice %arg3[%arg0, %arg1, %add3A_352, %dma_start3A_363] : memref<2x16x84x120xi32, #tpu.memory_space<hbm>> -> memref<1x1x1x120xi32, #tpu.memory_space<hbm>>
        %dma_start3A_365 = tpu.memref_squeeze %dma_start3A_364 : memref<1x1x1x120xi32, #tpu.memory_space<hbm>> -> memref<120xi32, #tpu.memory_space<hbm>>
        tpu.enqueue_dma source(%dma_start3A_365 : memref<120xi32, #tpu.memory_space<hbm>>) target(%dma_start3A_362 : memref<120xi32, #tpu.memory_space<vmem>>) target_semaphore(%arg14 : memref<!tpu.dma_semaphore, #tpu.memory_space<semaphore_mem>>)
        %dma_start3A_366 = arith.constant 0 : i32
        %dma_start3A_367 = arith.constant 0 : i32
        %dma_start3A_368 = tpu.memref_slice %arg9[%dma_start3A_366, %dma_start3A_367] : memref<6x120xi32, #tpu.memory_space<vmem>> -> memref<1x120xi32, #tpu.memory_space<vmem>>
        %dma_start3A_369 = tpu.memref_squeeze %dma_start3A_368 : memref<1x120xi32, #tpu.memory_space<vmem>> -> memref<120xi32, #tpu.memory_space<vmem>>
        %dma_start3A_370 = arith.constant 0 : i32
        %dma_start3A_371 = tpu.memref_slice %arg4[%arg1, %add3A_352, %dma_start3A_370] : memref<16x84x120xi32, #tpu.memory_space<hbm>> -> memref<1x1x120xi32, #tpu.memory_space<hbm>>
        %dma_start3A_372 = tpu.memref_squeeze %dma_start3A_371 : memref<1x1x120xi32, #tpu.memory_space<hbm>> -> memref<120xi32, #tpu.memory_space<hbm>>
        %dma_start3A_373 = arith.constant 0 : i32
        %dma_start3A_374 = tpu.memref_slice %arg9[%dma_start3A_366, %dma_start3A_373] : memref<6x120xi32, #tpu.memory_space<vmem>> -> memref<1x120xi32, #tpu.memory_space<vmem>>
        %dma_start3A_375 = tpu.memref_squeeze %dma_start3A_374 : memref<1x120xi32, #tpu.memory_space<vmem>> -> memref<120xi32, #tpu.memory_space<vmem>>
        %dma_start3A_376 = arith.constant 0 : i32
        %dma_start3A_377 = tpu.memref_slice %arg4[%arg1, %add3A_352, %dma_start3A_376] : memref<16x84x120xi32, #tpu.memory_space<hbm>> -> memref<1x1x120xi32, #tpu.memory_space<hbm>>
        %dma_start3A_378 = tpu.memref_squeeze %dma_start3A_377 : memref<1x1x120xi32, #tpu.memory_space<hbm>> -> memref<120xi32, #tpu.memory_space<hbm>>
        tpu.enqueue_dma source(%dma_start3A_378 : memref<120xi32, #tpu.memory_space<hbm>>) target(%dma_start3A_375 : memref<120xi32, #tpu.memory_space<vmem>>) target_semaphore(%arg14 : memref<!tpu.dma_semaphore, #tpu.memory_space<semaphore_mem>>)
      } else {
      }
      %add3A_305 = arith.constant 4 : i32
      %add3A_306 = arith.addi %add3A_216, %add3A_305 : i32
      %add3A_307 = arith.constant 3 : i32
      %add3A_308 = arith.addi %add3A_306, %add3A_307 : i32
      %sub3A_309 = arith.constant 1 : i32
      %sub3A_310 = arith.subi %add3A_308, %sub3A_309 : i32
      %lt3A_311 = arith.constant 84 : i32
      %lt3A_312 = arith.cmpi slt, %sub3A_310, %lt3A_311 : i32
      %convert_element_type3A_313 = arith.extui %lt3A_312 : i1 to i32
      %cond3A_314 = arith.constant 0 : i32
      %cond3A_315 = arith.cmpi ne, %convert_element_type3A_313, %cond3A_314 : i32
      scf.if %cond3A_315 {
        %add3A_351 = arith.constant 3 : i32
        %add3A_352 = arith.addi %add3A_306, %add3A_351 : i32
        %sub3A_353 = arith.constant 1 : i32
        %sub3A_354 = arith.subi %add3A_352, %sub3A_353 : i32
        %dma_wait3A_355 = arith.constant 0 : i32
        %dma_wait3A_356 = arith.constant 0 : i32
        %dma_wait3A_357 = tpu.memref_slice %arg8[%dma_wait3A_355, %dma_wait3A_356] : memref<6x120xi32, #tpu.memory_space<vmem>> -> memref<1x120xi32, #tpu.memory_space<vmem>>
        %dma_wait3A_358 = tpu.memref_squeeze %dma_wait3A_357 : memref<1x120xi32, #tpu.memory_space<vmem>> -> memref<120xi32, #tpu.memory_space<vmem>>
        %dma_wait3A_359 = arith.constant 0 : i32
        %dma_wait3A_360 = tpu.memref_slice %arg3[%arg0, %arg1, %sub3A_354, %dma_wait3A_359] : memref<2x16x84x120xi32, #tpu.memory_space<hbm>> -> memref<1x1x1x120xi32, #tpu.memory_space<hbm>>
        %dma_wait3A_361 = tpu.memref_squeeze %dma_wait3A_360 : memref<1x1x1x120xi32, #tpu.memory_space<hbm>> -> memref<120xi32, #tpu.memory_space<hbm>>
        %dma_wait3A_362 = arith.constant 0 : i32
        %dma_wait3A_363 = tpu.memref_slice %arg8[%dma_wait3A_355, %dma_wait3A_362] : memref<6x120xi32, #tpu.memory_space<vmem>> -> memref<1x120xi32, #tpu.memory_space<vmem>>
        %dma_wait3A_364 = tpu.memref_squeeze %dma_wait3A_363 : memref<1x120xi32, #tpu.memory_space<vmem>> -> memref<120xi32, #tpu.memory_space<vmem>>
        %dma_wait3A_365 = arith.constant 0 : i32
        %dma_wait3A_366 = tpu.memref_slice %arg3[%arg0, %arg1, %sub3A_354, %dma_wait3A_365] : memref<2x16x84x120xi32, #tpu.memory_space<hbm>> -> memref<1x1x1x120xi32, #tpu.memory_space<hbm>>
        %dma_wait3A_367 = tpu.memref_squeeze %dma_wait3A_366 : memref<1x1x1x120xi32, #tpu.memory_space<hbm>> -> memref<120xi32, #tpu.memory_space<hbm>>
        tpu.wait_dma2 semaphore(%arg14 : memref<!tpu.dma_semaphore, #tpu.memory_space<semaphore_mem>>) src(%dma_wait3A_367 : memref<120xi32, #tpu.memory_space<hbm>>) dst(%dma_wait3A_364 : memref<120xi32, #tpu.memory_space<vmem>>)
        %dma_wait3A_368 = arith.constant 0 : i32
        %dma_wait3A_369 = arith.constant 0 : i32
        %dma_wait3A_370 = tpu.memref_slice %arg9[%dma_wait3A_368, %dma_wait3A_369] : memref<6x120xi32, #tpu.memory_space<vmem>> -> memref<1x120xi32, #tpu.memory_space<vmem>>
        %dma_wait3A_371 = tpu.memref_squeeze %dma_wait3A_370 : memref<1x120xi32, #tpu.memory_space<vmem>> -> memref<120xi32, #tpu.memory_space<vmem>>
        %dma_wait3A_372 = arith.constant 0 : i32
        %dma_wait3A_373 = tpu.memref_slice %arg4[%arg1, %sub3A_354, %dma_wait3A_372] : memref<16x84x120xi32, #tpu.memory_space<hbm>> -> memref<1x1x120xi32, #tpu.memory_space<hbm>>
        %dma_wait3A_374 = tpu.memref_squeeze %dma_wait3A_373 : memref<1x1x120xi32, #tpu.memory_space<hbm>> -> memref<120xi32, #tpu.memory_space<hbm>>
        %dma_wait3A_375 = arith.constant 0 : i32
        %dma_wait3A_376 = tpu.memref_slice %arg9[%dma_wait3A_368, %dma_wait3A_375] : memref<6x120xi32, #tpu.memory_space<vmem>> -> memref<1x120xi32, #tpu.memory_space<vmem>>
        %dma_wait3A_377 = tpu.memref_squeeze %dma_wait3A_376 : memref<1x120xi32, #tpu.memory_space<vmem>> -> memref<120xi32, #tpu.memory_space<vmem>>
        %dma_wait3A_378 = arith.constant 0 : i32
        %dma_wait3A_379 = tpu.memref_slice %arg4[%arg1, %sub3A_354, %dma_wait3A_378] : memref<16x84x120xi32, #tpu.memory_space<hbm>> -> memref<1x1x120xi32, #tpu.memory_space<hbm>>
        %dma_wait3A_380 = tpu.memref_squeeze %dma_wait3A_379 : memref<1x1x120xi32, #tpu.memory_space<hbm>> -> memref<120xi32, #tpu.memory_space<hbm>>
        tpu.wait_dma2 semaphore(%arg14 : memref<!tpu.dma_semaphore, #tpu.memory_space<semaphore_mem>>) src(%dma_wait3A_380 : memref<120xi32, #tpu.memory_space<hbm>>) dst(%dma_wait3A_377 : memref<120xi32, #tpu.memory_space<vmem>>)
        %ge3A = arith.constant 1 : i32
        %ge3A_381 = arith.cmpi sge, %add3A_306, %ge3A : i32
        %convert_element_type3A_382 = arith.extui %ge3A_381 : i1 to i32
        %cond3A_383 = arith.constant 0 : i32
        %cond3A_384 = arith.cmpi ne, %convert_element_type3A_382, %cond3A_383 : i32
        scf.if %cond3A_384 {
          %dma_wait3A_397 = arith.constant 0 : i32
          %dma_wait3A_398 = arith.constant 3 : i32
          %dma_wait3A_399 = arith.constant 0 : i32
          %dma_wait3A_400 = arith.constant 0 : i32
          %dma_wait3A_401 = tpu.memref_slice %arg10[%dma_wait3A_397, %dma_wait3A_399, %dma_wait3A_400] : memref<3x120x128xf32, #tpu.memory_space<vmem>> -> memref<1x120x128xf32, #tpu.memory_space<vmem>>
          %dma_wait3A_402 = tpu.memref_squeeze %dma_wait3A_401 : memref<1x120x128xf32, #tpu.memory_space<vmem>> -> memref<120x128xf32, #tpu.memory_space<vmem>>
          %dma_wait3A_403 = arith.constant 0 : i32
          %dma_wait3A_404 = tpu.memref_slice %arg9[%dma_wait3A_398, %dma_wait3A_403] : memref<6x120xi32, #tpu.memory_space<vmem>> -> memref<1x120xi32, #tpu.memory_space<vmem>>
          %dma_wait3A_405 = tpu.memref_squeeze %dma_wait3A_404 : memref<1x120xi32, #tpu.memory_space<vmem>> -> memref<120xi32, #tpu.memory_space<vmem>>
          %dma_wait3A_406 = arith.constant 0 : i32
          %dma_wait3A_407 = arith.constant 0 : i32
          %dma_wait3A_408 = tpu.memref_slice %arg7[%dma_wait3A_406, %dma_wait3A_407] : memref<10112x128xf32, #tpu.memory_space<vmem_shared>> -> memref<10112x128xf32, #tpu.memory_space<vmem_shared>>
          tpu.wait_indirect_dma semaphore(%arg17 : memref<!tpu.dma_semaphore, #tpu.memory_space<semaphore_mem>>) src(%dma_wait3A_402 : memref<120x128xf32, #tpu.memory_space<vmem>>) dst(%dma_wait3A_408 : memref<10112x128xf32, #tpu.memory_space<vmem_shared>>)
        } else {
        }
        %dma_start3A_385 = arith.constant 0 : i32
        %dma_start3A_386 = arith.constant 0 : i32
        %dma_start3A_387 = arith.constant 0 : i32
        %dma_start3A_388 = arith.constant 0 : i32
        %dma_start3A_389 = tpu.memref_slice %arg10[%dma_start3A_386, %dma_start3A_387, %dma_start3A_388] : memref<3x120x128xf32, #tpu.memory_space<vmem>> -> memref<1x120x128xf32, #tpu.memory_space<vmem>>
        %dma_start3A_390 = tpu.memref_squeeze %dma_start3A_389 : memref<1x120x128xf32, #tpu.memory_space<vmem>> -> memref<120x128xf32, #tpu.memory_space<vmem>>
        %dma_start3A_391 = arith.constant 0 : i32
        %dma_start3A_392 = tpu.memref_slice %arg8[%dma_start3A_385, %dma_start3A_391] : memref<6x120xi32, #tpu.memory_space<vmem>> -> memref<1x120xi32, #tpu.memory_space<vmem>>
        %dma_start3A_393 = tpu.memref_squeeze %dma_start3A_392 : memref<1x120xi32, #tpu.memory_space<vmem>> -> memref<120xi32, #tpu.memory_space<vmem>>
        %dma_start3A_394 = arith.constant 0 : i32
        %dma_start3A_395 = arith.constant 0 : i32
        %dma_start3A_396 = tpu.memref_slice %arg2[%dma_start3A_394, %dma_start3A_395] : memref<20000x128xf32, #tpu.memory_space<hbm>> -> memref<20000x128xf32, #tpu.memory_space<hbm>>
        tpu.enqueue_indirect_dma source(%dma_start3A_396 : memref<20000x128xf32, #tpu.memory_space<hbm>>) target(%dma_start3A_390 : memref<120x128xf32, #tpu.memory_space<vmem>>) offsets(%dma_start3A_393 : memref<120xi32, #tpu.memory_space<vmem>>) semaphore(%arg11 : memref<!tpu.dma_semaphore, #tpu.memory_space<semaphore_mem>>)
      } else {
      }
      %lt3A_316 = arith.constant 84 : i32
      %lt3A_317 = arith.cmpi slt, %add3A_306, %lt3A_316 : i32
      %convert_element_type3A_318 = arith.extui %lt3A_317 : i1 to i32
      %cond3A_319 = arith.constant 0 : i32
      %cond3A_320 = arith.cmpi ne, %convert_element_type3A_318, %cond3A_319 : i32
      scf.if %cond3A_320 {
        %dma_wait3A_351 = arith.constant 4 : i32
        %dma_wait3A_352 = arith.constant 1 : i32
        %dma_wait3A_353 = arith.constant 0 : i32
        %dma_wait3A_354 = arith.constant 0 : i32
        %dma_wait3A_355 = tpu.memref_slice %arg10[%dma_wait3A_352, %dma_wait3A_353, %dma_wait3A_354] : memref<3x120x128xf32, #tpu.memory_space<vmem>> -> memref<1x120x128xf32, #tpu.memory_space<vmem>>
        %dma_wait3A_356 = tpu.memref_squeeze %dma_wait3A_355 : memref<1x120x128xf32, #tpu.memory_space<vmem>> -> memref<120x128xf32, #tpu.memory_space<vmem>>
        %dma_wait3A_357 = arith.constant 0 : i32
        %dma_wait3A_358 = tpu.memref_slice %arg8[%dma_wait3A_351, %dma_wait3A_357] : memref<6x120xi32, #tpu.memory_space<vmem>> -> memref<1x120xi32, #tpu.memory_space<vmem>>
        %dma_wait3A_359 = tpu.memref_squeeze %dma_wait3A_358 : memref<1x120xi32, #tpu.memory_space<vmem>> -> memref<120xi32, #tpu.memory_space<vmem>>
        %dma_wait3A_360 = arith.constant 0 : i32
        %dma_wait3A_361 = arith.constant 0 : i32
        %dma_wait3A_362 = tpu.memref_slice %arg2[%dma_wait3A_360, %dma_wait3A_361] : memref<20000x128xf32, #tpu.memory_space<hbm>> -> memref<20000x128xf32, #tpu.memory_space<hbm>>
        tpu.wait_indirect_dma semaphore(%arg12 : memref<!tpu.dma_semaphore, #tpu.memory_space<semaphore_mem>>) src(%dma_wait3A_362 : memref<20000x128xf32, #tpu.memory_space<hbm>>) dst(%dma_wait3A_356 : memref<120x128xf32, #tpu.memory_space<vmem>>)
        %dma_start3A_363 = arith.constant 1 : i32
        %dma_start3A_364 = arith.constant 4 : i32
        %dma_start3A_365 = arith.constant 0 : i32
        %dma_start3A_366 = arith.constant 0 : i32
        %dma_start3A_367 = tpu.memref_slice %arg10[%dma_start3A_363, %dma_start3A_365, %dma_start3A_366] : memref<3x120x128xf32, #tpu.memory_space<vmem>> -> memref<1x120x128xf32, #tpu.memory_space<vmem>>
        %dma_start3A_368 = tpu.memref_squeeze %dma_start3A_367 : memref<1x120x128xf32, #tpu.memory_space<vmem>> -> memref<120x128xf32, #tpu.memory_space<vmem>>
        %dma_start3A_369 = arith.constant 0 : i32
        %dma_start3A_370 = tpu.memref_slice %arg9[%dma_start3A_364, %dma_start3A_369] : memref<6x120xi32, #tpu.memory_space<vmem>> -> memref<1x120xi32, #tpu.memory_space<vmem>>
        %dma_start3A_371 = tpu.memref_squeeze %dma_start3A_370 : memref<1x120xi32, #tpu.memory_space<vmem>> -> memref<120xi32, #tpu.memory_space<vmem>>
        %dma_start3A_372 = arith.constant 0 : i32
        %dma_start3A_373 = arith.constant 0 : i32
        %dma_start3A_374 = tpu.memref_slice %arg7[%dma_start3A_372, %dma_start3A_373] : memref<10112x128xf32, #tpu.memory_space<vmem_shared>> -> memref<10112x128xf32, #tpu.memory_space<vmem_shared>>
        tpu.enqueue_indirect_dma source(%dma_start3A_368 : memref<120x128xf32, #tpu.memory_space<vmem>>) target(%dma_start3A_374 : memref<10112x128xf32, #tpu.memory_space<vmem_shared>>) offsets(%dma_start3A_371 : memref<120xi32, #tpu.memory_space<vmem>>) semaphore(%arg18 : memref<!tpu.dma_semaphore, #tpu.memory_space<semaphore_mem>>) {add = true}
      } else {
      }
      %add3A_321 = arith.constant 3 : i32
      %add3A_322 = arith.addi %add3A_306, %add3A_321 : i32
      %lt3A_323 = arith.constant 84 : i32
      %lt3A_324 = arith.cmpi slt, %add3A_322, %lt3A_323 : i32
      %convert_element_type3A_325 = arith.extui %lt3A_324 : i1 to i32
      %cond3A_326 = arith.constant 0 : i32
      %cond3A_327 = arith.cmpi ne, %convert_element_type3A_325, %cond3A_326 : i32
      scf.if %cond3A_327 {
        %add3A_351 = arith.constant 3 : i32
        %add3A_352 = arith.addi %add3A_306, %add3A_351 : i32
        %dma_start3A_353 = arith.constant 1 : i32
        %dma_start3A_354 = arith.constant 0 : i32
        %dma_start3A_355 = tpu.memref_slice %arg8[%dma_start3A_353, %dma_start3A_354] : memref<6x120xi32, #tpu.memory_space<vmem>> -> memref<1x120xi32, #tpu.memory_space<vmem>>
        %dma_start3A_356 = tpu.memref_squeeze %dma_start3A_355 : memref<1x120xi32, #tpu.memory_space<vmem>> -> memref<120xi32, #tpu.memory_space<vmem>>
        %dma_start3A_357 = arith.constant 0 : i32
        %dma_start3A_358 = tpu.memref_slice %arg3[%arg0, %arg1, %add3A_352, %dma_start3A_357] : memref<2x16x84x120xi32, #tpu.memory_space<hbm>> -> memref<1x1x1x120xi32, #tpu.memory_space<hbm>>
        %dma_start3A_359 = tpu.memref_squeeze %dma_start3A_358 : memref<1x1x1x120xi32, #tpu.memory_space<hbm>> -> memref<120xi32, #tpu.memory_space<hbm>>
        %dma_start3A_360 = arith.constant 0 : i32
        %dma_start3A_361 = tpu.memref_slice %arg8[%dma_start3A_353, %dma_start3A_360] : memref<6x120xi32, #tpu.memory_space<vmem>> -> memref<1x120xi32, #tpu.memory_space<vmem>>
        %dma_start3A_362 = tpu.memref_squeeze %dma_start3A_361 : memref<1x120xi32, #tpu.memory_space<vmem>> -> memref<120xi32, #tpu.memory_space<vmem>>
        %dma_start3A_363 = arith.constant 0 : i32
        %dma_start3A_364 = tpu.memref_slice %arg3[%arg0, %arg1, %add3A_352, %dma_start3A_363] : memref<2x16x84x120xi32, #tpu.memory_space<hbm>> -> memref<1x1x1x120xi32, #tpu.memory_space<hbm>>
        %dma_start3A_365 = tpu.memref_squeeze %dma_start3A_364 : memref<1x1x1x120xi32, #tpu.memory_space<hbm>> -> memref<120xi32, #tpu.memory_space<hbm>>
        tpu.enqueue_dma source(%dma_start3A_365 : memref<120xi32, #tpu.memory_space<hbm>>) target(%dma_start3A_362 : memref<120xi32, #tpu.memory_space<vmem>>) target_semaphore(%arg15 : memref<!tpu.dma_semaphore, #tpu.memory_space<semaphore_mem>>)
        %dma_start3A_366 = arith.constant 1 : i32
        %dma_start3A_367 = arith.constant 0 : i32
        %dma_start3A_368 = tpu.memref_slice %arg9[%dma_start3A_366, %dma_start3A_367] : memref<6x120xi32, #tpu.memory_space<vmem>> -> memref<1x120xi32, #tpu.memory_space<vmem>>
        %dma_start3A_369 = tpu.memref_squeeze %dma_start3A_368 : memref<1x120xi32, #tpu.memory_space<vmem>> -> memref<120xi32, #tpu.memory_space<vmem>>
        %dma_start3A_370 = arith.constant 0 : i32
        %dma_start3A_371 = tpu.memref_slice %arg4[%arg1, %add3A_352, %dma_start3A_370] : memref<16x84x120xi32, #tpu.memory_space<hbm>> -> memref<1x1x120xi32, #tpu.memory_space<hbm>>
        %dma_start3A_372 = tpu.memref_squeeze %dma_start3A_371 : memref<1x1x120xi32, #tpu.memory_space<hbm>> -> memref<120xi32, #tpu.memory_space<hbm>>
        %dma_start3A_373 = arith.constant 0 : i32
        %dma_start3A_374 = tpu.memref_slice %arg9[%dma_start3A_366, %dma_start3A_373] : memref<6x120xi32, #tpu.memory_space<vmem>> -> memref<1x120xi32, #tpu.memory_space<vmem>>
        %dma_start3A_375 = tpu.memref_squeeze %dma_start3A_374 : memref<1x120xi32, #tpu.memory_space<vmem>> -> memref<120xi32, #tpu.memory_space<vmem>>
        %dma_start3A_376 = arith.constant 0 : i32
        %dma_start3A_377 = tpu.memref_slice %arg4[%arg1, %add3A_352, %dma_start3A_376] : memref<16x84x120xi32, #tpu.memory_space<hbm>> -> memref<1x1x120xi32, #tpu.memory_space<hbm>>
        %dma_start3A_378 = tpu.memref_squeeze %dma_start3A_377 : memref<1x1x120xi32, #tpu.memory_space<hbm>> -> memref<120xi32, #tpu.memory_space<hbm>>
        tpu.enqueue_dma source(%dma_start3A_378 : memref<120xi32, #tpu.memory_space<hbm>>) target(%dma_start3A_375 : memref<120xi32, #tpu.memory_space<vmem>>) target_semaphore(%arg15 : memref<!tpu.dma_semaphore, #tpu.memory_space<semaphore_mem>>)
      } else {
      }
      %add3A_328 = arith.constant 5 : i32
      %add3A_329 = arith.addi %add3A_216, %add3A_328 : i32
      %add3A_330 = arith.constant 3 : i32
      %add3A_331 = arith.addi %add3A_329, %add3A_330 : i32
      %sub3A_332 = arith.constant 1 : i32
      %sub3A_333 = arith.subi %add3A_331, %sub3A_332 : i32
      %lt3A_334 = arith.constant 84 : i32
      %lt3A_335 = arith.cmpi slt, %sub3A_333, %lt3A_334 : i32
      %convert_element_type3A_336 = arith.extui %lt3A_335 : i1 to i32
      %cond3A_337 = arith.constant 0 : i32
      %cond3A_338 = arith.cmpi ne, %convert_element_type3A_336, %cond3A_337 : i32
      scf.if %cond3A_338 {
        %add3A_351 = arith.constant 3 : i32
        %add3A_352 = arith.addi %add3A_329, %add3A_351 : i32
        %sub3A_353 = arith.constant 1 : i32
        %sub3A_354 = arith.subi %add3A_352, %sub3A_353 : i32
        %dma_wait3A_355 = arith.constant 1 : i32
        %dma_wait3A_356 = arith.constant 0 : i32
        %dma_wait3A_357 = tpu.memref_slice %arg8[%dma_wait3A_355, %dma_wait3A_356] : memref<6x120xi32, #tpu.memory_space<vmem>> -> memref<1x120xi32, #tpu.memory_space<vmem>>
        %dma_wait3A_358 = tpu.memref_squeeze %dma_wait3A_357 : memref<1x120xi32, #tpu.memory_space<vmem>> -> memref<120xi32, #tpu.memory_space<vmem>>
        %dma_wait3A_359 = arith.constant 0 : i32
        %dma_wait3A_360 = tpu.memref_slice %arg3[%arg0, %arg1, %sub3A_354, %dma_wait3A_359] : memref<2x16x84x120xi32, #tpu.memory_space<hbm>> -> memref<1x1x1x120xi32, #tpu.memory_space<hbm>>
        %dma_wait3A_361 = tpu.memref_squeeze %dma_wait3A_360 : memref<1x1x1x120xi32, #tpu.memory_space<hbm>> -> memref<120xi32, #tpu.memory_space<hbm>>
        %dma_wait3A_362 = arith.constant 0 : i32
        %dma_wait3A_363 = tpu.memref_slice %arg8[%dma_wait3A_355, %dma_wait3A_362] : memref<6x120xi32, #tpu.memory_space<vmem>> -> memref<1x120xi32, #tpu.memory_space<vmem>>
        %dma_wait3A_364 = tpu.memref_squeeze %dma_wait3A_363 : memref<1x120xi32, #tpu.memory_space<vmem>> -> memref<120xi32, #tpu.memory_space<vmem>>
        %dma_wait3A_365 = arith.constant 0 : i32
        %dma_wait3A_366 = tpu.memref_slice %arg3[%arg0, %arg1, %sub3A_354, %dma_wait3A_365] : memref<2x16x84x120xi32, #tpu.memory_space<hbm>> -> memref<1x1x1x120xi32, #tpu.memory_space<hbm>>
        %dma_wait3A_367 = tpu.memref_squeeze %dma_wait3A_366 : memref<1x1x1x120xi32, #tpu.memory_space<hbm>> -> memref<120xi32, #tpu.memory_space<hbm>>
        tpu.wait_dma2 semaphore(%arg15 : memref<!tpu.dma_semaphore, #tpu.memory_space<semaphore_mem>>) src(%dma_wait3A_367 : memref<120xi32, #tpu.memory_space<hbm>>) dst(%dma_wait3A_364 : memref<120xi32, #tpu.memory_space<vmem>>)
        %dma_wait3A_368 = arith.constant 1 : i32
        %dma_wait3A_369 = arith.constant 0 : i32
        %dma_wait3A_370 = tpu.memref_slice %arg9[%dma_wait3A_368, %dma_wait3A_369] : memref<6x120xi32, #tpu.memory_space<vmem>> -> memref<1x120xi32, #tpu.memory_space<vmem>>
        %dma_wait3A_371 = tpu.memref_squeeze %dma_wait3A_370 : memref<1x120xi32, #tpu.memory_space<vmem>> -> memref<120xi32, #tpu.memory_space<vmem>>
        %dma_wait3A_372 = arith.constant 0 : i32
        %dma_wait3A_373 = tpu.memref_slice %arg4[%arg1, %sub3A_354, %dma_wait3A_372] : memref<16x84x120xi32, #tpu.memory_space<hbm>> -> memref<1x1x120xi32, #tpu.memory_space<hbm>>
        %dma_wait3A_374 = tpu.memref_squeeze %dma_wait3A_373 : memref<1x1x120xi32, #tpu.memory_space<hbm>> -> memref<120xi32, #tpu.memory_space<hbm>>
        %dma_wait3A_375 = arith.constant 0 : i32
        %dma_wait3A_376 = tpu.memref_slice %arg9[%dma_wait3A_368, %dma_wait3A_375] : memref<6x120xi32, #tpu.memory_space<vmem>> -> memref<1x120xi32, #tpu.memory_space<vmem>>
        %dma_wait3A_377 = tpu.memref_squeeze %dma_wait3A_376 : memref<1x120xi32, #tpu.memory_space<vmem>> -> memref<120xi32, #tpu.memory_space<vmem>>
        %dma_wait3A_378 = arith.constant 0 : i32
        %dma_wait3A_379 = tpu.memref_slice %arg4[%arg1, %sub3A_354, %dma_wait3A_378] : memref<16x84x120xi32, #tpu.memory_space<hbm>> -> memref<1x1x120xi32, #tpu.memory_space<hbm>>
        %dma_wait3A_380 = tpu.memref_squeeze %dma_wait3A_379 : memref<1x1x120xi32, #tpu.memory_space<hbm>> -> memref<120xi32, #tpu.memory_space<hbm>>
        tpu.wait_dma2 semaphore(%arg15 : memref<!tpu.dma_semaphore, #tpu.memory_space<semaphore_mem>>) src(%dma_wait3A_380 : memref<120xi32, #tpu.memory_space<hbm>>) dst(%dma_wait3A_377 : memref<120xi32, #tpu.memory_space<vmem>>)
        %ge3A = arith.constant 1 : i32
        %ge3A_381 = arith.cmpi sge, %add3A_329, %ge3A : i32
        %convert_element_type3A_382 = arith.extui %ge3A_381 : i1 to i32
        %cond3A_383 = arith.constant 0 : i32
        %cond3A_384 = arith.cmpi ne, %convert_element_type3A_382, %cond3A_383 : i32
        scf.if %cond3A_384 {
          %dma_wait3A_397 = arith.constant 1 : i32
          %dma_wait3A_398 = arith.constant 4 : i32
          %dma_wait3A_399 = arith.constant 0 : i32
          %dma_wait3A_400 = arith.constant 0 : i32
          %dma_wait3A_401 = tpu.memref_slice %arg10[%dma_wait3A_397, %dma_wait3A_399, %dma_wait3A_400] : memref<3x120x128xf32, #tpu.memory_space<vmem>> -> memref<1x120x128xf32, #tpu.memory_space<vmem>>
          %dma_wait3A_402 = tpu.memref_squeeze %dma_wait3A_401 : memref<1x120x128xf32, #tpu.memory_space<vmem>> -> memref<120x128xf32, #tpu.memory_space<vmem>>
          %dma_wait3A_403 = arith.constant 0 : i32
          %dma_wait3A_404 = tpu.memref_slice %arg9[%dma_wait3A_398, %dma_wait3A_403] : memref<6x120xi32, #tpu.memory_space<vmem>> -> memref<1x120xi32, #tpu.memory_space<vmem>>
          %dma_wait3A_405 = tpu.memref_squeeze %dma_wait3A_404 : memref<1x120xi32, #tpu.memory_space<vmem>> -> memref<120xi32, #tpu.memory_space<vmem>>
          %dma_wait3A_406 = arith.constant 0 : i32
          %dma_wait3A_407 = arith.constant 0 : i32
          %dma_wait3A_408 = tpu.memref_slice %arg7[%dma_wait3A_406, %dma_wait3A_407] : memref<10112x128xf32, #tpu.memory_space<vmem_shared>> -> memref<10112x128xf32, #tpu.memory_space<vmem_shared>>
          tpu.wait_indirect_dma semaphore(%arg18 : memref<!tpu.dma_semaphore, #tpu.memory_space<semaphore_mem>>) src(%dma_wait3A_402 : memref<120x128xf32, #tpu.memory_space<vmem>>) dst(%dma_wait3A_408 : memref<10112x128xf32, #tpu.memory_space<vmem_shared>>)
        } else {
        }
        %dma_start3A_385 = arith.constant 1 : i32
        %dma_start3A_386 = arith.constant 1 : i32
        %dma_start3A_387 = arith.constant 0 : i32
        %dma_start3A_388 = arith.constant 0 : i32
        %dma_start3A_389 = tpu.memref_slice %arg10[%dma_start3A_386, %dma_start3A_387, %dma_start3A_388] : memref<3x120x128xf32, #tpu.memory_space<vmem>> -> memref<1x120x128xf32, #tpu.memory_space<vmem>>
        %dma_start3A_390 = tpu.memref_squeeze %dma_start3A_389 : memref<1x120x128xf32, #tpu.memory_space<vmem>> -> memref<120x128xf32, #tpu.memory_space<vmem>>
        %dma_start3A_391 = arith.constant 0 : i32
        %dma_start3A_392 = tpu.memref_slice %arg8[%dma_start3A_385, %dma_start3A_391] : memref<6x120xi32, #tpu.memory_space<vmem>> -> memref<1x120xi32, #tpu.memory_space<vmem>>
        %dma_start3A_393 = tpu.memref_squeeze %dma_start3A_392 : memref<1x120xi32, #tpu.memory_space<vmem>> -> memref<120xi32, #tpu.memory_space<vmem>>
        %dma_start3A_394 = arith.constant 0 : i32
        %dma_start3A_395 = arith.constant 0 : i32
        %dma_start3A_396 = tpu.memref_slice %arg2[%dma_start3A_394, %dma_start3A_395] : memref<20000x128xf32, #tpu.memory_space<hbm>> -> memref<20000x128xf32, #tpu.memory_space<hbm>>
        tpu.enqueue_indirect_dma source(%dma_start3A_396 : memref<20000x128xf32, #tpu.memory_space<hbm>>) target(%dma_start3A_390 : memref<120x128xf32, #tpu.memory_space<vmem>>) offsets(%dma_start3A_393 : memref<120xi32, #tpu.memory_space<vmem>>) semaphore(%arg12 : memref<!tpu.dma_semaphore, #tpu.memory_space<semaphore_mem>>)
      } else {
      }
      %lt3A_339 = arith.constant 84 : i32
      %lt3A_340 = arith.cmpi slt, %add3A_329, %lt3A_339 : i32
      %convert_element_type3A_341 = arith.extui %lt3A_340 : i1 to i32
      %cond3A_342 = arith.constant 0 : i32
      %cond3A_343 = arith.cmpi ne, %convert_element_type3A_341, %cond3A_342 : i32
      scf.if %cond3A_343 {
        %dma_wait3A_351 = arith.constant 5 : i32
        %dma_wait3A_352 = arith.constant 2 : i32
        %dma_wait3A_353 = arith.constant 0 : i32
        %dma_wait3A_354 = arith.constant 0 : i32
        %dma_wait3A_355 = tpu.memref_slice %arg10[%dma_wait3A_352, %dma_wait3A_353, %dma_wait3A_354] : memref<3x120x128xf32, #tpu.memory_space<vmem>> -> memref<1x120x128xf32, #tpu.memory_space<vmem>>
        %dma_wait3A_356 = tpu.memref_squeeze %dma_wait3A_355 : memref<1x120x128xf32, #tpu.memory_space<vmem>> -> memref<120x128xf32, #tpu.memory_space<vmem>>
        %dma_wait3A_357 = arith.constant 0 : i32
        %dma_wait3A_358 = tpu.memref_slice %arg8[%dma_wait3A_351, %dma_wait3A_357] : memref<6x120xi32, #tpu.memory_space<vmem>> -> memref<1x120xi32, #tpu.memory_space<vmem>>
        %dma_wait3A_359 = tpu.memref_squeeze %dma_wait3A_358 : memref<1x120xi32, #tpu.memory_space<vmem>> -> memref<120xi32, #tpu.memory_space<vmem>>
        %dma_wait3A_360 = arith.constant 0 : i32
        %dma_wait3A_361 = arith.constant 0 : i32
        %dma_wait3A_362 = tpu.memref_slice %arg2[%dma_wait3A_360, %dma_wait3A_361] : memref<20000x128xf32, #tpu.memory_space<hbm>> -> memref<20000x128xf32, #tpu.memory_space<hbm>>
        tpu.wait_indirect_dma semaphore(%arg13 : memref<!tpu.dma_semaphore, #tpu.memory_space<semaphore_mem>>) src(%dma_wait3A_362 : memref<20000x128xf32, #tpu.memory_space<hbm>>) dst(%dma_wait3A_356 : memref<120x128xf32, #tpu.memory_space<vmem>>)
        %dma_start3A_363 = arith.constant 2 : i32
        %dma_start3A_364 = arith.constant 5 : i32
        %dma_start3A_365 = arith.constant 0 : i32
        %dma_start3A_366 = arith.constant 0 : i32
        %dma_start3A_367 = tpu.memref_slice %arg10[%dma_start3A_363, %dma_start3A_365, %dma_start3A_366] : memref<3x120x128xf32, #tpu.memory_space<vmem>> -> memref<1x120x128xf32, #tpu.memory_space<vmem>>
        %dma_start3A_368 = tpu.memref_squeeze %dma_start3A_367 : memref<1x120x128xf32, #tpu.memory_space<vmem>> -> memref<120x128xf32, #tpu.memory_space<vmem>>
        %dma_start3A_369 = arith.constant 0 : i32
        %dma_start3A_370 = tpu.memref_slice %arg9[%dma_start3A_364, %dma_start3A_369] : memref<6x120xi32, #tpu.memory_space<vmem>> -> memref<1x120xi32, #tpu.memory_space<vmem>>
        %dma_start3A_371 = tpu.memref_squeeze %dma_start3A_370 : memref<1x120xi32, #tpu.memory_space<vmem>> -> memref<120xi32, #tpu.memory_space<vmem>>
        %dma_start3A_372 = arith.constant 0 : i32
        %dma_start3A_373 = arith.constant 0 : i32
        %dma_start3A_374 = tpu.memref_slice %arg7[%dma_start3A_372, %dma_start3A_373] : memref<10112x128xf32, #tpu.memory_space<vmem_shared>> -> memref<10112x128xf32, #tpu.memory_space<vmem_shared>>
        tpu.enqueue_indirect_dma source(%dma_start3A_368 : memref<120x128xf32, #tpu.memory_space<vmem>>) target(%dma_start3A_374 : memref<10112x128xf32, #tpu.memory_space<vmem_shared>>) offsets(%dma_start3A_371 : memref<120xi32, #tpu.memory_space<vmem>>) semaphore(%arg19 : memref<!tpu.dma_semaphore, #tpu.memory_space<semaphore_mem>>) {add = true}
      } else {
      }
      %add3A_344 = arith.constant 3 : i32
      %add3A_345 = arith.addi %add3A_329, %add3A_344 : i32
      %lt3A_346 = arith.constant 84 : i32
      %lt3A_347 = arith.cmpi slt, %add3A_345, %lt3A_346 : i32
      %convert_element_type3A_348 = arith.extui %lt3A_347 : i1 to i32
      %cond3A_349 = arith.constant 0 : i32
      %cond3A_350 = arith.cmpi ne, %convert_element_type3A_348, %cond3A_349 : i32
      scf.if %cond3A_350 {
        %add3A_351 = arith.constant 3 : i32
        %add3A_352 = arith.addi %add3A_329, %add3A_351 : i32
        %dma_start3A_353 = arith.constant 2 : i32
        %dma_start3A_354 = arith.constant 0 : i32
        %dma_start3A_355 = tpu.memref_slice %arg8[%dma_start3A_353, %dma_start3A_354] : memref<6x120xi32, #tpu.memory_space<vmem>> -> memref<1x120xi32, #tpu.memory_space<vmem>>
        %dma_start3A_356 = tpu.memref_squeeze %dma_start3A_355 : memref<1x120xi32, #tpu.memory_space<vmem>> -> memref<120xi32, #tpu.memory_space<vmem>>
        %dma_start3A_357 = arith.constant 0 : i32
        %dma_start3A_358 = tpu.memref_slice %arg3[%arg0, %arg1, %add3A_352, %dma_start3A_357] : memref<2x16x84x120xi32, #tpu.memory_space<hbm>> -> memref<1x1x1x120xi32, #tpu.memory_space<hbm>>
        %dma_start3A_359 = tpu.memref_squeeze %dma_start3A_358 : memref<1x1x1x120xi32, #tpu.memory_space<hbm>> -> memref<120xi32, #tpu.memory_space<hbm>>
        %dma_start3A_360 = arith.constant 0 : i32
        %dma_start3A_361 = tpu.memref_slice %arg8[%dma_start3A_353, %dma_start3A_360] : memref<6x120xi32, #tpu.memory_space<vmem>> -> memref<1x120xi32, #tpu.memory_space<vmem>>
        %dma_start3A_362 = tpu.memref_squeeze %dma_start3A_361 : memref<1x120xi32, #tpu.memory_space<vmem>> -> memref<120xi32, #tpu.memory_space<vmem>>
        %dma_start3A_363 = arith.constant 0 : i32
        %dma_start3A_364 = tpu.memref_slice %arg3[%arg0, %arg1, %add3A_352, %dma_start3A_363] : memref<2x16x84x120xi32, #tpu.memory_space<hbm>> -> memref<1x1x1x120xi32, #tpu.memory_space<hbm>>
        %dma_start3A_365 = tpu.memref_squeeze %dma_start3A_364 : memref<1x1x1x120xi32, #tpu.memory_space<hbm>> -> memref<120xi32, #tpu.memory_space<hbm>>
        tpu.enqueue_dma source(%dma_start3A_365 : memref<120xi32, #tpu.memory_space<hbm>>) target(%dma_start3A_362 : memref<120xi32, #tpu.memory_space<vmem>>) target_semaphore(%arg16 : memref<!tpu.dma_semaphore, #tpu.memory_space<semaphore_mem>>)
        %dma_start3A_366 = arith.constant 2 : i32
        %dma_start3A_367 = arith.constant 0 : i32
        %dma_start3A_368 = tpu.memref_slice %arg9[%dma_start3A_366, %dma_start3A_367] : memref<6x120xi32, #tpu.memory_space<vmem>> -> memref<1x120xi32, #tpu.memory_space<vmem>>
        %dma_start3A_369 = tpu.memref_squeeze %dma_start3A_368 : memref<1x120xi32, #tpu.memory_space<vmem>> -> memref<120xi32, #tpu.memory_space<vmem>>
        %dma_start3A_370 = arith.constant 0 : i32
        %dma_start3A_371 = tpu.memref_slice %arg4[%arg1, %add3A_352, %dma_start3A_370] : memref<16x84x120xi32, #tpu.memory_space<hbm>> -> memref<1x1x120xi32, #tpu.memory_space<hbm>>
        %dma_start3A_372 = tpu.memref_squeeze %dma_start3A_371 : memref<1x1x120xi32, #tpu.memory_space<hbm>> -> memref<120xi32, #tpu.memory_space<hbm>>
        %dma_start3A_373 = arith.constant 0 : i32
        %dma_start3A_374 = tpu.memref_slice %arg9[%dma_start3A_366, %dma_start3A_373] : memref<6x120xi32, #tpu.memory_space<vmem>> -> memref<1x120xi32, #tpu.memory_space<vmem>>
        %dma_start3A_375 = tpu.memref_squeeze %dma_start3A_374 : memref<1x120xi32, #tpu.memory_space<vmem>> -> memref<120xi32, #tpu.memory_space<vmem>>
        %dma_start3A_376 = arith.constant 0 : i32
        %dma_start3A_377 = tpu.memref_slice %arg4[%arg1, %add3A_352, %dma_start3A_376] : memref<16x84x120xi32, #tpu.memory_space<hbm>> -> memref<1x1x120xi32, #tpu.memory_space<hbm>>
        %dma_start3A_378 = tpu.memref_squeeze %dma_start3A_377 : memref<1x1x120xi32, #tpu.memory_space<hbm>> -> memref<120xi32, #tpu.memory_space<hbm>>
        tpu.enqueue_dma source(%dma_start3A_378 : memref<120xi32, #tpu.memory_space<hbm>>) target(%dma_start3A_375 : memref<120xi32, #tpu.memory_space<vmem>>) target_semaphore(%arg16 : memref<!tpu.dma_semaphore, #tpu.memory_space<semaphore_mem>>)
      } else {
      }
    }
    %scan3A_168 = arith.constant 14 : i32
    %dma_wait3A_169 = arith.constant 0 : i32
    %dma_wait3A_170 = arith.constant 3 : i32
    %dma_wait3A_171 = arith.constant 0 : i32
    %dma_wait3A_172 = arith.constant 0 : i32
    %dma_wait3A_173 = tpu.memref_slice %arg10[%dma_wait3A_169, %dma_wait3A_171, %dma_wait3A_172] : memref<3x120x128xf32, #tpu.memory_space<vmem>> -> memref<1x120x128xf32, #tpu.memory_space<vmem>>
    %dma_wait3A_174 = tpu.memref_squeeze %dma_wait3A_173 : memref<1x120x128xf32, #tpu.memory_space<vmem>> -> memref<120x128xf32, #tpu.memory_space<vmem>>
    %dma_wait3A_175 = arith.constant 0 : i32
    %dma_wait3A_176 = tpu.memref_slice %arg9[%dma_wait3A_170, %dma_wait3A_175] : memref<6x120xi32, #tpu.memory_space<vmem>> -> memref<1x120xi32, #tpu.memory_space<vmem>>
    %dma_wait3A_177 = tpu.memref_squeeze %dma_wait3A_176 : memref<1x120xi32, #tpu.memory_space<vmem>> -> memref<120xi32, #tpu.memory_space<vmem>>
    %dma_wait3A_178 = arith.constant 0 : i32
    %dma_wait3A_179 = arith.constant 0 : i32
    %dma_wait3A_180 = tpu.memref_slice %arg7[%dma_wait3A_178, %dma_wait3A_179] : memref<10112x128xf32, #tpu.memory_space<vmem_shared>> -> memref<10112x128xf32, #tpu.memory_space<vmem_shared>>
    tpu.wait_indirect_dma semaphore(%arg17 : memref<!tpu.dma_semaphore, #tpu.memory_space<semaphore_mem>>) src(%dma_wait3A_174 : memref<120x128xf32, #tpu.memory_space<vmem>>) dst(%dma_wait3A_180 : memref<10112x128xf32, #tpu.memory_space<vmem_shared>>)
    %dma_wait3A_181 = arith.constant 1 : i32
    %dma_wait3A_182 = arith.constant 4 : i32
    %dma_wait3A_183 = arith.constant 0 : i32
    %dma_wait3A_184 = arith.constant 0 : i32
    %dma_wait3A_185 = tpu.memref_slice %arg10[%dma_wait3A_181, %dma_wait3A_183, %dma_wait3A_184] : memref<3x120x128xf32, #tpu.memory_space<vmem>> -> memref<1x120x128xf32, #tpu.memory_space<vmem>>
    %dma_wait3A_186 = tpu.memref_squeeze %dma_wait3A_185 : memref<1x120x128xf32, #tpu.memory_space<vmem>> -> memref<120x128xf32, #tpu.memory_space<vmem>>
    %dma_wait3A_187 = arith.constant 0 : i32
    %dma_wait3A_188 = tpu.memref_slice %arg9[%dma_wait3A_182, %dma_wait3A_187] : memref<6x120xi32, #tpu.memory_space<vmem>> -> memref<1x120xi32, #tpu.memory_space<vmem>>
    %dma_wait3A_189 = tpu.memref_squeeze %dma_wait3A_188 : memref<1x120xi32, #tpu.memory_space<vmem>> -> memref<120xi32, #tpu.memory_space<vmem>>
    %dma_wait3A_190 = arith.constant 0 : i32
    %dma_wait3A_191 = arith.constant 0 : i32
    %dma_wait3A_192 = tpu.memref_slice %arg7[%dma_wait3A_190, %dma_wait3A_191] : memref<10112x128xf32, #tpu.memory_space<vmem_shared>> -> memref<10112x128xf32, #tpu.memory_space<vmem_shared>>
    tpu.wait_indirect_dma semaphore(%arg18 : memref<!tpu.dma_semaphore, #tpu.memory_space<semaphore_mem>>) src(%dma_wait3A_186 : memref<120x128xf32, #tpu.memory_space<vmem>>) dst(%dma_wait3A_192 : memref<10112x128xf32, #tpu.memory_space<vmem_shared>>)
    %dma_wait3A_193 = arith.constant 2 : i32
    %dma_wait3A_194 = arith.constant 5 : i32
    %dma_wait3A_195 = arith.constant 0 : i32
    %dma_wait3A_196 = arith.constant 0 : i32
    %dma_wait3A_197 = tpu.memref_slice %arg10[%dma_wait3A_193, %dma_wait3A_195, %dma_wait3A_196] : memref<3x120x128xf32, #tpu.memory_space<vmem>> -> memref<1x120x128xf32, #tpu.memory_space<vmem>>
    %dma_wait3A_198 = tpu.memref_squeeze %dma_wait3A_197 : memref<1x120x128xf32, #tpu.memory_space<vmem>> -> memref<120x128xf32, #tpu.memory_space<vmem>>
    %dma_wait3A_199 = arith.constant 0 : i32
    %dma_wait3A_200 = tpu.memref_slice %arg9[%dma_wait3A_194, %dma_wait3A_199] : memref<6x120xi32, #tpu.memory_space<vmem>> -> memref<1x120xi32, #tpu.memory_space<vmem>>
    %dma_wait3A_201 = tpu.memref_squeeze %dma_wait3A_200 : memref<1x120xi32, #tpu.memory_space<vmem>> -> memref<120xi32, #tpu.memory_space<vmem>>
    %dma_wait3A_202 = arith.constant 0 : i32
    %dma_wait3A_203 = arith.constant 0 : i32
    %dma_wait3A_204 = tpu.memref_slice %arg7[%dma_wait3A_202, %dma_wait3A_203] : memref<10112x128xf32, #tpu.memory_space<vmem_shared>> -> memref<10112x128xf32, #tpu.memory_space<vmem_shared>>
    tpu.wait_indirect_dma semaphore(%arg19 : memref<!tpu.dma_semaphore, #tpu.memory_space<semaphore_mem>>) src(%dma_wait3A_198 : memref<120x128xf32, #tpu.memory_space<vmem>>) dst(%dma_wait3A_204 : memref<10112x128xf32, #tpu.memory_space<vmem_shared>>)
    %barrier3A_205 = arith.constant 0 : index
    tpu.barrier barrier_id(%barrier3A_205)
    %mul3A_206 = arith.constant 632 : i32
    %mul3A_207 = arith.muli %arg1, %mul3A_206 : i32
    %mul3A_208 = arith.constant 10112 : i32
    %mul3A_209 = arith.muli %arg0, %mul3A_208 : i32
    %mul3A_210 = arith.constant 632 : i32
    %mul3A_211 = arith.muli %arg1, %mul3A_210 : i32
    %add3A = arith.addi %mul3A_209, %mul3A_211 : i32
    "tpu.region"() ({
      %run_scoped3A = tpu.sem_alloc : memref<!tpu.dma_semaphore, #tpu.memory_space<semaphore_mem>>
      %dma_start3A_212 = arith.constant 0 : i32
      %dma_start3A_213 = tpu.memref_slice %arg6[%add3A, %dma_start3A_212] : memref<20224x128xf32, #tpu.memory_space<hbm>> -> memref<632x128xf32, #tpu.memory_space<hbm>>
      %dma_start3A_214 = arith.constant 0 : i32
      %dma_start3A_215 = tpu.memref_slice %arg7[%mul3A_207, %dma_start3A_214] : memref<10112x128xf32, #tpu.memory_space<vmem_shared>> -> memref<632x128xf32, #tpu.memory_space<vmem_shared>>
      tpu.enqueue_dma source(%dma_start3A_215 : memref<632x128xf32, #tpu.memory_space<vmem_shared>>) target(%dma_start3A_213 : memref<632x128xf32, #tpu.memory_space<hbm>>) target_semaphore(%run_scoped3A : memref<!tpu.dma_semaphore, #tpu.memory_space<semaphore_mem>>)
      %dma_wait3A_216 = arith.constant 0 : i32
      %dma_wait3A_217 = tpu.memref_slice %arg6[%add3A, %dma_wait3A_216] : memref<20224x128xf32, #tpu.memory_space<hbm>> -> memref<632x128xf32, #tpu.memory_space<hbm>>
      %dma_wait3A_218 = arith.constant 0 : i32
      %dma_wait3A_219 = tpu.memref_slice %arg7[%mul3A_207, %dma_wait3A_218] : memref<10112x128xf32, #tpu.memory_space<vmem_shared>> -> memref<632x128xf32, #tpu.memory_space<vmem_shared>>
      tpu.wait_dma2 semaphore(%run_scoped3A : memref<!tpu.dma_semaphore, #tpu.memory_space<semaphore_mem>>) src(%dma_wait3A_219 : memref<632x128xf32, #tpu.memory_space<vmem_shared>>) dst(%dma_wait3A_217 : memref<632x128xf32, #tpu.memory_space<hbm>>)
      tpu.yield
    }) : () -> ()
    return
  }
}

#map = affine_map<(d0, d1) -> (0, 0)>
#map1 = affine_map<(d0, d1) -> (0, 0, 0, 0)>
#map2 = affine_map<(d0, d1) -> (0, 0, 0)>
module attributes {stable_mosaic.version = 14 : i64} {
  func.func @_sc_agg_body(%arg0: i32, %arg1: i32, %arg2: memref<20000x128xf32, #tpu.memory_space<hbm>>, %arg3: memref<2x16x84x120xi32, #tpu.memory_space<hbm>>, %arg4: memref<16x84x120xi32, #tpu.memory_space<hbm>>, %arg5: memref<10112x128xf32, #tpu.memory_space<hbm>>, %arg6: memref<20224x128xf32, #tpu.memory_space<hbm>>, %arg7: memref<10112x128xf32, #tpu.memory_space<vmem_shared>>, %arg8: memref<6x120xi32, #tpu.memory_space<vmem>>, %arg9: memref<6x120xi32, #tpu.memory_space<vmem>>, %arg10: memref<3x120x128xf32, #tpu.memory_space<vmem>>, %arg11: memref<!tpu.dma_semaphore, #tpu.memory_space<semaphore_mem>>, %arg12: memref<!tpu.dma_semaphore, #tpu.memory_space<semaphore_mem>>, %arg13: memref<!tpu.dma_semaphore, #tpu.memory_space<semaphore_mem>>, %arg14: memref<!tpu.dma_semaphore, #tpu.memory_space<semaphore_mem>>, %arg15: memref<!tpu.dma_semaphore, #tpu.memory_space<semaphore_mem>>, %arg16: memref<!tpu.dma_semaphore, #tpu.memory_space<semaphore_mem>>, %arg17: memref<!tpu.dma_semaphore, #tpu.memory_space<semaphore_mem>>, %arg18: memref<!tpu.dma_semaphore, #tpu.memory_space<semaphore_mem>>, %arg19: memref<!tpu.dma_semaphore, #tpu.memory_space<semaphore_mem>>) attributes {dimension_semantics = [#tpu.dimension_semantics<core_parallel>, #tpu.dimension_semantics<subcore_parallel>], iteration_bounds = array<i64: 2, 16>, scalar_prefetch = 0 : i64, scratch_operands = 13 : i64, tpu.core_type = #tpu.core_type<sc_vector_subcore>, window_params = [{transform_indices = #map}, {transform_indices = #map1}, {transform_indices = #map2}, {transform_indices = #map}, {transform_indices = #map}]} {
    %mul3A = arith.constant 632 : i32
    %mul3A_0 = arith.muli %arg1, %mul3A : i32
    %mul3A_1 = arith.constant 632 : i32
    %mul3A_2 = arith.muli %arg1, %mul3A_1 : i32
    "tpu.region"() ({
      %run_scoped3A = tpu.sem_alloc : memref<!tpu.dma_semaphore, #tpu.memory_space<semaphore_mem>>
      %dma_start3A_212 = arith.constant 0 : i32
      %dma_start3A_213 = tpu.memref_slice %arg7[%mul3A_2, %dma_start3A_212] : memref<10112x128xf32, #tpu.memory_space<vmem_shared>> -> memref<632x128xf32, #tpu.memory_space<vmem_shared>>
      %dma_start3A_214 = arith.constant 0 : i32
      %dma_start3A_215 = tpu.memref_slice %arg5[%mul3A_0, %dma_start3A_214] : memref<10112x128xf32, #tpu.memory_space<hbm>> -> memref<632x128xf32, #tpu.memory_space<hbm>>
      tpu.enqueue_dma source(%dma_start3A_215 : memref<632x128xf32, #tpu.memory_space<hbm>>) target(%dma_start3A_213 : memref<632x128xf32, #tpu.memory_space<vmem_shared>>) target_semaphore(%run_scoped3A : memref<!tpu.dma_semaphore, #tpu.memory_space<semaphore_mem>>)
      %dma_wait3A_216 = arith.constant 0 : i32
      %dma_wait3A_217 = tpu.memref_slice %arg7[%mul3A_2, %dma_wait3A_216] : memref<10112x128xf32, #tpu.memory_space<vmem_shared>> -> memref<632x128xf32, #tpu.memory_space<vmem_shared>>
      %dma_wait3A_218 = arith.constant 0 : i32
      %dma_wait3A_219 = tpu.memref_slice %arg5[%mul3A_0, %dma_wait3A_218] : memref<10112x128xf32, #tpu.memory_space<hbm>> -> memref<632x128xf32, #tpu.memory_space<hbm>>
      tpu.wait_dma2 semaphore(%run_scoped3A : memref<!tpu.dma_semaphore, #tpu.memory_space<semaphore_mem>>) src(%dma_wait3A_219 : memref<632x128xf32, #tpu.memory_space<hbm>>) dst(%dma_wait3A_217 : memref<632x128xf32, #tpu.memory_space<vmem_shared>>)
      tpu.yield
    }) : () -> ()
    %barrier3A = arith.constant 0 : index
    tpu.barrier barrier_id(%barrier3A)
    %dma_start3A = arith.constant 0 : i32
    %dma_start3A_3 = arith.constant 0 : i32
    %dma_start3A_4 = arith.constant 0 : i32
    %dma_start3A_5 = tpu.memref_slice %arg8[%dma_start3A_3, %dma_start3A_4] : memref<6x120xi32, #tpu.memory_space<vmem>> -> memref<1x120xi32, #tpu.memory_space<vmem>>
    %dma_start3A_6 = tpu.memref_squeeze %dma_start3A_5 : memref<1x120xi32, #tpu.memory_space<vmem>> -> memref<120xi32, #tpu.memory_space<vmem>>
    %dma_start3A_7 = arith.constant 0 : i32
    %dma_start3A_8 = tpu.memref_slice %arg3[%arg0, %arg1, %dma_start3A, %dma_start3A_7] : memref<2x16x84x120xi32, #tpu.memory_space<hbm>> -> memref<1x1x1x120xi32, #tpu.memory_space<hbm>>
    %dma_start3A_9 = tpu.memref_squeeze %dma_start3A_8 : memref<1x1x1x120xi32, #tpu.memory_space<hbm>> -> memref<120xi32, #tpu.memory_space<hbm>>
    %dma_start3A_10 = arith.constant 0 : i32
    %dma_start3A_11 = tpu.memref_slice %arg8[%dma_start3A_3, %dma_start3A_10] : memref<6x120xi32, #tpu.memory_space<vmem>> -> memref<1x120xi32, #tpu.memory_space<vmem>>
    %dma_start3A_12 = tpu.memref_squeeze %dma_start3A_11 : memref<1x120xi32, #tpu.memory_space<vmem>> -> memref<120xi32, #tpu.memory_space<vmem>>
    %dma_start3A_13 = arith.constant 0 : i32
    %dma_start3A_14 = tpu.memref_slice %arg3[%arg0, %arg1, %dma_start3A, %dma_start3A_13] : memref<2x16x84x120xi32, #tpu.memory_space<hbm>> -> memref<1x1x1x120xi32, #tpu.memory_space<hbm>>
    %dma_start3A_15 = tpu.memref_squeeze %dma_start3A_14 : memref<1x1x1x120xi32, #tpu.memory_space<hbm>> -> memref<120xi32, #tpu.memory_space<hbm>>
    tpu.enqueue_dma source(%dma_start3A_15 : memref<120xi32, #tpu.memory_space<hbm>>) target(%dma_start3A_12 : memref<120xi32, #tpu.memory_space<vmem>>) target_semaphore(%arg14 : memref<!tpu.dma_semaphore, #tpu.memory_space<semaphore_mem>>)
    %dma_start3A_16 = arith.constant 0 : i32
    %dma_start3A_17 = arith.constant 0 : i32
    %dma_start3A_18 = arith.constant 0 : i32
    %dma_start3A_19 = tpu.memref_slice %arg9[%dma_start3A_17, %dma_start3A_18] : memref<6x120xi32, #tpu.memory_space<vmem>> -> memref<1x120xi32, #tpu.memory_space<vmem>>
    %dma_start3A_20 = tpu.memref_squeeze %dma_start3A_19 : memref<1x120xi32, #tpu.memory_space<vmem>> -> memref<120xi32, #tpu.memory_space<vmem>>
    %dma_start3A_21 = arith.constant 0 : i32
    %dma_start3A_22 = tpu.memref_slice %arg4[%arg1, %dma_start3A_16, %dma_start3A_21] : memref<16x84x120xi32, #tpu.memory_space<hbm>> -> memref<1x1x120xi32, #tpu.memory_space<hbm>>
    %dma_start3A_23 = tpu.memref_squeeze %dma_start3A_22 : memref<1x1x120xi32, #tpu.memory_space<hbm>> -> memref<120xi32, #tpu.memory_space<hbm>>
    %dma_start3A_24 = arith.constant 0 : i32
    %dma_start3A_25 = tpu.memref_slice %arg9[%dma_start3A_17, %dma_start3A_24] : memref<6x120xi32, #tpu.memory_space<vmem>> -> memref<1x120xi32, #tpu.memory_space<vmem>>
    %dma_start3A_26 = tpu.memref_squeeze %dma_start3A_25 : memref<1x120xi32, #tpu.memory_space<vmem>> -> memref<120xi32, #tpu.memory_space<vmem>>
    %dma_start3A_27 = arith.constant 0 : i32
    %dma_start3A_28 = tpu.memref_slice %arg4[%arg1, %dma_start3A_16, %dma_start3A_27] : memref<16x84x120xi32, #tpu.memory_space<hbm>> -> memref<1x1x120xi32, #tpu.memory_space<hbm>>
    %dma_start3A_29 = tpu.memref_squeeze %dma_start3A_28 : memref<1x1x120xi32, #tpu.memory_space<hbm>> -> memref<120xi32, #tpu.memory_space<hbm>>
    tpu.enqueue_dma source(%dma_start3A_29 : memref<120xi32, #tpu.memory_space<hbm>>) target(%dma_start3A_26 : memref<120xi32, #tpu.memory_space<vmem>>) target_semaphore(%arg14 : memref<!tpu.dma_semaphore, #tpu.memory_space<semaphore_mem>>)
    %dma_start3A_30 = arith.constant 1 : i32
    %dma_start3A_31 = arith.constant 1 : i32
    %dma_start3A_32 = arith.constant 0 : i32
    %dma_start3A_33 = tpu.memref_slice %arg8[%dma_start3A_31, %dma_start3A_32] : memref<6x120xi32, #tpu.memory_space<vmem>> -> memref<1x120xi32, #tpu.memory_space<vmem>>
    %dma_start3A_34 = tpu.memref_squeeze %dma_start3A_33 : memref<1x120xi32, #tpu.memory_space<vmem>> -> memref<120xi32, #tpu.memory_space<vmem>>
    %dma_start3A_35 = arith.constant 0 : i32
    %dma_start3A_36 = tpu.memref_slice %arg3[%arg0, %arg1, %dma_start3A_30, %dma_start3A_35] : memref<2x16x84x120xi32, #tpu.memory_space<hbm>> -> memref<1x1x1x120xi32, #tpu.memory_space<hbm>>
    %dma_start3A_37 = tpu.memref_squeeze %dma_start3A_36 : memref<1x1x1x120xi32, #tpu.memory_space<hbm>> -> memref<120xi32, #tpu.memory_space<hbm>>
    %dma_start3A_38 = arith.constant 0 : i32
    %dma_start3A_39 = tpu.memref_slice %arg8[%dma_start3A_31, %dma_start3A_38] : memref<6x120xi32, #tpu.memory_space<vmem>> -> memref<1x120xi32, #tpu.memory_space<vmem>>
    %dma_start3A_40 = tpu.memref_squeeze %dma_start3A_39 : memref<1x120xi32, #tpu.memory_space<vmem>> -> memref<120xi32, #tpu.memory_space<vmem>>
    %dma_start3A_41 = arith.constant 0 : i32
    %dma_start3A_42 = tpu.memref_slice %arg3[%arg0, %arg1, %dma_start3A_30, %dma_start3A_41] : memref<2x16x84x120xi32, #tpu.memory_space<hbm>> -> memref<1x1x1x120xi32, #tpu.memory_space<hbm>>
    %dma_start3A_43 = tpu.memref_squeeze %dma_start3A_42 : memref<1x1x1x120xi32, #tpu.memory_space<hbm>> -> memref<120xi32, #tpu.memory_space<hbm>>
    tpu.enqueue_dma source(%dma_start3A_43 : memref<120xi32, #tpu.memory_space<hbm>>) target(%dma_start3A_40 : memref<120xi32, #tpu.memory_space<vmem>>) target_semaphore(%arg15 : memref<!tpu.dma_semaphore, #tpu.memory_space<semaphore_mem>>)
    %dma_start3A_44 = arith.constant 1 : i32
    %dma_start3A_45 = arith.constant 1 : i32
    %dma_start3A_46 = arith.constant 0 : i32
    %dma_start3A_47 = tpu.memref_slice %arg9[%dma_start3A_45, %dma_start3A_46] : memref<6x120xi32, #tpu.memory_space<vmem>> -> memref<1x120xi32, #tpu.memory_space<vmem>>
    %dma_start3A_48 = tpu.memref_squeeze %dma_start3A_47 : memref<1x120xi32, #tpu.memory_space<vmem>> -> memref<120xi32, #tpu.memory_space<vmem>>
    %dma_start3A_49 = arith.constant 0 : i32
    %dma_start3A_50 = tpu.memref_slice %arg4[%arg1, %dma_start3A_44, %dma_start3A_49] : memref<16x84x120xi32, #tpu.memory_space<hbm>> -> memref<1x1x120xi32, #tpu.memory_space<hbm>>
    %dma_start3A_51 = tpu.memref_squeeze %dma_start3A_50 : memref<1x1x120xi32, #tpu.memory_space<hbm>> -> memref<120xi32, #tpu.memory_space<hbm>>
    %dma_start3A_52 = arith.constant 0 : i32
    %dma_start3A_53 = tpu.memref_slice %arg9[%dma_start3A_45, %dma_start3A_52] : memref<6x120xi32, #tpu.memory_space<vmem>> -> memref<1x120xi32, #tpu.memory_space<vmem>>
    %dma_start3A_54 = tpu.memref_squeeze %dma_start3A_53 : memref<1x120xi32, #tpu.memory_space<vmem>> -> memref<120xi32, #tpu.memory_space<vmem>>
    %dma_start3A_55 = arith.constant 0 : i32
    %dma_start3A_56 = tpu.memref_slice %arg4[%arg1, %dma_start3A_44, %dma_start3A_55] : memref<16x84x120xi32, #tpu.memory_space<hbm>> -> memref<1x1x120xi32, #tpu.memory_space<hbm>>
    %dma_start3A_57 = tpu.memref_squeeze %dma_start3A_56 : memref<1x1x120xi32, #tpu.memory_space<hbm>> -> memref<120xi32, #tpu.memory_space<hbm>>
    tpu.enqueue_dma source(%dma_start3A_57 : memref<120xi32, #tpu.memory_space<hbm>>) target(%dma_start3A_54 : memref<120xi32, #tpu.memory_space<vmem>>) target_semaphore(%arg15 : memref<!tpu.dma_semaphore, #tpu.memory_space<semaphore_mem>>)
    %dma_start3A_58 = arith.constant 2 : i32
    %dma_start3A_59 = arith.constant 2 : i32
    %dma_start3A_60 = arith.constant 0 : i32
    %dma_start3A_61 = tpu.memref_slice %arg8[%dma_start3A_59, %dma_start3A_60] : memref<6x120xi32, #tpu.memory_space<vmem>> -> memref<1x120xi32, #tpu.memory_space<vmem>>
    %dma_start3A_62 = tpu.memref_squeeze %dma_start3A_61 : memref<1x120xi32, #tpu.memory_space<vmem>> -> memref<120xi32, #tpu.memory_space<vmem>>
    %dma_start3A_63 = arith.constant 0 : i32
    %dma_start3A_64 = tpu.memref_slice %arg3[%arg0, %arg1, %dma_start3A_58, %dma_start3A_63] : memref<2x16x84x120xi32, #tpu.memory_space<hbm>> -> memref<1x1x1x120xi32, #tpu.memory_space<hbm>>
    %dma_start3A_65 = tpu.memref_squeeze %dma_start3A_64 : memref<1x1x1x120xi32, #tpu.memory_space<hbm>> -> memref<120xi32, #tpu.memory_space<hbm>>
    %dma_start3A_66 = arith.constant 0 : i32
    %dma_start3A_67 = tpu.memref_slice %arg8[%dma_start3A_59, %dma_start3A_66] : memref<6x120xi32, #tpu.memory_space<vmem>> -> memref<1x120xi32, #tpu.memory_space<vmem>>
    %dma_start3A_68 = tpu.memref_squeeze %dma_start3A_67 : memref<1x120xi32, #tpu.memory_space<vmem>> -> memref<120xi32, #tpu.memory_space<vmem>>
    %dma_start3A_69 = arith.constant 0 : i32
    %dma_start3A_70 = tpu.memref_slice %arg3[%arg0, %arg1, %dma_start3A_58, %dma_start3A_69] : memref<2x16x84x120xi32, #tpu.memory_space<hbm>> -> memref<1x1x1x120xi32, #tpu.memory_space<hbm>>
    %dma_start3A_71 = tpu.memref_squeeze %dma_start3A_70 : memref<1x1x1x120xi32, #tpu.memory_space<hbm>> -> memref<120xi32, #tpu.memory_space<hbm>>
    tpu.enqueue_dma source(%dma_start3A_71 : memref<120xi32, #tpu.memory_space<hbm>>) target(%dma_start3A_68 : memref<120xi32, #tpu.memory_space<vmem>>) target_semaphore(%arg16 : memref<!tpu.dma_semaphore, #tpu.memory_space<semaphore_mem>>)
    %dma_start3A_72 = arith.constant 2 : i32
    %dma_start3A_73 = arith.constant 2 : i32
    %dma_start3A_74 = arith.constant 0 : i32
    %dma_start3A_75 = tpu.memref_slice %arg9[%dma_start3A_73, %dma_start3A_74] : memref<6x120xi32, #tpu.memory_space<vmem>> -> memref<1x120xi32, #tpu.memory_space<vmem>>
    %dma_start3A_76 = tpu.memref_squeeze %dma_start3A_75 : memref<1x120xi32, #tpu.memory_space<vmem>> -> memref<120xi32, #tpu.memory_space<vmem>>
    %dma_start3A_77 = arith.constant 0 : i32
    %dma_start3A_78 = tpu.memref_slice %arg4[%arg1, %dma_start3A_72, %dma_start3A_77] : memref<16x84x120xi32, #tpu.memory_space<hbm>> -> memref<1x1x120xi32, #tpu.memory_space<hbm>>
    %dma_start3A_79 = tpu.memref_squeeze %dma_start3A_78 : memref<1x1x120xi32, #tpu.memory_space<hbm>> -> memref<120xi32, #tpu.memory_space<hbm>>
    %dma_start3A_80 = arith.constant 0 : i32
    %dma_start3A_81 = tpu.memref_slice %arg9[%dma_start3A_73, %dma_start3A_80] : memref<6x120xi32, #tpu.memory_space<vmem>> -> memref<1x120xi32, #tpu.memory_space<vmem>>
    %dma_start3A_82 = tpu.memref_squeeze %dma_start3A_81 : memref<1x120xi32, #tpu.memory_space<vmem>> -> memref<120xi32, #tpu.memory_space<vmem>>
    %dma_start3A_83 = arith.constant 0 : i32
    %dma_start3A_84 = tpu.memref_slice %arg4[%arg1, %dma_start3A_72, %dma_start3A_83] : memref<16x84x120xi32, #tpu.memory_space<hbm>> -> memref<1x1x120xi32, #tpu.memory_space<hbm>>
    %dma_start3A_85 = tpu.memref_squeeze %dma_start3A_84 : memref<1x1x120xi32, #tpu.memory_space<hbm>> -> memref<120xi32, #tpu.memory_space<hbm>>
    tpu.enqueue_dma source(%dma_start3A_85 : memref<120xi32, #tpu.memory_space<hbm>>) target(%dma_start3A_82 : memref<120xi32, #tpu.memory_space<vmem>>) target_semaphore(%arg16 : memref<!tpu.dma_semaphore, #tpu.memory_space<semaphore_mem>>)
    %dma_wait3A = arith.constant 0 : i32
    %dma_wait3A_86 = arith.constant 0 : i32
    %dma_wait3A_87 = arith.constant 0 : i32
    %dma_wait3A_88 = tpu.memref_slice %arg8[%dma_wait3A_86, %dma_wait3A_87] : memref<6x120xi32, #tpu.memory_space<vmem>> -> memref<1x120xi32, #tpu.memory_space<vmem>>
    %dma_wait3A_89 = tpu.memref_squeeze %dma_wait3A_88 : memref<1x120xi32, #tpu.memory_space<vmem>> -> memref<120xi32, #tpu.memory_space<vmem>>
    %dma_wait3A_90 = arith.constant 0 : i32
    %dma_wait3A_91 = tpu.memref_slice %arg3[%arg0, %arg1, %dma_wait3A, %dma_wait3A_90] : memref<2x16x84x120xi32, #tpu.memory_space<hbm>> -> memref<1x1x1x120xi32, #tpu.memory_space<hbm>>
    %dma_wait3A_92 = tpu.memref_squeeze %dma_wait3A_91 : memref<1x1x1x120xi32, #tpu.memory_space<hbm>> -> memref<120xi32, #tpu.memory_space<hbm>>
    %dma_wait3A_93 = arith.constant 0 : i32
    %dma_wait3A_94 = tpu.memref_slice %arg8[%dma_wait3A_86, %dma_wait3A_93] : memref<6x120xi32, #tpu.memory_space<vmem>> -> memref<1x120xi32, #tpu.memory_space<vmem>>
    %dma_wait3A_95 = tpu.memref_squeeze %dma_wait3A_94 : memref<1x120xi32, #tpu.memory_space<vmem>> -> memref<120xi32, #tpu.memory_space<vmem>>
    %dma_wait3A_96 = arith.constant 0 : i32
    %dma_wait3A_97 = tpu.memref_slice %arg3[%arg0, %arg1, %dma_wait3A, %dma_wait3A_96] : memref<2x16x84x120xi32, #tpu.memory_space<hbm>> -> memref<1x1x1x120xi32, #tpu.memory_space<hbm>>
    %dma_wait3A_98 = tpu.memref_squeeze %dma_wait3A_97 : memref<1x1x1x120xi32, #tpu.memory_space<hbm>> -> memref<120xi32, #tpu.memory_space<hbm>>
    tpu.wait_dma2 semaphore(%arg14 : memref<!tpu.dma_semaphore, #tpu.memory_space<semaphore_mem>>) src(%dma_wait3A_98 : memref<120xi32, #tpu.memory_space<hbm>>) dst(%dma_wait3A_95 : memref<120xi32, #tpu.memory_space<vmem>>)
    %dma_wait3A_99 = arith.constant 0 : i32
    %dma_wait3A_100 = arith.constant 0 : i32
    %dma_wait3A_101 = arith.constant 0 : i32
    %dma_wait3A_102 = tpu.memref_slice %arg9[%dma_wait3A_100, %dma_wait3A_101] : memref<6x120xi32, #tpu.memory_space<vmem>> -> memref<1x120xi32, #tpu.memory_space<vmem>>
    %dma_wait3A_103 = tpu.memref_squeeze %dma_wait3A_102 : memref<1x120xi32, #tpu.memory_space<vmem>> -> memref<120xi32, #tpu.memory_space<vmem>>
    %dma_wait3A_104 = arith.constant 0 : i32
    %dma_wait3A_105 = tpu.memref_slice %arg4[%arg1, %dma_wait3A_99, %dma_wait3A_104] : memref<16x84x120xi32, #tpu.memory_space<hbm>> -> memref<1x1x120xi32, #tpu.memory_space<hbm>>
    %dma_wait3A_106 = tpu.memref_squeeze %dma_wait3A_105 : memref<1x1x120xi32, #tpu.memory_space<hbm>> -> memref<120xi32, #tpu.memory_space<hbm>>
    %dma_wait3A_107 = arith.constant 0 : i32
    %dma_wait3A_108 = tpu.memref_slice %arg9[%dma_wait3A_100, %dma_wait3A_107] : memref<6x120xi32, #tpu.memory_space<vmem>> -> memref<1x120xi32, #tpu.memory_space<vmem>>
    %dma_wait3A_109 = tpu.memref_squeeze %dma_wait3A_108 : memref<1x120xi32, #tpu.memory_space<vmem>> -> memref<120xi32, #tpu.memory_space<vmem>>
    %dma_wait3A_110 = arith.constant 0 : i32
    %dma_wait3A_111 = tpu.memref_slice %arg4[%arg1, %dma_wait3A_99, %dma_wait3A_110] : memref<16x84x120xi32, #tpu.memory_space<hbm>> -> memref<1x1x120xi32, #tpu.memory_space<hbm>>
    %dma_wait3A_112 = tpu.memref_squeeze %dma_wait3A_111 : memref<1x1x120xi32, #tpu.memory_space<hbm>> -> memref<120xi32, #tpu.memory_space<hbm>>
    tpu.wait_dma2 semaphore(%arg14 : memref<!tpu.dma_semaphore, #tpu.memory_space<semaphore_mem>>) src(%dma_wait3A_112 : memref<120xi32, #tpu.memory_space<hbm>>) dst(%dma_wait3A_109 : memref<120xi32, #tpu.memory_space<vmem>>)
    %dma_start3A_113 = arith.constant 0 : i32
    %dma_start3A_114 = arith.constant 0 : i32
    %dma_start3A_115 = arith.constant 0 : i32
    %dma_start3A_116 = arith.constant 0 : i32
    %dma_start3A_117 = tpu.memref_slice %arg10[%dma_start3A_114, %dma_start3A_115, %dma_start3A_116] : memref<3x120x128xf32, #tpu.memory_space<vmem>> -> memref<1x120x128xf32, #tpu.memory_space<vmem>>
    %dma_start3A_118 = tpu.memref_squeeze %dma_start3A_117 : memref<1x120x128xf32, #tpu.memory_space<vmem>> -> memref<120x128xf32, #tpu.memory_space<vmem>>
    %dma_start3A_119 = arith.constant 0 : i32
    %dma_start3A_120 = tpu.memref_slice %arg8[%dma_start3A_113, %dma_start3A_119] : memref<6x120xi32, #tpu.memory_space<vmem>> -> memref<1x120xi32, #tpu.memory_space<vmem>>
    %dma_start3A_121 = tpu.memref_squeeze %dma_start3A_120 : memref<1x120xi32, #tpu.memory_space<vmem>> -> memref<120xi32, #tpu.memory_space<vmem>>
    %dma_start3A_122 = arith.constant 0 : i32
    %dma_start3A_123 = arith.constant 0 : i32
    %dma_start3A_124 = tpu.memref_slice %arg2[%dma_start3A_122, %dma_start3A_123] : memref<20000x128xf32, #tpu.memory_space<hbm>> -> memref<20000x128xf32, #tpu.memory_space<hbm>>
    tpu.enqueue_indirect_dma source(%dma_start3A_124 : memref<20000x128xf32, #tpu.memory_space<hbm>>) target(%dma_start3A_118 : memref<120x128xf32, #tpu.memory_space<vmem>>) offsets(%dma_start3A_121 : memref<120xi32, #tpu.memory_space<vmem>>) semaphore(%arg11 : memref<!tpu.dma_semaphore, #tpu.memory_space<semaphore_mem>>)
    %dma_wait3A_125 = arith.constant 1 : i32
    %dma_wait3A_126 = arith.constant 1 : i32
    %dma_wait3A_127 = arith.constant 0 : i32
    %dma_wait3A_128 = tpu.memref_slice %arg8[%dma_wait3A_126, %dma_wait3A_127] : memref<6x120xi32, #tpu.memory_space<vmem>> -> memref<1x120xi32, #tpu.memory_space<vmem>>
    %dma_wait3A_129 = tpu.memref_squeeze %dma_wait3A_128 : memref<1x120xi32, #tpu.memory_space<vmem>> -> memref<120xi32, #tpu.memory_space<vmem>>
    %dma_wait3A_130 = arith.constant 0 : i32
    %dma_wait3A_131 = tpu.memref_slice %arg3[%arg0, %arg1, %dma_wait3A_125, %dma_wait3A_130] : memref<2x16x84x120xi32, #tpu.memory_space<hbm>> -> memref<1x1x1x120xi32, #tpu.memory_space<hbm>>
    %dma_wait3A_132 = tpu.memref_squeeze %dma_wait3A_131 : memref<1x1x1x120xi32, #tpu.memory_space<hbm>> -> memref<120xi32, #tpu.memory_space<hbm>>
    %dma_wait3A_133 = arith.constant 0 : i32
    %dma_wait3A_134 = tpu.memref_slice %arg8[%dma_wait3A_126, %dma_wait3A_133] : memref<6x120xi32, #tpu.memory_space<vmem>> -> memref<1x120xi32, #tpu.memory_space<vmem>>
    %dma_wait3A_135 = tpu.memref_squeeze %dma_wait3A_134 : memref<1x120xi32, #tpu.memory_space<vmem>> -> memref<120xi32, #tpu.memory_space<vmem>>
    %dma_wait3A_136 = arith.constant 0 : i32
    %dma_wait3A_137 = tpu.memref_slice %arg3[%arg0, %arg1, %dma_wait3A_125, %dma_wait3A_136] : memref<2x16x84x120xi32, #tpu.memory_space<hbm>> -> memref<1x1x1x120xi32, #tpu.memory_space<hbm>>
    %dma_wait3A_138 = tpu.memref_squeeze %dma_wait3A_137 : memref<1x1x1x120xi32, #tpu.memory_space<hbm>> -> memref<120xi32, #tpu.memory_space<hbm>>
    tpu.wait_dma2 semaphore(%arg15 : memref<!tpu.dma_semaphore, #tpu.memory_space<semaphore_mem>>) src(%dma_wait3A_138 : memref<120xi32, #tpu.memory_space<hbm>>) dst(%dma_wait3A_135 : memref<120xi32, #tpu.memory_space<vmem>>)
    %dma_wait3A_139 = arith.constant 1 : i32
    %dma_wait3A_140 = arith.constant 1 : i32
    %dma_wait3A_141 = arith.constant 0 : i32
    %dma_wait3A_142 = tpu.memref_slice %arg9[%dma_wait3A_140, %dma_wait3A_141] : memref<6x120xi32, #tpu.memory_space<vmem>> -> memref<1x120xi32, #tpu.memory_space<vmem>>
    %dma_wait3A_143 = tpu.memref_squeeze %dma_wait3A_142 : memref<1x120xi32, #tpu.memory_space<vmem>> -> memref<120xi32, #tpu.memory_space<vmem>>
    %dma_wait3A_144 = arith.constant 0 : i32
    %dma_wait3A_145 = tpu.memref_slice %arg4[%arg1, %dma_wait3A_139, %dma_wait3A_144] : memref<16x84x120xi32, #tpu.memory_space<hbm>> -> memref<1x1x120xi32, #tpu.memory_space<hbm>>
    %dma_wait3A_146 = tpu.memref_squeeze %dma_wait3A_145 : memref<1x1x120xi32, #tpu.memory_space<hbm>> -> memref<120xi32, #tpu.memory_space<hbm>>
    %dma_wait3A_147 = arith.constant 0 : i32
    %dma_wait3A_148 = tpu.memref_slice %arg9[%dma_wait3A_140, %dma_wait3A_147] : memref<6x120xi32, #tpu.memory_space<vmem>> -> memref<1x120xi32, #tpu.memory_space<vmem>>
    %dma_wait3A_149 = tpu.memref_squeeze %dma_wait3A_148 : memref<1x120xi32, #tpu.memory_space<vmem>> -> memref<120xi32, #tpu.memory_space<vmem>>
    %dma_wait3A_150 = arith.constant 0 : i32
    %dma_wait3A_151 = tpu.memref_slice %arg4[%arg1, %dma_wait3A_139, %dma_wait3A_150] : memref<16x84x120xi32, #tpu.memory_space<hbm>> -> memref<1x1x120xi32, #tpu.memory_space<hbm>>
    %dma_wait3A_152 = tpu.memref_squeeze %dma_wait3A_151 : memref<1x1x120xi32, #tpu.memory_space<hbm>> -> memref<120xi32, #tpu.memory_space<hbm>>
    tpu.wait_dma2 semaphore(%arg15 : memref<!tpu.dma_semaphore, #tpu.memory_space<semaphore_mem>>) src(%dma_wait3A_152 : memref<120xi32, #tpu.memory_space<hbm>>) dst(%dma_wait3A_149 : memref<120xi32, #tpu.memory_space<vmem>>)
    %dma_start3A_153 = arith.constant 1 : i32
    %dma_start3A_154 = arith.constant 1 : i32
    %dma_start3A_155 = arith.constant 0 : i32
    %dma_start3A_156 = arith.constant 0 : i32
    %dma_start3A_157 = tpu.memref_slice %arg10[%dma_start3A_154, %dma_start3A_155, %dma_start3A_156] : memref<3x120x128xf32, #tpu.memory_space<vmem>> -> memref<1x120x128xf32, #tpu.memory_space<vmem>>
    %dma_start3A_158 = tpu.memref_squeeze %dma_start3A_157 : memref<1x120x128xf32, #tpu.memory_space<vmem>> -> memref<120x128xf32, #tpu.memory_space<vmem>>
    %dma_start3A_159 = arith.constant 0 : i32
    %dma_start3A_160 = tpu.memref_slice %arg8[%dma_start3A_153, %dma_start3A_159] : memref<6x120xi32, #tpu.memory_space<vmem>> -> memref<1x120xi32, #tpu.memory_space<vmem>>
    %dma_start3A_161 = tpu.memref_squeeze %dma_start3A_160 : memref<1x120xi32, #tpu.memory_space<vmem>> -> memref<120xi32, #tpu.memory_space<vmem>>
    %dma_start3A_162 = arith.constant 0 : i32
    %dma_start3A_163 = arith.constant 0 : i32
    %dma_start3A_164 = tpu.memref_slice %arg2[%dma_start3A_162, %dma_start3A_163] : memref<20000x128xf32, #tpu.memory_space<hbm>> -> memref<20000x128xf32, #tpu.memory_space<hbm>>
    tpu.enqueue_indirect_dma source(%dma_start3A_164 : memref<20000x128xf32, #tpu.memory_space<hbm>>) target(%dma_start3A_158 : memref<120x128xf32, #tpu.memory_space<vmem>>) offsets(%dma_start3A_161 : memref<120xi32, #tpu.memory_space<vmem>>) semaphore(%arg12 : memref<!tpu.dma_semaphore, #tpu.memory_space<semaphore_mem>>)
    %scan3A = arith.constant 0 : i32
    %scan3A_165 = arith.constant 14 : i32
    %scan3A_166 = arith.addi %scan3A, %scan3A_165 : i32
    %scan3A_167 = arith.constant 1 : i32
    scf.for %scan3A_212 = %scan3A to %scan3A_166 step %scan3A_167  : i32 {
      %mul3A_213 = arith.constant 6 : i32
      %mul3A_214 = arith.muli %scan3A_212, %mul3A_213 : i32
      %add3A_215 = arith.constant 0 : i32
      %add3A_216 = arith.addi %add3A_215, %mul3A_214 : i32
      %add3A_217 = arith.constant 0 : i32
      %add3A_218 = arith.addi %add3A_216, %add3A_217 : i32
      %add3A_219 = arith.constant 3 : i32
      %add3A_220 = arith.addi %add3A_218, %add3A_219 : i32
      %sub3A = arith.constant 1 : i32
      %sub3A_221 = arith.subi %add3A_220, %sub3A : i32
      %lt3A = arith.constant 84 : i32
      %lt3A_222 = arith.cmpi slt, %sub3A_221, %lt3A : i32
      %convert_element_type3A = arith.extui %lt3A_222 : i1 to i32
      %cond3A = arith.constant 0 : i32
      %cond3A_223 = arith.cmpi ne, %convert_element_type3A, %cond3A : i32
      scf.if %cond3A_223 {
        %add3A_351 = arith.constant 3 : i32
        %add3A_352 = arith.addi %add3A_218, %add3A_351 : i32
        %sub3A_353 = arith.constant 1 : i32
        %sub3A_354 = arith.subi %add3A_352, %sub3A_353 : i32
        %dma_wait3A_355 = arith.constant 2 : i32
        %dma_wait3A_356 = arith.constant 0 : i32
        %dma_wait3A_357 = tpu.memref_slice %arg8[%dma_wait3A_355, %dma_wait3A_356] : memref<6x120xi32, #tpu.memory_space<vmem>> -> memref<1x120xi32, #tpu.memory_space<vmem>>
        %dma_wait3A_358 = tpu.memref_squeeze %dma_wait3A_357 : memref<1x120xi32, #tpu.memory_space<vmem>> -> memref<120xi32, #tpu.memory_space<vmem>>
        %dma_wait3A_359 = arith.constant 0 : i32
        %dma_wait3A_360 = tpu.memref_slice %arg3[%arg0, %arg1, %sub3A_354, %dma_wait3A_359] : memref<2x16x84x120xi32, #tpu.memory_space<hbm>> -> memref<1x1x1x120xi32, #tpu.memory_space<hbm>>
        %dma_wait3A_361 = tpu.memref_squeeze %dma_wait3A_360 : memref<1x1x1x120xi32, #tpu.memory_space<hbm>> -> memref<120xi32, #tpu.memory_space<hbm>>
        %dma_wait3A_362 = arith.constant 0 : i32
        %dma_wait3A_363 = tpu.memref_slice %arg8[%dma_wait3A_355, %dma_wait3A_362] : memref<6x120xi32, #tpu.memory_space<vmem>> -> memref<1x120xi32, #tpu.memory_space<vmem>>
        %dma_wait3A_364 = tpu.memref_squeeze %dma_wait3A_363 : memref<1x120xi32, #tpu.memory_space<vmem>> -> memref<120xi32, #tpu.memory_space<vmem>>
        %dma_wait3A_365 = arith.constant 0 : i32
        %dma_wait3A_366 = tpu.memref_slice %arg3[%arg0, %arg1, %sub3A_354, %dma_wait3A_365] : memref<2x16x84x120xi32, #tpu.memory_space<hbm>> -> memref<1x1x1x120xi32, #tpu.memory_space<hbm>>
        %dma_wait3A_367 = tpu.memref_squeeze %dma_wait3A_366 : memref<1x1x1x120xi32, #tpu.memory_space<hbm>> -> memref<120xi32, #tpu.memory_space<hbm>>
        tpu.wait_dma2 semaphore(%arg16 : memref<!tpu.dma_semaphore, #tpu.memory_space<semaphore_mem>>) src(%dma_wait3A_367 : memref<120xi32, #tpu.memory_space<hbm>>) dst(%dma_wait3A_364 : memref<120xi32, #tpu.memory_space<vmem>>)
        %dma_wait3A_368 = arith.constant 2 : i32
        %dma_wait3A_369 = arith.constant 0 : i32
        %dma_wait3A_370 = tpu.memref_slice %arg9[%dma_wait3A_368, %dma_wait3A_369] : memref<6x120xi32, #tpu.memory_space<vmem>> -> memref<1x120xi32, #tpu.memory_space<vmem>>
        %dma_wait3A_371 = tpu.memref_squeeze %dma_wait3A_370 : memref<1x120xi32, #tpu.memory_space<vmem>> -> memref<120xi32, #tpu.memory_space<vmem>>
        %dma_wait3A_372 = arith.constant 0 : i32
        %dma_wait3A_373 = tpu.memref_slice %arg4[%arg1, %sub3A_354, %dma_wait3A_372] : memref<16x84x120xi32, #tpu.memory_space<hbm>> -> memref<1x1x120xi32, #tpu.memory_space<hbm>>
        %dma_wait3A_374 = tpu.memref_squeeze %dma_wait3A_373 : memref<1x1x120xi32, #tpu.memory_space<hbm>> -> memref<120xi32, #tpu.memory_space<hbm>>
        %dma_wait3A_375 = arith.constant 0 : i32
        %dma_wait3A_376 = tpu.memref_slice %arg9[%dma_wait3A_368, %dma_wait3A_375] : memref<6x120xi32, #tpu.memory_space<vmem>> -> memref<1x120xi32, #tpu.memory_space<vmem>>
        %dma_wait3A_377 = tpu.memref_squeeze %dma_wait3A_376 : memref<1x120xi32, #tpu.memory_space<vmem>> -> memref<120xi32, #tpu.memory_space<vmem>>
        %dma_wait3A_378 = arith.constant 0 : i32
        %dma_wait3A_379 = tpu.memref_slice %arg4[%arg1, %sub3A_354, %dma_wait3A_378] : memref<16x84x120xi32, #tpu.memory_space<hbm>> -> memref<1x1x120xi32, #tpu.memory_space<hbm>>
        %dma_wait3A_380 = tpu.memref_squeeze %dma_wait3A_379 : memref<1x1x120xi32, #tpu.memory_space<hbm>> -> memref<120xi32, #tpu.memory_space<hbm>>
        tpu.wait_dma2 semaphore(%arg16 : memref<!tpu.dma_semaphore, #tpu.memory_space<semaphore_mem>>) src(%dma_wait3A_380 : memref<120xi32, #tpu.memory_space<hbm>>) dst(%dma_wait3A_377 : memref<120xi32, #tpu.memory_space<vmem>>)
        %ge3A = arith.constant 1 : i32
        %ge3A_381 = arith.cmpi sge, %add3A_218, %ge3A : i32
        %convert_element_type3A_382 = arith.extui %ge3A_381 : i1 to i32
        %cond3A_383 = arith.constant 0 : i32
        %cond3A_384 = arith.cmpi ne, %convert_element_type3A_382, %cond3A_383 : i32
        scf.if %cond3A_384 {
          %dma_wait3A_397 = arith.constant 2 : i32
          %dma_wait3A_398 = arith.constant 5 : i32
          %dma_wait3A_399 = arith.constant 0 : i32
          %dma_wait3A_400 = arith.constant 0 : i32
          %dma_wait3A_401 = tpu.memref_slice %arg10[%dma_wait3A_397, %dma_wait3A_399, %dma_wait3A_400] : memref<3x120x128xf32, #tpu.memory_space<vmem>> -> memref<1x120x128xf32, #tpu.memory_space<vmem>>
          %dma_wait3A_402 = tpu.memref_squeeze %dma_wait3A_401 : memref<1x120x128xf32, #tpu.memory_space<vmem>> -> memref<120x128xf32, #tpu.memory_space<vmem>>
          %dma_wait3A_403 = arith.constant 0 : i32
          %dma_wait3A_404 = tpu.memref_slice %arg9[%dma_wait3A_398, %dma_wait3A_403] : memref<6x120xi32, #tpu.memory_space<vmem>> -> memref<1x120xi32, #tpu.memory_space<vmem>>
          %dma_wait3A_405 = tpu.memref_squeeze %dma_wait3A_404 : memref<1x120xi32, #tpu.memory_space<vmem>> -> memref<120xi32, #tpu.memory_space<vmem>>
          %dma_wait3A_406 = arith.constant 0 : i32
          %dma_wait3A_407 = arith.constant 0 : i32
          %dma_wait3A_408 = tpu.memref_slice %arg7[%dma_wait3A_406, %dma_wait3A_407] : memref<10112x128xf32, #tpu.memory_space<vmem_shared>> -> memref<10112x128xf32, #tpu.memory_space<vmem_shared>>
          tpu.wait_indirect_dma semaphore(%arg19 : memref<!tpu.dma_semaphore, #tpu.memory_space<semaphore_mem>>) src(%dma_wait3A_402 : memref<120x128xf32, #tpu.memory_space<vmem>>) dst(%dma_wait3A_408 : memref<10112x128xf32, #tpu.memory_space<vmem_shared>>)
        } else {
        }
        %dma_start3A_385 = arith.constant 2 : i32
        %dma_start3A_386 = arith.constant 2 : i32
        %dma_start3A_387 = arith.constant 0 : i32
        %dma_start3A_388 = arith.constant 0 : i32
        %dma_start3A_389 = tpu.memref_slice %arg10[%dma_start3A_386, %dma_start3A_387, %dma_start3A_388] : memref<3x120x128xf32, #tpu.memory_space<vmem>> -> memref<1x120x128xf32, #tpu.memory_space<vmem>>
        %dma_start3A_390 = tpu.memref_squeeze %dma_start3A_389 : memref<1x120x128xf32, #tpu.memory_space<vmem>> -> memref<120x128xf32, #tpu.memory_space<vmem>>
        %dma_start3A_391 = arith.constant 0 : i32
        %dma_start3A_392 = tpu.memref_slice %arg8[%dma_start3A_385, %dma_start3A_391] : memref<6x120xi32, #tpu.memory_space<vmem>> -> memref<1x120xi32, #tpu.memory_space<vmem>>
        %dma_start3A_393 = tpu.memref_squeeze %dma_start3A_392 : memref<1x120xi32, #tpu.memory_space<vmem>> -> memref<120xi32, #tpu.memory_space<vmem>>
        %dma_start3A_394 = arith.constant 0 : i32
        %dma_start3A_395 = arith.constant 0 : i32
        %dma_start3A_396 = tpu.memref_slice %arg2[%dma_start3A_394, %dma_start3A_395] : memref<20000x128xf32, #tpu.memory_space<hbm>> -> memref<20000x128xf32, #tpu.memory_space<hbm>>
        tpu.enqueue_indirect_dma source(%dma_start3A_396 : memref<20000x128xf32, #tpu.memory_space<hbm>>) target(%dma_start3A_390 : memref<120x128xf32, #tpu.memory_space<vmem>>) offsets(%dma_start3A_393 : memref<120xi32, #tpu.memory_space<vmem>>) semaphore(%arg13 : memref<!tpu.dma_semaphore, #tpu.memory_space<semaphore_mem>>)
      } else {
      }
      %lt3A_224 = arith.constant 84 : i32
      %lt3A_225 = arith.cmpi slt, %add3A_218, %lt3A_224 : i32
      %convert_element_type3A_226 = arith.extui %lt3A_225 : i1 to i32
      %cond3A_227 = arith.constant 0 : i32
      %cond3A_228 = arith.cmpi ne, %convert_element_type3A_226, %cond3A_227 : i32
      scf.if %cond3A_228 {
        %dma_wait3A_351 = arith.constant 0 : i32
        %dma_wait3A_352 = arith.constant 0 : i32
        %dma_wait3A_353 = arith.constant 0 : i32
        %dma_wait3A_354 = arith.constant 0 : i32
        %dma_wait3A_355 = tpu.memref_slice %arg10[%dma_wait3A_352, %dma_wait3A_353, %dma_wait3A_354] : memref<3x120x128xf32, #tpu.memory_space<vmem>> -> memref<1x120x128xf32, #tpu.memory_space<vmem>>
        %dma_wait3A_356 = tpu.memref_squeeze %dma_wait3A_355 : memref<1x120x128xf32, #tpu.memory_space<vmem>> -> memref<120x128xf32, #tpu.memory_space<vmem>>
        %dma_wait3A_357 = arith.constant 0 : i32
        %dma_wait3A_358 = tpu.memref_slice %arg8[%dma_wait3A_351, %dma_wait3A_357] : memref<6x120xi32, #tpu.memory_space<vmem>> -> memref<1x120xi32, #tpu.memory_space<vmem>>
        %dma_wait3A_359 = tpu.memref_squeeze %dma_wait3A_358 : memref<1x120xi32, #tpu.memory_space<vmem>> -> memref<120xi32, #tpu.memory_space<vmem>>
        %dma_wait3A_360 = arith.constant 0 : i32
        %dma_wait3A_361 = arith.constant 0 : i32
        %dma_wait3A_362 = tpu.memref_slice %arg2[%dma_wait3A_360, %dma_wait3A_361] : memref<20000x128xf32, #tpu.memory_space<hbm>> -> memref<20000x128xf32, #tpu.memory_space<hbm>>
        tpu.wait_indirect_dma semaphore(%arg11 : memref<!tpu.dma_semaphore, #tpu.memory_space<semaphore_mem>>) src(%dma_wait3A_362 : memref<20000x128xf32, #tpu.memory_space<hbm>>) dst(%dma_wait3A_356 : memref<120x128xf32, #tpu.memory_space<vmem>>)
        %dma_start3A_363 = arith.constant 0 : i32
        %dma_start3A_364 = arith.constant 0 : i32
        %dma_start3A_365 = arith.constant 0 : i32
        %dma_start3A_366 = arith.constant 0 : i32
        %dma_start3A_367 = tpu.memref_slice %arg10[%dma_start3A_363, %dma_start3A_365, %dma_start3A_366] : memref<3x120x128xf32, #tpu.memory_space<vmem>> -> memref<1x120x128xf32, #tpu.memory_space<vmem>>
        %dma_start3A_368 = tpu.memref_squeeze %dma_start3A_367 : memref<1x120x128xf32, #tpu.memory_space<vmem>> -> memref<120x128xf32, #tpu.memory_space<vmem>>
        %dma_start3A_369 = arith.constant 0 : i32
        %dma_start3A_370 = tpu.memref_slice %arg9[%dma_start3A_364, %dma_start3A_369] : memref<6x120xi32, #tpu.memory_space<vmem>> -> memref<1x120xi32, #tpu.memory_space<vmem>>
        %dma_start3A_371 = tpu.memref_squeeze %dma_start3A_370 : memref<1x120xi32, #tpu.memory_space<vmem>> -> memref<120xi32, #tpu.memory_space<vmem>>
        %dma_start3A_372 = arith.constant 0 : i32
        %dma_start3A_373 = arith.constant 0 : i32
        %dma_start3A_374 = tpu.memref_slice %arg7[%dma_start3A_372, %dma_start3A_373] : memref<10112x128xf32, #tpu.memory_space<vmem_shared>> -> memref<10112x128xf32, #tpu.memory_space<vmem_shared>>
        tpu.enqueue_indirect_dma source(%dma_start3A_368 : memref<120x128xf32, #tpu.memory_space<vmem>>) target(%dma_start3A_374 : memref<10112x128xf32, #tpu.memory_space<vmem_shared>>) offsets(%dma_start3A_371 : memref<120xi32, #tpu.memory_space<vmem>>) semaphore(%arg17 : memref<!tpu.dma_semaphore, #tpu.memory_space<semaphore_mem>>) {add = true}
      } else {
      }
      %add3A_229 = arith.constant 3 : i32
      %add3A_230 = arith.addi %add3A_218, %add3A_229 : i32
      %lt3A_231 = arith.constant 84 : i32
      %lt3A_232 = arith.cmpi slt, %add3A_230, %lt3A_231 : i32
      %convert_element_type3A_233 = arith.extui %lt3A_232 : i1 to i32
      %cond3A_234 = arith.constant 0 : i32
      %cond3A_235 = arith.cmpi ne, %convert_element_type3A_233, %cond3A_234 : i32
      scf.if %cond3A_235 {
        %add3A_351 = arith.constant 3 : i32
        %add3A_352 = arith.addi %add3A_218, %add3A_351 : i32
        %dma_start3A_353 = arith.constant 3 : i32
        %dma_start3A_354 = arith.constant 0 : i32
        %dma_start3A_355 = tpu.memref_slice %arg8[%dma_start3A_353, %dma_start3A_354] : memref<6x120xi32, #tpu.memory_space<vmem>> -> memref<1x120xi32, #tpu.memory_space<vmem>>
        %dma_start3A_356 = tpu.memref_squeeze %dma_start3A_355 : memref<1x120xi32, #tpu.memory_space<vmem>> -> memref<120xi32, #tpu.memory_space<vmem>>
        %dma_start3A_357 = arith.constant 0 : i32
        %dma_start3A_358 = tpu.memref_slice %arg3[%arg0, %arg1, %add3A_352, %dma_start3A_357] : memref<2x16x84x120xi32, #tpu.memory_space<hbm>> -> memref<1x1x1x120xi32, #tpu.memory_space<hbm>>
        %dma_start3A_359 = tpu.memref_squeeze %dma_start3A_358 : memref<1x1x1x120xi32, #tpu.memory_space<hbm>> -> memref<120xi32, #tpu.memory_space<hbm>>
        %dma_start3A_360 = arith.constant 0 : i32
        %dma_start3A_361 = tpu.memref_slice %arg8[%dma_start3A_353, %dma_start3A_360] : memref<6x120xi32, #tpu.memory_space<vmem>> -> memref<1x120xi32, #tpu.memory_space<vmem>>
        %dma_start3A_362 = tpu.memref_squeeze %dma_start3A_361 : memref<1x120xi32, #tpu.memory_space<vmem>> -> memref<120xi32, #tpu.memory_space<vmem>>
        %dma_start3A_363 = arith.constant 0 : i32
        %dma_start3A_364 = tpu.memref_slice %arg3[%arg0, %arg1, %add3A_352, %dma_start3A_363] : memref<2x16x84x120xi32, #tpu.memory_space<hbm>> -> memref<1x1x1x120xi32, #tpu.memory_space<hbm>>
        %dma_start3A_365 = tpu.memref_squeeze %dma_start3A_364 : memref<1x1x1x120xi32, #tpu.memory_space<hbm>> -> memref<120xi32, #tpu.memory_space<hbm>>
        tpu.enqueue_dma source(%dma_start3A_365 : memref<120xi32, #tpu.memory_space<hbm>>) target(%dma_start3A_362 : memref<120xi32, #tpu.memory_space<vmem>>) target_semaphore(%arg14 : memref<!tpu.dma_semaphore, #tpu.memory_space<semaphore_mem>>)
        %dma_start3A_366 = arith.constant 3 : i32
        %dma_start3A_367 = arith.constant 0 : i32
        %dma_start3A_368 = tpu.memref_slice %arg9[%dma_start3A_366, %dma_start3A_367] : memref<6x120xi32, #tpu.memory_space<vmem>> -> memref<1x120xi32, #tpu.memory_space<vmem>>
        %dma_start3A_369 = tpu.memref_squeeze %dma_start3A_368 : memref<1x120xi32, #tpu.memory_space<vmem>> -> memref<120xi32, #tpu.memory_space<vmem>>
        %dma_start3A_370 = arith.constant 0 : i32
        %dma_start3A_371 = tpu.memref_slice %arg4[%arg1, %add3A_352, %dma_start3A_370] : memref<16x84x120xi32, #tpu.memory_space<hbm>> -> memref<1x1x120xi32, #tpu.memory_space<hbm>>
        %dma_start3A_372 = tpu.memref_squeeze %dma_start3A_371 : memref<1x1x120xi32, #tpu.memory_space<hbm>> -> memref<120xi32, #tpu.memory_space<hbm>>
        %dma_start3A_373 = arith.constant 0 : i32
        %dma_start3A_374 = tpu.memref_slice %arg9[%dma_start3A_366, %dma_start3A_373] : memref<6x120xi32, #tpu.memory_space<vmem>> -> memref<1x120xi32, #tpu.memory_space<vmem>>
        %dma_start3A_375 = tpu.memref_squeeze %dma_start3A_374 : memref<1x120xi32, #tpu.memory_space<vmem>> -> memref<120xi32, #tpu.memory_space<vmem>>
        %dma_start3A_376 = arith.constant 0 : i32
        %dma_start3A_377 = tpu.memref_slice %arg4[%arg1, %add3A_352, %dma_start3A_376] : memref<16x84x120xi32, #tpu.memory_space<hbm>> -> memref<1x1x120xi32, #tpu.memory_space<hbm>>
        %dma_start3A_378 = tpu.memref_squeeze %dma_start3A_377 : memref<1x1x120xi32, #tpu.memory_space<hbm>> -> memref<120xi32, #tpu.memory_space<hbm>>
        tpu.enqueue_dma source(%dma_start3A_378 : memref<120xi32, #tpu.memory_space<hbm>>) target(%dma_start3A_375 : memref<120xi32, #tpu.memory_space<vmem>>) target_semaphore(%arg14 : memref<!tpu.dma_semaphore, #tpu.memory_space<semaphore_mem>>)
      } else {
      }
      %add3A_236 = arith.constant 1 : i32
      %add3A_237 = arith.addi %add3A_216, %add3A_236 : i32
      %add3A_238 = arith.constant 3 : i32
      %add3A_239 = arith.addi %add3A_237, %add3A_238 : i32
      %sub3A_240 = arith.constant 1 : i32
      %sub3A_241 = arith.subi %add3A_239, %sub3A_240 : i32
      %lt3A_242 = arith.constant 84 : i32
      %lt3A_243 = arith.cmpi slt, %sub3A_241, %lt3A_242 : i32
      %convert_element_type3A_244 = arith.extui %lt3A_243 : i1 to i32
      %cond3A_245 = arith.constant 0 : i32
      %cond3A_246 = arith.cmpi ne, %convert_element_type3A_244, %cond3A_245 : i32
      scf.if %cond3A_246 {
        %add3A_351 = arith.constant 3 : i32
        %add3A_352 = arith.addi %add3A_237, %add3A_351 : i32
        %sub3A_353 = arith.constant 1 : i32
        %sub3A_354 = arith.subi %add3A_352, %sub3A_353 : i32
        %dma_wait3A_355 = arith.constant 3 : i32
        %dma_wait3A_356 = arith.constant 0 : i32
        %dma_wait3A_357 = tpu.memref_slice %arg8[%dma_wait3A_355, %dma_wait3A_356] : memref<6x120xi32, #tpu.memory_space<vmem>> -> memref<1x120xi32, #tpu.memory_space<vmem>>
        %dma_wait3A_358 = tpu.memref_squeeze %dma_wait3A_357 : memref<1x120xi32, #tpu.memory_space<vmem>> -> memref<120xi32, #tpu.memory_space<vmem>>
        %dma_wait3A_359 = arith.constant 0 : i32
        %dma_wait3A_360 = tpu.memref_slice %arg3[%arg0, %arg1, %sub3A_354, %dma_wait3A_359] : memref<2x16x84x120xi32, #tpu.memory_space<hbm>> -> memref<1x1x1x120xi32, #tpu.memory_space<hbm>>
        %dma_wait3A_361 = tpu.memref_squeeze %dma_wait3A_360 : memref<1x1x1x120xi32, #tpu.memory_space<hbm>> -> memref<120xi32, #tpu.memory_space<hbm>>
        %dma_wait3A_362 = arith.constant 0 : i32
        %dma_wait3A_363 = tpu.memref_slice %arg8[%dma_wait3A_355, %dma_wait3A_362] : memref<6x120xi32, #tpu.memory_space<vmem>> -> memref<1x120xi32, #tpu.memory_space<vmem>>
        %dma_wait3A_364 = tpu.memref_squeeze %dma_wait3A_363 : memref<1x120xi32, #tpu.memory_space<vmem>> -> memref<120xi32, #tpu.memory_space<vmem>>
        %dma_wait3A_365 = arith.constant 0 : i32
        %dma_wait3A_366 = tpu.memref_slice %arg3[%arg0, %arg1, %sub3A_354, %dma_wait3A_365] : memref<2x16x84x120xi32, #tpu.memory_space<hbm>> -> memref<1x1x1x120xi32, #tpu.memory_space<hbm>>
        %dma_wait3A_367 = tpu.memref_squeeze %dma_wait3A_366 : memref<1x1x1x120xi32, #tpu.memory_space<hbm>> -> memref<120xi32, #tpu.memory_space<hbm>>
        tpu.wait_dma2 semaphore(%arg14 : memref<!tpu.dma_semaphore, #tpu.memory_space<semaphore_mem>>) src(%dma_wait3A_367 : memref<120xi32, #tpu.memory_space<hbm>>) dst(%dma_wait3A_364 : memref<120xi32, #tpu.memory_space<vmem>>)
        %dma_wait3A_368 = arith.constant 3 : i32
        %dma_wait3A_369 = arith.constant 0 : i32
        %dma_wait3A_370 = tpu.memref_slice %arg9[%dma_wait3A_368, %dma_wait3A_369] : memref<6x120xi32, #tpu.memory_space<vmem>> -> memref<1x120xi32, #tpu.memory_space<vmem>>
        %dma_wait3A_371 = tpu.memref_squeeze %dma_wait3A_370 : memref<1x120xi32, #tpu.memory_space<vmem>> -> memref<120xi32, #tpu.memory_space<vmem>>
        %dma_wait3A_372 = arith.constant 0 : i32
        %dma_wait3A_373 = tpu.memref_slice %arg4[%arg1, %sub3A_354, %dma_wait3A_372] : memref<16x84x120xi32, #tpu.memory_space<hbm>> -> memref<1x1x120xi32, #tpu.memory_space<hbm>>
        %dma_wait3A_374 = tpu.memref_squeeze %dma_wait3A_373 : memref<1x1x120xi32, #tpu.memory_space<hbm>> -> memref<120xi32, #tpu.memory_space<hbm>>
        %dma_wait3A_375 = arith.constant 0 : i32
        %dma_wait3A_376 = tpu.memref_slice %arg9[%dma_wait3A_368, %dma_wait3A_375] : memref<6x120xi32, #tpu.memory_space<vmem>> -> memref<1x120xi32, #tpu.memory_space<vmem>>
        %dma_wait3A_377 = tpu.memref_squeeze %dma_wait3A_376 : memref<1x120xi32, #tpu.memory_space<vmem>> -> memref<120xi32, #tpu.memory_space<vmem>>
        %dma_wait3A_378 = arith.constant 0 : i32
        %dma_wait3A_379 = tpu.memref_slice %arg4[%arg1, %sub3A_354, %dma_wait3A_378] : memref<16x84x120xi32, #tpu.memory_space<hbm>> -> memref<1x1x120xi32, #tpu.memory_space<hbm>>
        %dma_wait3A_380 = tpu.memref_squeeze %dma_wait3A_379 : memref<1x1x120xi32, #tpu.memory_space<hbm>> -> memref<120xi32, #tpu.memory_space<hbm>>
        tpu.wait_dma2 semaphore(%arg14 : memref<!tpu.dma_semaphore, #tpu.memory_space<semaphore_mem>>) src(%dma_wait3A_380 : memref<120xi32, #tpu.memory_space<hbm>>) dst(%dma_wait3A_377 : memref<120xi32, #tpu.memory_space<vmem>>)
        %ge3A = arith.constant 1 : i32
        %ge3A_381 = arith.cmpi sge, %add3A_237, %ge3A : i32
        %convert_element_type3A_382 = arith.extui %ge3A_381 : i1 to i32
        %cond3A_383 = arith.constant 0 : i32
        %cond3A_384 = arith.cmpi ne, %convert_element_type3A_382, %cond3A_383 : i32
        scf.if %cond3A_384 {
          %dma_wait3A_397 = arith.constant 0 : i32
          %dma_wait3A_398 = arith.constant 0 : i32
          %dma_wait3A_399 = arith.constant 0 : i32
          %dma_wait3A_400 = arith.constant 0 : i32
          %dma_wait3A_401 = tpu.memref_slice %arg10[%dma_wait3A_397, %dma_wait3A_399, %dma_wait3A_400] : memref<3x120x128xf32, #tpu.memory_space<vmem>> -> memref<1x120x128xf32, #tpu.memory_space<vmem>>
          %dma_wait3A_402 = tpu.memref_squeeze %dma_wait3A_401 : memref<1x120x128xf32, #tpu.memory_space<vmem>> -> memref<120x128xf32, #tpu.memory_space<vmem>>
          %dma_wait3A_403 = arith.constant 0 : i32
          %dma_wait3A_404 = tpu.memref_slice %arg9[%dma_wait3A_398, %dma_wait3A_403] : memref<6x120xi32, #tpu.memory_space<vmem>> -> memref<1x120xi32, #tpu.memory_space<vmem>>
          %dma_wait3A_405 = tpu.memref_squeeze %dma_wait3A_404 : memref<1x120xi32, #tpu.memory_space<vmem>> -> memref<120xi32, #tpu.memory_space<vmem>>
          %dma_wait3A_406 = arith.constant 0 : i32
          %dma_wait3A_407 = arith.constant 0 : i32
          %dma_wait3A_408 = tpu.memref_slice %arg7[%dma_wait3A_406, %dma_wait3A_407] : memref<10112x128xf32, #tpu.memory_space<vmem_shared>> -> memref<10112x128xf32, #tpu.memory_space<vmem_shared>>
          tpu.wait_indirect_dma semaphore(%arg17 : memref<!tpu.dma_semaphore, #tpu.memory_space<semaphore_mem>>) src(%dma_wait3A_402 : memref<120x128xf32, #tpu.memory_space<vmem>>) dst(%dma_wait3A_408 : memref<10112x128xf32, #tpu.memory_space<vmem_shared>>)
        } else {
        }
        %dma_start3A_385 = arith.constant 3 : i32
        %dma_start3A_386 = arith.constant 0 : i32
        %dma_start3A_387 = arith.constant 0 : i32
        %dma_start3A_388 = arith.constant 0 : i32
        %dma_start3A_389 = tpu.memref_slice %arg10[%dma_start3A_386, %dma_start3A_387, %dma_start3A_388] : memref<3x120x128xf32, #tpu.memory_space<vmem>> -> memref<1x120x128xf32, #tpu.memory_space<vmem>>
        %dma_start3A_390 = tpu.memref_squeeze %dma_start3A_389 : memref<1x120x128xf32, #tpu.memory_space<vmem>> -> memref<120x128xf32, #tpu.memory_space<vmem>>
        %dma_start3A_391 = arith.constant 0 : i32
        %dma_start3A_392 = tpu.memref_slice %arg8[%dma_start3A_385, %dma_start3A_391] : memref<6x120xi32, #tpu.memory_space<vmem>> -> memref<1x120xi32, #tpu.memory_space<vmem>>
        %dma_start3A_393 = tpu.memref_squeeze %dma_start3A_392 : memref<1x120xi32, #tpu.memory_space<vmem>> -> memref<120xi32, #tpu.memory_space<vmem>>
        %dma_start3A_394 = arith.constant 0 : i32
        %dma_start3A_395 = arith.constant 0 : i32
        %dma_start3A_396 = tpu.memref_slice %arg2[%dma_start3A_394, %dma_start3A_395] : memref<20000x128xf32, #tpu.memory_space<hbm>> -> memref<20000x128xf32, #tpu.memory_space<hbm>>
        tpu.enqueue_indirect_dma source(%dma_start3A_396 : memref<20000x128xf32, #tpu.memory_space<hbm>>) target(%dma_start3A_390 : memref<120x128xf32, #tpu.memory_space<vmem>>) offsets(%dma_start3A_393 : memref<120xi32, #tpu.memory_space<vmem>>) semaphore(%arg11 : memref<!tpu.dma_semaphore, #tpu.memory_space<semaphore_mem>>)
      } else {
      }
      %lt3A_247 = arith.constant 84 : i32
      %lt3A_248 = arith.cmpi slt, %add3A_237, %lt3A_247 : i32
      %convert_element_type3A_249 = arith.extui %lt3A_248 : i1 to i32
      %cond3A_250 = arith.constant 0 : i32
      %cond3A_251 = arith.cmpi ne, %convert_element_type3A_249, %cond3A_250 : i32
      scf.if %cond3A_251 {
        %dma_wait3A_351 = arith.constant 1 : i32
        %dma_wait3A_352 = arith.constant 1 : i32
        %dma_wait3A_353 = arith.constant 0 : i32
        %dma_wait3A_354 = arith.constant 0 : i32
        %dma_wait3A_355 = tpu.memref_slice %arg10[%dma_wait3A_352, %dma_wait3A_353, %dma_wait3A_354] : memref<3x120x128xf32, #tpu.memory_space<vmem>> -> memref<1x120x128xf32, #tpu.memory_space<vmem>>
        %dma_wait3A_356 = tpu.memref_squeeze %dma_wait3A_355 : memref<1x120x128xf32, #tpu.memory_space<vmem>> -> memref<120x128xf32, #tpu.memory_space<vmem>>
        %dma_wait3A_357 = arith.constant 0 : i32
        %dma_wait3A_358 = tpu.memref_slice %arg8[%dma_wait3A_351, %dma_wait3A_357] : memref<6x120xi32, #tpu.memory_space<vmem>> -> memref<1x120xi32, #tpu.memory_space<vmem>>
        %dma_wait3A_359 = tpu.memref_squeeze %dma_wait3A_358 : memref<1x120xi32, #tpu.memory_space<vmem>> -> memref<120xi32, #tpu.memory_space<vmem>>
        %dma_wait3A_360 = arith.constant 0 : i32
        %dma_wait3A_361 = arith.constant 0 : i32
        %dma_wait3A_362 = tpu.memref_slice %arg2[%dma_wait3A_360, %dma_wait3A_361] : memref<20000x128xf32, #tpu.memory_space<hbm>> -> memref<20000x128xf32, #tpu.memory_space<hbm>>
        tpu.wait_indirect_dma semaphore(%arg12 : memref<!tpu.dma_semaphore, #tpu.memory_space<semaphore_mem>>) src(%dma_wait3A_362 : memref<20000x128xf32, #tpu.memory_space<hbm>>) dst(%dma_wait3A_356 : memref<120x128xf32, #tpu.memory_space<vmem>>)
        %dma_start3A_363 = arith.constant 1 : i32
        %dma_start3A_364 = arith.constant 1 : i32
        %dma_start3A_365 = arith.constant 0 : i32
        %dma_start3A_366 = arith.constant 0 : i32
        %dma_start3A_367 = tpu.memref_slice %arg10[%dma_start3A_363, %dma_start3A_365, %dma_start3A_366] : memref<3x120x128xf32, #tpu.memory_space<vmem>> -> memref<1x120x128xf32, #tpu.memory_space<vmem>>
        %dma_start3A_368 = tpu.memref_squeeze %dma_start3A_367 : memref<1x120x128xf32, #tpu.memory_space<vmem>> -> memref<120x128xf32, #tpu.memory_space<vmem>>
        %dma_start3A_369 = arith.constant 0 : i32
        %dma_start3A_370 = tpu.memref_slice %arg9[%dma_start3A_364, %dma_start3A_369] : memref<6x120xi32, #tpu.memory_space<vmem>> -> memref<1x120xi32, #tpu.memory_space<vmem>>
        %dma_start3A_371 = tpu.memref_squeeze %dma_start3A_370 : memref<1x120xi32, #tpu.memory_space<vmem>> -> memref<120xi32, #tpu.memory_space<vmem>>
        %dma_start3A_372 = arith.constant 0 : i32
        %dma_start3A_373 = arith.constant 0 : i32
        %dma_start3A_374 = tpu.memref_slice %arg7[%dma_start3A_372, %dma_start3A_373] : memref<10112x128xf32, #tpu.memory_space<vmem_shared>> -> memref<10112x128xf32, #tpu.memory_space<vmem_shared>>
        tpu.enqueue_indirect_dma source(%dma_start3A_368 : memref<120x128xf32, #tpu.memory_space<vmem>>) target(%dma_start3A_374 : memref<10112x128xf32, #tpu.memory_space<vmem_shared>>) offsets(%dma_start3A_371 : memref<120xi32, #tpu.memory_space<vmem>>) semaphore(%arg18 : memref<!tpu.dma_semaphore, #tpu.memory_space<semaphore_mem>>) {add = true}
      } else {
      }
      %add3A_252 = arith.constant 3 : i32
      %add3A_253 = arith.addi %add3A_237, %add3A_252 : i32
      %lt3A_254 = arith.constant 84 : i32
      %lt3A_255 = arith.cmpi slt, %add3A_253, %lt3A_254 : i32
      %convert_element_type3A_256 = arith.extui %lt3A_255 : i1 to i32
      %cond3A_257 = arith.constant 0 : i32
      %cond3A_258 = arith.cmpi ne, %convert_element_type3A_256, %cond3A_257 : i32
      scf.if %cond3A_258 {
        %add3A_351 = arith.constant 3 : i32
        %add3A_352 = arith.addi %add3A_237, %add3A_351 : i32
        %dma_start3A_353 = arith.constant 4 : i32
        %dma_start3A_354 = arith.constant 0 : i32
        %dma_start3A_355 = tpu.memref_slice %arg8[%dma_start3A_353, %dma_start3A_354] : memref<6x120xi32, #tpu.memory_space<vmem>> -> memref<1x120xi32, #tpu.memory_space<vmem>>
        %dma_start3A_356 = tpu.memref_squeeze %dma_start3A_355 : memref<1x120xi32, #tpu.memory_space<vmem>> -> memref<120xi32, #tpu.memory_space<vmem>>
        %dma_start3A_357 = arith.constant 0 : i32
        %dma_start3A_358 = tpu.memref_slice %arg3[%arg0, %arg1, %add3A_352, %dma_start3A_357] : memref<2x16x84x120xi32, #tpu.memory_space<hbm>> -> memref<1x1x1x120xi32, #tpu.memory_space<hbm>>
        %dma_start3A_359 = tpu.memref_squeeze %dma_start3A_358 : memref<1x1x1x120xi32, #tpu.memory_space<hbm>> -> memref<120xi32, #tpu.memory_space<hbm>>
        %dma_start3A_360 = arith.constant 0 : i32
        %dma_start3A_361 = tpu.memref_slice %arg8[%dma_start3A_353, %dma_start3A_360] : memref<6x120xi32, #tpu.memory_space<vmem>> -> memref<1x120xi32, #tpu.memory_space<vmem>>
        %dma_start3A_362 = tpu.memref_squeeze %dma_start3A_361 : memref<1x120xi32, #tpu.memory_space<vmem>> -> memref<120xi32, #tpu.memory_space<vmem>>
        %dma_start3A_363 = arith.constant 0 : i32
        %dma_start3A_364 = tpu.memref_slice %arg3[%arg0, %arg1, %add3A_352, %dma_start3A_363] : memref<2x16x84x120xi32, #tpu.memory_space<hbm>> -> memref<1x1x1x120xi32, #tpu.memory_space<hbm>>
        %dma_start3A_365 = tpu.memref_squeeze %dma_start3A_364 : memref<1x1x1x120xi32, #tpu.memory_space<hbm>> -> memref<120xi32, #tpu.memory_space<hbm>>
        tpu.enqueue_dma source(%dma_start3A_365 : memref<120xi32, #tpu.memory_space<hbm>>) target(%dma_start3A_362 : memref<120xi32, #tpu.memory_space<vmem>>) target_semaphore(%arg15 : memref<!tpu.dma_semaphore, #tpu.memory_space<semaphore_mem>>)
        %dma_start3A_366 = arith.constant 4 : i32
        %dma_start3A_367 = arith.constant 0 : i32
        %dma_start3A_368 = tpu.memref_slice %arg9[%dma_start3A_366, %dma_start3A_367] : memref<6x120xi32, #tpu.memory_space<vmem>> -> memref<1x120xi32, #tpu.memory_space<vmem>>
        %dma_start3A_369 = tpu.memref_squeeze %dma_start3A_368 : memref<1x120xi32, #tpu.memory_space<vmem>> -> memref<120xi32, #tpu.memory_space<vmem>>
        %dma_start3A_370 = arith.constant 0 : i32
        %dma_start3A_371 = tpu.memref_slice %arg4[%arg1, %add3A_352, %dma_start3A_370] : memref<16x84x120xi32, #tpu.memory_space<hbm>> -> memref<1x1x120xi32, #tpu.memory_space<hbm>>
        %dma_start3A_372 = tpu.memref_squeeze %dma_start3A_371 : memref<1x1x120xi32, #tpu.memory_space<hbm>> -> memref<120xi32, #tpu.memory_space<hbm>>
        %dma_start3A_373 = arith.constant 0 : i32
        %dma_start3A_374 = tpu.memref_slice %arg9[%dma_start3A_366, %dma_start3A_373] : memref<6x120xi32, #tpu.memory_space<vmem>> -> memref<1x120xi32, #tpu.memory_space<vmem>>
        %dma_start3A_375 = tpu.memref_squeeze %dma_start3A_374 : memref<1x120xi32, #tpu.memory_space<vmem>> -> memref<120xi32, #tpu.memory_space<vmem>>
        %dma_start3A_376 = arith.constant 0 : i32
        %dma_start3A_377 = tpu.memref_slice %arg4[%arg1, %add3A_352, %dma_start3A_376] : memref<16x84x120xi32, #tpu.memory_space<hbm>> -> memref<1x1x120xi32, #tpu.memory_space<hbm>>
        %dma_start3A_378 = tpu.memref_squeeze %dma_start3A_377 : memref<1x1x120xi32, #tpu.memory_space<hbm>> -> memref<120xi32, #tpu.memory_space<hbm>>
        tpu.enqueue_dma source(%dma_start3A_378 : memref<120xi32, #tpu.memory_space<hbm>>) target(%dma_start3A_375 : memref<120xi32, #tpu.memory_space<vmem>>) target_semaphore(%arg15 : memref<!tpu.dma_semaphore, #tpu.memory_space<semaphore_mem>>)
      } else {
      }
      %add3A_259 = arith.constant 2 : i32
      %add3A_260 = arith.addi %add3A_216, %add3A_259 : i32
      %add3A_261 = arith.constant 3 : i32
      %add3A_262 = arith.addi %add3A_260, %add3A_261 : i32
      %sub3A_263 = arith.constant 1 : i32
      %sub3A_264 = arith.subi %add3A_262, %sub3A_263 : i32
      %lt3A_265 = arith.constant 84 : i32
      %lt3A_266 = arith.cmpi slt, %sub3A_264, %lt3A_265 : i32
      %convert_element_type3A_267 = arith.extui %lt3A_266 : i1 to i32
      %cond3A_268 = arith.constant 0 : i32
      %cond3A_269 = arith.cmpi ne, %convert_element_type3A_267, %cond3A_268 : i32
      scf.if %cond3A_269 {
        %add3A_351 = arith.constant 3 : i32
        %add3A_352 = arith.addi %add3A_260, %add3A_351 : i32
        %sub3A_353 = arith.constant 1 : i32
        %sub3A_354 = arith.subi %add3A_352, %sub3A_353 : i32
        %dma_wait3A_355 = arith.constant 4 : i32
        %dma_wait3A_356 = arith.constant 0 : i32
        %dma_wait3A_357 = tpu.memref_slice %arg8[%dma_wait3A_355, %dma_wait3A_356] : memref<6x120xi32, #tpu.memory_space<vmem>> -> memref<1x120xi32, #tpu.memory_space<vmem>>
        %dma_wait3A_358 = tpu.memref_squeeze %dma_wait3A_357 : memref<1x120xi32, #tpu.memory_space<vmem>> -> memref<120xi32, #tpu.memory_space<vmem>>
        %dma_wait3A_359 = arith.constant 0 : i32
        %dma_wait3A_360 = tpu.memref_slice %arg3[%arg0, %arg1, %sub3A_354, %dma_wait3A_359] : memref<2x16x84x120xi32, #tpu.memory_space<hbm>> -> memref<1x1x1x120xi32, #tpu.memory_space<hbm>>
        %dma_wait3A_361 = tpu.memref_squeeze %dma_wait3A_360 : memref<1x1x1x120xi32, #tpu.memory_space<hbm>> -> memref<120xi32, #tpu.memory_space<hbm>>
        %dma_wait3A_362 = arith.constant 0 : i32
        %dma_wait3A_363 = tpu.memref_slice %arg8[%dma_wait3A_355, %dma_wait3A_362] : memref<6x120xi32, #tpu.memory_space<vmem>> -> memref<1x120xi32, #tpu.memory_space<vmem>>
        %dma_wait3A_364 = tpu.memref_squeeze %dma_wait3A_363 : memref<1x120xi32, #tpu.memory_space<vmem>> -> memref<120xi32, #tpu.memory_space<vmem>>
        %dma_wait3A_365 = arith.constant 0 : i32
        %dma_wait3A_366 = tpu.memref_slice %arg3[%arg0, %arg1, %sub3A_354, %dma_wait3A_365] : memref<2x16x84x120xi32, #tpu.memory_space<hbm>> -> memref<1x1x1x120xi32, #tpu.memory_space<hbm>>
        %dma_wait3A_367 = tpu.memref_squeeze %dma_wait3A_366 : memref<1x1x1x120xi32, #tpu.memory_space<hbm>> -> memref<120xi32, #tpu.memory_space<hbm>>
        tpu.wait_dma2 semaphore(%arg15 : memref<!tpu.dma_semaphore, #tpu.memory_space<semaphore_mem>>) src(%dma_wait3A_367 : memref<120xi32, #tpu.memory_space<hbm>>) dst(%dma_wait3A_364 : memref<120xi32, #tpu.memory_space<vmem>>)
        %dma_wait3A_368 = arith.constant 4 : i32
        %dma_wait3A_369 = arith.constant 0 : i32
        %dma_wait3A_370 = tpu.memref_slice %arg9[%dma_wait3A_368, %dma_wait3A_369] : memref<6x120xi32, #tpu.memory_space<vmem>> -> memref<1x120xi32, #tpu.memory_space<vmem>>
        %dma_wait3A_371 = tpu.memref_squeeze %dma_wait3A_370 : memref<1x120xi32, #tpu.memory_space<vmem>> -> memref<120xi32, #tpu.memory_space<vmem>>
        %dma_wait3A_372 = arith.constant 0 : i32
        %dma_wait3A_373 = tpu.memref_slice %arg4[%arg1, %sub3A_354, %dma_wait3A_372] : memref<16x84x120xi32, #tpu.memory_space<hbm>> -> memref<1x1x120xi32, #tpu.memory_space<hbm>>
        %dma_wait3A_374 = tpu.memref_squeeze %dma_wait3A_373 : memref<1x1x120xi32, #tpu.memory_space<hbm>> -> memref<120xi32, #tpu.memory_space<hbm>>
        %dma_wait3A_375 = arith.constant 0 : i32
        %dma_wait3A_376 = tpu.memref_slice %arg9[%dma_wait3A_368, %dma_wait3A_375] : memref<6x120xi32, #tpu.memory_space<vmem>> -> memref<1x120xi32, #tpu.memory_space<vmem>>
        %dma_wait3A_377 = tpu.memref_squeeze %dma_wait3A_376 : memref<1x120xi32, #tpu.memory_space<vmem>> -> memref<120xi32, #tpu.memory_space<vmem>>
        %dma_wait3A_378 = arith.constant 0 : i32
        %dma_wait3A_379 = tpu.memref_slice %arg4[%arg1, %sub3A_354, %dma_wait3A_378] : memref<16x84x120xi32, #tpu.memory_space<hbm>> -> memref<1x1x120xi32, #tpu.memory_space<hbm>>
        %dma_wait3A_380 = tpu.memref_squeeze %dma_wait3A_379 : memref<1x1x120xi32, #tpu.memory_space<hbm>> -> memref<120xi32, #tpu.memory_space<hbm>>
        tpu.wait_dma2 semaphore(%arg15 : memref<!tpu.dma_semaphore, #tpu.memory_space<semaphore_mem>>) src(%dma_wait3A_380 : memref<120xi32, #tpu.memory_space<hbm>>) dst(%dma_wait3A_377 : memref<120xi32, #tpu.memory_space<vmem>>)
        %ge3A = arith.constant 1 : i32
        %ge3A_381 = arith.cmpi sge, %add3A_260, %ge3A : i32
        %convert_element_type3A_382 = arith.extui %ge3A_381 : i1 to i32
        %cond3A_383 = arith.constant 0 : i32
        %cond3A_384 = arith.cmpi ne, %convert_element_type3A_382, %cond3A_383 : i32
        scf.if %cond3A_384 {
          %dma_wait3A_397 = arith.constant 1 : i32
          %dma_wait3A_398 = arith.constant 1 : i32
          %dma_wait3A_399 = arith.constant 0 : i32
          %dma_wait3A_400 = arith.constant 0 : i32
          %dma_wait3A_401 = tpu.memref_slice %arg10[%dma_wait3A_397, %dma_wait3A_399, %dma_wait3A_400] : memref<3x120x128xf32, #tpu.memory_space<vmem>> -> memref<1x120x128xf32, #tpu.memory_space<vmem>>
          %dma_wait3A_402 = tpu.memref_squeeze %dma_wait3A_401 : memref<1x120x128xf32, #tpu.memory_space<vmem>> -> memref<120x128xf32, #tpu.memory_space<vmem>>
          %dma_wait3A_403 = arith.constant 0 : i32
          %dma_wait3A_404 = tpu.memref_slice %arg9[%dma_wait3A_398, %dma_wait3A_403] : memref<6x120xi32, #tpu.memory_space<vmem>> -> memref<1x120xi32, #tpu.memory_space<vmem>>
          %dma_wait3A_405 = tpu.memref_squeeze %dma_wait3A_404 : memref<1x120xi32, #tpu.memory_space<vmem>> -> memref<120xi32, #tpu.memory_space<vmem>>
          %dma_wait3A_406 = arith.constant 0 : i32
          %dma_wait3A_407 = arith.constant 0 : i32
          %dma_wait3A_408 = tpu.memref_slice %arg7[%dma_wait3A_406, %dma_wait3A_407] : memref<10112x128xf32, #tpu.memory_space<vmem_shared>> -> memref<10112x128xf32, #tpu.memory_space<vmem_shared>>
          tpu.wait_indirect_dma semaphore(%arg18 : memref<!tpu.dma_semaphore, #tpu.memory_space<semaphore_mem>>) src(%dma_wait3A_402 : memref<120x128xf32, #tpu.memory_space<vmem>>) dst(%dma_wait3A_408 : memref<10112x128xf32, #tpu.memory_space<vmem_shared>>)
        } else {
        }
        %dma_start3A_385 = arith.constant 4 : i32
        %dma_start3A_386 = arith.constant 1 : i32
        %dma_start3A_387 = arith.constant 0 : i32
        %dma_start3A_388 = arith.constant 0 : i32
        %dma_start3A_389 = tpu.memref_slice %arg10[%dma_start3A_386, %dma_start3A_387, %dma_start3A_388] : memref<3x120x128xf32, #tpu.memory_space<vmem>> -> memref<1x120x128xf32, #tpu.memory_space<vmem>>
        %dma_start3A_390 = tpu.memref_squeeze %dma_start3A_389 : memref<1x120x128xf32, #tpu.memory_space<vmem>> -> memref<120x128xf32, #tpu.memory_space<vmem>>
        %dma_start3A_391 = arith.constant 0 : i32
        %dma_start3A_392 = tpu.memref_slice %arg8[%dma_start3A_385, %dma_start3A_391] : memref<6x120xi32, #tpu.memory_space<vmem>> -> memref<1x120xi32, #tpu.memory_space<vmem>>
        %dma_start3A_393 = tpu.memref_squeeze %dma_start3A_392 : memref<1x120xi32, #tpu.memory_space<vmem>> -> memref<120xi32, #tpu.memory_space<vmem>>
        %dma_start3A_394 = arith.constant 0 : i32
        %dma_start3A_395 = arith.constant 0 : i32
        %dma_start3A_396 = tpu.memref_slice %arg2[%dma_start3A_394, %dma_start3A_395] : memref<20000x128xf32, #tpu.memory_space<hbm>> -> memref<20000x128xf32, #tpu.memory_space<hbm>>
        tpu.enqueue_indirect_dma source(%dma_start3A_396 : memref<20000x128xf32, #tpu.memory_space<hbm>>) target(%dma_start3A_390 : memref<120x128xf32, #tpu.memory_space<vmem>>) offsets(%dma_start3A_393 : memref<120xi32, #tpu.memory_space<vmem>>) semaphore(%arg12 : memref<!tpu.dma_semaphore, #tpu.memory_space<semaphore_mem>>)
      } else {
      }
      %lt3A_270 = arith.constant 84 : i32
      %lt3A_271 = arith.cmpi slt, %add3A_260, %lt3A_270 : i32
      %convert_element_type3A_272 = arith.extui %lt3A_271 : i1 to i32
      %cond3A_273 = arith.constant 0 : i32
      %cond3A_274 = arith.cmpi ne, %convert_element_type3A_272, %cond3A_273 : i32
      scf.if %cond3A_274 {
        %dma_wait3A_351 = arith.constant 2 : i32
        %dma_wait3A_352 = arith.constant 2 : i32
        %dma_wait3A_353 = arith.constant 0 : i32
        %dma_wait3A_354 = arith.constant 0 : i32
        %dma_wait3A_355 = tpu.memref_slice %arg10[%dma_wait3A_352, %dma_wait3A_353, %dma_wait3A_354] : memref<3x120x128xf32, #tpu.memory_space<vmem>> -> memref<1x120x128xf32, #tpu.memory_space<vmem>>
        %dma_wait3A_356 = tpu.memref_squeeze %dma_wait3A_355 : memref<1x120x128xf32, #tpu.memory_space<vmem>> -> memref<120x128xf32, #tpu.memory_space<vmem>>
        %dma_wait3A_357 = arith.constant 0 : i32
        %dma_wait3A_358 = tpu.memref_slice %arg8[%dma_wait3A_351, %dma_wait3A_357] : memref<6x120xi32, #tpu.memory_space<vmem>> -> memref<1x120xi32, #tpu.memory_space<vmem>>
        %dma_wait3A_359 = tpu.memref_squeeze %dma_wait3A_358 : memref<1x120xi32, #tpu.memory_space<vmem>> -> memref<120xi32, #tpu.memory_space<vmem>>
        %dma_wait3A_360 = arith.constant 0 : i32
        %dma_wait3A_361 = arith.constant 0 : i32
        %dma_wait3A_362 = tpu.memref_slice %arg2[%dma_wait3A_360, %dma_wait3A_361] : memref<20000x128xf32, #tpu.memory_space<hbm>> -> memref<20000x128xf32, #tpu.memory_space<hbm>>
        tpu.wait_indirect_dma semaphore(%arg13 : memref<!tpu.dma_semaphore, #tpu.memory_space<semaphore_mem>>) src(%dma_wait3A_362 : memref<20000x128xf32, #tpu.memory_space<hbm>>) dst(%dma_wait3A_356 : memref<120x128xf32, #tpu.memory_space<vmem>>)
        %dma_start3A_363 = arith.constant 2 : i32
        %dma_start3A_364 = arith.constant 2 : i32
        %dma_start3A_365 = arith.constant 0 : i32
        %dma_start3A_366 = arith.constant 0 : i32
        %dma_start3A_367 = tpu.memref_slice %arg10[%dma_start3A_363, %dma_start3A_365, %dma_start3A_366] : memref<3x120x128xf32, #tpu.memory_space<vmem>> -> memref<1x120x128xf32, #tpu.memory_space<vmem>>
        %dma_start3A_368 = tpu.memref_squeeze %dma_start3A_367 : memref<1x120x128xf32, #tpu.memory_space<vmem>> -> memref<120x128xf32, #tpu.memory_space<vmem>>
        %dma_start3A_369 = arith.constant 0 : i32
        %dma_start3A_370 = tpu.memref_slice %arg9[%dma_start3A_364, %dma_start3A_369] : memref<6x120xi32, #tpu.memory_space<vmem>> -> memref<1x120xi32, #tpu.memory_space<vmem>>
        %dma_start3A_371 = tpu.memref_squeeze %dma_start3A_370 : memref<1x120xi32, #tpu.memory_space<vmem>> -> memref<120xi32, #tpu.memory_space<vmem>>
        %dma_start3A_372 = arith.constant 0 : i32
        %dma_start3A_373 = arith.constant 0 : i32
        %dma_start3A_374 = tpu.memref_slice %arg7[%dma_start3A_372, %dma_start3A_373] : memref<10112x128xf32, #tpu.memory_space<vmem_shared>> -> memref<10112x128xf32, #tpu.memory_space<vmem_shared>>
        tpu.enqueue_indirect_dma source(%dma_start3A_368 : memref<120x128xf32, #tpu.memory_space<vmem>>) target(%dma_start3A_374 : memref<10112x128xf32, #tpu.memory_space<vmem_shared>>) offsets(%dma_start3A_371 : memref<120xi32, #tpu.memory_space<vmem>>) semaphore(%arg19 : memref<!tpu.dma_semaphore, #tpu.memory_space<semaphore_mem>>) {add = true}
      } else {
      }
      %add3A_275 = arith.constant 3 : i32
      %add3A_276 = arith.addi %add3A_260, %add3A_275 : i32
      %lt3A_277 = arith.constant 84 : i32
      %lt3A_278 = arith.cmpi slt, %add3A_276, %lt3A_277 : i32
      %convert_element_type3A_279 = arith.extui %lt3A_278 : i1 to i32
      %cond3A_280 = arith.constant 0 : i32
      %cond3A_281 = arith.cmpi ne, %convert_element_type3A_279, %cond3A_280 : i32
      scf.if %cond3A_281 {
        %add3A_351 = arith.constant 3 : i32
        %add3A_352 = arith.addi %add3A_260, %add3A_351 : i32
        %dma_start3A_353 = arith.constant 5 : i32
        %dma_start3A_354 = arith.constant 0 : i32
        %dma_start3A_355 = tpu.memref_slice %arg8[%dma_start3A_353, %dma_start3A_354] : memref<6x120xi32, #tpu.memory_space<vmem>> -> memref<1x120xi32, #tpu.memory_space<vmem>>
        %dma_start3A_356 = tpu.memref_squeeze %dma_start3A_355 : memref<1x120xi32, #tpu.memory_space<vmem>> -> memref<120xi32, #tpu.memory_space<vmem>>
        %dma_start3A_357 = arith.constant 0 : i32
        %dma_start3A_358 = tpu.memref_slice %arg3[%arg0, %arg1, %add3A_352, %dma_start3A_357] : memref<2x16x84x120xi32, #tpu.memory_space<hbm>> -> memref<1x1x1x120xi32, #tpu.memory_space<hbm>>
        %dma_start3A_359 = tpu.memref_squeeze %dma_start3A_358 : memref<1x1x1x120xi32, #tpu.memory_space<hbm>> -> memref<120xi32, #tpu.memory_space<hbm>>
        %dma_start3A_360 = arith.constant 0 : i32
        %dma_start3A_361 = tpu.memref_slice %arg8[%dma_start3A_353, %dma_start3A_360] : memref<6x120xi32, #tpu.memory_space<vmem>> -> memref<1x120xi32, #tpu.memory_space<vmem>>
        %dma_start3A_362 = tpu.memref_squeeze %dma_start3A_361 : memref<1x120xi32, #tpu.memory_space<vmem>> -> memref<120xi32, #tpu.memory_space<vmem>>
        %dma_start3A_363 = arith.constant 0 : i32
        %dma_start3A_364 = tpu.memref_slice %arg3[%arg0, %arg1, %add3A_352, %dma_start3A_363] : memref<2x16x84x120xi32, #tpu.memory_space<hbm>> -> memref<1x1x1x120xi32, #tpu.memory_space<hbm>>
        %dma_start3A_365 = tpu.memref_squeeze %dma_start3A_364 : memref<1x1x1x120xi32, #tpu.memory_space<hbm>> -> memref<120xi32, #tpu.memory_space<hbm>>
        tpu.enqueue_dma source(%dma_start3A_365 : memref<120xi32, #tpu.memory_space<hbm>>) target(%dma_start3A_362 : memref<120xi32, #tpu.memory_space<vmem>>) target_semaphore(%arg16 : memref<!tpu.dma_semaphore, #tpu.memory_space<semaphore_mem>>)
        %dma_start3A_366 = arith.constant 5 : i32
        %dma_start3A_367 = arith.constant 0 : i32
        %dma_start3A_368 = tpu.memref_slice %arg9[%dma_start3A_366, %dma_start3A_367] : memref<6x120xi32, #tpu.memory_space<vmem>> -> memref<1x120xi32, #tpu.memory_space<vmem>>
        %dma_start3A_369 = tpu.memref_squeeze %dma_start3A_368 : memref<1x120xi32, #tpu.memory_space<vmem>> -> memref<120xi32, #tpu.memory_space<vmem>>
        %dma_start3A_370 = arith.constant 0 : i32
        %dma_start3A_371 = tpu.memref_slice %arg4[%arg1, %add3A_352, %dma_start3A_370] : memref<16x84x120xi32, #tpu.memory_space<hbm>> -> memref<1x1x120xi32, #tpu.memory_space<hbm>>
        %dma_start3A_372 = tpu.memref_squeeze %dma_start3A_371 : memref<1x1x120xi32, #tpu.memory_space<hbm>> -> memref<120xi32, #tpu.memory_space<hbm>>
        %dma_start3A_373 = arith.constant 0 : i32
        %dma_start3A_374 = tpu.memref_slice %arg9[%dma_start3A_366, %dma_start3A_373] : memref<6x120xi32, #tpu.memory_space<vmem>> -> memref<1x120xi32, #tpu.memory_space<vmem>>
        %dma_start3A_375 = tpu.memref_squeeze %dma_start3A_374 : memref<1x120xi32, #tpu.memory_space<vmem>> -> memref<120xi32, #tpu.memory_space<vmem>>
        %dma_start3A_376 = arith.constant 0 : i32
        %dma_start3A_377 = tpu.memref_slice %arg4[%arg1, %add3A_352, %dma_start3A_376] : memref<16x84x120xi32, #tpu.memory_space<hbm>> -> memref<1x1x120xi32, #tpu.memory_space<hbm>>
        %dma_start3A_378 = tpu.memref_squeeze %dma_start3A_377 : memref<1x1x120xi32, #tpu.memory_space<hbm>> -> memref<120xi32, #tpu.memory_space<hbm>>
        tpu.enqueue_dma source(%dma_start3A_378 : memref<120xi32, #tpu.memory_space<hbm>>) target(%dma_start3A_375 : memref<120xi32, #tpu.memory_space<vmem>>) target_semaphore(%arg16 : memref<!tpu.dma_semaphore, #tpu.memory_space<semaphore_mem>>)
      } else {
      }
      %add3A_282 = arith.constant 3 : i32
      %add3A_283 = arith.addi %add3A_216, %add3A_282 : i32
      %add3A_284 = arith.constant 3 : i32
      %add3A_285 = arith.addi %add3A_283, %add3A_284 : i32
      %sub3A_286 = arith.constant 1 : i32
      %sub3A_287 = arith.subi %add3A_285, %sub3A_286 : i32
      %lt3A_288 = arith.constant 84 : i32
      %lt3A_289 = arith.cmpi slt, %sub3A_287, %lt3A_288 : i32
      %convert_element_type3A_290 = arith.extui %lt3A_289 : i1 to i32
      %cond3A_291 = arith.constant 0 : i32
      %cond3A_292 = arith.cmpi ne, %convert_element_type3A_290, %cond3A_291 : i32
      scf.if %cond3A_292 {
        %add3A_351 = arith.constant 3 : i32
        %add3A_352 = arith.addi %add3A_283, %add3A_351 : i32
        %sub3A_353 = arith.constant 1 : i32
        %sub3A_354 = arith.subi %add3A_352, %sub3A_353 : i32
        %dma_wait3A_355 = arith.constant 5 : i32
        %dma_wait3A_356 = arith.constant 0 : i32
        %dma_wait3A_357 = tpu.memref_slice %arg8[%dma_wait3A_355, %dma_wait3A_356] : memref<6x120xi32, #tpu.memory_space<vmem>> -> memref<1x120xi32, #tpu.memory_space<vmem>>
        %dma_wait3A_358 = tpu.memref_squeeze %dma_wait3A_357 : memref<1x120xi32, #tpu.memory_space<vmem>> -> memref<120xi32, #tpu.memory_space<vmem>>
        %dma_wait3A_359 = arith.constant 0 : i32
        %dma_wait3A_360 = tpu.memref_slice %arg3[%arg0, %arg1, %sub3A_354, %dma_wait3A_359] : memref<2x16x84x120xi32, #tpu.memory_space<hbm>> -> memref<1x1x1x120xi32, #tpu.memory_space<hbm>>
        %dma_wait3A_361 = tpu.memref_squeeze %dma_wait3A_360 : memref<1x1x1x120xi32, #tpu.memory_space<hbm>> -> memref<120xi32, #tpu.memory_space<hbm>>
        %dma_wait3A_362 = arith.constant 0 : i32
        %dma_wait3A_363 = tpu.memref_slice %arg8[%dma_wait3A_355, %dma_wait3A_362] : memref<6x120xi32, #tpu.memory_space<vmem>> -> memref<1x120xi32, #tpu.memory_space<vmem>>
        %dma_wait3A_364 = tpu.memref_squeeze %dma_wait3A_363 : memref<1x120xi32, #tpu.memory_space<vmem>> -> memref<120xi32, #tpu.memory_space<vmem>>
        %dma_wait3A_365 = arith.constant 0 : i32
        %dma_wait3A_366 = tpu.memref_slice %arg3[%arg0, %arg1, %sub3A_354, %dma_wait3A_365] : memref<2x16x84x120xi32, #tpu.memory_space<hbm>> -> memref<1x1x1x120xi32, #tpu.memory_space<hbm>>
        %dma_wait3A_367 = tpu.memref_squeeze %dma_wait3A_366 : memref<1x1x1x120xi32, #tpu.memory_space<hbm>> -> memref<120xi32, #tpu.memory_space<hbm>>
        tpu.wait_dma2 semaphore(%arg16 : memref<!tpu.dma_semaphore, #tpu.memory_space<semaphore_mem>>) src(%dma_wait3A_367 : memref<120xi32, #tpu.memory_space<hbm>>) dst(%dma_wait3A_364 : memref<120xi32, #tpu.memory_space<vmem>>)
        %dma_wait3A_368 = arith.constant 5 : i32
        %dma_wait3A_369 = arith.constant 0 : i32
        %dma_wait3A_370 = tpu.memref_slice %arg9[%dma_wait3A_368, %dma_wait3A_369] : memref<6x120xi32, #tpu.memory_space<vmem>> -> memref<1x120xi32, #tpu.memory_space<vmem>>
        %dma_wait3A_371 = tpu.memref_squeeze %dma_wait3A_370 : memref<1x120xi32, #tpu.memory_space<vmem>> -> memref<120xi32, #tpu.memory_space<vmem>>
        %dma_wait3A_372 = arith.constant 0 : i32
        %dma_wait3A_373 = tpu.memref_slice %arg4[%arg1, %sub3A_354, %dma_wait3A_372] : memref<16x84x120xi32, #tpu.memory_space<hbm>> -> memref<1x1x120xi32, #tpu.memory_space<hbm>>
        %dma_wait3A_374 = tpu.memref_squeeze %dma_wait3A_373 : memref<1x1x120xi32, #tpu.memory_space<hbm>> -> memref<120xi32, #tpu.memory_space<hbm>>
        %dma_wait3A_375 = arith.constant 0 : i32
        %dma_wait3A_376 = tpu.memref_slice %arg9[%dma_wait3A_368, %dma_wait3A_375] : memref<6x120xi32, #tpu.memory_space<vmem>> -> memref<1x120xi32, #tpu.memory_space<vmem>>
        %dma_wait3A_377 = tpu.memref_squeeze %dma_wait3A_376 : memref<1x120xi32, #tpu.memory_space<vmem>> -> memref<120xi32, #tpu.memory_space<vmem>>
        %dma_wait3A_378 = arith.constant 0 : i32
        %dma_wait3A_379 = tpu.memref_slice %arg4[%arg1, %sub3A_354, %dma_wait3A_378] : memref<16x84x120xi32, #tpu.memory_space<hbm>> -> memref<1x1x120xi32, #tpu.memory_space<hbm>>
        %dma_wait3A_380 = tpu.memref_squeeze %dma_wait3A_379 : memref<1x1x120xi32, #tpu.memory_space<hbm>> -> memref<120xi32, #tpu.memory_space<hbm>>
        tpu.wait_dma2 semaphore(%arg16 : memref<!tpu.dma_semaphore, #tpu.memory_space<semaphore_mem>>) src(%dma_wait3A_380 : memref<120xi32, #tpu.memory_space<hbm>>) dst(%dma_wait3A_377 : memref<120xi32, #tpu.memory_space<vmem>>)
        %ge3A = arith.constant 1 : i32
        %ge3A_381 = arith.cmpi sge, %add3A_283, %ge3A : i32
        %convert_element_type3A_382 = arith.extui %ge3A_381 : i1 to i32
        %cond3A_383 = arith.constant 0 : i32
        %cond3A_384 = arith.cmpi ne, %convert_element_type3A_382, %cond3A_383 : i32
        scf.if %cond3A_384 {
          %dma_wait3A_397 = arith.constant 2 : i32
          %dma_wait3A_398 = arith.constant 2 : i32
          %dma_wait3A_399 = arith.constant 0 : i32
          %dma_wait3A_400 = arith.constant 0 : i32
          %dma_wait3A_401 = tpu.memref_slice %arg10[%dma_wait3A_397, %dma_wait3A_399, %dma_wait3A_400] : memref<3x120x128xf32, #tpu.memory_space<vmem>> -> memref<1x120x128xf32, #tpu.memory_space<vmem>>
          %dma_wait3A_402 = tpu.memref_squeeze %dma_wait3A_401 : memref<1x120x128xf32, #tpu.memory_space<vmem>> -> memref<120x128xf32, #tpu.memory_space<vmem>>
          %dma_wait3A_403 = arith.constant 0 : i32
          %dma_wait3A_404 = tpu.memref_slice %arg9[%dma_wait3A_398, %dma_wait3A_403] : memref<6x120xi32, #tpu.memory_space<vmem>> -> memref<1x120xi32, #tpu.memory_space<vmem>>
          %dma_wait3A_405 = tpu.memref_squeeze %dma_wait3A_404 : memref<1x120xi32, #tpu.memory_space<vmem>> -> memref<120xi32, #tpu.memory_space<vmem>>
          %dma_wait3A_406 = arith.constant 0 : i32
          %dma_wait3A_407 = arith.constant 0 : i32
          %dma_wait3A_408 = tpu.memref_slice %arg7[%dma_wait3A_406, %dma_wait3A_407] : memref<10112x128xf32, #tpu.memory_space<vmem_shared>> -> memref<10112x128xf32, #tpu.memory_space<vmem_shared>>
          tpu.wait_indirect_dma semaphore(%arg19 : memref<!tpu.dma_semaphore, #tpu.memory_space<semaphore_mem>>) src(%dma_wait3A_402 : memref<120x128xf32, #tpu.memory_space<vmem>>) dst(%dma_wait3A_408 : memref<10112x128xf32, #tpu.memory_space<vmem_shared>>)
        } else {
        }
        %dma_start3A_385 = arith.constant 5 : i32
        %dma_start3A_386 = arith.constant 2 : i32
        %dma_start3A_387 = arith.constant 0 : i32
        %dma_start3A_388 = arith.constant 0 : i32
        %dma_start3A_389 = tpu.memref_slice %arg10[%dma_start3A_386, %dma_start3A_387, %dma_start3A_388] : memref<3x120x128xf32, #tpu.memory_space<vmem>> -> memref<1x120x128xf32, #tpu.memory_space<vmem>>
        %dma_start3A_390 = tpu.memref_squeeze %dma_start3A_389 : memref<1x120x128xf32, #tpu.memory_space<vmem>> -> memref<120x128xf32, #tpu.memory_space<vmem>>
        %dma_start3A_391 = arith.constant 0 : i32
        %dma_start3A_392 = tpu.memref_slice %arg8[%dma_start3A_385, %dma_start3A_391] : memref<6x120xi32, #tpu.memory_space<vmem>> -> memref<1x120xi32, #tpu.memory_space<vmem>>
        %dma_start3A_393 = tpu.memref_squeeze %dma_start3A_392 : memref<1x120xi32, #tpu.memory_space<vmem>> -> memref<120xi32, #tpu.memory_space<vmem>>
        %dma_start3A_394 = arith.constant 0 : i32
        %dma_start3A_395 = arith.constant 0 : i32
        %dma_start3A_396 = tpu.memref_slice %arg2[%dma_start3A_394, %dma_start3A_395] : memref<20000x128xf32, #tpu.memory_space<hbm>> -> memref<20000x128xf32, #tpu.memory_space<hbm>>
        tpu.enqueue_indirect_dma source(%dma_start3A_396 : memref<20000x128xf32, #tpu.memory_space<hbm>>) target(%dma_start3A_390 : memref<120x128xf32, #tpu.memory_space<vmem>>) offsets(%dma_start3A_393 : memref<120xi32, #tpu.memory_space<vmem>>) semaphore(%arg13 : memref<!tpu.dma_semaphore, #tpu.memory_space<semaphore_mem>>)
      } else {
      }
      %lt3A_293 = arith.constant 84 : i32
      %lt3A_294 = arith.cmpi slt, %add3A_283, %lt3A_293 : i32
      %convert_element_type3A_295 = arith.extui %lt3A_294 : i1 to i32
      %cond3A_296 = arith.constant 0 : i32
      %cond3A_297 = arith.cmpi ne, %convert_element_type3A_295, %cond3A_296 : i32
      scf.if %cond3A_297 {
        %dma_wait3A_351 = arith.constant 3 : i32
        %dma_wait3A_352 = arith.constant 0 : i32
        %dma_wait3A_353 = arith.constant 0 : i32
        %dma_wait3A_354 = arith.constant 0 : i32
        %dma_wait3A_355 = tpu.memref_slice %arg10[%dma_wait3A_352, %dma_wait3A_353, %dma_wait3A_354] : memref<3x120x128xf32, #tpu.memory_space<vmem>> -> memref<1x120x128xf32, #tpu.memory_space<vmem>>
        %dma_wait3A_356 = tpu.memref_squeeze %dma_wait3A_355 : memref<1x120x128xf32, #tpu.memory_space<vmem>> -> memref<120x128xf32, #tpu.memory_space<vmem>>
        %dma_wait3A_357 = arith.constant 0 : i32
        %dma_wait3A_358 = tpu.memref_slice %arg8[%dma_wait3A_351, %dma_wait3A_357] : memref<6x120xi32, #tpu.memory_space<vmem>> -> memref<1x120xi32, #tpu.memory_space<vmem>>
        %dma_wait3A_359 = tpu.memref_squeeze %dma_wait3A_358 : memref<1x120xi32, #tpu.memory_space<vmem>> -> memref<120xi32, #tpu.memory_space<vmem>>
        %dma_wait3A_360 = arith.constant 0 : i32
        %dma_wait3A_361 = arith.constant 0 : i32
        %dma_wait3A_362 = tpu.memref_slice %arg2[%dma_wait3A_360, %dma_wait3A_361] : memref<20000x128xf32, #tpu.memory_space<hbm>> -> memref<20000x128xf32, #tpu.memory_space<hbm>>
        tpu.wait_indirect_dma semaphore(%arg11 : memref<!tpu.dma_semaphore, #tpu.memory_space<semaphore_mem>>) src(%dma_wait3A_362 : memref<20000x128xf32, #tpu.memory_space<hbm>>) dst(%dma_wait3A_356 : memref<120x128xf32, #tpu.memory_space<vmem>>)
        %dma_start3A_363 = arith.constant 0 : i32
        %dma_start3A_364 = arith.constant 3 : i32
        %dma_start3A_365 = arith.constant 0 : i32
        %dma_start3A_366 = arith.constant 0 : i32
        %dma_start3A_367 = tpu.memref_slice %arg10[%dma_start3A_363, %dma_start3A_365, %dma_start3A_366] : memref<3x120x128xf32, #tpu.memory_space<vmem>> -> memref<1x120x128xf32, #tpu.memory_space<vmem>>
        %dma_start3A_368 = tpu.memref_squeeze %dma_start3A_367 : memref<1x120x128xf32, #tpu.memory_space<vmem>> -> memref<120x128xf32, #tpu.memory_space<vmem>>
        %dma_start3A_369 = arith.constant 0 : i32
        %dma_start3A_370 = tpu.memref_slice %arg9[%dma_start3A_364, %dma_start3A_369] : memref<6x120xi32, #tpu.memory_space<vmem>> -> memref<1x120xi32, #tpu.memory_space<vmem>>
        %dma_start3A_371 = tpu.memref_squeeze %dma_start3A_370 : memref<1x120xi32, #tpu.memory_space<vmem>> -> memref<120xi32, #tpu.memory_space<vmem>>
        %dma_start3A_372 = arith.constant 0 : i32
        %dma_start3A_373 = arith.constant 0 : i32
        %dma_start3A_374 = tpu.memref_slice %arg7[%dma_start3A_372, %dma_start3A_373] : memref<10112x128xf32, #tpu.memory_space<vmem_shared>> -> memref<10112x128xf32, #tpu.memory_space<vmem_shared>>
        tpu.enqueue_indirect_dma source(%dma_start3A_368 : memref<120x128xf32, #tpu.memory_space<vmem>>) target(%dma_start3A_374 : memref<10112x128xf32, #tpu.memory_space<vmem_shared>>) offsets(%dma_start3A_371 : memref<120xi32, #tpu.memory_space<vmem>>) semaphore(%arg17 : memref<!tpu.dma_semaphore, #tpu.memory_space<semaphore_mem>>) {add = true}
      } else {
      }
      %add3A_298 = arith.constant 3 : i32
      %add3A_299 = arith.addi %add3A_283, %add3A_298 : i32
      %lt3A_300 = arith.constant 84 : i32
      %lt3A_301 = arith.cmpi slt, %add3A_299, %lt3A_300 : i32
      %convert_element_type3A_302 = arith.extui %lt3A_301 : i1 to i32
      %cond3A_303 = arith.constant 0 : i32
      %cond3A_304 = arith.cmpi ne, %convert_element_type3A_302, %cond3A_303 : i32
      scf.if %cond3A_304 {
        %add3A_351 = arith.constant 3 : i32
        %add3A_352 = arith.addi %add3A_283, %add3A_351 : i32
        %dma_start3A_353 = arith.constant 0 : i32
        %dma_start3A_354 = arith.constant 0 : i32
        %dma_start3A_355 = tpu.memref_slice %arg8[%dma_start3A_353, %dma_start3A_354] : memref<6x120xi32, #tpu.memory_space<vmem>> -> memref<1x120xi32, #tpu.memory_space<vmem>>
        %dma_start3A_356 = tpu.memref_squeeze %dma_start3A_355 : memref<1x120xi32, #tpu.memory_space<vmem>> -> memref<120xi32, #tpu.memory_space<vmem>>
        %dma_start3A_357 = arith.constant 0 : i32
        %dma_start3A_358 = tpu.memref_slice %arg3[%arg0, %arg1, %add3A_352, %dma_start3A_357] : memref<2x16x84x120xi32, #tpu.memory_space<hbm>> -> memref<1x1x1x120xi32, #tpu.memory_space<hbm>>
        %dma_start3A_359 = tpu.memref_squeeze %dma_start3A_358 : memref<1x1x1x120xi32, #tpu.memory_space<hbm>> -> memref<120xi32, #tpu.memory_space<hbm>>
        %dma_start3A_360 = arith.constant 0 : i32
        %dma_start3A_361 = tpu.memref_slice %arg8[%dma_start3A_353, %dma_start3A_360] : memref<6x120xi32, #tpu.memory_space<vmem>> -> memref<1x120xi32, #tpu.memory_space<vmem>>
        %dma_start3A_362 = tpu.memref_squeeze %dma_start3A_361 : memref<1x120xi32, #tpu.memory_space<vmem>> -> memref<120xi32, #tpu.memory_space<vmem>>
        %dma_start3A_363 = arith.constant 0 : i32
        %dma_start3A_364 = tpu.memref_slice %arg3[%arg0, %arg1, %add3A_352, %dma_start3A_363] : memref<2x16x84x120xi32, #tpu.memory_space<hbm>> -> memref<1x1x1x120xi32, #tpu.memory_space<hbm>>
        %dma_start3A_365 = tpu.memref_squeeze %dma_start3A_364 : memref<1x1x1x120xi32, #tpu.memory_space<hbm>> -> memref<120xi32, #tpu.memory_space<hbm>>
        tpu.enqueue_dma source(%dma_start3A_365 : memref<120xi32, #tpu.memory_space<hbm>>) target(%dma_start3A_362 : memref<120xi32, #tpu.memory_space<vmem>>) target_semaphore(%arg14 : memref<!tpu.dma_semaphore, #tpu.memory_space<semaphore_mem>>)
        %dma_start3A_366 = arith.constant 0 : i32
        %dma_start3A_367 = arith.constant 0 : i32
        %dma_start3A_368 = tpu.memref_slice %arg9[%dma_start3A_366, %dma_start3A_367] : memref<6x120xi32, #tpu.memory_space<vmem>> -> memref<1x120xi32, #tpu.memory_space<vmem>>
        %dma_start3A_369 = tpu.memref_squeeze %dma_start3A_368 : memref<1x120xi32, #tpu.memory_space<vmem>> -> memref<120xi32, #tpu.memory_space<vmem>>
        %dma_start3A_370 = arith.constant 0 : i32
        %dma_start3A_371 = tpu.memref_slice %arg4[%arg1, %add3A_352, %dma_start3A_370] : memref<16x84x120xi32, #tpu.memory_space<hbm>> -> memref<1x1x120xi32, #tpu.memory_space<hbm>>
        %dma_start3A_372 = tpu.memref_squeeze %dma_start3A_371 : memref<1x1x120xi32, #tpu.memory_space<hbm>> -> memref<120xi32, #tpu.memory_space<hbm>>
        %dma_start3A_373 = arith.constant 0 : i32
        %dma_start3A_374 = tpu.memref_slice %arg9[%dma_start3A_366, %dma_start3A_373] : memref<6x120xi32, #tpu.memory_space<vmem>> -> memref<1x120xi32, #tpu.memory_space<vmem>>
        %dma_start3A_375 = tpu.memref_squeeze %dma_start3A_374 : memref<1x120xi32, #tpu.memory_space<vmem>> -> memref<120xi32, #tpu.memory_space<vmem>>
        %dma_start3A_376 = arith.constant 0 : i32
        %dma_start3A_377 = tpu.memref_slice %arg4[%arg1, %add3A_352, %dma_start3A_376] : memref<16x84x120xi32, #tpu.memory_space<hbm>> -> memref<1x1x120xi32, #tpu.memory_space<hbm>>
        %dma_start3A_378 = tpu.memref_squeeze %dma_start3A_377 : memref<1x1x120xi32, #tpu.memory_space<hbm>> -> memref<120xi32, #tpu.memory_space<hbm>>
        tpu.enqueue_dma source(%dma_start3A_378 : memref<120xi32, #tpu.memory_space<hbm>>) target(%dma_start3A_375 : memref<120xi32, #tpu.memory_space<vmem>>) target_semaphore(%arg14 : memref<!tpu.dma_semaphore, #tpu.memory_space<semaphore_mem>>)
      } else {
      }
      %add3A_305 = arith.constant 4 : i32
      %add3A_306 = arith.addi %add3A_216, %add3A_305 : i32
      %add3A_307 = arith.constant 3 : i32
      %add3A_308 = arith.addi %add3A_306, %add3A_307 : i32
      %sub3A_309 = arith.constant 1 : i32
      %sub3A_310 = arith.subi %add3A_308, %sub3A_309 : i32
      %lt3A_311 = arith.constant 84 : i32
      %lt3A_312 = arith.cmpi slt, %sub3A_310, %lt3A_311 : i32
      %convert_element_type3A_313 = arith.extui %lt3A_312 : i1 to i32
      %cond3A_314 = arith.constant 0 : i32
      %cond3A_315 = arith.cmpi ne, %convert_element_type3A_313, %cond3A_314 : i32
      scf.if %cond3A_315 {
        %add3A_351 = arith.constant 3 : i32
        %add3A_352 = arith.addi %add3A_306, %add3A_351 : i32
        %sub3A_353 = arith.constant 1 : i32
        %sub3A_354 = arith.subi %add3A_352, %sub3A_353 : i32
        %dma_wait3A_355 = arith.constant 0 : i32
        %dma_wait3A_356 = arith.constant 0 : i32
        %dma_wait3A_357 = tpu.memref_slice %arg8[%dma_wait3A_355, %dma_wait3A_356] : memref<6x120xi32, #tpu.memory_space<vmem>> -> memref<1x120xi32, #tpu.memory_space<vmem>>
        %dma_wait3A_358 = tpu.memref_squeeze %dma_wait3A_357 : memref<1x120xi32, #tpu.memory_space<vmem>> -> memref<120xi32, #tpu.memory_space<vmem>>
        %dma_wait3A_359 = arith.constant 0 : i32
        %dma_wait3A_360 = tpu.memref_slice %arg3[%arg0, %arg1, %sub3A_354, %dma_wait3A_359] : memref<2x16x84x120xi32, #tpu.memory_space<hbm>> -> memref<1x1x1x120xi32, #tpu.memory_space<hbm>>
        %dma_wait3A_361 = tpu.memref_squeeze %dma_wait3A_360 : memref<1x1x1x120xi32, #tpu.memory_space<hbm>> -> memref<120xi32, #tpu.memory_space<hbm>>
        %dma_wait3A_362 = arith.constant 0 : i32
        %dma_wait3A_363 = tpu.memref_slice %arg8[%dma_wait3A_355, %dma_wait3A_362] : memref<6x120xi32, #tpu.memory_space<vmem>> -> memref<1x120xi32, #tpu.memory_space<vmem>>
        %dma_wait3A_364 = tpu.memref_squeeze %dma_wait3A_363 : memref<1x120xi32, #tpu.memory_space<vmem>> -> memref<120xi32, #tpu.memory_space<vmem>>
        %dma_wait3A_365 = arith.constant 0 : i32
        %dma_wait3A_366 = tpu.memref_slice %arg3[%arg0, %arg1, %sub3A_354, %dma_wait3A_365] : memref<2x16x84x120xi32, #tpu.memory_space<hbm>> -> memref<1x1x1x120xi32, #tpu.memory_space<hbm>>
        %dma_wait3A_367 = tpu.memref_squeeze %dma_wait3A_366 : memref<1x1x1x120xi32, #tpu.memory_space<hbm>> -> memref<120xi32, #tpu.memory_space<hbm>>
        tpu.wait_dma2 semaphore(%arg14 : memref<!tpu.dma_semaphore, #tpu.memory_space<semaphore_mem>>) src(%dma_wait3A_367 : memref<120xi32, #tpu.memory_space<hbm>>) dst(%dma_wait3A_364 : memref<120xi32, #tpu.memory_space<vmem>>)
        %dma_wait3A_368 = arith.constant 0 : i32
        %dma_wait3A_369 = arith.constant 0 : i32
        %dma_wait3A_370 = tpu.memref_slice %arg9[%dma_wait3A_368, %dma_wait3A_369] : memref<6x120xi32, #tpu.memory_space<vmem>> -> memref<1x120xi32, #tpu.memory_space<vmem>>
        %dma_wait3A_371 = tpu.memref_squeeze %dma_wait3A_370 : memref<1x120xi32, #tpu.memory_space<vmem>> -> memref<120xi32, #tpu.memory_space<vmem>>
        %dma_wait3A_372 = arith.constant 0 : i32
        %dma_wait3A_373 = tpu.memref_slice %arg4[%arg1, %sub3A_354, %dma_wait3A_372] : memref<16x84x120xi32, #tpu.memory_space<hbm>> -> memref<1x1x120xi32, #tpu.memory_space<hbm>>
        %dma_wait3A_374 = tpu.memref_squeeze %dma_wait3A_373 : memref<1x1x120xi32, #tpu.memory_space<hbm>> -> memref<120xi32, #tpu.memory_space<hbm>>
        %dma_wait3A_375 = arith.constant 0 : i32
        %dma_wait3A_376 = tpu.memref_slice %arg9[%dma_wait3A_368, %dma_wait3A_375] : memref<6x120xi32, #tpu.memory_space<vmem>> -> memref<1x120xi32, #tpu.memory_space<vmem>>
        %dma_wait3A_377 = tpu.memref_squeeze %dma_wait3A_376 : memref<1x120xi32, #tpu.memory_space<vmem>> -> memref<120xi32, #tpu.memory_space<vmem>>
        %dma_wait3A_378 = arith.constant 0 : i32
        %dma_wait3A_379 = tpu.memref_slice %arg4[%arg1, %sub3A_354, %dma_wait3A_378] : memref<16x84x120xi32, #tpu.memory_space<hbm>> -> memref<1x1x120xi32, #tpu.memory_space<hbm>>
        %dma_wait3A_380 = tpu.memref_squeeze %dma_wait3A_379 : memref<1x1x120xi32, #tpu.memory_space<hbm>> -> memref<120xi32, #tpu.memory_space<hbm>>
        tpu.wait_dma2 semaphore(%arg14 : memref<!tpu.dma_semaphore, #tpu.memory_space<semaphore_mem>>) src(%dma_wait3A_380 : memref<120xi32, #tpu.memory_space<hbm>>) dst(%dma_wait3A_377 : memref<120xi32, #tpu.memory_space<vmem>>)
        %ge3A = arith.constant 1 : i32
        %ge3A_381 = arith.cmpi sge, %add3A_306, %ge3A : i32
        %convert_element_type3A_382 = arith.extui %ge3A_381 : i1 to i32
        %cond3A_383 = arith.constant 0 : i32
        %cond3A_384 = arith.cmpi ne, %convert_element_type3A_382, %cond3A_383 : i32
        scf.if %cond3A_384 {
          %dma_wait3A_397 = arith.constant 0 : i32
          %dma_wait3A_398 = arith.constant 3 : i32
          %dma_wait3A_399 = arith.constant 0 : i32
          %dma_wait3A_400 = arith.constant 0 : i32
          %dma_wait3A_401 = tpu.memref_slice %arg10[%dma_wait3A_397, %dma_wait3A_399, %dma_wait3A_400] : memref<3x120x128xf32, #tpu.memory_space<vmem>> -> memref<1x120x128xf32, #tpu.memory_space<vmem>>
          %dma_wait3A_402 = tpu.memref_squeeze %dma_wait3A_401 : memref<1x120x128xf32, #tpu.memory_space<vmem>> -> memref<120x128xf32, #tpu.memory_space<vmem>>
          %dma_wait3A_403 = arith.constant 0 : i32
          %dma_wait3A_404 = tpu.memref_slice %arg9[%dma_wait3A_398, %dma_wait3A_403] : memref<6x120xi32, #tpu.memory_space<vmem>> -> memref<1x120xi32, #tpu.memory_space<vmem>>
          %dma_wait3A_405 = tpu.memref_squeeze %dma_wait3A_404 : memref<1x120xi32, #tpu.memory_space<vmem>> -> memref<120xi32, #tpu.memory_space<vmem>>
          %dma_wait3A_406 = arith.constant 0 : i32
          %dma_wait3A_407 = arith.constant 0 : i32
          %dma_wait3A_408 = tpu.memref_slice %arg7[%dma_wait3A_406, %dma_wait3A_407] : memref<10112x128xf32, #tpu.memory_space<vmem_shared>> -> memref<10112x128xf32, #tpu.memory_space<vmem_shared>>
          tpu.wait_indirect_dma semaphore(%arg17 : memref<!tpu.dma_semaphore, #tpu.memory_space<semaphore_mem>>) src(%dma_wait3A_402 : memref<120x128xf32, #tpu.memory_space<vmem>>) dst(%dma_wait3A_408 : memref<10112x128xf32, #tpu.memory_space<vmem_shared>>)
        } else {
        }
        %dma_start3A_385 = arith.constant 0 : i32
        %dma_start3A_386 = arith.constant 0 : i32
        %dma_start3A_387 = arith.constant 0 : i32
        %dma_start3A_388 = arith.constant 0 : i32
        %dma_start3A_389 = tpu.memref_slice %arg10[%dma_start3A_386, %dma_start3A_387, %dma_start3A_388] : memref<3x120x128xf32, #tpu.memory_space<vmem>> -> memref<1x120x128xf32, #tpu.memory_space<vmem>>
        %dma_start3A_390 = tpu.memref_squeeze %dma_start3A_389 : memref<1x120x128xf32, #tpu.memory_space<vmem>> -> memref<120x128xf32, #tpu.memory_space<vmem>>
        %dma_start3A_391 = arith.constant 0 : i32
        %dma_start3A_392 = tpu.memref_slice %arg8[%dma_start3A_385, %dma_start3A_391] : memref<6x120xi32, #tpu.memory_space<vmem>> -> memref<1x120xi32, #tpu.memory_space<vmem>>
        %dma_start3A_393 = tpu.memref_squeeze %dma_start3A_392 : memref<1x120xi32, #tpu.memory_space<vmem>> -> memref<120xi32, #tpu.memory_space<vmem>>
        %dma_start3A_394 = arith.constant 0 : i32
        %dma_start3A_395 = arith.constant 0 : i32
        %dma_start3A_396 = tpu.memref_slice %arg2[%dma_start3A_394, %dma_start3A_395] : memref<20000x128xf32, #tpu.memory_space<hbm>> -> memref<20000x128xf32, #tpu.memory_space<hbm>>
        tpu.enqueue_indirect_dma source(%dma_start3A_396 : memref<20000x128xf32, #tpu.memory_space<hbm>>) target(%dma_start3A_390 : memref<120x128xf32, #tpu.memory_space<vmem>>) offsets(%dma_start3A_393 : memref<120xi32, #tpu.memory_space<vmem>>) semaphore(%arg11 : memref<!tpu.dma_semaphore, #tpu.memory_space<semaphore_mem>>)
      } else {
      }
      %lt3A_316 = arith.constant 84 : i32
      %lt3A_317 = arith.cmpi slt, %add3A_306, %lt3A_316 : i32
      %convert_element_type3A_318 = arith.extui %lt3A_317 : i1 to i32
      %cond3A_319 = arith.constant 0 : i32
      %cond3A_320 = arith.cmpi ne, %convert_element_type3A_318, %cond3A_319 : i32
      scf.if %cond3A_320 {
        %dma_wait3A_351 = arith.constant 4 : i32
        %dma_wait3A_352 = arith.constant 1 : i32
        %dma_wait3A_353 = arith.constant 0 : i32
        %dma_wait3A_354 = arith.constant 0 : i32
        %dma_wait3A_355 = tpu.memref_slice %arg10[%dma_wait3A_352, %dma_wait3A_353, %dma_wait3A_354] : memref<3x120x128xf32, #tpu.memory_space<vmem>> -> memref<1x120x128xf32, #tpu.memory_space<vmem>>
        %dma_wait3A_356 = tpu.memref_squeeze %dma_wait3A_355 : memref<1x120x128xf32, #tpu.memory_space<vmem>> -> memref<120x128xf32, #tpu.memory_space<vmem>>
        %dma_wait3A_357 = arith.constant 0 : i32
        %dma_wait3A_358 = tpu.memref_slice %arg8[%dma_wait3A_351, %dma_wait3A_357] : memref<6x120xi32, #tpu.memory_space<vmem>> -> memref<1x120xi32, #tpu.memory_space<vmem>>
        %dma_wait3A_359 = tpu.memref_squeeze %dma_wait3A_358 : memref<1x120xi32, #tpu.memory_space<vmem>> -> memref<120xi32, #tpu.memory_space<vmem>>
        %dma_wait3A_360 = arith.constant 0 : i32
        %dma_wait3A_361 = arith.constant 0 : i32
        %dma_wait3A_362 = tpu.memref_slice %arg2[%dma_wait3A_360, %dma_wait3A_361] : memref<20000x128xf32, #tpu.memory_space<hbm>> -> memref<20000x128xf32, #tpu.memory_space<hbm>>
        tpu.wait_indirect_dma semaphore(%arg12 : memref<!tpu.dma_semaphore, #tpu.memory_space<semaphore_mem>>) src(%dma_wait3A_362 : memref<20000x128xf32, #tpu.memory_space<hbm>>) dst(%dma_wait3A_356 : memref<120x128xf32, #tpu.memory_space<vmem>>)
        %dma_start3A_363 = arith.constant 1 : i32
        %dma_start3A_364 = arith.constant 4 : i32
        %dma_start3A_365 = arith.constant 0 : i32
        %dma_start3A_366 = arith.constant 0 : i32
        %dma_start3A_367 = tpu.memref_slice %arg10[%dma_start3A_363, %dma_start3A_365, %dma_start3A_366] : memref<3x120x128xf32, #tpu.memory_space<vmem>> -> memref<1x120x128xf32, #tpu.memory_space<vmem>>
        %dma_start3A_368 = tpu.memref_squeeze %dma_start3A_367 : memref<1x120x128xf32, #tpu.memory_space<vmem>> -> memref<120x128xf32, #tpu.memory_space<vmem>>
        %dma_start3A_369 = arith.constant 0 : i32
        %dma_start3A_370 = tpu.memref_slice %arg9[%dma_start3A_364, %dma_start3A_369] : memref<6x120xi32, #tpu.memory_space<vmem>> -> memref<1x120xi32, #tpu.memory_space<vmem>>
        %dma_start3A_371 = tpu.memref_squeeze %dma_start3A_370 : memref<1x120xi32, #tpu.memory_space<vmem>> -> memref<120xi32, #tpu.memory_space<vmem>>
        %dma_start3A_372 = arith.constant 0 : i32
        %dma_start3A_373 = arith.constant 0 : i32
        %dma_start3A_374 = tpu.memref_slice %arg7[%dma_start3A_372, %dma_start3A_373] : memref<10112x128xf32, #tpu.memory_space<vmem_shared>> -> memref<10112x128xf32, #tpu.memory_space<vmem_shared>>
        tpu.enqueue_indirect_dma source(%dma_start3A_368 : memref<120x128xf32, #tpu.memory_space<vmem>>) target(%dma_start3A_374 : memref<10112x128xf32, #tpu.memory_space<vmem_shared>>) offsets(%dma_start3A_371 : memref<120xi32, #tpu.memory_space<vmem>>) semaphore(%arg18 : memref<!tpu.dma_semaphore, #tpu.memory_space<semaphore_mem>>) {add = true}
      } else {
      }
      %add3A_321 = arith.constant 3 : i32
      %add3A_322 = arith.addi %add3A_306, %add3A_321 : i32
      %lt3A_323 = arith.constant 84 : i32
      %lt3A_324 = arith.cmpi slt, %add3A_322, %lt3A_323 : i32
      %convert_element_type3A_325 = arith.extui %lt3A_324 : i1 to i32
      %cond3A_326 = arith.constant 0 : i32
      %cond3A_327 = arith.cmpi ne, %convert_element_type3A_325, %cond3A_326 : i32
      scf.if %cond3A_327 {
        %add3A_351 = arith.constant 3 : i32
        %add3A_352 = arith.addi %add3A_306, %add3A_351 : i32
        %dma_start3A_353 = arith.constant 1 : i32
        %dma_start3A_354 = arith.constant 0 : i32
        %dma_start3A_355 = tpu.memref_slice %arg8[%dma_start3A_353, %dma_start3A_354] : memref<6x120xi32, #tpu.memory_space<vmem>> -> memref<1x120xi32, #tpu.memory_space<vmem>>
        %dma_start3A_356 = tpu.memref_squeeze %dma_start3A_355 : memref<1x120xi32, #tpu.memory_space<vmem>> -> memref<120xi32, #tpu.memory_space<vmem>>
        %dma_start3A_357 = arith.constant 0 : i32
        %dma_start3A_358 = tpu.memref_slice %arg3[%arg0, %arg1, %add3A_352, %dma_start3A_357] : memref<2x16x84x120xi32, #tpu.memory_space<hbm>> -> memref<1x1x1x120xi32, #tpu.memory_space<hbm>>
        %dma_start3A_359 = tpu.memref_squeeze %dma_start3A_358 : memref<1x1x1x120xi32, #tpu.memory_space<hbm>> -> memref<120xi32, #tpu.memory_space<hbm>>
        %dma_start3A_360 = arith.constant 0 : i32
        %dma_start3A_361 = tpu.memref_slice %arg8[%dma_start3A_353, %dma_start3A_360] : memref<6x120xi32, #tpu.memory_space<vmem>> -> memref<1x120xi32, #tpu.memory_space<vmem>>
        %dma_start3A_362 = tpu.memref_squeeze %dma_start3A_361 : memref<1x120xi32, #tpu.memory_space<vmem>> -> memref<120xi32, #tpu.memory_space<vmem>>
        %dma_start3A_363 = arith.constant 0 : i32
        %dma_start3A_364 = tpu.memref_slice %arg3[%arg0, %arg1, %add3A_352, %dma_start3A_363] : memref<2x16x84x120xi32, #tpu.memory_space<hbm>> -> memref<1x1x1x120xi32, #tpu.memory_space<hbm>>
        %dma_start3A_365 = tpu.memref_squeeze %dma_start3A_364 : memref<1x1x1x120xi32, #tpu.memory_space<hbm>> -> memref<120xi32, #tpu.memory_space<hbm>>
        tpu.enqueue_dma source(%dma_start3A_365 : memref<120xi32, #tpu.memory_space<hbm>>) target(%dma_start3A_362 : memref<120xi32, #tpu.memory_space<vmem>>) target_semaphore(%arg15 : memref<!tpu.dma_semaphore, #tpu.memory_space<semaphore_mem>>)
        %dma_start3A_366 = arith.constant 1 : i32
        %dma_start3A_367 = arith.constant 0 : i32
        %dma_start3A_368 = tpu.memref_slice %arg9[%dma_start3A_366, %dma_start3A_367] : memref<6x120xi32, #tpu.memory_space<vmem>> -> memref<1x120xi32, #tpu.memory_space<vmem>>
        %dma_start3A_369 = tpu.memref_squeeze %dma_start3A_368 : memref<1x120xi32, #tpu.memory_space<vmem>> -> memref<120xi32, #tpu.memory_space<vmem>>
        %dma_start3A_370 = arith.constant 0 : i32
        %dma_start3A_371 = tpu.memref_slice %arg4[%arg1, %add3A_352, %dma_start3A_370] : memref<16x84x120xi32, #tpu.memory_space<hbm>> -> memref<1x1x120xi32, #tpu.memory_space<hbm>>
        %dma_start3A_372 = tpu.memref_squeeze %dma_start3A_371 : memref<1x1x120xi32, #tpu.memory_space<hbm>> -> memref<120xi32, #tpu.memory_space<hbm>>
        %dma_start3A_373 = arith.constant 0 : i32
        %dma_start3A_374 = tpu.memref_slice %arg9[%dma_start3A_366, %dma_start3A_373] : memref<6x120xi32, #tpu.memory_space<vmem>> -> memref<1x120xi32, #tpu.memory_space<vmem>>
        %dma_start3A_375 = tpu.memref_squeeze %dma_start3A_374 : memref<1x120xi32, #tpu.memory_space<vmem>> -> memref<120xi32, #tpu.memory_space<vmem>>
        %dma_start3A_376 = arith.constant 0 : i32
        %dma_start3A_377 = tpu.memref_slice %arg4[%arg1, %add3A_352, %dma_start3A_376] : memref<16x84x120xi32, #tpu.memory_space<hbm>> -> memref<1x1x120xi32, #tpu.memory_space<hbm>>
        %dma_start3A_378 = tpu.memref_squeeze %dma_start3A_377 : memref<1x1x120xi32, #tpu.memory_space<hbm>> -> memref<120xi32, #tpu.memory_space<hbm>>
        tpu.enqueue_dma source(%dma_start3A_378 : memref<120xi32, #tpu.memory_space<hbm>>) target(%dma_start3A_375 : memref<120xi32, #tpu.memory_space<vmem>>) target_semaphore(%arg15 : memref<!tpu.dma_semaphore, #tpu.memory_space<semaphore_mem>>)
      } else {
      }
      %add3A_328 = arith.constant 5 : i32
      %add3A_329 = arith.addi %add3A_216, %add3A_328 : i32
      %add3A_330 = arith.constant 3 : i32
      %add3A_331 = arith.addi %add3A_329, %add3A_330 : i32
      %sub3A_332 = arith.constant 1 : i32
      %sub3A_333 = arith.subi %add3A_331, %sub3A_332 : i32
      %lt3A_334 = arith.constant 84 : i32
      %lt3A_335 = arith.cmpi slt, %sub3A_333, %lt3A_334 : i32
      %convert_element_type3A_336 = arith.extui %lt3A_335 : i1 to i32
      %cond3A_337 = arith.constant 0 : i32
      %cond3A_338 = arith.cmpi ne, %convert_element_type3A_336, %cond3A_337 : i32
      scf.if %cond3A_338 {
        %add3A_351 = arith.constant 3 : i32
        %add3A_352 = arith.addi %add3A_329, %add3A_351 : i32
        %sub3A_353 = arith.constant 1 : i32
        %sub3A_354 = arith.subi %add3A_352, %sub3A_353 : i32
        %dma_wait3A_355 = arith.constant 1 : i32
        %dma_wait3A_356 = arith.constant 0 : i32
        %dma_wait3A_357 = tpu.memref_slice %arg8[%dma_wait3A_355, %dma_wait3A_356] : memref<6x120xi32, #tpu.memory_space<vmem>> -> memref<1x120xi32, #tpu.memory_space<vmem>>
        %dma_wait3A_358 = tpu.memref_squeeze %dma_wait3A_357 : memref<1x120xi32, #tpu.memory_space<vmem>> -> memref<120xi32, #tpu.memory_space<vmem>>
        %dma_wait3A_359 = arith.constant 0 : i32
        %dma_wait3A_360 = tpu.memref_slice %arg3[%arg0, %arg1, %sub3A_354, %dma_wait3A_359] : memref<2x16x84x120xi32, #tpu.memory_space<hbm>> -> memref<1x1x1x120xi32, #tpu.memory_space<hbm>>
        %dma_wait3A_361 = tpu.memref_squeeze %dma_wait3A_360 : memref<1x1x1x120xi32, #tpu.memory_space<hbm>> -> memref<120xi32, #tpu.memory_space<hbm>>
        %dma_wait3A_362 = arith.constant 0 : i32
        %dma_wait3A_363 = tpu.memref_slice %arg8[%dma_wait3A_355, %dma_wait3A_362] : memref<6x120xi32, #tpu.memory_space<vmem>> -> memref<1x120xi32, #tpu.memory_space<vmem>>
        %dma_wait3A_364 = tpu.memref_squeeze %dma_wait3A_363 : memref<1x120xi32, #tpu.memory_space<vmem>> -> memref<120xi32, #tpu.memory_space<vmem>>
        %dma_wait3A_365 = arith.constant 0 : i32
        %dma_wait3A_366 = tpu.memref_slice %arg3[%arg0, %arg1, %sub3A_354, %dma_wait3A_365] : memref<2x16x84x120xi32, #tpu.memory_space<hbm>> -> memref<1x1x1x120xi32, #tpu.memory_space<hbm>>
        %dma_wait3A_367 = tpu.memref_squeeze %dma_wait3A_366 : memref<1x1x1x120xi32, #tpu.memory_space<hbm>> -> memref<120xi32, #tpu.memory_space<hbm>>
        tpu.wait_dma2 semaphore(%arg15 : memref<!tpu.dma_semaphore, #tpu.memory_space<semaphore_mem>>) src(%dma_wait3A_367 : memref<120xi32, #tpu.memory_space<hbm>>) dst(%dma_wait3A_364 : memref<120xi32, #tpu.memory_space<vmem>>)
        %dma_wait3A_368 = arith.constant 1 : i32
        %dma_wait3A_369 = arith.constant 0 : i32
        %dma_wait3A_370 = tpu.memref_slice %arg9[%dma_wait3A_368, %dma_wait3A_369] : memref<6x120xi32, #tpu.memory_space<vmem>> -> memref<1x120xi32, #tpu.memory_space<vmem>>
        %dma_wait3A_371 = tpu.memref_squeeze %dma_wait3A_370 : memref<1x120xi32, #tpu.memory_space<vmem>> -> memref<120xi32, #tpu.memory_space<vmem>>
        %dma_wait3A_372 = arith.constant 0 : i32
        %dma_wait3A_373 = tpu.memref_slice %arg4[%arg1, %sub3A_354, %dma_wait3A_372] : memref<16x84x120xi32, #tpu.memory_space<hbm>> -> memref<1x1x120xi32, #tpu.memory_space<hbm>>
        %dma_wait3A_374 = tpu.memref_squeeze %dma_wait3A_373 : memref<1x1x120xi32, #tpu.memory_space<hbm>> -> memref<120xi32, #tpu.memory_space<hbm>>
        %dma_wait3A_375 = arith.constant 0 : i32
        %dma_wait3A_376 = tpu.memref_slice %arg9[%dma_wait3A_368, %dma_wait3A_375] : memref<6x120xi32, #tpu.memory_space<vmem>> -> memref<1x120xi32, #tpu.memory_space<vmem>>
        %dma_wait3A_377 = tpu.memref_squeeze %dma_wait3A_376 : memref<1x120xi32, #tpu.memory_space<vmem>> -> memref<120xi32, #tpu.memory_space<vmem>>
        %dma_wait3A_378 = arith.constant 0 : i32
        %dma_wait3A_379 = tpu.memref_slice %arg4[%arg1, %sub3A_354, %dma_wait3A_378] : memref<16x84x120xi32, #tpu.memory_space<hbm>> -> memref<1x1x120xi32, #tpu.memory_space<hbm>>
        %dma_wait3A_380 = tpu.memref_squeeze %dma_wait3A_379 : memref<1x1x120xi32, #tpu.memory_space<hbm>> -> memref<120xi32, #tpu.memory_space<hbm>>
        tpu.wait_dma2 semaphore(%arg15 : memref<!tpu.dma_semaphore, #tpu.memory_space<semaphore_mem>>) src(%dma_wait3A_380 : memref<120xi32, #tpu.memory_space<hbm>>) dst(%dma_wait3A_377 : memref<120xi32, #tpu.memory_space<vmem>>)
        %ge3A = arith.constant 1 : i32
        %ge3A_381 = arith.cmpi sge, %add3A_329, %ge3A : i32
        %convert_element_type3A_382 = arith.extui %ge3A_381 : i1 to i32
        %cond3A_383 = arith.constant 0 : i32
        %cond3A_384 = arith.cmpi ne, %convert_element_type3A_382, %cond3A_383 : i32
        scf.if %cond3A_384 {
          %dma_wait3A_397 = arith.constant 1 : i32
          %dma_wait3A_398 = arith.constant 4 : i32
          %dma_wait3A_399 = arith.constant 0 : i32
          %dma_wait3A_400 = arith.constant 0 : i32
          %dma_wait3A_401 = tpu.memref_slice %arg10[%dma_wait3A_397, %dma_wait3A_399, %dma_wait3A_400] : memref<3x120x128xf32, #tpu.memory_space<vmem>> -> memref<1x120x128xf32, #tpu.memory_space<vmem>>
          %dma_wait3A_402 = tpu.memref_squeeze %dma_wait3A_401 : memref<1x120x128xf32, #tpu.memory_space<vmem>> -> memref<120x128xf32, #tpu.memory_space<vmem>>
          %dma_wait3A_403 = arith.constant 0 : i32
          %dma_wait3A_404 = tpu.memref_slice %arg9[%dma_wait3A_398, %dma_wait3A_403] : memref<6x120xi32, #tpu.memory_space<vmem>> -> memref<1x120xi32, #tpu.memory_space<vmem>>
          %dma_wait3A_405 = tpu.memref_squeeze %dma_wait3A_404 : memref<1x120xi32, #tpu.memory_space<vmem>> -> memref<120xi32, #tpu.memory_space<vmem>>
          %dma_wait3A_406 = arith.constant 0 : i32
          %dma_wait3A_407 = arith.constant 0 : i32
          %dma_wait3A_408 = tpu.memref_slice %arg7[%dma_wait3A_406, %dma_wait3A_407] : memref<10112x128xf32, #tpu.memory_space<vmem_shared>> -> memref<10112x128xf32, #tpu.memory_space<vmem_shared>>
          tpu.wait_indirect_dma semaphore(%arg18 : memref<!tpu.dma_semaphore, #tpu.memory_space<semaphore_mem>>) src(%dma_wait3A_402 : memref<120x128xf32, #tpu.memory_space<vmem>>) dst(%dma_wait3A_408 : memref<10112x128xf32, #tpu.memory_space<vmem_shared>>)
        } else {
        }
        %dma_start3A_385 = arith.constant 1 : i32
        %dma_start3A_386 = arith.constant 1 : i32
        %dma_start3A_387 = arith.constant 0 : i32
        %dma_start3A_388 = arith.constant 0 : i32
        %dma_start3A_389 = tpu.memref_slice %arg10[%dma_start3A_386, %dma_start3A_387, %dma_start3A_388] : memref<3x120x128xf32, #tpu.memory_space<vmem>> -> memref<1x120x128xf32, #tpu.memory_space<vmem>>
        %dma_start3A_390 = tpu.memref_squeeze %dma_start3A_389 : memref<1x120x128xf32, #tpu.memory_space<vmem>> -> memref<120x128xf32, #tpu.memory_space<vmem>>
        %dma_start3A_391 = arith.constant 0 : i32
        %dma_start3A_392 = tpu.memref_slice %arg8[%dma_start3A_385, %dma_start3A_391] : memref<6x120xi32, #tpu.memory_space<vmem>> -> memref<1x120xi32, #tpu.memory_space<vmem>>
        %dma_start3A_393 = tpu.memref_squeeze %dma_start3A_392 : memref<1x120xi32, #tpu.memory_space<vmem>> -> memref<120xi32, #tpu.memory_space<vmem>>
        %dma_start3A_394 = arith.constant 0 : i32
        %dma_start3A_395 = arith.constant 0 : i32
        %dma_start3A_396 = tpu.memref_slice %arg2[%dma_start3A_394, %dma_start3A_395] : memref<20000x128xf32, #tpu.memory_space<hbm>> -> memref<20000x128xf32, #tpu.memory_space<hbm>>
        tpu.enqueue_indirect_dma source(%dma_start3A_396 : memref<20000x128xf32, #tpu.memory_space<hbm>>) target(%dma_start3A_390 : memref<120x128xf32, #tpu.memory_space<vmem>>) offsets(%dma_start3A_393 : memref<120xi32, #tpu.memory_space<vmem>>) semaphore(%arg12 : memref<!tpu.dma_semaphore, #tpu.memory_space<semaphore_mem>>)
      } else {
      }
      %lt3A_339 = arith.constant 84 : i32
      %lt3A_340 = arith.cmpi slt, %add3A_329, %lt3A_339 : i32
      %convert_element_type3A_341 = arith.extui %lt3A_340 : i1 to i32
      %cond3A_342 = arith.constant 0 : i32
      %cond3A_343 = arith.cmpi ne, %convert_element_type3A_341, %cond3A_342 : i32
      scf.if %cond3A_343 {
        %dma_wait3A_351 = arith.constant 5 : i32
        %dma_wait3A_352 = arith.constant 2 : i32
        %dma_wait3A_353 = arith.constant 0 : i32
        %dma_wait3A_354 = arith.constant 0 : i32
        %dma_wait3A_355 = tpu.memref_slice %arg10[%dma_wait3A_352, %dma_wait3A_353, %dma_wait3A_354] : memref<3x120x128xf32, #tpu.memory_space<vmem>> -> memref<1x120x128xf32, #tpu.memory_space<vmem>>
        %dma_wait3A_356 = tpu.memref_squeeze %dma_wait3A_355 : memref<1x120x128xf32, #tpu.memory_space<vmem>> -> memref<120x128xf32, #tpu.memory_space<vmem>>
        %dma_wait3A_357 = arith.constant 0 : i32
        %dma_wait3A_358 = tpu.memref_slice %arg8[%dma_wait3A_351, %dma_wait3A_357] : memref<6x120xi32, #tpu.memory_space<vmem>> -> memref<1x120xi32, #tpu.memory_space<vmem>>
        %dma_wait3A_359 = tpu.memref_squeeze %dma_wait3A_358 : memref<1x120xi32, #tpu.memory_space<vmem>> -> memref<120xi32, #tpu.memory_space<vmem>>
        %dma_wait3A_360 = arith.constant 0 : i32
        %dma_wait3A_361 = arith.constant 0 : i32
        %dma_wait3A_362 = tpu.memref_slice %arg2[%dma_wait3A_360, %dma_wait3A_361] : memref<20000x128xf32, #tpu.memory_space<hbm>> -> memref<20000x128xf32, #tpu.memory_space<hbm>>
        tpu.wait_indirect_dma semaphore(%arg13 : memref<!tpu.dma_semaphore, #tpu.memory_space<semaphore_mem>>) src(%dma_wait3A_362 : memref<20000x128xf32, #tpu.memory_space<hbm>>) dst(%dma_wait3A_356 : memref<120x128xf32, #tpu.memory_space<vmem>>)
        %dma_start3A_363 = arith.constant 2 : i32
        %dma_start3A_364 = arith.constant 5 : i32
        %dma_start3A_365 = arith.constant 0 : i32
        %dma_start3A_366 = arith.constant 0 : i32
        %dma_start3A_367 = tpu.memref_slice %arg10[%dma_start3A_363, %dma_start3A_365, %dma_start3A_366] : memref<3x120x128xf32, #tpu.memory_space<vmem>> -> memref<1x120x128xf32, #tpu.memory_space<vmem>>
        %dma_start3A_368 = tpu.memref_squeeze %dma_start3A_367 : memref<1x120x128xf32, #tpu.memory_space<vmem>> -> memref<120x128xf32, #tpu.memory_space<vmem>>
        %dma_start3A_369 = arith.constant 0 : i32
        %dma_start3A_370 = tpu.memref_slice %arg9[%dma_start3A_364, %dma_start3A_369] : memref<6x120xi32, #tpu.memory_space<vmem>> -> memref<1x120xi32, #tpu.memory_space<vmem>>
        %dma_start3A_371 = tpu.memref_squeeze %dma_start3A_370 : memref<1x120xi32, #tpu.memory_space<vmem>> -> memref<120xi32, #tpu.memory_space<vmem>>
        %dma_start3A_372 = arith.constant 0 : i32
        %dma_start3A_373 = arith.constant 0 : i32
        %dma_start3A_374 = tpu.memref_slice %arg7[%dma_start3A_372, %dma_start3A_373] : memref<10112x128xf32, #tpu.memory_space<vmem_shared>> -> memref<10112x128xf32, #tpu.memory_space<vmem_shared>>
        tpu.enqueue_indirect_dma source(%dma_start3A_368 : memref<120x128xf32, #tpu.memory_space<vmem>>) target(%dma_start3A_374 : memref<10112x128xf32, #tpu.memory_space<vmem_shared>>) offsets(%dma_start3A_371 : memref<120xi32, #tpu.memory_space<vmem>>) semaphore(%arg19 : memref<!tpu.dma_semaphore, #tpu.memory_space<semaphore_mem>>) {add = true}
      } else {
      }
      %add3A_344 = arith.constant 3 : i32
      %add3A_345 = arith.addi %add3A_329, %add3A_344 : i32
      %lt3A_346 = arith.constant 84 : i32
      %lt3A_347 = arith.cmpi slt, %add3A_345, %lt3A_346 : i32
      %convert_element_type3A_348 = arith.extui %lt3A_347 : i1 to i32
      %cond3A_349 = arith.constant 0 : i32
      %cond3A_350 = arith.cmpi ne, %convert_element_type3A_348, %cond3A_349 : i32
      scf.if %cond3A_350 {
        %add3A_351 = arith.constant 3 : i32
        %add3A_352 = arith.addi %add3A_329, %add3A_351 : i32
        %dma_start3A_353 = arith.constant 2 : i32
        %dma_start3A_354 = arith.constant 0 : i32
        %dma_start3A_355 = tpu.memref_slice %arg8[%dma_start3A_353, %dma_start3A_354] : memref<6x120xi32, #tpu.memory_space<vmem>> -> memref<1x120xi32, #tpu.memory_space<vmem>>
        %dma_start3A_356 = tpu.memref_squeeze %dma_start3A_355 : memref<1x120xi32, #tpu.memory_space<vmem>> -> memref<120xi32, #tpu.memory_space<vmem>>
        %dma_start3A_357 = arith.constant 0 : i32
        %dma_start3A_358 = tpu.memref_slice %arg3[%arg0, %arg1, %add3A_352, %dma_start3A_357] : memref<2x16x84x120xi32, #tpu.memory_space<hbm>> -> memref<1x1x1x120xi32, #tpu.memory_space<hbm>>
        %dma_start3A_359 = tpu.memref_squeeze %dma_start3A_358 : memref<1x1x1x120xi32, #tpu.memory_space<hbm>> -> memref<120xi32, #tpu.memory_space<hbm>>
        %dma_start3A_360 = arith.constant 0 : i32
        %dma_start3A_361 = tpu.memref_slice %arg8[%dma_start3A_353, %dma_start3A_360] : memref<6x120xi32, #tpu.memory_space<vmem>> -> memref<1x120xi32, #tpu.memory_space<vmem>>
        %dma_start3A_362 = tpu.memref_squeeze %dma_start3A_361 : memref<1x120xi32, #tpu.memory_space<vmem>> -> memref<120xi32, #tpu.memory_space<vmem>>
        %dma_start3A_363 = arith.constant 0 : i32
        %dma_start3A_364 = tpu.memref_slice %arg3[%arg0, %arg1, %add3A_352, %dma_start3A_363] : memref<2x16x84x120xi32, #tpu.memory_space<hbm>> -> memref<1x1x1x120xi32, #tpu.memory_space<hbm>>
        %dma_start3A_365 = tpu.memref_squeeze %dma_start3A_364 : memref<1x1x1x120xi32, #tpu.memory_space<hbm>> -> memref<120xi32, #tpu.memory_space<hbm>>
        tpu.enqueue_dma source(%dma_start3A_365 : memref<120xi32, #tpu.memory_space<hbm>>) target(%dma_start3A_362 : memref<120xi32, #tpu.memory_space<vmem>>) target_semaphore(%arg16 : memref<!tpu.dma_semaphore, #tpu.memory_space<semaphore_mem>>)
        %dma_start3A_366 = arith.constant 2 : i32
        %dma_start3A_367 = arith.constant 0 : i32
        %dma_start3A_368 = tpu.memref_slice %arg9[%dma_start3A_366, %dma_start3A_367] : memref<6x120xi32, #tpu.memory_space<vmem>> -> memref<1x120xi32, #tpu.memory_space<vmem>>
        %dma_start3A_369 = tpu.memref_squeeze %dma_start3A_368 : memref<1x120xi32, #tpu.memory_space<vmem>> -> memref<120xi32, #tpu.memory_space<vmem>>
        %dma_start3A_370 = arith.constant 0 : i32
        %dma_start3A_371 = tpu.memref_slice %arg4[%arg1, %add3A_352, %dma_start3A_370] : memref<16x84x120xi32, #tpu.memory_space<hbm>> -> memref<1x1x120xi32, #tpu.memory_space<hbm>>
        %dma_start3A_372 = tpu.memref_squeeze %dma_start3A_371 : memref<1x1x120xi32, #tpu.memory_space<hbm>> -> memref<120xi32, #tpu.memory_space<hbm>>
        %dma_start3A_373 = arith.constant 0 : i32
        %dma_start3A_374 = tpu.memref_slice %arg9[%dma_start3A_366, %dma_start3A_373] : memref<6x120xi32, #tpu.memory_space<vmem>> -> memref<1x120xi32, #tpu.memory_space<vmem>>
        %dma_start3A_375 = tpu.memref_squeeze %dma_start3A_374 : memref<1x120xi32, #tpu.memory_space<vmem>> -> memref<120xi32, #tpu.memory_space<vmem>>
        %dma_start3A_376 = arith.constant 0 : i32
        %dma_start3A_377 = tpu.memref_slice %arg4[%arg1, %add3A_352, %dma_start3A_376] : memref<16x84x120xi32, #tpu.memory_space<hbm>> -> memref<1x1x120xi32, #tpu.memory_space<hbm>>
        %dma_start3A_378 = tpu.memref_squeeze %dma_start3A_377 : memref<1x1x120xi32, #tpu.memory_space<hbm>> -> memref<120xi32, #tpu.memory_space<hbm>>
        tpu.enqueue_dma source(%dma_start3A_378 : memref<120xi32, #tpu.memory_space<hbm>>) target(%dma_start3A_375 : memref<120xi32, #tpu.memory_space<vmem>>) target_semaphore(%arg16 : memref<!tpu.dma_semaphore, #tpu.memory_space<semaphore_mem>>)
      } else {
      }
    }
    %scan3A_168 = arith.constant 14 : i32
    %dma_wait3A_169 = arith.constant 0 : i32
    %dma_wait3A_170 = arith.constant 3 : i32
    %dma_wait3A_171 = arith.constant 0 : i32
    %dma_wait3A_172 = arith.constant 0 : i32
    %dma_wait3A_173 = tpu.memref_slice %arg10[%dma_wait3A_169, %dma_wait3A_171, %dma_wait3A_172] : memref<3x120x128xf32, #tpu.memory_space<vmem>> -> memref<1x120x128xf32, #tpu.memory_space<vmem>>
    %dma_wait3A_174 = tpu.memref_squeeze %dma_wait3A_173 : memref<1x120x128xf32, #tpu.memory_space<vmem>> -> memref<120x128xf32, #tpu.memory_space<vmem>>
    %dma_wait3A_175 = arith.constant 0 : i32
    %dma_wait3A_176 = tpu.memref_slice %arg9[%dma_wait3A_170, %dma_wait3A_175] : memref<6x120xi32, #tpu.memory_space<vmem>> -> memref<1x120xi32, #tpu.memory_space<vmem>>
    %dma_wait3A_177 = tpu.memref_squeeze %dma_wait3A_176 : memref<1x120xi32, #tpu.memory_space<vmem>> -> memref<120xi32, #tpu.memory_space<vmem>>
    %dma_wait3A_178 = arith.constant 0 : i32
    %dma_wait3A_179 = arith.constant 0 : i32
    %dma_wait3A_180 = tpu.memref_slice %arg7[%dma_wait3A_178, %dma_wait3A_179] : memref<10112x128xf32, #tpu.memory_space<vmem_shared>> -> memref<10112x128xf32, #tpu.memory_space<vmem_shared>>
    tpu.wait_indirect_dma semaphore(%arg17 : memref<!tpu.dma_semaphore, #tpu.memory_space<semaphore_mem>>) src(%dma_wait3A_174 : memref<120x128xf32, #tpu.memory_space<vmem>>) dst(%dma_wait3A_180 : memref<10112x128xf32, #tpu.memory_space<vmem_shared>>)
    %dma_wait3A_181 = arith.constant 1 : i32
    %dma_wait3A_182 = arith.constant 4 : i32
    %dma_wait3A_183 = arith.constant 0 : i32
    %dma_wait3A_184 = arith.constant 0 : i32
    %dma_wait3A_185 = tpu.memref_slice %arg10[%dma_wait3A_181, %dma_wait3A_183, %dma_wait3A_184] : memref<3x120x128xf32, #tpu.memory_space<vmem>> -> memref<1x120x128xf32, #tpu.memory_space<vmem>>
    %dma_wait3A_186 = tpu.memref_squeeze %dma_wait3A_185 : memref<1x120x128xf32, #tpu.memory_space<vmem>> -> memref<120x128xf32, #tpu.memory_space<vmem>>
    %dma_wait3A_187 = arith.constant 0 : i32
    %dma_wait3A_188 = tpu.memref_slice %arg9[%dma_wait3A_182, %dma_wait3A_187] : memref<6x120xi32, #tpu.memory_space<vmem>> -> memref<1x120xi32, #tpu.memory_space<vmem>>
    %dma_wait3A_189 = tpu.memref_squeeze %dma_wait3A_188 : memref<1x120xi32, #tpu.memory_space<vmem>> -> memref<120xi32, #tpu.memory_space<vmem>>
    %dma_wait3A_190 = arith.constant 0 : i32
    %dma_wait3A_191 = arith.constant 0 : i32
    %dma_wait3A_192 = tpu.memref_slice %arg7[%dma_wait3A_190, %dma_wait3A_191] : memref<10112x128xf32, #tpu.memory_space<vmem_shared>> -> memref<10112x128xf32, #tpu.memory_space<vmem_shared>>
    tpu.wait_indirect_dma semaphore(%arg18 : memref<!tpu.dma_semaphore, #tpu.memory_space<semaphore_mem>>) src(%dma_wait3A_186 : memref<120x128xf32, #tpu.memory_space<vmem>>) dst(%dma_wait3A_192 : memref<10112x128xf32, #tpu.memory_space<vmem_shared>>)
    %dma_wait3A_193 = arith.constant 2 : i32
    %dma_wait3A_194 = arith.constant 5 : i32
    %dma_wait3A_195 = arith.constant 0 : i32
    %dma_wait3A_196 = arith.constant 0 : i32
    %dma_wait3A_197 = tpu.memref_slice %arg10[%dma_wait3A_193, %dma_wait3A_195, %dma_wait3A_196] : memref<3x120x128xf32, #tpu.memory_space<vmem>> -> memref<1x120x128xf32, #tpu.memory_space<vmem>>
    %dma_wait3A_198 = tpu.memref_squeeze %dma_wait3A_197 : memref<1x120x128xf32, #tpu.memory_space<vmem>> -> memref<120x128xf32, #tpu.memory_space<vmem>>
    %dma_wait3A_199 = arith.constant 0 : i32
    %dma_wait3A_200 = tpu.memref_slice %arg9[%dma_wait3A_194, %dma_wait3A_199] : memref<6x120xi32, #tpu.memory_space<vmem>> -> memref<1x120xi32, #tpu.memory_space<vmem>>
    %dma_wait3A_201 = tpu.memref_squeeze %dma_wait3A_200 : memref<1x120xi32, #tpu.memory_space<vmem>> -> memref<120xi32, #tpu.memory_space<vmem>>
    %dma_wait3A_202 = arith.constant 0 : i32
    %dma_wait3A_203 = arith.constant 0 : i32
    %dma_wait3A_204 = tpu.memref_slice %arg7[%dma_wait3A_202, %dma_wait3A_203] : memref<10112x128xf32, #tpu.memory_space<vmem_shared>> -> memref<10112x128xf32, #tpu.memory_space<vmem_shared>>
    tpu.wait_indirect_dma semaphore(%arg19 : memref<!tpu.dma_semaphore, #tpu.memory_space<semaphore_mem>>) src(%dma_wait3A_198 : memref<120x128xf32, #tpu.memory_space<vmem>>) dst(%dma_wait3A_204 : memref<10112x128xf32, #tpu.memory_space<vmem_shared>>)
    %barrier3A_205 = arith.constant 0 : index
    tpu.barrier barrier_id(%barrier3A_205)
    %mul3A_206 = arith.constant 632 : i32
    %mul3A_207 = arith.muli %arg1, %mul3A_206 : i32
    %mul3A_208 = arith.constant 10112 : i32
    %mul3A_209 = arith.muli %arg0, %mul3A_208 : i32
    %mul3A_210 = arith.constant 632 : i32
    %mul3A_211 = arith.muli %arg1, %mul3A_210 : i32
    %add3A = arith.addi %mul3A_209, %mul3A_211 : i32
    "tpu.region"() ({
      %run_scoped3A = tpu.sem_alloc : memref<!tpu.dma_semaphore, #tpu.memory_space<semaphore_mem>>
      %dma_start3A_212 = arith.constant 0 : i32
      %dma_start3A_213 = tpu.memref_slice %arg6[%add3A, %dma_start3A_212] : memref<20224x128xf32, #tpu.memory_space<hbm>> -> memref<632x128xf32, #tpu.memory_space<hbm>>
      %dma_start3A_214 = arith.constant 0 : i32
      %dma_start3A_215 = tpu.memref_slice %arg7[%mul3A_207, %dma_start3A_214] : memref<10112x128xf32, #tpu.memory_space<vmem_shared>> -> memref<632x128xf32, #tpu.memory_space<vmem_shared>>
      tpu.enqueue_dma source(%dma_start3A_215 : memref<632x128xf32, #tpu.memory_space<vmem_shared>>) target(%dma_start3A_213 : memref<632x128xf32, #tpu.memory_space<hbm>>) target_semaphore(%run_scoped3A : memref<!tpu.dma_semaphore, #tpu.memory_space<semaphore_mem>>)
      %dma_wait3A_216 = arith.constant 0 : i32
      %dma_wait3A_217 = tpu.memref_slice %arg6[%add3A, %dma_wait3A_216] : memref<20224x128xf32, #tpu.memory_space<hbm>> -> memref<632x128xf32, #tpu.memory_space<hbm>>
      %dma_wait3A_218 = arith.constant 0 : i32
      %dma_wait3A_219 = tpu.memref_slice %arg7[%mul3A_207, %dma_wait3A_218] : memref<10112x128xf32, #tpu.memory_space<vmem_shared>> -> memref<632x128xf32, #tpu.memory_space<vmem_shared>>
      tpu.wait_dma2 semaphore(%run_scoped3A : memref<!tpu.dma_semaphore, #tpu.memory_space<semaphore_mem>>) src(%dma_wait3A_219 : memref<632x128xf32, #tpu.memory_space<vmem_shared>>) dst(%dma_wait3A_217 : memref<632x128xf32, #tpu.memory_space<hbm>>)
      tpu.yield
    }) : () -> ()
    return
  }
}

#map = affine_map<(d0, d1) -> (0, 0, 0)>
#map1 = affine_map<(d0, d1) -> (0, 0)>
module attributes {stable_mosaic.version = 14 : i64} {
  func.func @_sc_deg_body(%arg0: i32, %arg1: i32, %arg2: memref<16x84x120xi32, #tpu.memory_space<hbm>>, %arg3: memref<10112x128xf32, #tpu.memory_space<hbm>>, %arg4: memref<120x128xf32, #tpu.memory_space<hbm>>, %arg5: memref<20224x128xf32, #tpu.memory_space<hbm>>, %arg6: memref<10112x128xf32, #tpu.memory_space<vmem_shared>>, %arg7: memref<2x120xi32, #tpu.memory_space<vmem>>, %arg8: memref<120x128xf32, #tpu.memory_space<vmem>>, %arg9: memref<!tpu.dma_semaphore, #tpu.memory_space<semaphore_mem>>, %arg10: memref<!tpu.dma_semaphore, #tpu.memory_space<semaphore_mem>>) attributes {dimension_semantics = [#tpu.dimension_semantics<core_parallel>, #tpu.dimension_semantics<subcore_parallel>], iteration_bounds = array<i64: 2, 16>, scalar_prefetch = 0 : i64, scratch_operands = 5 : i64, tpu.core_type = #tpu.core_type<sc_vector_subcore>, window_params = [{transform_indices = #map}, {transform_indices = #map1}, {transform_indices = #map1}, {transform_indices = #map1}]} {
    %mul3A = arith.constant 632 : i32
    %mul3A_0 = arith.muli %arg1, %mul3A : i32
    %mul3A_1 = arith.constant 632 : i32
    %mul3A_2 = arith.muli %arg1, %mul3A_1 : i32
    "tpu.region"() ({
      %run_scoped3A = tpu.sem_alloc : memref<!tpu.dma_semaphore, #tpu.memory_space<semaphore_mem>>
      %dma_start3A_30 = arith.constant 0 : i32
      %dma_start3A_31 = tpu.memref_slice %arg6[%mul3A_2, %dma_start3A_30] : memref<10112x128xf32, #tpu.memory_space<vmem_shared>> -> memref<632x128xf32, #tpu.memory_space<vmem_shared>>
      %dma_start3A_32 = arith.constant 0 : i32
      %dma_start3A_33 = tpu.memref_slice %arg3[%mul3A_0, %dma_start3A_32] : memref<10112x128xf32, #tpu.memory_space<hbm>> -> memref<632x128xf32, #tpu.memory_space<hbm>>
      tpu.enqueue_dma source(%dma_start3A_33 : memref<632x128xf32, #tpu.memory_space<hbm>>) target(%dma_start3A_31 : memref<632x128xf32, #tpu.memory_space<vmem_shared>>) target_semaphore(%run_scoped3A : memref<!tpu.dma_semaphore, #tpu.memory_space<semaphore_mem>>)
      %dma_wait3A = arith.constant 0 : i32
      %dma_wait3A_34 = tpu.memref_slice %arg6[%mul3A_2, %dma_wait3A] : memref<10112x128xf32, #tpu.memory_space<vmem_shared>> -> memref<632x128xf32, #tpu.memory_space<vmem_shared>>
      %dma_wait3A_35 = arith.constant 0 : i32
      %dma_wait3A_36 = tpu.memref_slice %arg3[%mul3A_0, %dma_wait3A_35] : memref<10112x128xf32, #tpu.memory_space<hbm>> -> memref<632x128xf32, #tpu.memory_space<hbm>>
      tpu.wait_dma2 semaphore(%run_scoped3A : memref<!tpu.dma_semaphore, #tpu.memory_space<semaphore_mem>>) src(%dma_wait3A_36 : memref<632x128xf32, #tpu.memory_space<hbm>>) dst(%dma_wait3A_34 : memref<632x128xf32, #tpu.memory_space<vmem_shared>>)
      tpu.yield
    }) : () -> ()
    "tpu.region"() ({
      %run_scoped3A = tpu.sem_alloc : memref<!tpu.dma_semaphore, #tpu.memory_space<semaphore_mem>>
      tpu.enqueue_dma source(%arg4 : memref<120x128xf32, #tpu.memory_space<hbm>>) target(%arg8 : memref<120x128xf32, #tpu.memory_space<vmem>>) target_semaphore(%run_scoped3A : memref<!tpu.dma_semaphore, #tpu.memory_space<semaphore_mem>>)
      tpu.wait_dma2 semaphore(%run_scoped3A : memref<!tpu.dma_semaphore, #tpu.memory_space<semaphore_mem>>) src(%arg4 : memref<120x128xf32, #tpu.memory_space<hbm>>) dst(%arg8 : memref<120x128xf32, #tpu.memory_space<vmem>>)
      tpu.yield
    }) : () -> ()
    %barrier3A = arith.constant 0 : index
    tpu.barrier barrier_id(%barrier3A)
    %mul3A_3 = arith.constant 42 : i32
    %mul3A_4 = arith.muli %arg0, %mul3A_3 : i32
    %add3A = arith.constant 0 : i32
    %add3A_5 = arith.addi %mul3A_4, %add3A : i32
    %dma_start3A = arith.constant 0 : i32
    %dma_start3A_6 = arith.constant 0 : i32
    %dma_start3A_7 = tpu.memref_slice %arg7[%dma_start3A, %dma_start3A_6] : memref<2x120xi32, #tpu.memory_space<vmem>> -> memref<1x120xi32, #tpu.memory_space<vmem>>
    %dma_start3A_8 = tpu.memref_squeeze %dma_start3A_7 : memref<1x120xi32, #tpu.memory_space<vmem>> -> memref<120xi32, #tpu.memory_space<vmem>>
    %dma_start3A_9 = arith.constant 0 : i32
    %dma_start3A_10 = tpu.memref_slice %arg2[%arg1, %add3A_5, %dma_start3A_9] : memref<16x84x120xi32, #tpu.memory_space<hbm>> -> memref<1x1x120xi32, #tpu.memory_space<hbm>>
    %dma_start3A_11 = tpu.memref_squeeze %dma_start3A_10 : memref<1x1x120xi32, #tpu.memory_space<hbm>> -> memref<120xi32, #tpu.memory_space<hbm>>
    %dma_start3A_12 = arith.constant 0 : i32
    %dma_start3A_13 = tpu.memref_slice %arg7[%dma_start3A, %dma_start3A_12] : memref<2x120xi32, #tpu.memory_space<vmem>> -> memref<1x120xi32, #tpu.memory_space<vmem>>
    %dma_start3A_14 = tpu.memref_squeeze %dma_start3A_13 : memref<1x120xi32, #tpu.memory_space<vmem>> -> memref<120xi32, #tpu.memory_space<vmem>>
    %dma_start3A_15 = arith.constant 0 : i32
    %dma_start3A_16 = tpu.memref_slice %arg2[%arg1, %add3A_5, %dma_start3A_15] : memref<16x84x120xi32, #tpu.memory_space<hbm>> -> memref<1x1x120xi32, #tpu.memory_space<hbm>>
    %dma_start3A_17 = tpu.memref_squeeze %dma_start3A_16 : memref<1x1x120xi32, #tpu.memory_space<hbm>> -> memref<120xi32, #tpu.memory_space<hbm>>
    tpu.enqueue_dma source(%dma_start3A_17 : memref<120xi32, #tpu.memory_space<hbm>>) target(%dma_start3A_14 : memref<120xi32, #tpu.memory_space<vmem>>) target_semaphore(%arg9 : memref<!tpu.dma_semaphore, #tpu.memory_space<semaphore_mem>>)
    %scan3A = arith.constant 0 : i32
    %scan3A_18 = arith.constant 21 : i32
    %scan3A_19 = arith.addi %scan3A, %scan3A_18 : i32
    %scan3A_20 = arith.constant 1 : i32
    scf.for %scan3A_30 = %scan3A to %scan3A_19 step %scan3A_20  : i32 {
      %mul3A_31 = arith.constant 2 : i32
      %mul3A_32 = arith.muli %scan3A_30, %mul3A_31 : i32
      %add3A_33 = arith.constant 0 : i32
      %add3A_34 = arith.addi %add3A_33, %mul3A_32 : i32
      %add3A_35 = arith.constant 0 : i32
      %add3A_36 = arith.addi %add3A_34, %add3A_35 : i32
      %mul3A_37 = arith.constant 42 : i32
      %mul3A_38 = arith.muli %arg0, %mul3A_37 : i32
      %add3A_39 = arith.addi %mul3A_38, %add3A_36 : i32
      %dma_wait3A = arith.constant 0 : i32
      %dma_wait3A_40 = arith.constant 0 : i32
      %dma_wait3A_41 = tpu.memref_slice %arg7[%dma_wait3A, %dma_wait3A_40] : memref<2x120xi32, #tpu.memory_space<vmem>> -> memref<1x120xi32, #tpu.memory_space<vmem>>
      %dma_wait3A_42 = tpu.memref_squeeze %dma_wait3A_41 : memref<1x120xi32, #tpu.memory_space<vmem>> -> memref<120xi32, #tpu.memory_space<vmem>>
      %dma_wait3A_43 = arith.constant 0 : i32
      %dma_wait3A_44 = tpu.memref_slice %arg2[%arg1, %add3A_39, %dma_wait3A_43] : memref<16x84x120xi32, #tpu.memory_space<hbm>> -> memref<1x1x120xi32, #tpu.memory_space<hbm>>
      %dma_wait3A_45 = tpu.memref_squeeze %dma_wait3A_44 : memref<1x1x120xi32, #tpu.memory_space<hbm>> -> memref<120xi32, #tpu.memory_space<hbm>>
      %dma_wait3A_46 = arith.constant 0 : i32
      %dma_wait3A_47 = tpu.memref_slice %arg7[%dma_wait3A, %dma_wait3A_46] : memref<2x120xi32, #tpu.memory_space<vmem>> -> memref<1x120xi32, #tpu.memory_space<vmem>>
      %dma_wait3A_48 = tpu.memref_squeeze %dma_wait3A_47 : memref<1x120xi32, #tpu.memory_space<vmem>> -> memref<120xi32, #tpu.memory_space<vmem>>
      %dma_wait3A_49 = arith.constant 0 : i32
      %dma_wait3A_50 = tpu.memref_slice %arg2[%arg1, %add3A_39, %dma_wait3A_49] : memref<16x84x120xi32, #tpu.memory_space<hbm>> -> memref<1x1x120xi32, #tpu.memory_space<hbm>>
      %dma_wait3A_51 = tpu.memref_squeeze %dma_wait3A_50 : memref<1x1x120xi32, #tpu.memory_space<hbm>> -> memref<120xi32, #tpu.memory_space<hbm>>
      tpu.wait_dma2 semaphore(%arg9 : memref<!tpu.dma_semaphore, #tpu.memory_space<semaphore_mem>>) src(%dma_wait3A_51 : memref<120xi32, #tpu.memory_space<hbm>>) dst(%dma_wait3A_48 : memref<120xi32, #tpu.memory_space<vmem>>)
      %add3A_52 = arith.constant 1 : i32
      %add3A_53 = arith.addi %add3A_36, %add3A_52 : i32
      %lt3A = arith.constant 42 : i32
      %lt3A_54 = arith.cmpi slt, %add3A_53, %lt3A : i32
      %convert_element_type3A = arith.extui %lt3A_54 : i1 to i32
      %cond3A = arith.constant 0 : i32
      %cond3A_55 = arith.cmpi ne, %convert_element_type3A, %cond3A : i32
      scf.if %cond3A_55 {
        %add3A_82 = arith.constant 1 : i32
        %add3A_83 = arith.addi %add3A_36, %add3A_82 : i32
        %mul3A_84 = arith.constant 42 : i32
        %mul3A_85 = arith.muli %arg0, %mul3A_84 : i32
        %add3A_86 = arith.addi %mul3A_85, %add3A_83 : i32
        %dma_start3A_87 = arith.constant 1 : i32
        %dma_start3A_88 = arith.constant 0 : i32
        %dma_start3A_89 = tpu.memref_slice %arg7[%dma_start3A_87, %dma_start3A_88] : memref<2x120xi32, #tpu.memory_space<vmem>> -> memref<1x120xi32, #tpu.memory_space<vmem>>
        %dma_start3A_90 = tpu.memref_squeeze %dma_start3A_89 : memref<1x120xi32, #tpu.memory_space<vmem>> -> memref<120xi32, #tpu.memory_space<vmem>>
        %dma_start3A_91 = arith.constant 0 : i32
        %dma_start3A_92 = tpu.memref_slice %arg2[%arg1, %add3A_86, %dma_start3A_91] : memref<16x84x120xi32, #tpu.memory_space<hbm>> -> memref<1x1x120xi32, #tpu.memory_space<hbm>>
        %dma_start3A_93 = tpu.memref_squeeze %dma_start3A_92 : memref<1x1x120xi32, #tpu.memory_space<hbm>> -> memref<120xi32, #tpu.memory_space<hbm>>
        %dma_start3A_94 = arith.constant 0 : i32
        %dma_start3A_95 = tpu.memref_slice %arg7[%dma_start3A_87, %dma_start3A_94] : memref<2x120xi32, #tpu.memory_space<vmem>> -> memref<1x120xi32, #tpu.memory_space<vmem>>
        %dma_start3A_96 = tpu.memref_squeeze %dma_start3A_95 : memref<1x120xi32, #tpu.memory_space<vmem>> -> memref<120xi32, #tpu.memory_space<vmem>>
        %dma_start3A_97 = arith.constant 0 : i32
        %dma_start3A_98 = tpu.memref_slice %arg2[%arg1, %add3A_86, %dma_start3A_97] : memref<16x84x120xi32, #tpu.memory_space<hbm>> -> memref<1x1x120xi32, #tpu.memory_space<hbm>>
        %dma_start3A_99 = tpu.memref_squeeze %dma_start3A_98 : memref<1x1x120xi32, #tpu.memory_space<hbm>> -> memref<120xi32, #tpu.memory_space<hbm>>
        tpu.enqueue_dma source(%dma_start3A_99 : memref<120xi32, #tpu.memory_space<hbm>>) target(%dma_start3A_96 : memref<120xi32, #tpu.memory_space<vmem>>) target_semaphore(%arg10 : memref<!tpu.dma_semaphore, #tpu.memory_space<semaphore_mem>>)
      } else {
      }
      %run_scoped3A = arith.constant 0 : i32
      "tpu.region"() ({
        %run_scoped3A_82 = tpu.sem_alloc : memref<!tpu.dma_semaphore, #tpu.memory_space<semaphore_mem>>
        %dma_start3A_83 = arith.constant 0 : i32
        %dma_start3A_84 = tpu.memref_slice %arg7[%run_scoped3A, %dma_start3A_83] : memref<2x120xi32, #tpu.memory_space<vmem>> -> memref<1x120xi32, #tpu.memory_space<vmem>>
        %dma_start3A_85 = tpu.memref_squeeze %dma_start3A_84 : memref<1x120xi32, #tpu.memory_space<vmem>> -> memref<120xi32, #tpu.memory_space<vmem>>
        %dma_start3A_86 = arith.constant 0 : i32
        %dma_start3A_87 = arith.constant 0 : i32
        %dma_start3A_88 = tpu.memref_slice %arg6[%dma_start3A_86, %dma_start3A_87] : memref<10112x128xf32, #tpu.memory_space<vmem_shared>> -> memref<10112x128xf32, #tpu.memory_space<vmem_shared>>
        tpu.enqueue_indirect_dma source(%arg8 : memref<120x128xf32, #tpu.memory_space<vmem>>) target(%dma_start3A_88 : memref<10112x128xf32, #tpu.memory_space<vmem_shared>>) offsets(%dma_start3A_85 : memref<120xi32, #tpu.memory_space<vmem>>) semaphore(%run_scoped3A_82 : memref<!tpu.dma_semaphore, #tpu.memory_space<semaphore_mem>>) {add = true}
        %dma_wait3A_89 = arith.constant 0 : i32
        %dma_wait3A_90 = tpu.memref_slice %arg7[%run_scoped3A, %dma_wait3A_89] : memref<2x120xi32, #tpu.memory_space<vmem>> -> memref<1x120xi32, #tpu.memory_space<vmem>>
        %dma_wait3A_91 = tpu.memref_squeeze %dma_wait3A_90 : memref<1x120xi32, #tpu.memory_space<vmem>> -> memref<120xi32, #tpu.memory_space<vmem>>
        %dma_wait3A_92 = arith.constant 0 : i32
        %dma_wait3A_93 = arith.constant 0 : i32
        %dma_wait3A_94 = tpu.memref_slice %arg6[%dma_wait3A_92, %dma_wait3A_93] : memref<10112x128xf32, #tpu.memory_space<vmem_shared>> -> memref<10112x128xf32, #tpu.memory_space<vmem_shared>>
        tpu.wait_indirect_dma semaphore(%run_scoped3A_82 : memref<!tpu.dma_semaphore, #tpu.memory_space<semaphore_mem>>) src(%arg8 : memref<120x128xf32, #tpu.memory_space<vmem>>) dst(%dma_wait3A_94 : memref<10112x128xf32, #tpu.memory_space<vmem_shared>>)
        tpu.yield
      }) : () -> ()
      %add3A_56 = arith.constant 1 : i32
      %add3A_57 = arith.addi %add3A_34, %add3A_56 : i32
      %mul3A_58 = arith.constant 42 : i32
      %mul3A_59 = arith.muli %arg0, %mul3A_58 : i32
      %add3A_60 = arith.addi %mul3A_59, %add3A_57 : i32
      %dma_wait3A_61 = arith.constant 1 : i32
      %dma_wait3A_62 = arith.constant 0 : i32
      %dma_wait3A_63 = tpu.memref_slice %arg7[%dma_wait3A_61, %dma_wait3A_62] : memref<2x120xi32, #tpu.memory_space<vmem>> -> memref<1x120xi32, #tpu.memory_space<vmem>>
      %dma_wait3A_64 = tpu.memref_squeeze %dma_wait3A_63 : memref<1x120xi32, #tpu.memory_space<vmem>> -> memref<120xi32, #tpu.memory_space<vmem>>
      %dma_wait3A_65 = arith.constant 0 : i32
      %dma_wait3A_66 = tpu.memref_slice %arg2[%arg1, %add3A_60, %dma_wait3A_65] : memref<16x84x120xi32, #tpu.memory_space<hbm>> -> memref<1x1x120xi32, #tpu.memory_space<hbm>>
      %dma_wait3A_67 = tpu.memref_squeeze %dma_wait3A_66 : memref<1x1x120xi32, #tpu.memory_space<hbm>> -> memref<120xi32, #tpu.memory_space<hbm>>
      %dma_wait3A_68 = arith.constant 0 : i32
      %dma_wait3A_69 = tpu.memref_slice %arg7[%dma_wait3A_61, %dma_wait3A_68] : memref<2x120xi32, #tpu.memory_space<vmem>> -> memref<1x120xi32, #tpu.memory_space<vmem>>
      %dma_wait3A_70 = tpu.memref_squeeze %dma_wait3A_69 : memref<1x120xi32, #tpu.memory_space<vmem>> -> memref<120xi32, #tpu.memory_space<vmem>>
      %dma_wait3A_71 = arith.constant 0 : i32
      %dma_wait3A_72 = tpu.memref_slice %arg2[%arg1, %add3A_60, %dma_wait3A_71] : memref<16x84x120xi32, #tpu.memory_space<hbm>> -> memref<1x1x120xi32, #tpu.memory_space<hbm>>
      %dma_wait3A_73 = tpu.memref_squeeze %dma_wait3A_72 : memref<1x1x120xi32, #tpu.memory_space<hbm>> -> memref<120xi32, #tpu.memory_space<hbm>>
      tpu.wait_dma2 semaphore(%arg10 : memref<!tpu.dma_semaphore, #tpu.memory_space<semaphore_mem>>) src(%dma_wait3A_73 : memref<120xi32, #tpu.memory_space<hbm>>) dst(%dma_wait3A_70 : memref<120xi32, #tpu.memory_space<vmem>>)
      %add3A_74 = arith.constant 1 : i32
      %add3A_75 = arith.addi %add3A_57, %add3A_74 : i32
      %lt3A_76 = arith.constant 42 : i32
      %lt3A_77 = arith.cmpi slt, %add3A_75, %lt3A_76 : i32
      %convert_element_type3A_78 = arith.extui %lt3A_77 : i1 to i32
      %cond3A_79 = arith.constant 0 : i32
      %cond3A_80 = arith.cmpi ne, %convert_element_type3A_78, %cond3A_79 : i32
      scf.if %cond3A_80 {
        %add3A_82 = arith.constant 1 : i32
        %add3A_83 = arith.addi %add3A_57, %add3A_82 : i32
        %mul3A_84 = arith.constant 42 : i32
        %mul3A_85 = arith.muli %arg0, %mul3A_84 : i32
        %add3A_86 = arith.addi %mul3A_85, %add3A_83 : i32
        %dma_start3A_87 = arith.constant 0 : i32
        %dma_start3A_88 = arith.constant 0 : i32
        %dma_start3A_89 = tpu.memref_slice %arg7[%dma_start3A_87, %dma_start3A_88] : memref<2x120xi32, #tpu.memory_space<vmem>> -> memref<1x120xi32, #tpu.memory_space<vmem>>
        %dma_start3A_90 = tpu.memref_squeeze %dma_start3A_89 : memref<1x120xi32, #tpu.memory_space<vmem>> -> memref<120xi32, #tpu.memory_space<vmem>>
        %dma_start3A_91 = arith.constant 0 : i32
        %dma_start3A_92 = tpu.memref_slice %arg2[%arg1, %add3A_86, %dma_start3A_91] : memref<16x84x120xi32, #tpu.memory_space<hbm>> -> memref<1x1x120xi32, #tpu.memory_space<hbm>>
        %dma_start3A_93 = tpu.memref_squeeze %dma_start3A_92 : memref<1x1x120xi32, #tpu.memory_space<hbm>> -> memref<120xi32, #tpu.memory_space<hbm>>
        %dma_start3A_94 = arith.constant 0 : i32
        %dma_start3A_95 = tpu.memref_slice %arg7[%dma_start3A_87, %dma_start3A_94] : memref<2x120xi32, #tpu.memory_space<vmem>> -> memref<1x120xi32, #tpu.memory_space<vmem>>
        %dma_start3A_96 = tpu.memref_squeeze %dma_start3A_95 : memref<1x120xi32, #tpu.memory_space<vmem>> -> memref<120xi32, #tpu.memory_space<vmem>>
        %dma_start3A_97 = arith.constant 0 : i32
        %dma_start3A_98 = tpu.memref_slice %arg2[%arg1, %add3A_86, %dma_start3A_97] : memref<16x84x120xi32, #tpu.memory_space<hbm>> -> memref<1x1x120xi32, #tpu.memory_space<hbm>>
        %dma_start3A_99 = tpu.memref_squeeze %dma_start3A_98 : memref<1x1x120xi32, #tpu.memory_space<hbm>> -> memref<120xi32, #tpu.memory_space<hbm>>
        tpu.enqueue_dma source(%dma_start3A_99 : memref<120xi32, #tpu.memory_space<hbm>>) target(%dma_start3A_96 : memref<120xi32, #tpu.memory_space<vmem>>) target_semaphore(%arg9 : memref<!tpu.dma_semaphore, #tpu.memory_space<semaphore_mem>>)
      } else {
      }
      %run_scoped3A_81 = arith.constant 1 : i32
      "tpu.region"() ({
        %run_scoped3A_82 = tpu.sem_alloc : memref<!tpu.dma_semaphore, #tpu.memory_space<semaphore_mem>>
        %dma_start3A_83 = arith.constant 0 : i32
        %dma_start3A_84 = tpu.memref_slice %arg7[%run_scoped3A_81, %dma_start3A_83] : memref<2x120xi32, #tpu.memory_space<vmem>> -> memref<1x120xi32, #tpu.memory_space<vmem>>
        %dma_start3A_85 = tpu.memref_squeeze %dma_start3A_84 : memref<1x120xi32, #tpu.memory_space<vmem>> -> memref<120xi32, #tpu.memory_space<vmem>>
        %dma_start3A_86 = arith.constant 0 : i32
        %dma_start3A_87 = arith.constant 0 : i32
        %dma_start3A_88 = tpu.memref_slice %arg6[%dma_start3A_86, %dma_start3A_87] : memref<10112x128xf32, #tpu.memory_space<vmem_shared>> -> memref<10112x128xf32, #tpu.memory_space<vmem_shared>>
        tpu.enqueue_indirect_dma source(%arg8 : memref<120x128xf32, #tpu.memory_space<vmem>>) target(%dma_start3A_88 : memref<10112x128xf32, #tpu.memory_space<vmem_shared>>) offsets(%dma_start3A_85 : memref<120xi32, #tpu.memory_space<vmem>>) semaphore(%run_scoped3A_82 : memref<!tpu.dma_semaphore, #tpu.memory_space<semaphore_mem>>) {add = true}
        %dma_wait3A_89 = arith.constant 0 : i32
        %dma_wait3A_90 = tpu.memref_slice %arg7[%run_scoped3A_81, %dma_wait3A_89] : memref<2x120xi32, #tpu.memory_space<vmem>> -> memref<1x120xi32, #tpu.memory_space<vmem>>
        %dma_wait3A_91 = tpu.memref_squeeze %dma_wait3A_90 : memref<1x120xi32, #tpu.memory_space<vmem>> -> memref<120xi32, #tpu.memory_space<vmem>>
        %dma_wait3A_92 = arith.constant 0 : i32
        %dma_wait3A_93 = arith.constant 0 : i32
        %dma_wait3A_94 = tpu.memref_slice %arg6[%dma_wait3A_92, %dma_wait3A_93] : memref<10112x128xf32, #tpu.memory_space<vmem_shared>> -> memref<10112x128xf32, #tpu.memory_space<vmem_shared>>
        tpu.wait_indirect_dma semaphore(%run_scoped3A_82 : memref<!tpu.dma_semaphore, #tpu.memory_space<semaphore_mem>>) src(%arg8 : memref<120x128xf32, #tpu.memory_space<vmem>>) dst(%dma_wait3A_94 : memref<10112x128xf32, #tpu.memory_space<vmem_shared>>)
        tpu.yield
      }) : () -> ()
    }
    %scan3A_21 = arith.constant 21 : i32
    %barrier3A_22 = arith.constant 0 : index
    tpu.barrier barrier_id(%barrier3A_22)
    %mul3A_23 = arith.constant 632 : i32
    %mul3A_24 = arith.muli %arg1, %mul3A_23 : i32
    %mul3A_25 = arith.constant 10112 : i32
    %mul3A_26 = arith.muli %arg0, %mul3A_25 : i32
    %mul3A_27 = arith.constant 632 : i32
    %mul3A_28 = arith.muli %arg1, %mul3A_27 : i32
    %add3A_29 = arith.addi %mul3A_26, %mul3A_28 : i32
    "tpu.region"() ({
      %run_scoped3A = tpu.sem_alloc : memref<!tpu.dma_semaphore, #tpu.memory_space<semaphore_mem>>
      %dma_start3A_30 = arith.constant 0 : i32
      %dma_start3A_31 = tpu.memref_slice %arg5[%add3A_29, %dma_start3A_30] : memref<20224x128xf32, #tpu.memory_space<hbm>> -> memref<632x128xf32, #tpu.memory_space<hbm>>
      %dma_start3A_32 = arith.constant 0 : i32
      %dma_start3A_33 = tpu.memref_slice %arg6[%mul3A_24, %dma_start3A_32] : memref<10112x128xf32, #tpu.memory_space<vmem_shared>> -> memref<632x128xf32, #tpu.memory_space<vmem_shared>>
      tpu.enqueue_dma source(%dma_start3A_33 : memref<632x128xf32, #tpu.memory_space<vmem_shared>>) target(%dma_start3A_31 : memref<632x128xf32, #tpu.memory_space<hbm>>) target_semaphore(%run_scoped3A : memref<!tpu.dma_semaphore, #tpu.memory_space<semaphore_mem>>)
      %dma_wait3A = arith.constant 0 : i32
      %dma_wait3A_34 = tpu.memref_slice %arg5[%add3A_29, %dma_wait3A] : memref<20224x128xf32, #tpu.memory_space<hbm>> -> memref<632x128xf32, #tpu.memory_space<hbm>>
      %dma_wait3A_35 = arith.constant 0 : i32
      %dma_wait3A_36 = tpu.memref_slice %arg6[%mul3A_24, %dma_wait3A_35] : memref<10112x128xf32, #tpu.memory_space<vmem_shared>> -> memref<632x128xf32, #tpu.memory_space<vmem_shared>>
      tpu.wait_dma2 semaphore(%run_scoped3A : memref<!tpu.dma_semaphore, #tpu.memory_space<semaphore_mem>>) src(%dma_wait3A_36 : memref<632x128xf32, #tpu.memory_space<vmem_shared>>) dst(%dma_wait3A_34 : memref<632x128xf32, #tpu.memory_space<hbm>>)
      tpu.yield
    }) : () -> ()
    return
  }
}

module attributes {stable_mosaic.version = 14 : i64} {
  func.func @_tc_input_body(%arg0: memref<10000x256xf32, #tpu.memory_space<vmem>>, %arg1: memref<1x256xf32, #tpu.memory_space<vmem>>, %arg2: memref<256x256xf32, #tpu.memory_space<vmem>>, %arg3: memref<1x256xf32, #tpu.memory_space<vmem>>, %arg4: memref<1x256xf32, #tpu.memory_space<vmem>>, %arg5: memref<1x256xf32, #tpu.memory_space<vmem>>, %arg6: memref<20000x128xf32, #tpu.memory_space<vmem>>) attributes {dimension_semantics = [], scalar_prefetch = 0 : i64, scratch_operands = 0 : i64, tpu.core_type = #tpu.core_type<tc>} {
    %get3A = arith.constant 0 : index
    %get3A_0 = arith.constant 0 : index
    %get3A_1 = vector.load %arg0[%get3A, %get3A_0] : memref<10000x256xf32, #tpu.memory_space<vmem>>, vector<10000x256xf32>
    %iota3A = tpu.iota {dimensions = array<i32: 0>} : vector<10000x256xi32>
    %eq3A = arith.constant 0 : i32
    %eq3A_2 = vector.broadcast %eq3A : i32 to vector<10000x256xi32>
    %eq3A_3 = arith.cmpi eq, %iota3A, %eq3A_2 : vector<10000x256xi32>
    %get3A_4 = arith.constant 0 : index
    %get3A_5 = arith.constant 0 : index
    %get3A_6 = vector.load %arg1[%get3A_4, %get3A_5] : memref<1x256xf32, #tpu.memory_space<vmem>>, vector<1x256xf32>
    %broadcast_in_dim3A = vector.shape_cast %get3A_6 : vector<1x256xf32> to vector<1x256xf32>
    %broadcast_in_dim3A_7 = vector.broadcast %broadcast_in_dim3A : vector<1x256xf32> to vector<10000x256xf32>
    %select_n3A = arith.select %eq3A_3, %broadcast_in_dim3A_7, %get3A_1 : vector<10000x256xi1>, vector<10000x256xf32>
    %get3A_8 = arith.constant 0 : index
    %get3A_9 = arith.constant 0 : index
    %get3A_10 = vector.load %arg2[%get3A_8, %get3A_9] : memref<256x256xf32, #tpu.memory_space<vmem>>, vector<256x256xf32>
    %dot_general3A = arith.constant dense<0.000000e+00> : vector<10000x256xf32>
    %dot_general3A_11 = tpu.matmul %select_n3A, %get3A_10, %dot_general3A {dimension_numbers = #tpu.dot_dimension_numbers<[1], [1], [0], [0], [0, 0, 1, 0], [], []>, transpose_lhs_hint = false} : vector<10000x256xf32>, vector<256x256xf32>, vector<10000x256xf32> -> vector<10000x256xf32>
    %get3A_12 = arith.constant 0 : index
    %get3A_13 = arith.constant 0 : index
    %get3A_14 = vector.load %arg3[%get3A_12, %get3A_13] : memref<1x256xf32, #tpu.memory_space<vmem>>, vector<1x256xf32>
    %add3A = vector.broadcast %get3A_14 : vector<1x256xf32> to vector<10000x256xf32>
    %add3A_15 = arith.addf %dot_general3A_11, %add3A : vector<10000x256xf32>
    %reduce_sum3A = arith.constant dense<0.000000e+00> : vector<10000xf32>
    %reduce_sum3A_16 = vector.multi_reduction <add>, %add3A_15, %reduce_sum3A [1] : vector<10000x256xf32> to vector<10000xf32>
    %broadcast_in_dim3A_17 = vector.shape_cast %reduce_sum3A_16 : vector<10000xf32> to vector<10000x1xf32>
    %div3A = arith.constant 2.560000e+02 : f32
    %div3A_18 = vector.broadcast %div3A : f32 to vector<10000x1xf32>
    %div3A_19 = arith.divf %broadcast_in_dim3A_17, %div3A_18 : vector<10000x1xf32>
    %sub3A = vector.broadcast %div3A_19 : vector<10000x1xf32> to vector<10000x256xf32>
    %sub3A_20 = arith.subf %add3A_15, %sub3A : vector<10000x256xf32>
    %mul3A = arith.mulf %sub3A_20, %sub3A_20 : vector<10000x256xf32>
    %reduce_sum3A_21 = arith.constant dense<0.000000e+00> : vector<10000xf32>
    %reduce_sum3A_22 = vector.multi_reduction <add>, %mul3A, %reduce_sum3A_21 [1] : vector<10000x256xf32> to vector<10000xf32>
    %broadcast_in_dim3A_23 = vector.shape_cast %reduce_sum3A_22 : vector<10000xf32> to vector<10000x1xf32>
    %div3A_24 = arith.constant 2.560000e+02 : f32
    %div3A_25 = vector.broadcast %div3A_24 : f32 to vector<10000x1xf32>
    %div3A_26 = arith.divf %broadcast_in_dim3A_23, %div3A_25 : vector<10000x1xf32>
    %add3A_27 = arith.constant 9.99999974E-6 : f32
    %add3A_28 = vector.broadcast %add3A_27 : f32 to vector<10000x1xf32>
    %add3A_29 = arith.addf %div3A_26, %add3A_28 : vector<10000x1xf32>
    %rsqrt3A = math.rsqrt %add3A_29 : vector<10000x1xf32>
    %mul3A_30 = vector.broadcast %rsqrt3A : vector<10000x1xf32> to vector<10000x256xf32>
    %mul3A_31 = arith.mulf %sub3A_20, %mul3A_30 : vector<10000x256xf32>
    %get3A_32 = arith.constant 0 : index
    %get3A_33 = arith.constant 0 : index
    %get3A_34 = vector.load %arg4[%get3A_32, %get3A_33] : memref<1x256xf32, #tpu.memory_space<vmem>>, vector<1x256xf32>
    %mul3A_35 = vector.broadcast %get3A_34 : vector<1x256xf32> to vector<10000x256xf32>
    %mul3A_36 = arith.mulf %mul3A_31, %mul3A_35 : vector<10000x256xf32>
    %get3A_37 = arith.constant 0 : index
    %get3A_38 = arith.constant 0 : index
    %get3A_39 = vector.load %arg5[%get3A_37, %get3A_38] : memref<1x256xf32, #tpu.memory_space<vmem>>, vector<1x256xf32>
    %add3A_40 = vector.broadcast %get3A_39 : vector<1x256xf32> to vector<10000x256xf32>
    %add3A_41 = arith.addf %mul3A_36, %add3A_40 : vector<10000x256xf32>
    %mul3A_42 = arith.constant 5.000000e-01 : f32
    %mul3A_43 = vector.broadcast %mul3A_42 : f32 to vector<10000x256xf32>
    %mul3A_44 = arith.mulf %mul3A_43, %add3A_41 : vector<10000x256xf32>
    %mul3A_45 = arith.constant 0.707106769 : f32
    %mul3A_46 = vector.broadcast %mul3A_45 : f32 to vector<10000x256xf32>
    %mul3A_47 = arith.mulf %add3A_41, %mul3A_46 : vector<10000x256xf32>
    %erf3A = math.erf %mul3A_47 : vector<10000x256xf32>
    %add3A_48 = arith.constant 1.000000e+00 : f32
    %add3A_49 = vector.broadcast %add3A_48 : f32 to vector<10000x256xf32>
    %add3A_50 = arith.addf %add3A_49, %erf3A : vector<10000x256xf32>
    %mul3A_51 = arith.mulf %mul3A_44, %add3A_50 : vector<10000x256xf32>
    %slice3A = vector.extract_strided_slice %mul3A_51 {offsets = [0, 0], sizes = [10000, 128], strides = [1, 1]} : vector<10000x256xf32> to vector<10000x128xf32>
    %swap3A = arith.constant 0 : index
    %swap3A_52 = arith.constant 0 : index
    %swap3A_53 = vector.load %arg6[%swap3A, %swap3A_52] : memref<20000x128xf32, #tpu.memory_space<vmem>>, vector<10000x128xf32>
    tpu.vector_store %arg6[%swap3A, %swap3A_52], %slice3A {strides = array<i32>} : memref<20000x128xf32, #tpu.memory_space<vmem>>, vector<10000x128xf32>,
    %slice3A_54 = vector.extract_strided_slice %mul3A_51 {offsets = [0, 128], sizes = [10000, 128], strides = [1, 1]} : vector<10000x256xf32> to vector<10000x128xf32>
    %swap3A_55 = arith.constant 10000 : index
    %swap3A_56 = arith.constant 0 : index
    %swap3A_57 = vector.load %arg6[%swap3A_55, %swap3A_56] : memref<20000x128xf32, #tpu.memory_space<vmem>>, vector<10000x128xf32>
    tpu.vector_store %arg6[%swap3A_55, %swap3A_56], %slice3A_54 {strides = array<i32>} : memref<20000x128xf32, #tpu.memory_space<vmem>>, vector<10000x128xf32>,
    return
  }
}

module attributes {stable_mosaic.version = 14 : i64} {
  func.func @_tc_layer_body(%arg0: memref<20000x128xf32, #tpu.memory_space<vmem>>, %arg1: memref<20224x128xf32, #tpu.memory_space<vmem>>, %arg2: memref<20224x128xf32, #tpu.memory_space<vmem>>, %arg3: memref<256x256xf32, #tpu.memory_space<vmem>>, %arg4: memref<1x256xf32, #tpu.memory_space<vmem>>, %arg5: memref<256x256xf32, #tpu.memory_space<vmem>>, %arg6: memref<1x256xf32, #tpu.memory_space<vmem>>, %arg7: memref<1x256xf32, #tpu.memory_space<vmem>>, %arg8: memref<256x256xf32, #tpu.memory_space<vmem>>, %arg9: memref<256x256xf32, #tpu.memory_space<vmem>>, %arg10: memref<1x256xf32, #tpu.memory_space<vmem>>, %arg11: memref<20000x128xf32, #tpu.memory_space<vmem>>) attributes {dimension_semantics = [], scalar_prefetch = 0 : i64, scratch_operands = 0 : i64, tpu.core_type = #tpu.core_type<tc>} {
    %get3A = arith.constant 0 : index
    %get3A_0 = arith.constant 0 : index
    %get3A_1 = vector.load %arg0[%get3A, %get3A_0] : memref<20000x128xf32, #tpu.memory_space<vmem>>, vector<10000x128xf32>
    %get3A_2 = arith.constant 10000 : index
    %get3A_3 = arith.constant 0 : index
    %get3A_4 = vector.load %arg0[%get3A_2, %get3A_3] : memref<20000x128xf32, #tpu.memory_space<vmem>>, vector<10000x128xf32>
    %concatenate3A = tpu.concatenate %get3A_1, %get3A_4 in 1 : vector<10000x128xf32>, vector<10000x128xf32> -> vector<10000x256xf32>
    %get3A_5 = arith.constant 0 : index
    %get3A_6 = arith.constant 0 : index
    %get3A_7 = vector.load %arg1[%get3A_5, %get3A_6] : memref<20224x128xf32, #tpu.memory_space<vmem>>, vector<10000x128xf32>
    %get3A_8 = arith.constant 10112 : index
    %get3A_9 = arith.constant 0 : index
    %get3A_10 = vector.load %arg1[%get3A_8, %get3A_9] : memref<20224x128xf32, #tpu.memory_space<vmem>>, vector<10000x128xf32>
    %concatenate3A_11 = tpu.concatenate %get3A_7, %get3A_10 in 1 : vector<10000x128xf32>, vector<10000x128xf32> -> vector<10000x256xf32>
    %get3A_12 = arith.constant 0 : index
    %get3A_13 = arith.constant 0 : index
    %get3A_14 = vector.load %arg2[%get3A_12, %get3A_13] : memref<20224x128xf32, #tpu.memory_space<vmem>>, vector<10000x1xf32>
    %get3A_15 = arith.constant 10112 : index
    %get3A_16 = arith.constant 0 : index
    %get3A_17 = vector.load %arg2[%get3A_15, %get3A_16] : memref<20224x128xf32, #tpu.memory_space<vmem>>, vector<10000x1xf32>
    %add3A = arith.addf %get3A_14, %get3A_17 : vector<10000x1xf32>
    %max3A = arith.constant 1.000000e+00 : f32
    %max3A_18 = vector.broadcast %max3A : f32 to vector<10000x1xf32>
    %max3A_19 = arith.maximumf %add3A, %max3A_18 : vector<10000x1xf32>
    %div3A = vector.broadcast %max3A_19 : vector<10000x1xf32> to vector<10000x256xf32>
    %div3A_20 = arith.divf %concatenate3A_11, %div3A : vector<10000x256xf32>
    %get3A_21 = arith.constant 0 : index
    %get3A_22 = arith.constant 0 : index
    %get3A_23 = vector.load %arg3[%get3A_21, %get3A_22] : memref<256x256xf32, #tpu.memory_space<vmem>>, vector<256x256xf32>
    %dot_general3A = arith.constant dense<0.000000e+00> : vector<10000x256xf32>
    %dot_general3A_24 = tpu.matmul %div3A_20, %get3A_23, %dot_general3A {dimension_numbers = #tpu.dot_dimension_numbers<[1], [1], [0], [0], [0, 0, 1, 0], [], []>, transpose_lhs_hint = false} : vector<10000x256xf32>, vector<256x256xf32>, vector<10000x256xf32> -> vector<10000x256xf32>
    %get3A_25 = arith.constant 0 : index
    %get3A_26 = arith.constant 0 : index
    %get3A_27 = vector.load %arg4[%get3A_25, %get3A_26] : memref<1x256xf32, #tpu.memory_space<vmem>>, vector<1x256xf32>
    %add3A_28 = vector.broadcast %get3A_27 : vector<1x256xf32> to vector<10000x256xf32>
    %add3A_29 = arith.addf %dot_general3A_24, %add3A_28 : vector<10000x256xf32>
    %get3A_30 = arith.constant 0 : index
    %get3A_31 = arith.constant 0 : index
    %get3A_32 = vector.load %arg5[%get3A_30, %get3A_31] : memref<256x256xf32, #tpu.memory_space<vmem>>, vector<256x256xf32>
    %dot_general3A_33 = arith.constant dense<0.000000e+00> : vector<10000x256xf32>
    %dot_general3A_34 = tpu.matmul %concatenate3A, %get3A_32, %dot_general3A_33 {dimension_numbers = #tpu.dot_dimension_numbers<[1], [1], [0], [0], [0, 0, 1, 0], [], []>, transpose_lhs_hint = false} : vector<10000x256xf32>, vector<256x256xf32>, vector<10000x256xf32> -> vector<10000x256xf32>
    %add3A_35 = arith.addf %add3A_29, %dot_general3A_34 : vector<10000x256xf32>
    %reduce_sum3A = arith.constant dense<0.000000e+00> : vector<256xf32>
    %reduce_sum3A_36 = vector.multi_reduction <add>, %add3A_35, %reduce_sum3A [0] : vector<10000x256xf32> to vector<256xf32>
    %broadcast_in_dim3A = vector.shape_cast %reduce_sum3A_36 : vector<256xf32> to vector<1x256xf32>
    %div3A_37 = arith.constant 1.000000e+04 : f32
    %div3A_38 = vector.broadcast %div3A_37 : f32 to vector<1x256xf32>
    %div3A_39 = arith.divf %broadcast_in_dim3A, %div3A_38 : vector<1x256xf32>
    %sub3A = vector.broadcast %div3A_39 : vector<1x256xf32> to vector<10000x256xf32>
    %sub3A_40 = arith.subf %add3A_35, %sub3A : vector<10000x256xf32>
    %mul3A = arith.mulf %sub3A_40, %sub3A_40 : vector<10000x256xf32>
    %reduce_sum3A_41 = arith.constant dense<0.000000e+00> : vector<256xf32>
    %reduce_sum3A_42 = vector.multi_reduction <add>, %mul3A, %reduce_sum3A_41 [0] : vector<10000x256xf32> to vector<256xf32>
    %broadcast_in_dim3A_43 = vector.shape_cast %reduce_sum3A_42 : vector<256xf32> to vector<1x256xf32>
    %div3A_44 = arith.constant 1.000000e+04 : f32
    %div3A_45 = vector.broadcast %div3A_44 : f32 to vector<1x256xf32>
    %div3A_46 = arith.divf %broadcast_in_dim3A_43, %div3A_45 : vector<1x256xf32>
    %add3A_47 = arith.constant 9.99999974E-6 : f32
    %add3A_48 = vector.broadcast %add3A_47 : f32 to vector<1x256xf32>
    %add3A_49 = arith.addf %div3A_46, %add3A_48 : vector<1x256xf32>
    %rsqrt3A = math.rsqrt %add3A_49 : vector<1x256xf32>
    %mul3A_50 = vector.broadcast %rsqrt3A : vector<1x256xf32> to vector<10000x256xf32>
    %mul3A_51 = arith.mulf %sub3A_40, %mul3A_50 : vector<10000x256xf32>
    %get3A_52 = arith.constant 0 : index
    %get3A_53 = arith.constant 0 : index
    %get3A_54 = vector.load %arg6[%get3A_52, %get3A_53] : memref<1x256xf32, #tpu.memory_space<vmem>>, vector<1x256xf32>
    %mul3A_55 = vector.broadcast %get3A_54 : vector<1x256xf32> to vector<10000x256xf32>
    %mul3A_56 = arith.mulf %mul3A_51, %mul3A_55 : vector<10000x256xf32>
    %get3A_57 = arith.constant 0 : index
    %get3A_58 = arith.constant 0 : index
    %get3A_59 = vector.load %arg7[%get3A_57, %get3A_58] : memref<1x256xf32, #tpu.memory_space<vmem>>, vector<1x256xf32>
    %add3A_60 = vector.broadcast %get3A_59 : vector<1x256xf32> to vector<10000x256xf32>
    %add3A_61 = arith.addf %mul3A_56, %add3A_60 : vector<10000x256xf32>
    %mul3A_62 = arith.constant 5.000000e-01 : f32
    %mul3A_63 = vector.broadcast %mul3A_62 : f32 to vector<10000x256xf32>
    %mul3A_64 = arith.mulf %mul3A_63, %add3A_61 : vector<10000x256xf32>
    %mul3A_65 = arith.constant 0.707106769 : f32
    %mul3A_66 = vector.broadcast %mul3A_65 : f32 to vector<10000x256xf32>
    %mul3A_67 = arith.mulf %add3A_61, %mul3A_66 : vector<10000x256xf32>
    %erf3A = math.erf %mul3A_67 : vector<10000x256xf32>
    %add3A_68 = arith.constant 1.000000e+00 : f32
    %add3A_69 = vector.broadcast %add3A_68 : f32 to vector<10000x256xf32>
    %add3A_70 = arith.addf %add3A_69, %erf3A : vector<10000x256xf32>
    %mul3A_71 = arith.mulf %mul3A_64, %add3A_70 : vector<10000x256xf32>
    %get3A_72 = arith.constant 0 : index
    %get3A_73 = arith.constant 0 : index
    %get3A_74 = vector.load %arg8[%get3A_72, %get3A_73] : memref<256x256xf32, #tpu.memory_space<vmem>>, vector<256x256xf32>
    %dot_general3A_75 = arith.constant dense<0.000000e+00> : vector<10000x256xf32>
    %dot_general3A_76 = tpu.matmul %concatenate3A, %get3A_74, %dot_general3A_75 {dimension_numbers = #tpu.dot_dimension_numbers<[1], [1], [0], [0], [0, 0, 1, 0], [], []>, transpose_lhs_hint = false} : vector<10000x256xf32>, vector<256x256xf32>, vector<10000x256xf32> -> vector<10000x256xf32>
    %get3A_77 = arith.constant 0 : index
    %get3A_78 = arith.constant 0 : index
    %get3A_79 = vector.load %arg9[%get3A_77, %get3A_78] : memref<256x256xf32, #tpu.memory_space<vmem>>, vector<256x256xf32>
    %dot_general3A_80 = arith.constant dense<0.000000e+00> : vector<10000x256xf32>
    %dot_general3A_81 = tpu.matmul %mul3A_71, %get3A_79, %dot_general3A_80 {dimension_numbers = #tpu.dot_dimension_numbers<[1], [1], [0], [0], [0, 0, 1, 0], [], []>, transpose_lhs_hint = false} : vector<10000x256xf32>, vector<256x256xf32>, vector<10000x256xf32> -> vector<10000x256xf32>
    %add3A_82 = arith.addf %dot_general3A_76, %dot_general3A_81 : vector<10000x256xf32>
    %get3A_83 = arith.constant 0 : index
    %get3A_84 = arith.constant 0 : index
    %get3A_85 = vector.load %arg10[%get3A_83, %get3A_84] : memref<1x256xf32, #tpu.memory_space<vmem>>, vector<1x256xf32>
    %add3A_86 = vector.broadcast %get3A_85 : vector<1x256xf32> to vector<10000x256xf32>
    %add3A_87 = arith.addf %add3A_82, %add3A_86 : vector<10000x256xf32>
    %logistic3A = arith.negf %add3A_87 : vector<10000x256xf32>
    %logistic3A_88 = math.exp %logistic3A : vector<10000x256xf32>
    %logistic3A_89 = arith.constant 1.000000e+00 : f32
    %logistic3A_90 = vector.broadcast %logistic3A_89 : f32 to vector<10000x256xf32>
    %logistic3A_91 = arith.addf %logistic3A_90, %logistic3A_88 : vector<10000x256xf32>
    %logistic3A_92 = arith.divf %logistic3A_90, %logistic3A_91 : vector<10000x256xf32>
    %mul3A_93 = arith.mulf %logistic3A_92, %concatenate3A : vector<10000x256xf32>
    %sub3A_94 = arith.constant 1.000000e+00 : f32
    %sub3A_95 = vector.broadcast %sub3A_94 : f32 to vector<10000x256xf32>
    %sub3A_96 = arith.subf %sub3A_95, %logistic3A_92 : vector<10000x256xf32>
    %mul3A_97 = arith.mulf %sub3A_96, %mul3A_71 : vector<10000x256xf32>
    %add3A_98 = arith.addf %mul3A_93, %mul3A_97 : vector<10000x256xf32>
    %slice3A = vector.extract_strided_slice %add3A_98 {offsets = [0, 0], sizes = [10000, 128], strides = [1, 1]} : vector<10000x256xf32> to vector<10000x128xf32>
    %swap3A = arith.constant 0 : index
    %swap3A_99 = arith.constant 0 : index
    %swap3A_100 = vector.load %arg11[%swap3A, %swap3A_99] : memref<20000x128xf32, #tpu.memory_space<vmem>>, vector<10000x128xf32>
    tpu.vector_store %arg11[%swap3A, %swap3A_99], %slice3A {strides = array<i32>} : memref<20000x128xf32, #tpu.memory_space<vmem>>, vector<10000x128xf32>,
    %slice3A_101 = vector.extract_strided_slice %add3A_98 {offsets = [0, 128], sizes = [10000, 128], strides = [1, 1]} : vector<10000x256xf32> to vector<10000x128xf32>
    %swap3A_102 = arith.constant 10000 : index
    %swap3A_103 = arith.constant 0 : index
    %swap3A_104 = vector.load %arg11[%swap3A_102, %swap3A_103] : memref<20000x128xf32, #tpu.memory_space<vmem>>, vector<10000x128xf32>
    tpu.vector_store %arg11[%swap3A_102, %swap3A_103], %slice3A_101 {strides = array<i32>} : memref<20000x128xf32, #tpu.memory_space<vmem>>, vector<10000x128xf32>,
    return
  }
}

module attributes {stable_mosaic.version = 14 : i64} {
  func.func @body(%arg0: memref<20000x128xf32, #tpu.memory_space<vmem>>, %arg1: memref<20000x128xf32, #tpu.memory_space<vmem>>, %arg2: memref<20000x128xf32, #tpu.memory_space<vmem>>, %arg3: memref<256x768xf32, #tpu.memory_space<vmem>>, %arg4: memref<1x256xf32, #tpu.memory_space<vmem>>, %arg5: memref<10000x256xf32, #tpu.memory_space<vmem>>) attributes {dimension_semantics = [], scalar_prefetch = 0 : i64, scratch_operands = 0 : i64, tpu.core_type = #tpu.core_type<tc>} {
    %get3A = arith.constant 0 : index
    %get3A_0 = arith.constant 0 : index
    %get3A_1 = vector.load %arg3[%get3A, %get3A_0] : memref<256x768xf32, #tpu.memory_space<vmem>>, vector<256x768xf32>
    %get3A_2 = arith.constant 0 : index
    %get3A_3 = arith.constant 0 : index
    %get3A_4 = vector.load %arg4[%get3A_2, %get3A_3] : memref<1x256xf32, #tpu.memory_space<vmem>>, vector<1x256xf32>
    %broadcast_in_dim3A = vector.shape_cast %get3A_4 : vector<1x256xf32> to vector<1x256xf32>
    %broadcast_in_dim3A_5 = vector.broadcast %broadcast_in_dim3A : vector<1x256xf32> to vector<10000x256xf32>
    %get3A_6 = arith.constant 0 : index
    %get3A_7 = arith.constant 0 : index
    %get3A_8 = vector.load %arg0[%get3A_6, %get3A_7] : memref<20000x128xf32, #tpu.memory_space<vmem>>, vector<10000x128xf32>
    %get3A_9 = arith.constant 10000 : index
    %get3A_10 = arith.constant 0 : index
    %get3A_11 = vector.load %arg0[%get3A_9, %get3A_10] : memref<20000x128xf32, #tpu.memory_space<vmem>>, vector<10000x128xf32>
    %concatenate3A = tpu.concatenate %get3A_8, %get3A_11 in 1 : vector<10000x128xf32>, vector<10000x128xf32> -> vector<10000x256xf32>
    %slice3A = vector.extract_strided_slice %get3A_1 {offsets = [0, 0], sizes = [256, 256], strides = [1, 1]} : vector<256x768xf32> to vector<256x256xf32>
    %dot_general3A = arith.constant dense<0.000000e+00> : vector<10000x256xf32>
    %dot_general3A_12 = tpu.matmul %concatenate3A, %slice3A, %dot_general3A {dimension_numbers = #tpu.dot_dimension_numbers<[1], [1], [0], [0], [0, 0, 1, 0], [], []>, transpose_lhs_hint = false} : vector<10000x256xf32>, vector<256x256xf32>, vector<10000x256xf32> -> vector<10000x256xf32>
    %add3A = arith.addf %broadcast_in_dim3A_5, %dot_general3A_12 : vector<10000x256xf32>
    %get3A_13 = arith.constant 0 : index
    %get3A_14 = arith.constant 0 : index
    %get3A_15 = vector.load %arg1[%get3A_13, %get3A_14] : memref<20000x128xf32, #tpu.memory_space<vmem>>, vector<10000x128xf32>
    %get3A_16 = arith.constant 10000 : index
    %get3A_17 = arith.constant 0 : index
    %get3A_18 = vector.load %arg1[%get3A_16, %get3A_17] : memref<20000x128xf32, #tpu.memory_space<vmem>>, vector<10000x128xf32>
    %concatenate3A_19 = tpu.concatenate %get3A_15, %get3A_18 in 1 : vector<10000x128xf32>, vector<10000x128xf32> -> vector<10000x256xf32>
    %slice3A_20 = vector.extract_strided_slice %get3A_1 {offsets = [0, 256], sizes = [256, 256], strides = [1, 1]} : vector<256x768xf32> to vector<256x256xf32>
    %dot_general3A_21 = arith.constant dense<0.000000e+00> : vector<10000x256xf32>
    %dot_general3A_22 = tpu.matmul %concatenate3A_19, %slice3A_20, %dot_general3A_21 {dimension_numbers = #tpu.dot_dimension_numbers<[1], [1], [0], [0], [0, 0, 1, 0], [], []>, transpose_lhs_hint = false} : vector<10000x256xf32>, vector<256x256xf32>, vector<10000x256xf32> -> vector<10000x256xf32>
    %add3A_23 = arith.addf %add3A, %dot_general3A_22 : vector<10000x256xf32>
    %get3A_24 = arith.constant 0 : index
    %get3A_25 = arith.constant 0 : index
    %get3A_26 = vector.load %arg2[%get3A_24, %get3A_25] : memref<20000x128xf32, #tpu.memory_space<vmem>>, vector<10000x128xf32>
    %get3A_27 = arith.constant 10000 : index
    %get3A_28 = arith.constant 0 : index
    %get3A_29 = vector.load %arg2[%get3A_27, %get3A_28] : memref<20000x128xf32, #tpu.memory_space<vmem>>, vector<10000x128xf32>
    %concatenate3A_30 = tpu.concatenate %get3A_26, %get3A_29 in 1 : vector<10000x128xf32>, vector<10000x128xf32> -> vector<10000x256xf32>
    %slice3A_31 = vector.extract_strided_slice %get3A_1 {offsets = [0, 512], sizes = [256, 256], strides = [1, 1]} : vector<256x768xf32> to vector<256x256xf32>
    %dot_general3A_32 = arith.constant dense<0.000000e+00> : vector<10000x256xf32>
    %dot_general3A_33 = tpu.matmul %concatenate3A_30, %slice3A_31, %dot_general3A_32 {dimension_numbers = #tpu.dot_dimension_numbers<[1], [1], [0], [0], [0, 0, 1, 0], [], []>, transpose_lhs_hint = false} : vector<10000x256xf32>, vector<256x256xf32>, vector<10000x256xf32> -> vector<10000x256xf32>
    %add3A_34 = arith.addf %add3A_23, %dot_general3A_33 : vector<10000x256xf32>
    %swap3A = arith.constant 0 : index
    %swap3A_35 = arith.constant 0 : index
    %swap3A_36 = vector.load %arg5[%swap3A, %swap3A_35] : memref<10000x256xf32, #tpu.memory_space<vmem>>, vector<10000x256xf32>
    tpu.vector_store %arg5[%swap3A, %swap3A_35], %add3A_34 {strides = array<i32>} : memref<10000x256xf32, #tpu.memory_space<vmem>>, vector<10000x256xf32>,
    return
  }
}

</mosaic_0001>

<sc_bundles>
// kernel: kernel.11.cloned.1.call-start
scs
__scs_entry_jumppad:
0x0: {  	(pc) =	sbr.rel $0x88, $3  }
0x1: {  	(tag) =	ssettag $0x0;
	lr =	simm.s32 $0x1  }
0x2: {  	[smem:$0x3F91] =	sst lr;
	_ =	strace $0xD0000000  }
0x3: {  	_ = 	snop  }
0x4: {  	_ = 	snop  }
0x5: {  	_ = 	snop  }
0x6: {  	_ = 	snop  }
0x7: {  	_ = 	snop  }
__scs_overlays_trampoline_lowered:
0x8: {  	[smem:$0x3FA0] =	sst s0  }
0x9: {  	[smem:$0x3FA1] =	sst s1  }
0xa: {  	[smem:$0x3FA2] =	sst s2  }
0xb: {  	[smem:$0x3FA3] =	sst s3  }
0xc: {  	[smem:$0x3FA4] =	sst s4  }
0xd: {  	[smem:$0x3FA5] =	sst s5  }
0xe: {  	[smem:$0x3FA6] =	sst s6  }
0xf: {  	[smem:$0x3FA7] =	sst s7  }
0x10: {  	[smem:$0x3FA8] =	sst s8  }
0x11: {  	[smem:$0x3FA9] =	sst s9;
	s0 =	simm.s32 @!p0 $0x0  }
0x12: {  	s1 =	sld [smem:$0x3F8F];
	s0 =	simm.s32 @p0 $0x1  }
0x13: {  	[smem:$0x3FAA] =	sst s0;
	s0 =	simm.s32 @!p1 $0x0  }
0x14: {  	s2 =	sld [smem:$0x3F8E];
	s0 =	simm.s32 @p1 $0x1  }
0x15: {  	[smem:$0x3FAB] =	sst s0;
	s0 =	simm.s32 @!p2 $0x0  }
0x16: {  	s3 =	sld [smem:$0x3FDB];
	s0 =	simm.s32 @p2 $0x1  }
0x17: {  	s4 =	simm.s32 $0x1BF5;
	[smem:$0x3FAD] =	sst s0  }
0x18: {  	s0 =	sld [smem:$0x3F90];
	_ =	swait.ge [sflag:s4], $0x0  }
0x19: {  	s7 =	sld [smem:$0x3F91]  }
0x1a: {  	s8 =	sadd.s32 $0xFFFFE003, lr  }
0x1b: {  	s9 =	sadd.s32 $0xFFFFFEF7, lr;
	s5 =	simm.s32 $0xFFFFFFFF;
	p2 =	slt.u32 s8, $0xFFFFF086  }
0x1c: {  	p1 =	slt.u32 s9, $0xF7A;
	s5 =	simm.s32 @!p2 $0x0  }
0x1d: {  	s5 =	simm.s32 @p1 $0x1;
	p0 =	seq.s32 s7, s2  }
0x1e: {  	s7 =	smul.u32 @!p0 $0xF7A, s2;
	p2 =	seq.s32 @!p0 s5, $0x0  }
0x1f: {  	s9 =	smul.u32 $0xF7A, s1;
	s8 =	simm.s32 @!p0 $0x1BF5;
	p2 =	por !p2, p0  }
0x20: {  	[sflag:s8] =	ssyncset.s32 @!p0 $0xFFFFF086;
	s6 =	sadd.s32 @!p0 s3, s7;
	s7 =	simm.s32 @!p0 $0x108  }
0x21: {  	s3 =	sadd.s32 s3, s9;
	s6 =	sadd.s32 @!p0 $0x88, s6;
	s7 =	simm.s32 @p2 $0x1082  }
0x22: {  	[simem:s7], [sflag:s8] =	dma.local @!p0 [hbm:s6], $0xF7A  }
0x23: {  	s9 =	sor.u32 $0xD0000000, s2;
	s6 =	simm.s32 $0x108;
	_ =	swait.ge @!p0 [sflag:s8], $0x0  }
0x24: {  	s3 =	sadd.s32 $0x88, s3;
	s6 =	simm.s32 @!p1 $0x1082;
	[sflag:s4] =	ssyncset.s32 $0xFFFFF086  }
0x25: {  	[simem:s6], [sflag:s4] =	dma.local [hbm:s3], $0xF7A  }
0x26: {  	[smem:$0x3F91] =	sst s1;
	(tag) =	ssettag s2;
	_ =	strace s9  }
0x27: {  	s1 =	sld [smem:$0x3FA1]  }
0x28: {  	s2 =	sld [smem:$0x3FA2]  }
0x29: {  	s4 =	sld [smem:$0x3FA4]  }
0x2a: {  	p0 =	seq.s32 s5, $0x0;
	s5 =	sld [smem:$0x3FA5]  }
0x2b: {  	s6 =	sld [smem:$0x3FA6]  }
0x2c: {  	s7 =	sld [smem:$0x3FA7]  }
0x2d: {  	s3 =	simm.s32 $0x108;
	s8 =	sld [smem:$0x3FA8]  }
0x2e: {  	s3 =	simm.s32 @!p0 $0x1082;
	s9 =	sld [smem:$0x3FA9]  }
0x2f: {  	lr =	sadd.s32 s0, s3;
	s0 =	sld [smem:$0x3FA0]  }
0x30: {  	s3 =	sld [smem:$0x3FA3]  }
0x31: {  	[smem:$0x3FAC] =	sst s10  }
0x32: {  	s10 =	sld [smem:$0x3FAA];
	_ =	sdelay $0x3  }
0x33: {  	p0 =	seq.s32 s10, $0x1;
	s10 =	sld [smem:$0x3FAC];
	_ =	sdelay $0x3  }
0x34: {  	[smem:$0x3FAC] =	sst s10  }
0x35: {  	s10 =	sld [smem:$0x3FAB];
	_ =	sdelay $0x3  }
0x36: {  	p1 =	seq.s32 s10, $0x1;
	s10 =	sld [smem:$0x3FAC];
	_ =	sdelay $0x3  }
0x37: {  	[smem:$0x3FAC] =	sst s10  }
0x38: {  	s10 =	sld [smem:$0x3FAD]  }
0x39: {  	_ = 	snop;
	(pc) =	sbr.ind lr, $3  }
0x3a: {  	_ = 	snop  }
0x3b: {  	_ = 	snop  }
0x3c: {  	p2 =	seq.s32 s10, $0x1;
	s10 =	sld [smem:$0x3FAC]  }
0x3d: {  	_ =	shalt  }
0x3e: {  	_ =	shalt  }
0x3f: {  	_ =	shalt  }
0x40: {  	_ =	shalt  }
0x41: {  	_ =	shalt  }
0x42: {  	_ =	shalt  }
0x43: {  	_ =	shalt  }
0x44: {  	_ =	shalt  }
0x45: {  	_ =	shalt  }
0x46: {  	_ =	shalt  }
0x47: {  	_ =	shalt  }
0x48: {  	_ =	shalt  }
0x49: {  	_ =	shalt  }
0x4a: {  	_ =	shalt  }
0x4b: {  	_ =	shalt  }
0x4c: {  	_ =	shalt  }
0x4d: {  	_ =	shalt  }
0x4e: {  	_ =	shalt  }
0x4f: {  	_ =	shalt  }
0x50: {  	_ =	shalt  }
0x51: {  	_ =	shalt  }
0x52: {  	_ =	shalt  }
0x53: {  	_ =	shalt  }
0x54: {  	_ =	shalt  }
0x55: {  	_ =	shalt  }
0x56: {  	_ =	shalt  }
0x57: {  	_ =	shalt  }
0x58: {  	_ =	shalt  }
0x59: {  	_ =	shalt  }
0x5a: {  	_ =	shalt  }
0x5b: {  	_ =	shalt  }
0x5c: {  	_ =	shalt  }
0x5d: {  	_ =	shalt  }
0x5e: {  	_ =	shalt  }
0x5f: {  	_ =	shalt  }
0x60: {  	_ =	shalt  }
0x61: {  	_ =	shalt  }
0x62: {  	_ =	shalt  }
0x63: {  	_ =	shalt  }
0x64: {  	_ =	shalt  }
0x65: {  	_ =	shalt  }
0x66: {  	_ =	shalt  }
0x67: {  	_ =	shalt  }
0x68: {  	_ =	shalt  }
0x69: {  	_ =	shalt  }
0x6a: {  	_ =	shalt  }
0x6b: {  	_ =	shalt  }
0x6c: {  	_ =	shalt  }
0x6d: {  	_ =	shalt  }
0x6e: {  	_ =	shalt  }
0x6f: {  	_ =	shalt  }
0x70: {  	_ =	shalt  }
0x71: {  	_ =	shalt  }
0x72: {  	_ =	shalt  }
0x73: {  	_ =	shalt  }
0x74: {  	_ =	shalt  }
0x75: {  	_ =	shalt  }
0x76: {  	_ =	shalt  }
0x77: {  	_ =	shalt  }
0x78: {  	_ =	shalt  }
0x79: {  	_ =	shalt  }
0x7a: {  	_ =	shalt  }
0x7b: {  	_ =	shalt  }
0x7c: {  	_ =	shalt  }
0x7d: {  	_ =	shalt  }
0x7e: {  	_ =	shalt  }
0x7f: {  	_ =	shalt  }
0x80: {  	_ =	shalt  }
0x81: {  	_ =	shalt  }
0x82: {  	_ =	shalt  }
0x83: {  	_ =	shalt  }
0x84: {  	_ =	shalt  }
0x85: {  	_ =	shalt  }
0x86: {  	_ =	shalt  }
0x87: {  	_ =	shalt  }
.Lfunc_end0:
.L_simem_size_0:
called_computation_lowered:
.L_overlay_start_0:
0x88: {  	s2 =	sld [smem:$0x3FD9]  }
0x89: {  	s3 =	sld [smem:$0x3FFE];
	_ =	sdelay $0x1  }
0x8a: {  	s1 =	srdreg.scid  }
0x8b: {  	s0 =	sand.u32 $0x1, s1  }
0x8c: {  	s17 =	sshll.u32 s0, $0xA;
	s2 =	sadd.s32 s3, s2  }
0x8d: {  	s2 =	sadd.s32 s2, s17  }
0x8e: {  	[smem:$0x3FB8] =	sst s2  }
0x8f: {  	_ = 	snop  }
0x90: {  	(tm) =	ssettm $0x1  }
0x91: {  	s18 =	sld [smem:$0x3FFB];
	_ =	sdelay $0x3  }
0x92: {  	_ =	strace s18  }
0x93: {  	s2 =	sld [smem:$0x3FFC];
	_ =	sdelay $0x3  }
0x94: {  	_ =	strace s2  }
0x95: {  	s2 =	sld [smem:$0x3FFD];
	_ =	sdelay $0x3  }
0x96: {  	_ =	strace s2  }
0x97: {  	_ =	strace $0x8FFFFFFF  }
0x98: {  	s19 =	sld [smem:$0x3FDB];
	_ =	sdelay $0x1  }
0x99: {  	s20 =	simm.s32 $_scs_section_size  }
0x9a: {  	s4 =	simm.s32 $_size__tile_overlayer_lowered;
	s5 =	simm.s32 $_tile_overlayer_lowered  }
0x9b: {  	s6 =	simm.s32 $0x1BFF;
	s21 =	sshll.u32 s5, $0x1;
	s3 =	sadd.s32 s20, s19  }
0x9c: {  	s22 =	simm.s32 $0x0;
	s4 =	sshll.u32 s4, $0x1;
	s5 =	sadd.s32 s21, s3  }
0x9d: {  	[timem:s22], [sflag:s6] =	dma.local [hbm:s5], s4  }
0x9e: {  	_ =	swait.ge [sflag:s6], s4  }
0x9f: {  	s4 =	ssub.s32 $0x0, s4;
	[sflag:s6] =	ssyncset.done $0x0  }
0xa0: {  	[sflag:s6] =	ssyncadd.s32 s4;
	_ =	sdelay $0x1  }
0xa1: {  	s23 =	simm.s32 $0x1B8B  }
0xa2: {  	_ =	swait.ge [sflag:s23], $0x1  }
0xa3: {  	[sflag:s23] =	ssyncset.done $0x0  }
0xa4: {  	[sflag:s23] =	ssyncadd.s32 $0xFFFFFFFF  }
0xa5: {  	s4 =	sld [smem:$0x0]  }
0xa6: {  	s5 =	sand.u32 $0xFFFFFFFE, s1  }
0xa7: {  	p0 =	sne.s32 s1, s5  }
0xa8: {  	s5 =	sshll.u32 @p0 s5, $0xE  }
0xa9: {  	s5 =	sadd.s32 @p0 $0x11B8D, s5;
	s6 =	sshll.u32 @p0 s4, $0x11  }
0xaa: {  	s5 =	sor.u32 @p0 s6, s5  }
0xab: {  	[sflag:s5] =	ssyncadd.remote.s32 @p0 $0x1;
	_ =	sdelay $0x1  }
0xac: {  	s5 =	simm.s32 @p0 $0x1B8D  }
0xad: {  	_ =	swait.eq @p0 [sflag:s5], $0x1  }
0xae: {  	[sflag:s5] =	ssyncadd.s32 @p0 $0xFFFFFFFF  }
0xaf: {  	s6 =	sshll.u32 @!p0 s1, $0xE  }
0xb0: {  	s6 =	sor.u32 @!p0 $0x4000, s6;
	s5 =	simm.s32 @!p0 $0x1B8D  }
0xb1: {  	s4 =	sshll.u32 @!p0 s4, $0x11;
	s6 =	sadd.s32 @!p0 $0x11B8D, s6;
	_ =	swait.eq @!p0 [sflag:s5], $0x1  }
0xb2: {  	s4 =	sor.u32 @!p0 s4, s6;
	[sflag:s5] =	ssyncadd.s32 @!p0 $0xFFFFFFFF  }
0xb3: {  	s25 =	simm.s32 $0x1B8E;
	s24 =	sld [smem:$0x3FFE];
	[sflag:s4] =	ssyncadd.remote.s32 @!p0 $0x1  }
0xb4: {  	s26 =	simm.s32 $execute0_lowered;
	[smem:$0x3FD2] =	sst s25  }
0xb5: {  	s5 =	sshll.u32 s26, $0x1;
	_ =	strace $0x80000049;
	[dreg:$0x1] =	wrdreg $0xFFFFFFFF  }
0xb6: {  	s28 =	simm.s32 $_size_execute0_lowered;
	s3 =	sadd.s32 s3, s5;
	[dreg:$0x0] =	wrdreg $0x0  }
0xb7: {  	s5 =	sshll.u32 s28, $0x1;
	[dreg:$0x2] =	wrdreg s3  }
0xb8: {  	[dreg:$0x3] =	wrdreg s5  }
0xb9: {  	[dreg:$0x4] =	wrdreg $0xC0  }
0xba: {  	_ =	task [dreg:s22], $0x5FFFF  }
0xbb: {  	[dreg:$0x1] =	wrdreg $0xFFFFFFFF  }
0xbc: {  	[dreg:$0x0] =	wrdreg $0x60  }
0xbd: {  	[dreg:$0x2] =	wrdreg s24  }
0xbe: {  	[dreg:$0x3] =	wrdreg $0x0  }
0xbf: {  	[dreg:$0x4] =	wrdreg $0x9  }
0xc0: {  	_ =	task.clear_ibuf [dreg:s22], $0x5FFFF;
	_ =	strace $0x90000049  }
0xc1: {  	s29 =	simm.s32 $0x9;
	_ =	strace $0x8000004B  }
0xc2: {  	_ =	swait.ge [sflag:s29], $0x1  }
0xc3: {  	[sflag:s29] =	ssyncadd.s32 $0xFFFFFFFF  }
0xc4: {  	_ =	strace $0x9000004B  }
0xc5: {  	_ =	sfence  }
0xc6: {  	s30 =	sld [smem:$0x0];
	_ =	sdelay $0x2  }
0xc7: {  	s31 =	sshll.u32 s1, $0xD;
	s1 =	sshrl.u32 s1, $0x2  }
0xc8: {  	s4 =	sand.u32 $0x4000, s31;
	s1 =	sadd.s32 s1, s30  }
0xc9: {  	s0 =	sor.u32 s4, s0;
	s1 =	sshll.u32 s1, $0x11  }
0xca: {  	s0 =	sor.u32 s1, s0  }
0xcb: {  	s0 =	sadd.s32 $0x8F2B, s0  }
0xcc: {  	[sflag:s0] =	ssyncadd.remote.s32 $0x1  }
0xcd: {  	_ =	sfence.sel $0xFFFF  }
0xce: {  	[dreg:$0x0] =	wrdreg $0xFFFFFFFF;
	(pc) =	sbr.abs _section_cstart, $3  }
0xcf: {  	[dreg:$0x1] =	wrdreg $0xFFFFFFFF  }
0xd0: {  	_ =	task.clear_ibuf [dreg:s22], $0x2FFFF;
	_ =	strace $0x9FFFFFFF  }
0xd1: {  	(tm) =	ssettm $0x7FFFFFFF  }
tec
execute0_lowered:
.L_overlay_start_1:
0x0: {  	(tag) =	ssettag $0x1  }
0x1: {  	s6 =	rddreg [dreg:$0x0]  }
0x2: {  	s2 =	rddreg [dreg:$0x1]  }
0x3: {  	s0 =	rddreg [dreg:$0x2]  }
0x4: {  	s1 =	stileid.u32;
	s4 =	srdreg.scid;
	s3 =	simm.s32 $0x0  }
0x5: {  	s17 =	simm.s32 $0x13C00;
	s18 =	simm.s32 $0x1;
	s19 =	simm.s32 $0x13C80  }
0x6: {  	s20 =	simm.s32 $0x78;
	s21 =	simm.s32 $0x2;
	s22 =	simm.s32 $0x0  }
0x7: {  	s5 =	smul.u32 $0x2780, s1;
	s9 =	sand.u32 $0x1, s4;
	[smem:$0x7FF] =	sst s3  }
0x8: {  	s4 =	sadd.s32 $0x2000, s6;
	s10 =	smul.u32 $0x4F000, s1;
	s31 =	sshll.u32 s1, $0x6  }
0x9: {  	s7 =	smul.u32 $0x27800, s9;
	_ =	strace $0x8000004A;
	s28 =	ssub.s32 $0x2, s9  }
0xa: {  	s8 =	sadd.s32 s5, s6;
	s12 =	sshrl.u32 s28, $0x1;
	s10 =	sshrl.u32 s10, $0x2  }
0xb: {  	s7 =	sadd.s32 s5, s7;
	s5 =	sadd.s32 $0x89000, s6;
	s12 =	ssub.s32 s28, s12  }
0xc: {  	s14 =	sadd.s32 s10, s2;
	s11 =	sadd.s32 s7, s6;
	s6 =	smul.u32 $0x1500, s9  }
0xd: {  	s8 =	sadd.s32 $0x12800, s8;
	s7 =	smul.u32 $0x2C00, s1;
	s9 =	sshll.u32 s9, $0x8  }
0xe: {  	s12 =	smax.u32 s12, $0x1;
	s14 =	sshrl.u32 s14, $0x3;
	s13 =	sadd.s32 $0x1480, s6  }
0xf: {  	s11 =	sadd.s32 $0x89800, s11;
	s29 =	sand.u32 $0x1C00, s6;
	s15 =	sand.u32 $0x3C00, s13  }
0x10: {  	s10 =	sadd.s32 s7, s29;
	s13 =	sand.u32 $0x380, s13;
	s30 =	sadd.s32 s7, s15  }
0x11: {  	s9 =	sor.u32 s9, s10;
	s15 =	simm.s32 $0x3;
	s13 =	sor.u32 s13, s30  }
0x12: {  	s16 =	sshrl.u32 s9, $0x3;
	s9 =	sor.u32 $0x1C03, s31;
	s13 =	sshrl.u32 s13, $0x3  }
0x13: {  	s10 =	sadd.s32 s4, s16;
	s16 =	simm.s32 $0x13D00;
	s13 =	sadd.s32 s4, s13  }
.LBB2_1:
0x14: {  	[spmem:s14], [sflag:s9] =	dma.local [hbm:s8], $0x2780  }
0x15: {  	_ =	swait.ge [sflag:s15], $0x2780  }
0x16: {  	[sflag:s15] =	ssyncset.done $0x0  }
0x17: {  	[sflag:s15] =	ssyncadd.s32 $0xFFFFD880  }
0x18: {  	[tilespmem:s16], [sflag:$0x3] =	stream.linear.gather [hbm4b:s5+s3], $0x3C00, $0x38;
	[tilespmem:$0x17900] =	vst v63  }
0x19: {  	s23 =	sadd.s32 $0xFFFFEC00, s6;
	_ =	swait.ge [sflag:s15], $0x3C00  }
0x1a: {  	s24 =	sadd.s32 $0x1480, s23;
	[sflag:s15] =	ssyncset.done $0x0  }
0x1b: {  	s25 =	sand.u32 $0x3C00, s24;
	[sflag:s15] =	ssyncadd.s32 $0xFFFFC400  }
0x1c: {  	s24 =	sand.u32 $0x380, s24;
	s25 =	sadd.s32 s7, s25;
	[bflag:$0x0] =	sbarrier.arrive $0xFFFF  }
0x1d: {  	[tilespmem:s17], [sflag:$0x1] =	stream.linear.gather [hbm4b:s10+s3], $0x80, $0x38;
	[tilespmem:$0x17900] =	vst v63  }
0x1e: {  	s24 =	sor.u32 s24, s25;
	_ =	swait.ge [sflag:s18], $0x80  }
0x1f: {  	s24 =	sshrl.u32 s24, $0x3;
	[sflag:s18] =	ssyncset.done $0x0  }
0x20: {  	s24 =	sadd.s32 s4, s24;
	[sflag:s18] =	ssyncadd.s32 $0xFFFFFF80  }
0x21: {  	[tilespmem:s19], [sflag:$0x2] =	stream.linear.gather [hbm4b:s24+s3], $0x80, $0x38;
	[tilespmem:$0x17900] =	vst v63  }
0x22: {  	_ = 	snop  }
0x23: {  	[spmem:s2] =	stream.indirect.scatter.add.f32 [tilespmem:s16], [sflag:$0x3], $0x80, s17, s20, $0xb8;
	[tilespmem:$0x17900] =	vst v63  }
0x24: {  	s23 =	sadd.s32 $0x1500, s23;
	_ =	swait.ge [sflag:s15], $0x3C00  }
0x25: {  	s30 =	sand.u32 $0x7C00, s23;
	[sflag:s15] =	ssyncset.done $0x0  }
0x26: {  	s23 =	sand.u32 $0x300, s23;
	s24 =	sadd.s32 s7, s30;
	[sflag:s15] =	ssyncadd.s32 $0xFFFFC400  }
0x27: {  	s23 =	sor.u32 s23, s24;
	_ =	swait.ge [sflag:s21], $0x80  }
0x28: {  	s23 =	sshrl.u32 s23, $0x3;
	[sflag:s21] =	ssyncset.done $0x0  }
0x29: {  	s23 =	sadd.s32 s4, s23;
	[sflag:s21] =	ssyncadd.s32 $0xFFFFFF80  }
0x2a: {  	[tilespmem:s17], [sflag:$0x1] =	stream.linear.gather [hbm4b:s23+s3], $0x80, $0x38;
	[tilespmem:$0x17900] =	vst v63  }
0x2b: {  	_ = 	snop  }
0x2c: {  	[spmem:s2] =	stream.indirect.scatter.add.f32 [tilespmem:s16], [sflag:$0x3], $0x80, s19, s20, $0xb8;
	[tilespmem:$0x17900] =	vst v63  }
0x2d: {  	s31 =	sadd.s32 $0xFFFFED00, s6;
	s25 =	simm.s32 $0xFFFFEE00;
	_ =	swait.ge [sflag:s15], $0x3C00  }
0x2e: {  	s24 =	sadd.s32 $0x1480, s31;
	s23 =	sadd.s32 $0x1500, s31;
	[sflag:s15] =	ssyncset.done $0x0  }
.LBB2_2:
0x2f: {  	s26 =	sand.u32 $0x3C00, s24  }
0x30: {  	[sflag:s15] =	ssyncadd.s32 $0xFFFFC400;
	s28 =	smov.u32 s25;
	s29 =	sadd.s32 $0x100, s25  }
0x31: {  	p0 =	sne.s32 s25, $0xFFFFFF00;
	s24 =	sand.u32 $0x380, s24;
	s25 =	sadd.s32 s7, s26  }
0x32: {  	_ =	swait.ge [sflag:s18], $0x80;
	s24 =	sor.u32 s24, s25  }
0x33: {  	[sflag:s18] =	ssyncset.done $0x0;
	s24 =	sshrl.u32 s24, $0x3  }
0x34: {  	[sflag:s18] =	ssyncadd.s32 $0xFFFFFF80;
	s24 =	sadd.s32 s4, s24  }
0x35: {  	[tilespmem:s19], [sflag:$0x2] =	stream.linear.gather [hbm4b:s24+s3], $0x80, $0x38;
	[tilespmem:$0x17900] =	vst v63  }
0x36: {  	_ = 	snop  }
0x37: {  	[spmem:s2] =	stream.indirect.scatter.add.f32 [tilespmem:s16], [sflag:$0x3], $0x80, s17, s20, $0xb8;
	[tilespmem:$0x17900] =	vst v63  }
0x38: {  	_ =	swait.ge [sflag:s15], $0x3C00  }
0x39: {  	s24 =	sand.u32 $0x7C00, s23;
	[sflag:s15] =	ssyncset.done $0x0  }
0x3a: {  	s23 =	sand.u32 $0x300, s23;
	s24 =	sadd.s32 s7, s24;
	[sflag:s15] =	ssyncadd.s32 $0xFFFFC400  }
0x3b: {  	s23 =	sor.u32 s23, s24;
	_ =	swait.ge [sflag:s21], $0x80  }
0x3c: {  	s23 =	sshrl.u32 s23, $0x3;
	[sflag:s21] =	ssyncset.done $0x0  }
0x3d: {  	s23 =	sadd.s32 s4, s23;
	[sflag:s21] =	ssyncadd.s32 $0xFFFFFF80  }
0x3e: {  	[tilespmem:s17], [sflag:$0x1] =	stream.linear.gather [hbm4b:s23+s3], $0x80, $0x38;
	[tilespmem:$0x17900] =	vst v63  }
.Ltmp0:
0x3f: {  	_ = 	snop;
	(pc) =	sbr.rel @p0 .LBB2_2-.Ltmp0, $4  }
0x40: {  	_ = 	snop  }
0x41: {  	[spmem:s2] =	stream.indirect.scatter.add.f32 [tilespmem:s16], [sflag:$0x3], $0x80, s19, s20, $0xb8;
	[tilespmem:$0x17900] =	vst v63  }
0x42: {  	s25 =	smov.u32 s29;
	s23 =	sadd.s32 s28, s6;
	_ =	swait.ge [sflag:s15], $0x3C00  }
0x43: {  	s24 =	sadd.s32 $0x1480, s23;
	s23 =	sadd.s32 $0x1500, s23;
	[sflag:s15] =	ssyncset.done $0x0  }
0x44: {  	s25 =	sand.u32 $0x3C00, s24  }
0x45: {  	[sflag:s15] =	ssyncadd.s32 $0xFFFFC400;
	s29 =	sand.u32 $0x380, s24;
	s25 =	sadd.s32 s7, s25  }
0x46: {  	_ =	swait.ge [sflag:s18], $0x80;
	s24 =	sor.u32 s29, s25  }
0x47: {  	[sflag:s18] =	ssyncset.done $0x0;
	s24 =	sshrl.u32 s24, $0x3  }
0x48: {  	[sflag:s18] =	ssyncadd.s32 $0xFFFFFF80;
	s24 =	sadd.s32 s4, s24  }
0x49: {  	[tilespmem:s19], [sflag:$0x2] =	stream.linear.gather [hbm4b:s24+s3], $0x80, $0x38;
	[tilespmem:$0x17900] =	vst v63  }
0x4a: {  	_ = 	snop  }
0x4b: {  	[spmem:s2] =	stream.indirect.scatter.add.f32 [tilespmem:s16], [sflag:$0x3], $0x80, s17, s20, $0xb8;
	[tilespmem:$0x17900] =	vst v63  }
0x4c: {  	_ =	swait.ge [sflag:s15], $0x3C00  }
0x4d: {  	s30 =	sand.u32 $0x7C00, s23;
	[sflag:s15] =	ssyncset.done $0x0  }
0x4e: {  	s31 =	sand.u32 $0x300, s23;
	s24 =	sadd.s32 s7, s30;
	[sflag:s15] =	ssyncadd.s32 $0xFFFFC400  }
0x4f: {  	s23 =	sor.u32 s31, s24;
	_ =	swait.ge [sflag:s21], $0x80  }
0x50: {  	s23 =	sshrl.u32 s23, $0x3;
	[sflag:s21] =	ssyncset.done $0x0  }
0x51: {  	s23 =	sadd.s32 s4, s23;
	[sflag:s21] =	ssyncadd.s32 $0xFFFFFF80  }
0x52: {  	[tilespmem:s17], [sflag:$0x1] =	stream.linear.gather [hbm4b:s23+s3], $0x80, $0x38;
	[tilespmem:$0x17900] =	vst v63  }
0x53: {  	_ = 	snop  }
0x54: {  	[spmem:s2] =	stream.indirect.scatter.add.f32 [tilespmem:s16], [sflag:$0x3], $0x80, s19, s20, $0xb8;
	[tilespmem:$0x17900] =	vst v63  }
0x55: {  	_ =	swait.ge [sflag:s15], $0x3C00  }
0x56: {  	[sflag:s15] =	ssyncset.done $0x0  }
0x57: {  	[sflag:s15] =	ssyncadd.s32 $0xFFFFC400  }
0x58: {  	_ =	swait.ge [sflag:s18], $0x80  }
0x59: {  	[sflag:s18] =	ssyncset.done $0x0  }
0x5a: {  	[sflag:s18] =	ssyncadd.s32 $0xFFFFFF80  }
0x5b: {  	[tilespmem:s19], [sflag:$0x2] =	stream.linear.gather [hbm4b:s13+s3], $0x80, $0x38;
	[tilespmem:$0x17900] =	vst v63  }
0x5c: {  	_ = 	snop  }
0x5d: {  	[spmem:s2] =	stream.indirect.scatter.add.f32 [tilespmem:s16], [sflag:$0x3], $0x80, s17, s20, $0xb8;
	[tilespmem:$0x17900] =	vst v63  }
0x5e: {  	_ =	swait.ge [sflag:s15], $0x3C00  }
0x5f: {  	[sflag:s15] =	ssyncset.done $0x0  }
0x60: {  	[sflag:s15] =	ssyncadd.s32 $0xFFFFC400  }
0x61: {  	_ =	swait.ge [sflag:s21], $0x80  }
0x62: {  	[sflag:s21] =	ssyncset.done $0x0  }
0x63: {  	[sflag:s21] =	ssyncadd.s32 $0xFFFFFF80  }
0x64: {  	[spmem:s2] =	stream.indirect.scatter.add.f32 [tilespmem:s16], [sflag:$0x3], $0x80, s19, s20, $0xb8;
	[tilespmem:$0x17900] =	vst v63  }
0x65: {  	_ =	swait.ge [sflag:s15], $0x3C00  }
0x66: {  	s22 =	sadd.s32 $0x1, s22;
	[sflag:s15] =	ssyncset.done $0x0  }
0x67: {  	p0 =	sne.s32 s22, s12;
	[sflag:s15] =	ssyncadd.s32 $0xFFFFC400  }
.Ltmp1:
0x68: {  	[bflag:$0x0] =	sbarrier.arrive $0xFFFF;
	(pc) =	sbr.rel @p0 .LBB2_1-.Ltmp1, $4  }
0x69: {  	[hbm:s11], [sflag:s9] =	dma.local [spmem:s14], $0x2780  }
0x6a: {  	_ =	swait.ge [sflag:s15], $0x2780  }
0x6b: {  	[sflag:s15] =	ssyncset.done $0x0  }
0x6c: {  	[sflag:s15] =	ssyncadd.s32 $0xFFFFD880  }
0x6d: {  	_ =	sfence.sel $0x180000  }
0x6e: {  	[bflag:$0x0] =	sbarrier.arrive $0xFFFF  }
0x6f: {  	p0 =	sne.s32 s1, $0x0;
	_ =	strace $0x9000004A  }
0x70: {  	s0 =	sadd.s32 @!p0 $0x100000, s0;
	[bflag:$0x2] =	sbarrier.arrive $0xFFFF  }
0x71: {  	[sflag:s0] =	ssyncadd.tile.s32 @!p0 $0x1;
	_ =	shalt  }
.Lfunc_end2:
_tile_overlayer_lowered:
.L_overlay_start_2:
0x72: {  	(tag) =	ssettag $0x2  }
0x73: {  	s0 =	rddreg [dreg:$0x0];
	s2 =	stileid.u32  }
0x74: {  	s1 =	rddreg [dreg:$0x1];
	p0 =	sne.s32 s2, $0x0  }
0x75: {  	s3 =	rddreg [dreg:$0x2];
	[bflag:$0x3] =	sbarrier.arrive $0xFFFF;
	s2 =	simm.s32 @!p0 $0x1C03  }
0x76: {  	[timem:s3], [sflag:s2] =	dma.local @!p0 [hbm:s0], s1  }
0x77: {  	s0 =	simm.s32 @!p0 $0x3  }
0x78: {  	_ =	swait.ge @!p0 [sflag:s0], s1  }
0x79: {  	s1 =	ssub.s32 @!p0 $0x0, s1;
	[sflag:s0] =	ssyncset.done @!p0 $0x0  }
0x7a: {  	[sflag:s0] =	ssyncadd.s32 @!p0 s1  }
0x7b: {  	[bflag:$0x3] =	sbarrier.arrive $0xFFFF  }
0x7c: {  	_ =	shalt  }

// kernel: kernel.14.cloned.1.call-start
scs
__scs_entry_jumppad:
0x0: {  	(pc) =	sbr.rel $0x88, $3  }
0x1: {  	(tag) =	ssettag $0x0;
	lr =	simm.s32 $0x1  }
0x2: {  	[smem:$0x3F91] =	sst lr;
	_ =	strace $0xD0000000  }
0x3: {  	_ = 	snop  }
0x4: {  	_ = 	snop  }
0x5: {  	_ = 	snop  }
0x6: {  	_ = 	snop  }
0x7: {  	_ = 	snop  }
__scs_overlays_trampoline_lowered:
0x8: {  	[smem:$0x3FA0] =	sst s0  }
0x9: {  	[smem:$0x3FA1] =	sst s1  }
0xa: {  	[smem:$0x3FA2] =	sst s2  }
0xb: {  	[smem:$0x3FA3] =	sst s3  }
0xc: {  	[smem:$0x3FA4] =	sst s4  }
0xd: {  	[smem:$0x3FA5] =	sst s5  }
0xe: {  	[smem:$0x3FA6] =	sst s6  }
0xf: {  	[smem:$0x3FA7] =	sst s7  }
0x10: {  	[smem:$0x3FA8] =	sst s8  }
0x11: {  	[smem:$0x3FA9] =	sst s9;
	s0 =	simm.s32 @!p0 $0x0  }
0x12: {  	s1 =	sld [smem:$0x3F8F];
	s0 =	simm.s32 @p0 $0x1  }
0x13: {  	[smem:$0x3FAA] =	sst s0;
	s0 =	simm.s32 @!p1 $0x0  }
0x14: {  	s2 =	sld [smem:$0x3F8E];
	s0 =	simm.s32 @p1 $0x1  }
0x15: {  	[smem:$0x3FAB] =	sst s0;
	s0 =	simm.s32 @!p2 $0x0  }
0x16: {  	s3 =	sld [smem:$0x3FDB];
	s0 =	simm.s32 @p2 $0x1  }
0x17: {  	s4 =	simm.s32 $0x1BF5;
	[smem:$0x3FAD] =	sst s0  }
0x18: {  	s0 =	sld [smem:$0x3F90];
	_ =	swait.ge [sflag:s4], $0x0  }
0x19: {  	s7 =	sld [smem:$0x3F91]  }
0x1a: {  	s8 =	sadd.s32 $0xFFFFE003, lr  }
0x1b: {  	s9 =	sadd.s32 $0xFFFFFEF7, lr;
	s5 =	simm.s32 $0xFFFFFFFF;
	p2 =	slt.u32 s8, $0xFFFFF086  }
0x1c: {  	p1 =	slt.u32 s9, $0xF7A;
	s5 =	simm.s32 @!p2 $0x0  }
0x1d: {  	s5 =	simm.s32 @p1 $0x1;
	p0 =	seq.s32 s7, s2  }
0x1e: {  	s7 =	smul.u32 @!p0 $0xF7A, s2;
	p2 =	seq.s32 @!p0 s5, $0x0  }
0x1f: {  	s9 =	smul.u32 $0xF7A, s1;
	s8 =	simm.s32 @!p0 $0x1BF5;
	p2 =	por !p2, p0  }
0x20: {  	[sflag:s8] =	ssyncset.s32 @!p0 $0xFFFFF086;
	s6 =	sadd.s32 @!p0 s3, s7;
	s7 =	simm.s32 @!p0 $0x108  }
0x21: {  	s3 =	sadd.s32 s3, s9;
	s6 =	sadd.s32 @!p0 $0x88, s6;
	s7 =	simm.s32 @p2 $0x1082  }
0x22: {  	[simem:s7], [sflag:s8] =	dma.local @!p0 [hbm:s6], $0xF7A  }
0x23: {  	s9 =	sor.u32 $0xD0000000, s2;
	s6 =	simm.s32 $0x108;
	_ =	swait.ge @!p0 [sflag:s8], $0x0  }
0x24: {  	s3 =	sadd.s32 $0x88, s3;
	s6 =	simm.s32 @!p1 $0x1082;
	[sflag:s4] =	ssyncset.s32 $0xFFFFF086  }
0x25: {  	[simem:s6], [sflag:s4] =	dma.local [hbm:s3], $0xF7A  }
0x26: {  	[smem:$0x3F91] =	sst s1;
	(tag) =	ssettag s2;
	_ =	strace s9  }
0x27: {  	s1 =	sld [smem:$0x3FA1]  }
0x28: {  	s2 =	sld [smem:$0x3FA2]  }
0x29: {  	s4 =	sld [smem:$0x3FA4]  }
0x2a: {  	p0 =	seq.s32 s5, $0x0;
	s5 =	sld [smem:$0x3FA5]  }
0x2b: {  	s6 =	sld [smem:$0x3FA6]  }
0x2c: {  	s7 =	sld [smem:$0x3FA7]  }
0x2d: {  	s3 =	simm.s32 $0x108;
	s8 =	sld [smem:$0x3FA8]  }
0x2e: {  	s3 =	simm.s32 @!p0 $0x1082;
	s9 =	sld [smem:$0x3FA9]  }
0x2f: {  	lr =	sadd.s32 s0, s3;
	s0 =	sld [smem:$0x3FA0]  }
0x30: {  	s3 =	sld [smem:$0x3FA3]  }
0x31: {  	[smem:$0x3FAC] =	sst s10  }
0x32: {  	s10 =	sld [smem:$0x3FAA];
	_ =	sdelay $0x3  }
0x33: {  	p0 =	seq.s32 s10, $0x1;
	s10 =	sld [smem:$0x3FAC];
	_ =	sdelay $0x3  }
0x34: {  	[smem:$0x3FAC] =	sst s10  }
0x35: {  	s10 =	sld [smem:$0x3FAB];
	_ =	sdelay $0x3  }
0x36: {  	p1 =	seq.s32 s10, $0x1;
	s10 =	sld [smem:$0x3FAC];
	_ =	sdelay $0x3  }
0x37: {  	[smem:$0x3FAC] =	sst s10  }
0x38: {  	s10 =	sld [smem:$0x3FAD]  }
0x39: {  	_ = 	snop;
	(pc) =	sbr.ind lr, $3  }
0x3a: {  	_ = 	snop  }
0x3b: {  	_ = 	snop  }
0x3c: {  	p2 =	seq.s32 s10, $0x1;
	s10 =	sld [smem:$0x3FAC]  }
0x3d: {  	_ =	shalt  }
0x3e: {  	_ =	shalt  }
0x3f: {  	_ =	shalt  }
0x40: {  	_ =	shalt  }
0x41: {  	_ =	shalt  }
0x42: {  	_ =	shalt  }
0x43: {  	_ =	shalt  }
0x44: {  	_ =	shalt  }
0x45: {  	_ =	shalt  }
0x46: {  	_ =	shalt  }
0x47: {  	_ =	shalt  }
0x48: {  	_ =	shalt  }
0x49: {  	_ =	shalt  }
0x4a: {  	_ =	shalt  }
0x4b: {  	_ =	shalt  }
0x4c: {  	_ =	shalt  }
0x4d: {  	_ =	shalt  }
0x4e: {  	_ =	shalt  }
0x4f: {  	_ =	shalt  }
0x50: {  	_ =	shalt  }
0x51: {  	_ =	shalt  }
0x52: {  	_ =	shalt  }
0x53: {  	_ =	shalt  }
0x54: {  	_ =	shalt  }
0x55: {  	_ =	shalt  }
0x56: {  	_ =	shalt  }
0x57: {  	_ =	shalt  }
0x58: {  	_ =	shalt  }
0x59: {  	_ =	shalt  }
0x5a: {  	_ =	shalt  }
0x5b: {  	_ =	shalt  }
0x5c: {  	_ =	shalt  }
0x5d: {  	_ =	shalt  }
0x5e: {  	_ =	shalt  }
0x5f: {  	_ =	shalt  }
0x60: {  	_ =	shalt  }
0x61: {  	_ =	shalt  }
0x62: {  	_ =	shalt  }
0x63: {  	_ =	shalt  }
0x64: {  	_ =	shalt  }
0x65: {  	_ =	shalt  }
0x66: {  	_ =	shalt  }
0x67: {  	_ =	shalt  }
0x68: {  	_ =	shalt  }
0x69: {  	_ =	shalt  }
0x6a: {  	_ =	shalt  }
0x6b: {  	_ =	shalt  }
0x6c: {  	_ =	shalt  }
0x6d: {  	_ =	shalt  }
0x6e: {  	_ =	shalt  }
0x6f: {  	_ =	shalt  }
0x70: {  	_ =	shalt  }
0x71: {  	_ =	shalt  }
0x72: {  	_ =	shalt  }
0x73: {  	_ =	shalt  }
0x74: {  	_ =	shalt  }
0x75: {  	_ =	shalt  }
0x76: {  	_ =	shalt  }
0x77: {  	_ =	shalt  }
0x78: {  	_ =	shalt  }
0x79: {  	_ =	shalt  }
0x7a: {  	_ =	shalt  }
0x7b: {  	_ =	shalt  }
0x7c: {  	_ =	shalt  }
0x7d: {  	_ =	shalt  }
0x7e: {  	_ =	shalt  }
0x7f: {  	_ =	shalt  }
0x80: {  	_ =	shalt  }
0x81: {  	_ =	shalt  }
0x82: {  	_ =	shalt  }
0x83: {  	_ =	shalt  }
0x84: {  	_ =	shalt  }
0x85: {  	_ =	shalt  }
0x86: {  	_ =	shalt  }
0x87: {  	_ =	shalt  }
.Lfunc_end0:
.L_simem_size_0:
called_computation.1_lowered:
.L_overlay_start_0:
0x88: {  	s2 =	sld [smem:$0x3FD9]  }
0x89: {  	s3 =	sld [smem:$0x3FFE];
	_ =	sdelay $0x1  }
0x8a: {  	s1 =	srdreg.scid  }
0x8b: {  	s0 =	sand.u32 $0x1, s1  }
0x8c: {  	s17 =	sshll.u32 s0, $0xA;
	s2 =	sadd.s32 s3, s2  }
0x8d: {  	s2 =	sadd.s32 s2, s17  }
0x8e: {  	[smem:$0x3FB8] =	sst s2  }
0x8f: {  	_ = 	snop  }
0x90: {  	s2 =	sld [smem:$0x3FD0];
	(tm) =	ssettm $0x1  }
0x91: {  	s18 =	sld [smem:$0x3FFB];
	_ =	sdelay $0x3  }
0x92: {  	_ =	strace s18  }
0x93: {  	s3 =	sld [smem:$0x3FFC];
	_ =	sdelay $0x3  }
0x94: {  	_ =	strace s3  }
0x95: {  	s3 =	sld [smem:$0x3FFD];
	_ =	sdelay $0x3  }
0x96: {  	_ =	strace s3  }
0x97: {  	_ =	strace $0x8FFFFFFF  }
0x98: {  	s19 =	sld [smem:$0x3FDB];
	_ =	sdelay $0x1  }
0x99: {  	s4 =	simm.s32 $_scs_section_size  }
0x9a: {  	s5 =	simm.s32 $_size__tile_overlayer_lowered;
	s6 =	simm.s32 $_tile_overlayer_lowered  }
0x9b: {  	s22 =	simm.s32 $0x1BFF;
	s21 =	sshll.u32 s6, $0x1;
	s3 =	sadd.s32 s4, s19  }
0x9c: {  	s7 =	simm.s32 $0x0;
	s20 =	sshll.u32 s5, $0x1;
	s5 =	sadd.s32 s21, s3  }
0x9d: {  	[timem:s7], [sflag:s22] =	dma.local [hbm:s5], s20  }
0x9e: {  	_ =	swait.ge [sflag:s22], s20  }
0x9f: {  	s4 =	ssub.s32 $0x0, s20;
	[sflag:s22] =	ssyncset.done $0x0  }
0xa0: {  	[sflag:s22] =	ssyncadd.s32 s4;
	_ =	sdelay $0x1  }
0xa1: {  	s23 =	simm.s32 $0x1B8B  }
0xa2: {  	_ =	swait.ge [sflag:s23], $0x1  }
0xa3: {  	[sflag:s23] =	ssyncset.done $0x0  }
0xa4: {  	s25 =	simm.s32 $0x1B8E;
	s24 =	sld [smem:$0x3FFE];
	[sflag:s23] =	ssyncadd.s32 $0xFFFFFFFF  }
0xa5: {  	s26 =	simm.s32 $execute0_lowered;
	[smem:$0x3FD2] =	sst s25  }
0xa6: {  	s5 =	sshll.u32 s26, $0x1;
	_ =	strace $0x80000046;
	[dreg:$0x1] =	wrdreg $0xFFFFFFFF  }
0xa7: {  	s28 =	simm.s32 $_size_execute0_lowered;
	s3 =	sadd.s32 s3, s5;
	[dreg:$0x0] =	wrdreg $0x0  }
0xa8: {  	s5 =	sshll.u32 s28, $0x1;
	[dreg:$0x2] =	wrdreg s3  }
0xa9: {  	[dreg:$0x3] =	wrdreg s5  }
0xaa: {  	[dreg:$0x4] =	wrdreg $0xC0  }
0xab: {  	_ =	task [dreg:s7], $0x5FFFF  }
0xac: {  	[dreg:$0x1] =	wrdreg $0xFFFFFFFF  }
0xad: {  	[dreg:$0x0] =	wrdreg $0x60  }
0xae: {  	[dreg:$0x2] =	wrdreg s2  }
0xaf: {  	[dreg:$0x3] =	wrdreg s24  }
0xb0: {  	[dreg:$0x4] =	wrdreg $0x0  }
0xb1: {  	[dreg:$0x5] =	wrdreg $0xA  }
0xb2: {  	_ =	task.clear_ibuf [dreg:s7], $0x6FFFF;
	_ =	strace $0x90000046  }
0xb3: {  	s29 =	simm.s32 $0xA;
	_ =	strace $0x80000048  }
0xb4: {  	_ =	swait.ge [sflag:s29], $0x1  }
0xb5: {  	[sflag:s29] =	ssyncadd.s32 $0xFFFFFFFF  }
0xb6: {  	_ =	strace $0x90000048  }
0xb7: {  	_ =	sfence  }
0xb8: {  	s30 =	sld [smem:$0x0];
	_ =	sdelay $0x2  }
0xb9: {  	s31 =	sshll.u32 s1, $0xD;
	s1 =	sshrl.u32 s1, $0x2  }
0xba: {  	s3 =	sand.u32 $0x4000, s31;
	s1 =	sadd.s32 s1, s30  }
0xbb: {  	s0 =	sor.u32 s3, s0;
	s1 =	sshll.u32 s1, $0x11  }
0xbc: {  	s0 =	sor.u32 s1, s0  }
0xbd: {  	s0 =	sadd.s32 $0x8F2B, s0  }
0xbe: {  	[sflag:s0] =	ssyncadd.remote.s32 $0x1  }
0xbf: {  	_ =	sfence.sel $0xFFFF  }
0xc0: {  	[dreg:$0x0] =	wrdreg $0xFFFFFFFF;
	(pc) =	sbr.abs _section_cstart, $3  }
0xc1: {  	[dreg:$0x1] =	wrdreg $0xFFFFFFFF  }
0xc2: {  	_ =	task.clear_ibuf [dreg:s7], $0x2FFFF;
	_ =	strace $0x9FFFFFFF  }
0xc3: {  	(tm) =	ssettm $0x7FFFFFFF  }
tec
execute0_lowered:
.L_overlay_start_1:
0x0: {  	(tag) =	ssettag $0x1  }
0x1: {  	s2 =	rddreg [dreg:$0x0]  }
0x2: {  	s0 =	rddreg [dreg:$0x1]  }
0x3: {  	s3 =	rddreg [dreg:$0x2]  }
0x4: {  	s13 =	stileid.u32;
	s1 =	srdreg.scid;
	s4 =	simm.s32 $0x0  }
0x5: {  	s15 =	simm.s32 $0x13D00;
	s28 =	simm.s32 $0x4;
	s29 =	simm.s32 $0x78  }
0x6: {  	s30 =	simm.s32 $0x14400;
	s31 =	simm.s32 $0x5;
	s16 =	simm.s32 $0x7  }
0x7: {  	s8 =	smul.u32 $0x2780, s13;
	s1 =	sand.u32 $0x1, s1;
	[smem:$0x7FF] =	sst s4  }
0x8: {  	s9 =	smul.u32 $0x4F000, s13;
	s5 =	sadd.s32 $0x7800, s0;
	s6 =	sadd.s32 $0x2000, s0  }
0x9: {  	s20 =	sshll.u32 s13, $0x6;
	s7 =	smul.u32 $0x27800, s1;
	_ =	strace $0x80000047  }
0xa: {  	s10 =	smul.u32 $0x2C000, s1;
	s1 =	ssub.s32 $0x2, s1;
	s14 =	sor.u32 $0x1C0A, s20  }
0xb: {  	s20 =	simm.s32 $0xA;
	s12 =	sadd.s32 s8, s0;
	s17 =	sshrl.u32 s1, $0x1  }
0xc: {  	s9 =	sshrl.u32 s9, $0x2;
	[dreg:$0x6] =	wrdreg s14;
	s11 =	sadd.s32 s8, s7  }
0xd: {  	s7 =	smul.u32 $0x2C00, s13;
	s1 =	ssub.s32 s1, s17;
	s9 =	sadd.s32 s9, s3  }
0xe: {  	s18 =	sadd.s32 $0x12800, s12;
	s12 =	simm.s32 $0x18000;
	s13 =	simm.s32 $0x1  }
0xf: {  	s17 =	simm.s32 $0x0;
	s0 =	sadd.s32 s11, s0;
	[dreg:$0x4] =	wrdreg s18  }
0x10: {  	s26 =	smax.u32 s1, $0x1;
	s18 =	sshrl.u32 s9, $0x3;
	s1 =	simm.s32 $0x6  }
0x11: {  	s9 =	simm.s32 $0x1BC00;
	s11 =	simm.s32 $0x14280;
	[dreg:$0xd] =	wrdreg s26  }
0x12: {  	s22 =	sshrl.u32 s7, $0x3;
	s0 =	sadd.s32 $0x3A000, s0;
	[dreg:$0xe] =	wrdreg s18  }
0x13: {  	s8 =	sadd.s32 s7, s10;
	s10 =	sadd.s32 s6, s22;
	[dreg:$0xc] =	wrdreg s0  }
0x14: {  	s19 =	sshrl.u32 s8, $0x3;
	s24 =	sadd.s32 $0x10, s10;
	[dreg:$0x7] =	wrdreg s10  }
.Ltmp0:
0x15: {  	s21 =	sadd.s32 s5, s19;
	[dreg:$0x9] =	wrdreg s24;
	(pc) =	sbr.rel .LBB2_1-.Ltmp0, $4  }
0x16: {  	s10 =	sadd.s32 $0x20, s10;
	s19 =	simm.s32 $0x9;
	[dreg:$0x5] =	wrdreg s21  }
0x17: {  	s23 =	sadd.s32 $0x10, s21;
	s25 =	sadd.s32 $0x20, s21;
	[dreg:$0xb] =	wrdreg s10  }
0x18: {  	s21 =	simm.s32 $0x2;
	s10 =	simm.s32 $0x3;
	[dreg:$0x8] =	wrdreg s23  }
0x19: {  	[dreg:$0xa] =	wrdreg s25;
	s25 =	simm.s32 $0x14100;
	s23 =	simm.s32 $0x8  }
.LBB2_4:
0x1a: {  	_ =	swait.ge [sflag:s16], $0x3C00  }
0x1b: {  	[sflag:s16] =	ssyncset.done $0x0  }
0x1c: {  	[sflag:s16] =	ssyncadd.s32 $0xFFFFC400  }
0x1d: {  	_ =	swait.ge [sflag:s23], $0x3C00  }
0x1e: {  	[sflag:s23] =	ssyncset.done $0x0  }
0x1f: {  	[sflag:s23] =	ssyncadd.s32 $0xFFFFC400  }
0x20: {  	_ =	swait.ge [sflag:s19], $0x3C00  }
0x21: {  	[sflag:s19] =	ssyncset.done $0x0  }
0x22: {  	[sflag:s19] =	ssyncadd.s32 $0xFFFFC400  }
0x23: {  	[bflag:$0x0] =	sbarrier.arrive $0xFFFF  }
0x24: {  	s14 =	rddreg [dreg:$0x6]  }
0x25: {  	s0 =	rddreg [dreg:$0xc]  }
0x26: {  	s20 =	simm.s32 $0xA;
	s18 =	rddreg [dreg:$0xe]  }
0x27: {  	[hbm:s0], [sflag:s14] =	dma.local [spmem:s18], $0x2780  }
0x28: {  	_ =	swait.ge [sflag:s20], $0x2780  }
0x29: {  	s17 =	rddreg [dreg:$0xf]  }
0x2a: {  	s26 =	rddreg [dreg:$0xd];
	s17 =	sadd.s32 $0x1, s17  }
0x2b: {  	p0 =	sne.s32 s17, s26  }
.Ltmp1:
0x2c: {  	_ = 	snop;
	(pc) =	sbr.rel @!p0 .LBB2_5-.Ltmp1, $3  }
0x2d: {  	_ =	sdelay $0x1  }
0x2e: {  	[sflag:s20] =	ssyncset.done $0x0  }
0x2f: {  	s15 =	simm.s32 $0x13D00;
	s25 =	simm.s32 $0x14100;
	[sflag:s20] =	ssyncadd.s32 $0xFFFFD880  }
.LBB2_1:
0x30: {  	[dreg:$0xf] =	wrdreg s17  }
0x31: {  	s0 =	rddreg [dreg:$0x4]  }
0x32: {  	[spmem:s18], [sflag:s14] =	dma.local [hbm:s0], $0x2780  }
0x33: {  	_ =	swait.ge [sflag:s20], $0x2780  }
0x34: {  	[sflag:s20] =	ssyncset.done $0x0  }
0x35: {  	[sflag:s20] =	ssyncadd.s32 $0xFFFFD880  }
0x36: {  	[bflag:$0x0] =	sbarrier.arrive $0xFFFF  }
0x37: {  	s14 =	simm.s32 $0x13C00;
	s20 =	rddreg [dreg:$0x5]  }
0x38: {  	[tilespmem:s14], [sflag:$0x4] =	stream.linear.gather [hbm4b:s20+s4], $0x80, $0x38;
	[tilespmem:$0x1F800] =	vst v63  }
0x39: {  	s24 =	simm.s32 $0x14000;
	s22 =	rddreg [dreg:$0x7]  }
0x3a: {  	[tilespmem:s24], [sflag:$0x4] =	stream.linear.gather [hbm4b:s22+s4], $0x80, $0x38;
	[tilespmem:$0x1F800] =	vst v63  }
0x3b: {  	s17 =	simm.s32 $0x13C80;
	s26 =	rddreg [dreg:$0x8]  }
0x3c: {  	[tilespmem:s17], [sflag:$0x5] =	stream.linear.gather [hbm4b:s26+s4], $0x80, $0x38;
	[tilespmem:$0x1F800] =	vst v63  }
0x3d: {  	s20 =	rddreg [dreg:$0x9];
	s22 =	simm.s32 $0x14080  }
0x3e: {  	[tilespmem:s22], [sflag:$0x5] =	stream.linear.gather [hbm4b:s20+s4], $0x80, $0x38;
	[tilespmem:$0x1F800] =	vst v63  }
0x3f: {  	s24 =	rddreg [dreg:$0xa]  }
0x40: {  	[tilespmem:s15], [sflag:$0x6] =	stream.linear.gather [hbm4b:s24+s4], $0x80, $0x38;
	[tilespmem:$0x1F800] =	vst v63  }
0x41: {  	s26 =	rddreg [dreg:$0xb]  }
0x42: {  	[tilespmem:s25], [sflag:$0x6] =	stream.linear.gather [hbm4b:s26+s4], $0x80, $0x38;
	[tilespmem:$0x1F800] =	vst v63  }
0x43: {  	_ =	swait.ge [sflag:s28], $0x80  }
0x44: {  	[sflag:s28] =	ssyncset.done $0x0  }
0x45: {  	[sflag:s28] =	ssyncadd.s32 $0xFFFFFF80  }
0x46: {  	_ =	swait.ge [sflag:s28], $0x80  }
0x47: {  	[sflag:s28] =	ssyncset.done $0x0  }
0x48: {  	[sflag:s28] =	ssyncadd.s32 $0xFFFFFF80  }
0x49: {  	[tilespmem:s30], [sflag:$0x1] =	stream.indirect.gather [hbm4b:s2+s29], $0x80, s14, s29, $0xb8;
	[tilespmem:$0x1F800] =	vst v63  }
0x4a: {  	_ =	swait.ge [sflag:s31], $0x80  }
0x4b: {  	[sflag:s31] =	ssyncset.done $0x0  }
0x4c: {  	[sflag:s31] =	ssyncadd.s32 $0xFFFFFF80  }
0x4d: {  	_ =	swait.ge [sflag:s31], $0x80  }
0x4e: {  	[sflag:s31] =	ssyncset.done $0x0  }
0x4f: {  	s20 =	simm.s32 $0x400;
	[sflag:s31] =	ssyncadd.s32 $0xFFFFFF80  }
0x50: {  	[tilespmem:s12], [sflag:$0x2] =	stream.indirect.gather [hbm4b:s2+s29], $0x80, s17, s29, $0xb8;
	[tilespmem:$0x1F800] =	vst v63  }
.LBB2_2:
0x51: {  	_ =	swait.ge [sflag:s1], $0x80  }
0x52: {  	[sflag:s1] =	ssyncset.done $0x0  }
0x53: {  	[sflag:s1] =	ssyncadd.s32 $0xFFFFFF80  }
0x54: {  	_ =	swait.ge [sflag:s1], $0x80  }
0x55: {  	p0 =	seq.s32 s20, $0x400;
	[sflag:s1] =	ssyncset.done $0x0  }
0x56: {  	s22 =	simm.s32 @!p0 $0x9;
	[sflag:s1] =	ssyncadd.s32 $0xFFFFFF80  }
0x57: {  	_ =	swait.ge @!p0 [sflag:s22], $0x3C00  }
0x58: {  	s12 =	sadd.s32 $0xFFFFFD80, s20;
	[sflag:s22] =	ssyncset.done @!p0 $0x0  }
0x59: {  	s24 =	sand.u32 $0x7C00, s12;
	[sflag:s22] =	ssyncadd.s32 @!p0 $0xFFFFC400  }
0x5a: {  	[tilespmem:s9], [sflag:$0x3] =	stream.indirect.gather [hbm4b:s2+s29], $0x80, s15, s29, $0xb8;
	[tilespmem:$0x1F800] =	vst v63  }
0x5b: {  	s18 =	sadd.s32 s8, s24;
	s22 =	sand.u32 $0x380, s12;
	_ =	swait.ge [sflag:s13], $0x3C00  }
0x5c: {  	s18 =	sor.u32 s22, s18;
	[sflag:s13] =	ssyncset.done $0x0  }
0x5d: {  	s0 =	simm.s32 $0x14000;
	s18 =	sshrl.u32 s18, $0x3;
	[sflag:s13] =	ssyncadd.s32 $0xFFFFC400  }
0x5e: {  	[spmem:s3] =	stream.indirect.scatter.add.f32 [tilespmem:s30], [sflag:$0x7], $0x80, s0, s29, $0xb8;
	[tilespmem:$0x1F800] =	vst v63  }
0x5f: {  	s14 =	simm.s32 $0x13D80;
	s17 =	sadd.s32 s7, s24;
	s18 =	sadd.s32 s5, s18  }
0x60: {  	[tilespmem:s14], [sflag:$0x4] =	stream.linear.gather [hbm4b:s18+s4], $0x80, $0x38;
	[tilespmem:$0x1F800] =	vst v63  }
0x61: {  	s18 =	sor.u32 s22, s17  }
0x62: {  	s18 =	sshrl.u32 s18, $0x3  }
0x63: {  	s17 =	simm.s32 $0x14180;
	s18 =	sadd.s32 s6, s18  }
0x64: {  	[tilespmem:s17], [sflag:$0x4] =	stream.linear.gather [hbm4b:s18+s4], $0x80, $0x38;
	[tilespmem:$0x1F800] =	vst v63  }
0x65: {  	_ =	swait.ge [sflag:s28], $0x80  }
0x66: {  	[sflag:s28] =	ssyncset.done $0x0  }
0x67: {  	[sflag:s28] =	ssyncadd.s32 $0xFFFFFF80  }
0x68: {  	_ =	swait.ge [sflag:s28], $0x80  }
0x69: {  	[sflag:s28] =	ssyncset.done $0x0  }
0x6a: {  	[sflag:s28] =	ssyncadd.s32 $0xFFFFFF80  }
0x6b: {  	_ =	swait.ge [sflag:s16], $0x3C00  }
0x6c: {  	[sflag:s16] =	ssyncset.done $0x0  }
0x6d: {  	s26 =	sadd.s32 $0xFFFFFE00, s20;
	[sflag:s16] =	ssyncadd.s32 $0xFFFFC400  }
0x6e: {  	[tilespmem:s30], [sflag:$0x1] =	stream.indirect.gather [hbm4b:s2+s29], $0x80, s14, s29, $0xb8;
	[tilespmem:$0x1F800] =	vst v63  }
0x6f: {  	s0 =	sand.u32 $0x7C00, s26;
	_ =	swait.ge [sflag:s21], $0x3C00  }
0x70: {  	s24 =	simm.s32 $0x14080;
	s12 =	sadd.s32 s8, s0;
	[sflag:s21] =	ssyncset.done $0x0  }
0x71: {  	s18 =	sand.u32 $0x300, s26;
	s14 =	simm.s32 $0x18000;
	[sflag:s21] =	ssyncadd.s32 $0xFFFFC400  }
0x72: {  	[spmem:s3] =	stream.indirect.scatter.add.f32 [tilespmem:s14], [sflag:$0x8], $0x80, s24, s29, $0xb8;
	[tilespmem:$0x1F800] =	vst v63  }
0x73: {  	s22 =	sadd.s32 s7, s0;
	s24 =	sor.u32 s18, s12  }
0x74: {  	s18 =	sor.u32 s18, s22;
	s24 =	sshrl.u32 s24, $0x3  }
0x75: {  	s26 =	simm.s32 $0x13E00;
	s18 =	sshrl.u32 s18, $0x3;
	s24 =	sadd.s32 s5, s24  }
0x76: {  	[tilespmem:s26], [sflag:$0x5] =	stream.linear.gather [hbm4b:s24+s4], $0x80, $0x38;
	[tilespmem:$0x1F800] =	vst v63  }
0x77: {  	s12 =	simm.s32 $0x14200;
	s18 =	sadd.s32 s6, s18  }
0x78: {  	[tilespmem:s12], [sflag:$0x5] =	stream.linear.gather [hbm4b:s18+s4], $0x80, $0x38;
	[tilespmem:$0x1F800] =	vst v63  }
0x79: {  	_ =	swait.ge [sflag:s31], $0x80  }
0x7a: {  	[sflag:s31] =	ssyncset.done $0x0  }
0x7b: {  	[sflag:s31] =	ssyncadd.s32 $0xFFFFFF80  }
0x7c: {  	_ =	swait.ge [sflag:s31], $0x80  }
0x7d: {  	[sflag:s31] =	ssyncset.done $0x0  }
0x7e: {  	[sflag:s31] =	ssyncadd.s32 $0xFFFFFF80  }
0x7f: {  	_ =	swait.ge [sflag:s23], $0x3C00  }
0x80: {  	[sflag:s23] =	ssyncset.done $0x0  }
0x81: {  	[sflag:s23] =	ssyncadd.s32 $0xFFFFC400  }
0x82: {  	[tilespmem:s14], [sflag:$0x2] =	stream.indirect.gather [hbm4b:s2+s29], $0x80, s26, s29, $0xb8;
	[tilespmem:$0x1F800] =	vst v63  }
0x83: {  	_ =	swait.ge [sflag:s10], $0x3C00  }
0x84: {  	s0 =	sadd.s32 $0xFFFFFE80, s20;
	[sflag:s10] =	ssyncset.done $0x0  }
0x85: {  	s14 =	sand.u32 $0x7C00, s0;
	[sflag:s10] =	ssyncadd.s32 $0xFFFFC400  }
0x86: {  	[spmem:s3] =	stream.indirect.scatter.add.f32 [tilespmem:s9], [sflag:$0x9], $0x80, s25, s29, $0xb8;
	[tilespmem:$0x1F800] =	vst v63  }
0x87: {  	s18 =	sand.u32 $0x380, s0;
	s25 =	sadd.s32 s8, s14  }
0x88: {  	s22 =	sadd.s32 s7, s14;
	s24 =	sor.u32 s18, s25  }
0x89: {  	s18 =	sor.u32 s18, s22;
	s24 =	sshrl.u32 s24, $0x3  }
0x8a: {  	s26 =	simm.s32 $0x13E80;
	s18 =	sshrl.u32 s18, $0x3;
	s24 =	sadd.s32 s5, s24  }
0x8b: {  	[tilespmem:s26], [sflag:$0x6] =	stream.linear.gather [hbm4b:s24+s4], $0x80, $0x38;
	[tilespmem:$0x1F800] =	vst v63  }
0x8c: {  	s18 =	sadd.s32 s6, s18  }
0x8d: {  	[tilespmem:s11], [sflag:$0x6] =	stream.linear.gather [hbm4b:s18+s4], $0x80, $0x38;
	[tilespmem:$0x1F800] =	vst v63  }
0x8e: {  	_ =	swait.ge [sflag:s1], $0x80  }
0x8f: {  	[sflag:s1] =	ssyncset.done $0x0  }
0x90: {  	[sflag:s1] =	ssyncadd.s32 $0xFFFFFF80  }
0x91: {  	_ =	swait.ge [sflag:s1], $0x80  }
0x92: {  	[sflag:s1] =	ssyncset.done $0x0  }
0x93: {  	[sflag:s1] =	ssyncadd.s32 $0xFFFFFF80  }
0x94: {  	_ =	swait.ge [sflag:s19], $0x3C00  }
0x95: {  	[sflag:s19] =	ssyncset.done $0x0  }
0x96: {  	[sflag:s19] =	ssyncadd.s32 $0xFFFFC400  }
0x97: {  	[tilespmem:s9], [sflag:$0x3] =	stream.indirect.gather [hbm4b:s2+s29], $0x80, s26, s29, $0xb8;
	[tilespmem:$0x1F800] =	vst v63  }
0x98: {  	_ =	swait.ge [sflag:s13], $0x3C00  }
0x99: {  	p0 =	seq.s32 s20, $0x2B00;
	[sflag:s13] =	ssyncset.done $0x0  }
0x9a: {  	s18 =	simm.s32 @p0 $0x2;
	[sflag:s13] =	ssyncadd.s32 $0xFFFFC400  }
0x9b: {  	[spmem:s3] =	stream.indirect.scatter.add.f32 [tilespmem:s30], [sflag:$0x7], $0x80, s17, s29, $0xb8;
	[tilespmem:$0x1F800] =	vst v63  }
0x9c: {  	_ =	swait.ge @p0 [sflag:s18], $0x3C00  }
0x9d: {  	s22 =	simm.s32 @p0 $0x14200;
	[sflag:s18] =	ssyncset.done @p0 $0x0  }
0x9e: {  	s24 =	simm.s32 @p0 $0x18000;
	[sflag:s18] =	ssyncadd.s32 @p0 $0xFFFFC400;
	s18 =	simm.s32 @p0 $0x78  }
0x9f: {  	[spmem:s3] =	stream.indirect.scatter.add.f32 @p0 [tilespmem:s24], [sflag:$0x8], $0x80, s22, s18, $0xb8;
	[tilespmem:$0x1F800] =	vst v63  }
0xa0: {  	s18 =	sadd.s32 @!p0 $0xFFFFFF00, s20  }
0xa1: {  	s22 =	sand.u32 @!p0 $0x7C00, s18  }
0xa2: {  	s18 =	sand.u32 @!p0 $0x300, s18;
	s24 =	sadd.s32 @!p0 s8, s22  }
0xa3: {  	s22 =	sadd.s32 @!p0 s7, s22;
	s24 =	sor.u32 @!p0 s18, s24  }
0xa4: {  	s25 =	simm.s32 @!p0 $0x0;
	s18 =	sor.u32 @!p0 s18, s22;
	s24 =	sshrl.u32 @!p0 s24, $0x3  }
0xa5: {  	s26 =	simm.s32 @!p0 $0x13C00;
	s18 =	sshrl.u32 @!p0 s18, $0x3;
	s24 =	sadd.s32 @!p0 s5, s24  }
0xa6: {  	[tilespmem:s26], [sflag:$0x4] =	stream.linear.gather @!p0 [hbm4b:s24+s25], $0x80, $0x38;
	[tilespmem:$0x1F800] =	vst v63  }
0xa7: {  	s22 =	simm.s32 @!p0 $0x14000;
	s18 =	sadd.s32 @!p0 s6, s18  }
0xa8: {  	[tilespmem:s22], [sflag:$0x4] =	stream.linear.gather @!p0 [hbm4b:s18+s25], $0x80, $0x38;
	[tilespmem:$0x1F800] =	vst v63  }
0xa9: {  	s18 =	simm.s32 @!p0 $0x4  }
0xaa: {  	_ =	swait.ge @!p0 [sflag:s18], $0x80  }
0xab: {  	[sflag:s18] =	ssyncset.done @!p0 $0x0  }
0xac: {  	[sflag:s18] =	ssyncadd.s32 @!p0 $0xFFFFFF80  }
0xad: {  	_ =	swait.ge @!p0 [sflag:s18], $0x80  }
0xae: {  	[sflag:s18] =	ssyncset.done @!p0 $0x0  }
0xaf: {  	[sflag:s18] =	ssyncadd.s32 @!p0 $0xFFFFFF80;
	s18 =	simm.s32 @!p0 $0x7  }
0xb0: {  	_ =	swait.ge @!p0 [sflag:s18], $0x3C00  }
0xb1: {  	[sflag:s18] =	ssyncset.done @!p0 $0x0  }
0xb2: {  	s22 =	simm.s32 @!p0 $0x14400;
	[sflag:s18] =	ssyncadd.s32 @!p0 $0xFFFFC400;
	s18 =	simm.s32 @!p0 $0x78  }
0xb3: {  	[tilespmem:s22], [sflag:$0x1] =	stream.indirect.gather @!p0 [hbm4b:s2+s18], $0x80, s26, s18, $0xb8;
	[tilespmem:$0x1F800] =	vst v63  }
0xb4: {  	s22 =	simm.s32 @!p0 $0x2  }
0xb5: {  	_ =	swait.ge @!p0 [sflag:s22], $0x3C00  }
0xb6: {  	[sflag:s22] =	ssyncset.done @!p0 $0x0  }
0xb7: {  	s24 =	simm.s32 @!p0 $0x18000;
	[sflag:s22] =	ssyncadd.s32 @!p0 $0xFFFFC400;
	s22 =	simm.s32 @!p0 $0x14200  }
0xb8: {  	[spmem:s3] =	stream.indirect.scatter.add.f32 @!p0 [tilespmem:s24], [sflag:$0x8], $0x80, s22, s18, $0xb8;
	[tilespmem:$0x1F800] =	vst v63  }
0xb9: {  	s22 =	sadd.s32 @!p0 $0xFFFFFF80, s20  }
0xba: {  	s26 =	sand.u32 @!p0 $0x7C00, s22  }
0xbb: {  	s22 =	sand.u32 @!p0 $0x380, s22;
	s14 =	sadd.s32 @!p0 s8, s26  }
0xbc: {  	s14 =	sor.u32 @!p0 s22, s14  }
0xbd: {  	s14 =	sshrl.u32 @!p0 s14, $0x3  }
0xbe: {  	s0 =	simm.s32 @!p0 $0x13C80;
	s14 =	sadd.s32 @!p0 s5, s14  }
0xbf: {  	[tilespmem:s0], [sflag:$0x5] =	stream.linear.gather @!p0 [hbm4b:s14+s25], $0x80, $0x38;
	[tilespmem:$0x1F800] =	vst v63  }
0xc0: {  	s14 =	sadd.s32 @!p0 s7, s26  }
0xc1: {  	s14 =	sor.u32 @!p0 s22, s14  }
0xc2: {  	s14 =	sshrl.u32 @!p0 s14, $0x3  }
0xc3: {  	s22 =	simm.s32 @!p0 $0x14080;
	s14 =	sadd.s32 @!p0 s6, s14  }
0xc4: {  	[tilespmem:s22], [sflag:$0x5] =	stream.linear.gather @!p0 [hbm4b:s14+s25], $0x80, $0x38;
	[tilespmem:$0x1F800] =	vst v63  }
0xc5: {  	s14 =	simm.s32 @!p0 $0x5  }
0xc6: {  	_ =	swait.ge @!p0 [sflag:s14], $0x80  }
0xc7: {  	[sflag:s14] =	ssyncset.done @!p0 $0x0  }
0xc8: {  	[sflag:s14] =	ssyncadd.s32 @!p0 $0xFFFFFF80  }
0xc9: {  	_ =	swait.ge @!p0 [sflag:s14], $0x80  }
0xca: {  	[sflag:s14] =	ssyncset.done @!p0 $0x0  }
0xcb: {  	[sflag:s14] =	ssyncadd.s32 @!p0 $0xFFFFFF80;
	s14 =	simm.s32 @!p0 $0x8  }
0xcc: {  	_ =	swait.ge @!p0 [sflag:s14], $0x3C00  }
0xcd: {  	[sflag:s14] =	ssyncset.done @!p0 $0x0  }
0xce: {  	[sflag:s14] =	ssyncadd.s32 @!p0 $0xFFFFC400  }
0xcf: {  	[tilespmem:s24], [sflag:$0x2] =	stream.indirect.gather @!p0 [hbm4b:s2+s18], $0x80, s0, s18, $0xb8;
	[tilespmem:$0x1F800] =	vst v63  }
.Ltmp2:
0xd0: {  	_ = 	snop;
	(pc) =	sbr.rel @p0 .LBB2_4-.Ltmp2, $4  }
0xd1: {  	_ =	swait.ge [sflag:s10], $0x3C00  }
0xd2: {  	s15 =	simm.s32 $0x13D00;
	[sflag:s10] =	ssyncset.done $0x0  }
0xd3: {  	s12 =	simm.s32 $0x18000;
	s17 =	simm.s32 $0x14100;
	[sflag:s10] =	ssyncadd.s32 $0xFFFFC400  }
0xd4: {  	[spmem:s3] =	stream.indirect.scatter.add.f32 [tilespmem:s9], [sflag:$0x9], $0x80, s11, s29, $0xb8;
	[tilespmem:$0x1F800] =	vst v63  }
0xd5: {  	s0 =	sadd.s32 $0xFFFFFC00, s20;
	s14 =	sand.u32 $0x7C00, s20  }
0xd6: {  	s18 =	sadd.s32 s8, s14;
	s0 =	sand.u32 $0x300, s0  }
0xd7: {  	s14 =	sadd.s32 s7, s14;
	s18 =	sor.u32 s0, s18  }
.Ltmp3:
0xd8: {  	s0 =	sor.u32 s0, s14;
	s18 =	sshrl.u32 s18, $0x3;
	(pc) =	sbr.rel .LBB2_2-.Ltmp3, $4  }
0xd9: {  	s20 =	sadd.s32 $0x300, s20;
	s0 =	sshrl.u32 s0, $0x3;
	s18 =	sadd.s32 s5, s18  }
0xda: {  	[tilespmem:s15], [sflag:$0x6] =	stream.linear.gather [hbm4b:s18+s4], $0x80, $0x38;
	[tilespmem:$0x1F800] =	vst v63  }
0xdb: {  	s25 =	simm.s32 $0x14100;
	s0 =	sadd.s32 s6, s0;
	s15 =	simm.s32 $0x13D00  }
0xdc: {  	[tilespmem:s17], [sflag:$0x6] =	stream.linear.gather [hbm4b:s0+s4], $0x80, $0x38;
	[tilespmem:$0x1F800] =	vst v63  }
.LBB2_5:
0xdd: {  	_ =	sfence.sel $0x180000  }
0xde: {  	[bflag:$0x0] =	sbarrier.arrive $0xFFFF  }
0xdf: {  	_ =	strace $0x90000047  }
0xe0: {  	s0 =	stileid.u32;
	[bflag:$0x2] =	sbarrier.arrive $0xFFFF  }
0xe1: {  	p0 =	sne.s32 s0, $0x0;
	s0 =	rddreg [dreg:$0x3]  }
0xe2: {  	s0 =	sadd.s32 @!p0 $0x100000, s0  }
0xe3: {  	[sflag:s0] =	ssyncadd.tile.s32 @!p0 $0x1;
	_ =	shalt  }
.Lfunc_end2:
_tile_overlayer_lowered:
.L_overlay_start_2:
0xe4: {  	(tag) =	ssettag $0x2  }
0xe5: {  	s0 =	rddreg [dreg:$0x0];
	s2 =	stileid.u32  }
0xe6: {  	s1 =	rddreg [dreg:$0x1];
	p0 =	sne.s32 s2, $0x0  }
0xe7: {  	s3 =	rddreg [dreg:$0x2];
	[bflag:$0x3] =	sbarrier.arrive $0xFFFF;
	s2 =	simm.s32 @!p0 $0x1C0A  }
0xe8: {  	[timem:s3], [sflag:s2] =	dma.local @!p0 [hbm:s0], s1  }
0xe9: {  	s0 =	simm.s32 @!p0 $0xA  }
0xea: {  	_ =	swait.ge @!p0 [sflag:s0], s1  }
0xeb: {  	s1 =	ssub.s32 @!p0 $0x0, s1;
	[sflag:s0] =	ssyncset.done @!p0 $0x0  }
0xec: {  	[sflag:s0] =	ssyncadd.s32 @!p0 s1  }
0xed: {  	[bflag:$0x3] =	sbarrier.arrive $0xFFFF  }
0xee: {  	_ =	shalt  }

// kernel: kernel.17.cloned.1.call-start
scs
__scs_entry_jumppad:
0x0: {  	(pc) =	sbr.rel $0x88, $3  }
0x1: {  	(tag) =	ssettag $0x0;
	lr =	simm.s32 $0x1  }
0x2: {  	[smem:$0x3F91] =	sst lr;
	_ =	strace $0xD0000000  }
0x3: {  	_ = 	snop  }
0x4: {  	_ = 	snop  }
0x5: {  	_ = 	snop  }
0x6: {  	_ = 	snop  }
0x7: {  	_ = 	snop  }
__scs_overlays_trampoline_lowered:
0x8: {  	[smem:$0x3FA0] =	sst s0  }
0x9: {  	[smem:$0x3FA1] =	sst s1  }
0xa: {  	[smem:$0x3FA2] =	sst s2  }
0xb: {  	[smem:$0x3FA3] =	sst s3  }
0xc: {  	[smem:$0x3FA4] =	sst s4  }
0xd: {  	[smem:$0x3FA5] =	sst s5  }
0xe: {  	[smem:$0x3FA6] =	sst s6  }
0xf: {  	[smem:$0x3FA7] =	sst s7  }
0x10: {  	[smem:$0x3FA8] =	sst s8  }
0x11: {  	[smem:$0x3FA9] =	sst s9;
	s0 =	simm.s32 @!p0 $0x0  }
0x12: {  	s1 =	sld [smem:$0x3F8F];
	s0 =	simm.s32 @p0 $0x1  }
0x13: {  	[smem:$0x3FAA] =	sst s0;
	s0 =	simm.s32 @!p1 $0x0  }
0x14: {  	s2 =	sld [smem:$0x3F8E];
	s0 =	simm.s32 @p1 $0x1  }
0x15: {  	[smem:$0x3FAB] =	sst s0;
	s0 =	simm.s32 @!p2 $0x0  }
0x16: {  	s3 =	sld [smem:$0x3FDB];
	s0 =	simm.s32 @p2 $0x1  }
0x17: {  	s4 =	simm.s32 $0x1BF5;
	[smem:$0x3FAD] =	sst s0  }
0x18: {  	s0 =	sld [smem:$0x3F90];
	_ =	swait.ge [sflag:s4], $0x0  }
0x19: {  	s7 =	sld [smem:$0x3F91]  }
0x1a: {  	s8 =	sadd.s32 $0xFFFFE003, lr  }
0x1b: {  	s9 =	sadd.s32 $0xFFFFFEF7, lr;
	s5 =	simm.s32 $0xFFFFFFFF;
	p2 =	slt.u32 s8, $0xFFFFF086  }
0x1c: {  	p1 =	slt.u32 s9, $0xF7A;
	s5 =	simm.s32 @!p2 $0x0  }
0x1d: {  	s5 =	simm.s32 @p1 $0x1;
	p0 =	seq.s32 s7, s2  }
0x1e: {  	s7 =	smul.u32 @!p0 $0xF7A, s2;
	p2 =	seq.s32 @!p0 s5, $0x0  }
0x1f: {  	s9 =	smul.u32 $0xF7A, s1;
	s8 =	simm.s32 @!p0 $0x1BF5;
	p2 =	por !p2, p0  }
0x20: {  	[sflag:s8] =	ssyncset.s32 @!p0 $0xFFFFF086;
	s6 =	sadd.s32 @!p0 s3, s7;
	s7 =	simm.s32 @!p0 $0x108  }
0x21: {  	s3 =	sadd.s32 s3, s9;
	s6 =	sadd.s32 @!p0 $0x88, s6;
	s7 =	simm.s32 @p2 $0x1082  }
0x22: {  	[simem:s7], [sflag:s8] =	dma.local @!p0 [hbm:s6], $0xF7A  }
0x23: {  	s9 =	sor.u32 $0xD0000000, s2;
	s6 =	simm.s32 $0x108;
	_ =	swait.ge @!p0 [sflag:s8], $0x0  }
0x24: {  	s3 =	sadd.s32 $0x88, s3;
	s6 =	simm.s32 @!p1 $0x1082;
	[sflag:s4] =	ssyncset.s32 $0xFFFFF086  }
0x25: {  	[simem:s6], [sflag:s4] =	dma.local [hbm:s3], $0xF7A  }
0x26: {  	[smem:$0x3F91] =	sst s1;
	(tag) =	ssettag s2;
	_ =	strace s9  }
0x27: {  	s1 =	sld [smem:$0x3FA1]  }
0x28: {  	s2 =	sld [smem:$0x3FA2]  }
0x29: {  	s4 =	sld [smem:$0x3FA4]  }
0x2a: {  	p0 =	seq.s32 s5, $0x0;
	s5 =	sld [smem:$0x3FA5]  }
0x2b: {  	s6 =	sld [smem:$0x3FA6]  }
0x2c: {  	s7 =	sld [smem:$0x3FA7]  }
0x2d: {  	s3 =	simm.s32 $0x108;
	s8 =	sld [smem:$0x3FA8]  }
0x2e: {  	s3 =	simm.s32 @!p0 $0x1082;
	s9 =	sld [smem:$0x3FA9]  }
0x2f: {  	lr =	sadd.s32 s0, s3;
	s0 =	sld [smem:$0x3FA0]  }
0x30: {  	s3 =	sld [smem:$0x3FA3]  }
0x31: {  	[smem:$0x3FAC] =	sst s10  }
0x32: {  	s10 =	sld [smem:$0x3FAA];
	_ =	sdelay $0x3  }
0x33: {  	p0 =	seq.s32 s10, $0x1;
	s10 =	sld [smem:$0x3FAC];
	_ =	sdelay $0x3  }
0x34: {  	[smem:$0x3FAC] =	sst s10  }
0x35: {  	s10 =	sld [smem:$0x3FAB];
	_ =	sdelay $0x3  }
0x36: {  	p1 =	seq.s32 s10, $0x1;
	s10 =	sld [smem:$0x3FAC];
	_ =	sdelay $0x3  }
0x37: {  	[smem:$0x3FAC] =	sst s10  }
0x38: {  	s10 =	sld [smem:$0x3FAD]  }
0x39: {  	_ = 	snop;
	(pc) =	sbr.ind lr, $3  }
0x3a: {  	_ = 	snop  }
0x3b: {  	_ = 	snop  }
0x3c: {  	p2 =	seq.s32 s10, $0x1;
	s10 =	sld [smem:$0x3FAC]  }
0x3d: {  	_ =	shalt  }
0x3e: {  	_ =	shalt  }
0x3f: {  	_ =	shalt  }
0x40: {  	_ =	shalt  }
0x41: {  	_ =	shalt  }
0x42: {  	_ =	shalt  }
0x43: {  	_ =	shalt  }
0x44: {  	_ =	shalt  }
0x45: {  	_ =	shalt  }
0x46: {  	_ =	shalt  }
0x47: {  	_ =	shalt  }
0x48: {  	_ =	shalt  }
0x49: {  	_ =	shalt  }
0x4a: {  	_ =	shalt  }
0x4b: {  	_ =	shalt  }
0x4c: {  	_ =	shalt  }
0x4d: {  	_ =	shalt  }
0x4e: {  	_ =	shalt  }
0x4f: {  	_ =	shalt  }
0x50: {  	_ =	shalt  }
0x51: {  	_ =	shalt  }
0x52: {  	_ =	shalt  }
0x53: {  	_ =	shalt  }
0x54: {  	_ =	shalt  }
0x55: {  	_ =	shalt  }
0x56: {  	_ =	shalt  }
0x57: {  	_ =	shalt  }
0x58: {  	_ =	shalt  }
0x59: {  	_ =	shalt  }
0x5a: {  	_ =	shalt  }
0x5b: {  	_ =	shalt  }
0x5c: {  	_ =	shalt  }
0x5d: {  	_ =	shalt  }
0x5e: {  	_ =	shalt  }
0x5f: {  	_ =	shalt  }
0x60: {  	_ =	shalt  }
0x61: {  	_ =	shalt  }
0x62: {  	_ =	shalt  }
0x63: {  	_ =	shalt  }
0x64: {  	_ =	shalt  }
0x65: {  	_ =	shalt  }
0x66: {  	_ =	shalt  }
0x67: {  	_ =	shalt  }
0x68: {  	_ =	shalt  }
0x69: {  	_ =	shalt  }
0x6a: {  	_ =	shalt  }
0x6b: {  	_ =	shalt  }
0x6c: {  	_ =	shalt  }
0x6d: {  	_ =	shalt  }
0x6e: {  	_ =	shalt  }
0x6f: {  	_ =	shalt  }
0x70: {  	_ =	shalt  }
0x71: {  	_ =	shalt  }
0x72: {  	_ =	shalt  }
0x73: {  	_ =	shalt  }
0x74: {  	_ =	shalt  }
0x75: {  	_ =	shalt  }
0x76: {  	_ =	shalt  }
0x77: {  	_ =	shalt  }
0x78: {  	_ =	shalt  }
0x79: {  	_ =	shalt  }
0x7a: {  	_ =	shalt  }
0x7b: {  	_ =	shalt  }
0x7c: {  	_ =	shalt  }
0x7d: {  	_ =	shalt  }
0x7e: {  	_ =	shalt  }
0x7f: {  	_ =	shalt  }
0x80: {  	_ =	shalt  }
0x81: {  	_ =	shalt  }
0x82: {  	_ =	shalt  }
0x83: {  	_ =	shalt  }
0x84: {  	_ =	shalt  }
0x85: {  	_ =	shalt  }
0x86: {  	_ =	shalt  }
0x87: {  	_ =	shalt  }
.Lfunc_end0:
.L_simem_size_0:
called_computation.2_lowered:
.L_overlay_start_0:
0x88: {  	s2 =	sld [smem:$0x3FD9]  }
0x89: {  	s3 =	sld [smem:$0x3FFE];
	_ =	sdelay $0x1  }
0x8a: {  	s1 =	srdreg.scid  }
0x8b: {  	s0 =	sand.u32 $0x1, s1  }
0x8c: {  	s16 =	sshll.u32 s0, $0xA;
	s2 =	sadd.s32 s3, s2  }
0x8d: {  	s2 =	sadd.s32 s2, s16  }
0x8e: {  	[smem:$0x3FB8] =	sst s2  }
0x8f: {  	_ = 	snop  }
0x90: {  	(tm) =	ssettm $0x1  }
0x91: {  	s17 =	sld [smem:$0x3FFB];
	_ =	sdelay $0x3  }
0x92: {  	_ =	strace s17  }
0x93: {  	s2 =	sld [smem:$0x3FFC];
	_ =	sdelay $0x3  }
0x94: {  	_ =	strace s2  }
0x95: {  	s2 =	sld [smem:$0x3FFD];
	_ =	sdelay $0x3  }
0x96: {  	_ =	strace s2  }
0x97: {  	_ =	strace $0x8FFFFFFF  }
0x98: {  	s18 =	sld [smem:$0x3FDB];
	_ =	sdelay $0x1  }
0x99: {  	s19 =	simm.s32 $_scs_section_size  }
0x9a: {  	s4 =	simm.s32 $_size__tile_overlayer_lowered;
	s5 =	simm.s32 $_tile_overlayer_lowered  }
0x9b: {  	s22 =	simm.s32 $0x1BFF;
	s21 =	sshll.u32 s5, $0x1;
	s2 =	sadd.s32 s19, s18  }
0x9c: {  	s6 =	simm.s32 $0x0;
	s20 =	sshll.u32 s4, $0x1;
	s4 =	sadd.s32 s21, s2  }
0x9d: {  	[timem:s6], [sflag:s22] =	dma.local [hbm:s4], s20  }
0x9e: {  	_ =	swait.ge [sflag:s22], s20  }
0x9f: {  	s3 =	ssub.s32 $0x0, s20;
	[sflag:s22] =	ssyncset.done $0x0  }
0xa0: {  	[sflag:s22] =	ssyncadd.s32 s3;
	_ =	sdelay $0x1  }
0xa1: {  	s23 =	simm.s32 $0x1B8B  }
0xa2: {  	_ =	swait.ge [sflag:s23], $0x1  }
0xa3: {  	[sflag:s23] =	ssyncset.done $0x0  }
0xa4: {  	s25 =	simm.s32 $0x1B8E;
	s24 =	sld [smem:$0x3FFE];
	[sflag:s23] =	ssyncadd.s32 $0xFFFFFFFF  }
0xa5: {  	s26 =	simm.s32 $execute0_lowered;
	[smem:$0x3FD2] =	sst s25  }
0xa6: {  	s4 =	sshll.u32 s26, $0x1;
	_ =	strace $0x8000004C;
	[dreg:$0x1] =	wrdreg $0xFFFFFFFF  }
0xa7: {  	s28 =	simm.s32 $_size_execute0_lowered;
	s2 =	sadd.s32 s2, s4;
	[dreg:$0x0] =	wrdreg $0x0  }
0xa8: {  	s4 =	sshll.u32 s28, $0x1;
	[dreg:$0x2] =	wrdreg s2  }
0xa9: {  	[dreg:$0x3] =	wrdreg s4  }
0xaa: {  	[dreg:$0x4] =	wrdreg $0xC0  }
0xab: {  	_ =	task [dreg:s6], $0x5FFFF  }
0xac: {  	[dreg:$0x1] =	wrdreg $0xFFFFFFFF  }
0xad: {  	[dreg:$0x0] =	wrdreg $0x60  }
0xae: {  	[dreg:$0x2] =	wrdreg s24  }
0xaf: {  	[dreg:$0x3] =	wrdreg $0x0  }
0xb0: {  	[dreg:$0x4] =	wrdreg $0x9  }
0xb1: {  	_ =	task.clear_ibuf [dreg:s6], $0x5FFFF;
	_ =	strace $0x9000004C  }
0xb2: {  	s29 =	simm.s32 $0x9;
	_ =	strace $0x8000004E  }
0xb3: {  	_ =	swait.ge [sflag:s29], $0x1  }
0xb4: {  	[sflag:s29] =	ssyncadd.s32 $0xFFFFFFFF  }
0xb5: {  	_ =	strace $0x9000004E  }
0xb6: {  	_ =	sfence  }
0xb7: {  	s30 =	sld [smem:$0x0];
	_ =	sdelay $0x2  }
0xb8: {  	s31 =	sshll.u32 s1, $0xD;
	s1 =	sshrl.u32 s1, $0x2  }
0xb9: {  	s3 =	sand.u32 $0x4000, s31;
	s1 =	sadd.s32 s1, s30  }
0xba: {  	s0 =	sor.u32 s3, s0;
	s1 =	sshll.u32 s1, $0x11  }
0xbb: {  	s0 =	sor.u32 s1, s0  }
0xbc: {  	s0 =	sadd.s32 $0x8F2B, s0  }
0xbd: {  	[sflag:s0] =	ssyncadd.remote.s32 $0x1  }
0xbe: {  	_ =	sfence.sel $0xFFFF  }
0xbf: {  	[dreg:$0x0] =	wrdreg $0xFFFFFFFF;
	(pc) =	sbr.abs _section_cstart, $3  }
0xc0: {  	[dreg:$0x1] =	wrdreg $0xFFFFFFFF  }
0xc1: {  	_ =	task.clear_ibuf [dreg:s6], $0x2FFFF;
	_ =	strace $0x9FFFFFFF  }
0xc2: {  	(tm) =	ssettm $0x7FFFFFFF  }
0xc3: {  	_ =	shalt  }
tec
execute0_lowered:
.L_overlay_start_1:
0x0: {  	(tag) =	ssettag $0x1  }
0x1: {  	s0 =	rddreg [dreg:$0x0]  }
0x2: {  	s2 =	rddreg [dreg:$0x1];
	s13 =	stileid.u32  }
0x3: {  	s1 =	srdreg.scid;
	s3 =	simm.s32 $0x0;
	s15 =	simm.s32 $0x13D00  }
0x4: {  	s28 =	simm.s32 $0x4;
	s29 =	simm.s32 $0x78;
	s30 =	simm.s32 $0x14400  }
0x5: {  	s31 =	simm.s32 $0x5;
	s16 =	simm.s32 $0x7;
	s8 =	smul.u32 $0x2780, s13  }
0x6: {  	s1 =	sand.u32 $0x1, s1;
	[smem:$0x7FF] =	sst s3;
	s4 =	sadd.s32 $0xF2000, s0  }
0x7: {  	s9 =	smul.u32 $0x4F000, s13;
	s5 =	sadd.s32 $0x7800, s0;
	s6 =	sadd.s32 $0x2000, s0  }
0x8: {  	s20 =	sshll.u32 s13, $0x6;
	s7 =	smul.u32 $0x27800, s1;
	_ =	strace $0x8000004D  }
0x9: {  	s10 =	smul.u32 $0x2C000, s1;
	s1 =	ssub.s32 $0x2, s1;
	s14 =	sor.u32 $0x1C0A, s20  }
0xa: {  	s20 =	simm.s32 $0xA;
	s12 =	sadd.s32 s8, s0;
	s17 =	sshrl.u32 s1, $0x1  }
0xb: {  	s9 =	sshrl.u32 s9, $0x2;
	[dreg:$0x5] =	wrdreg s14;
	s11 =	sadd.s32 s8, s7  }
0xc: {  	s7 =	smul.u32 $0x2C00, s13;
	s1 =	ssub.s32 s1, s17;
	s9 =	sadd.s32 s9, s2  }
0xd: {  	s18 =	sadd.s32 $0x12800, s12;
	s12 =	simm.s32 $0x18000;
	s13 =	simm.s32 $0x1  }
0xe: {  	s17 =	simm.s32 $0x0;
	s0 =	sadd.s32 s11, s0;
	[dreg:$0x3] =	wrdreg s18  }
0xf: {  	s26 =	smax.u32 s1, $0x1;
	s18 =	sshrl.u32 s9, $0x3;
	s1 =	simm.s32 $0x6  }
0x10: {  	s9 =	simm.s32 $0x1BC00;
	s11 =	simm.s32 $0x14280;
	[dreg:$0xc] =	wrdreg s26  }
0x11: {  	s22 =	sshrl.u32 s7, $0x3;
	s0 =	sadd.s32 $0x3A000, s0;
	[dreg:$0xd] =	wrdreg s18  }
0x12: {  	s8 =	sadd.s32 s7, s10;
	s10 =	sadd.s32 s6, s22;
	[dreg:$0xb] =	wrdreg s0  }
0x13: {  	s19 =	sshrl.u32 s8, $0x3;
	s24 =	sadd.s32 $0x10, s10;
	[dreg:$0x6] =	wrdreg s10  }
.Ltmp0:
0x14: {  	s21 =	sadd.s32 s5, s19;
	[dreg:$0x8] =	wrdreg s24;
	(pc) =	sbr.rel .LBB2_1-.Ltmp0, $4  }
0x15: {  	s10 =	sadd.s32 $0x20, s10;
	s19 =	simm.s32 $0x9;
	[dreg:$0x4] =	wrdreg s21  }
0x16: {  	s23 =	sadd.s32 $0x10, s21;
	s25 =	sadd.s32 $0x20, s21;
	[dreg:$0xa] =	wrdreg s10  }
0x17: {  	s21 =	simm.s32 $0x2;
	s10 =	simm.s32 $0x3;
	[dreg:$0x7] =	wrdreg s23  }
0x18: {  	[dreg:$0x9] =	wrdreg s25;
	s25 =	simm.s32 $0x14100;
	s23 =	simm.s32 $0x8  }
.LBB2_4:
0x19: {  	_ =	swait.ge [sflag:s16], $0x3C00  }
0x1a: {  	[sflag:s16] =	ssyncset.done $0x0  }
0x1b: {  	[sflag:s16] =	ssyncadd.s32 $0xFFFFC400  }
0x1c: {  	_ =	swait.ge [sflag:s23], $0x3C00  }
0x1d: {  	[sflag:s23] =	ssyncset.done $0x0  }
0x1e: {  	[sflag:s23] =	ssyncadd.s32 $0xFFFFC400  }
0x1f: {  	_ =	swait.ge [sflag:s19], $0x3C00  }
0x20: {  	[sflag:s19] =	ssyncset.done $0x0  }
0x21: {  	[sflag:s19] =	ssyncadd.s32 $0xFFFFC400  }
0x22: {  	[bflag:$0x0] =	sbarrier.arrive $0xFFFF  }
0x23: {  	s14 =	rddreg [dreg:$0x5]  }
0x24: {  	s0 =	rddreg [dreg:$0xb]  }
0x25: {  	s20 =	simm.s32 $0xA;
	s18 =	rddreg [dreg:$0xd]  }
0x26: {  	[hbm:s0], [sflag:s14] =	dma.local [spmem:s18], $0x2780  }
0x27: {  	_ =	swait.ge [sflag:s20], $0x2780  }
0x28: {  	s17 =	rddreg [dreg:$0xe]  }
0x29: {  	s26 =	rddreg [dreg:$0xc];
	s17 =	sadd.s32 $0x1, s17  }
0x2a: {  	p0 =	sne.s32 s17, s26  }
.Ltmp1:
0x2b: {  	_ = 	snop;
	(pc) =	sbr.rel @!p0 .LBB2_5-.Ltmp1, $3  }
0x2c: {  	_ =	sdelay $0x1  }
0x2d: {  	[sflag:s20] =	ssyncset.done $0x0  }
0x2e: {  	s15 =	simm.s32 $0x13D00;
	s25 =	simm.s32 $0x14100;
	[sflag:s20] =	ssyncadd.s32 $0xFFFFD880  }
.LBB2_1:
0x2f: {  	[dreg:$0xe] =	wrdreg s17  }
0x30: {  	s0 =	rddreg [dreg:$0x3]  }
0x31: {  	[spmem:s18], [sflag:s14] =	dma.local [hbm:s0], $0x2780  }
0x32: {  	_ =	swait.ge [sflag:s20], $0x2780  }
0x33: {  	[sflag:s20] =	ssyncset.done $0x0  }
0x34: {  	[sflag:s20] =	ssyncadd.s32 $0xFFFFD880  }
0x35: {  	[bflag:$0x0] =	sbarrier.arrive $0xFFFF  }
0x36: {  	s14 =	simm.s32 $0x13C00;
	s20 =	rddreg [dreg:$0x4]  }
0x37: {  	[tilespmem:s14], [sflag:$0x4] =	stream.linear.gather [hbm4b:s20+s3], $0x80, $0x38;
	[tilespmem:$0x1F800] =	vst v63  }
0x38: {  	s24 =	simm.s32 $0x14000;
	s22 =	rddreg [dreg:$0x6]  }
0x39: {  	[tilespmem:s24], [sflag:$0x4] =	stream.linear.gather [hbm4b:s22+s3], $0x80, $0x38;
	[tilespmem:$0x1F800] =	vst v63  }
0x3a: {  	s17 =	simm.s32 $0x13C80;
	s26 =	rddreg [dreg:$0x7]  }
0x3b: {  	[tilespmem:s17], [sflag:$0x5] =	stream.linear.gather [hbm4b:s26+s3], $0x80, $0x38;
	[tilespmem:$0x1F800] =	vst v63  }
0x3c: {  	s20 =	rddreg [dreg:$0x8];
	s22 =	simm.s32 $0x14080  }
0x3d: {  	[tilespmem:s22], [sflag:$0x5] =	stream.linear.gather [hbm4b:s20+s3], $0x80, $0x38;
	[tilespmem:$0x1F800] =	vst v63  }
0x3e: {  	s24 =	rddreg [dreg:$0x9]  }
0x3f: {  	[tilespmem:s15], [sflag:$0x6] =	stream.linear.gather [hbm4b:s24+s3], $0x80, $0x38;
	[tilespmem:$0x1F800] =	vst v63  }
0x40: {  	s26 =	rddreg [dreg:$0xa]  }
0x41: {  	[tilespmem:s25], [sflag:$0x6] =	stream.linear.gather [hbm4b:s26+s3], $0x80, $0x38;
	[tilespmem:$0x1F800] =	vst v63  }
0x42: {  	_ =	swait.ge [sflag:s28], $0x80  }
0x43: {  	[sflag:s28] =	ssyncset.done $0x0  }
0x44: {  	[sflag:s28] =	ssyncadd.s32 $0xFFFFFF80  }
0x45: {  	_ =	swait.ge [sflag:s28], $0x80  }
0x46: {  	[sflag:s28] =	ssyncset.done $0x0  }
0x47: {  	[sflag:s28] =	ssyncadd.s32 $0xFFFFFF80  }
0x48: {  	[tilespmem:s30], [sflag:$0x1] =	stream.indirect.gather [hbm4b:s4+s29], $0x80, s14, s29, $0xb8;
	[tilespmem:$0x1F800] =	vst v63  }
0x49: {  	_ =	swait.ge [sflag:s31], $0x80  }
0x4a: {  	[sflag:s31] =	ssyncset.done $0x0  }
0x4b: {  	[sflag:s31] =	ssyncadd.s32 $0xFFFFFF80  }
0x4c: {  	_ =	swait.ge [sflag:s31], $0x80  }
0x4d: {  	[sflag:s31] =	ssyncset.done $0x0  }
0x4e: {  	s20 =	simm.s32 $0x400;
	[sflag:s31] =	ssyncadd.s32 $0xFFFFFF80  }
0x4f: {  	[tilespmem:s12], [sflag:$0x2] =	stream.indirect.gather [hbm4b:s4+s29], $0x80, s17, s29, $0xb8;
	[tilespmem:$0x1F800] =	vst v63  }
.LBB2_2:
0x50: {  	_ =	swait.ge [sflag:s1], $0x80  }
0x51: {  	[sflag:s1] =	ssyncset.done $0x0  }
0x52: {  	[sflag:s1] =	ssyncadd.s32 $0xFFFFFF80  }
0x53: {  	_ =	swait.ge [sflag:s1], $0x80  }
0x54: {  	p0 =	seq.s32 s20, $0x400;
	[sflag:s1] =	ssyncset.done $0x0  }
0x55: {  	s22 =	simm.s32 @!p0 $0x9;
	[sflag:s1] =	ssyncadd.s32 $0xFFFFFF80  }
0x56: {  	_ =	swait.ge @!p0 [sflag:s22], $0x3C00  }
0x57: {  	s12 =	sadd.s32 $0xFFFFFD80, s20;
	[sflag:s22] =	ssyncset.done @!p0 $0x0  }
0x58: {  	s24 =	sand.u32 $0x7C00, s12;
	[sflag:s22] =	ssyncadd.s32 @!p0 $0xFFFFC400  }
0x59: {  	[tilespmem:s9], [sflag:$0x3] =	stream.indirect.gather [hbm4b:s4+s29], $0x80, s15, s29, $0xb8;
	[tilespmem:$0x1F800] =	vst v63  }
0x5a: {  	s18 =	sadd.s32 s8, s24;
	s22 =	sand.u32 $0x380, s12;
	_ =	swait.ge [sflag:s13], $0x3C00  }
0x5b: {  	s18 =	sor.u32 s22, s18;
	[sflag:s13] =	ssyncset.done $0x0  }
0x5c: {  	s0 =	simm.s32 $0x14000;
	s18 =	sshrl.u32 s18, $0x3;
	[sflag:s13] =	ssyncadd.s32 $0xFFFFC400  }
0x5d: {  	[spmem:s2] =	stream.indirect.scatter.add.f32 [tilespmem:s30], [sflag:$0x7], $0x80, s0, s29, $0xb8;
	[tilespmem:$0x1F800] =	vst v63  }
0x5e: {  	s14 =	simm.s32 $0x13D80;
	s17 =	sadd.s32 s7, s24;
	s18 =	sadd.s32 s5, s18  }
0x5f: {  	[tilespmem:s14], [sflag:$0x4] =	stream.linear.gather [hbm4b:s18+s3], $0x80, $0x38;
	[tilespmem:$0x1F800] =	vst v63  }
0x60: {  	s18 =	sor.u32 s22, s17  }
0x61: {  	s18 =	sshrl.u32 s18, $0x3  }
0x62: {  	s17 =	simm.s32 $0x14180;
	s18 =	sadd.s32 s6, s18  }
0x63: {  	[tilespmem:s17], [sflag:$0x4] =	stream.linear.gather [hbm4b:s18+s3], $0x80, $0x38;
	[tilespmem:$0x1F800] =	vst v63  }
0x64: {  	_ =	swait.ge [sflag:s28], $0x80  }
0x65: {  	[sflag:s28] =	ssyncset.done $0x0  }
0x66: {  	[sflag:s28] =	ssyncadd.s32 $0xFFFFFF80  }
0x67: {  	_ =	swait.ge [sflag:s28], $0x80  }
0x68: {  	[sflag:s28] =	ssyncset.done $0x0  }
0x69: {  	[sflag:s28] =	ssyncadd.s32 $0xFFFFFF80  }
0x6a: {  	_ =	swait.ge [sflag:s16], $0x3C00  }
0x6b: {  	[sflag:s16] =	ssyncset.done $0x0  }
0x6c: {  	s26 =	sadd.s32 $0xFFFFFE00, s20;
	[sflag:s16] =	ssyncadd.s32 $0xFFFFC400  }
0x6d: {  	[tilespmem:s30], [sflag:$0x1] =	stream.indirect.gather [hbm4b:s4+s29], $0x80, s14, s29, $0xb8;
	[tilespmem:$0x1F800] =	vst v63  }
0x6e: {  	s0 =	sand.u32 $0x7C00, s26;
	_ =	swait.ge [sflag:s21], $0x3C00  }
0x6f: {  	s24 =	simm.s32 $0x14080;
	s12 =	sadd.s32 s8, s0;
	[sflag:s21] =	ssyncset.done $0x0  }
0x70: {  	s18 =	sand.u32 $0x300, s26;
	s14 =	simm.s32 $0x18000;
	[sflag:s21] =	ssyncadd.s32 $0xFFFFC400  }
0x71: {  	[spmem:s2] =	stream.indirect.scatter.add.f32 [tilespmem:s14], [sflag:$0x8], $0x80, s24, s29, $0xb8;
	[tilespmem:$0x1F800] =	vst v63  }
0x72: {  	s22 =	sadd.s32 s7, s0;
	s24 =	sor.u32 s18, s12  }
0x73: {  	s18 =	sor.u32 s18, s22;
	s24 =	sshrl.u32 s24, $0x3  }
0x74: {  	s26 =	simm.s32 $0x13E00;
	s18 =	sshrl.u32 s18, $0x3;
	s24 =	sadd.s32 s5, s24  }
0x75: {  	[tilespmem:s26], [sflag:$0x5] =	stream.linear.gather [hbm4b:s24+s3], $0x80, $0x38;
	[tilespmem:$0x1F800] =	vst v63  }
0x76: {  	s12 =	simm.s32 $0x14200;
	s18 =	sadd.s32 s6, s18  }
0x77: {  	[tilespmem:s12], [sflag:$0x5] =	stream.linear.gather [hbm4b:s18+s3], $0x80, $0x38;
	[tilespmem:$0x1F800] =	vst v63  }
0x78: {  	_ =	swait.ge [sflag:s31], $0x80  }
0x79: {  	[sflag:s31] =	ssyncset.done $0x0  }
0x7a: {  	[sflag:s31] =	ssyncadd.s32 $0xFFFFFF80  }
0x7b: {  	_ =	swait.ge [sflag:s31], $0x80  }
0x7c: {  	[sflag:s31] =	ssyncset.done $0x0  }
0x7d: {  	[sflag:s31] =	ssyncadd.s32 $0xFFFFFF80  }
0x7e: {  	_ =	swait.ge [sflag:s23], $0x3C00  }
0x7f: {  	[sflag:s23] =	ssyncset.done $0x0  }
0x80: {  	[sflag:s23] =	ssyncadd.s32 $0xFFFFC400  }
0x81: {  	[tilespmem:s14], [sflag:$0x2] =	stream.indirect.gather [hbm4b:s4+s29], $0x80, s26, s29, $0xb8;
	[tilespmem:$0x1F800] =	vst v63  }
0x82: {  	_ =	swait.ge [sflag:s10], $0x3C00  }
0x83: {  	s0 =	sadd.s32 $0xFFFFFE80, s20;
	[sflag:s10] =	ssyncset.done $0x0  }
0x84: {  	s14 =	sand.u32 $0x7C00, s0;
	[sflag:s10] =	ssyncadd.s32 $0xFFFFC400  }
0x85: {  	[spmem:s2] =	stream.indirect.scatter.add.f32 [tilespmem:s9], [sflag:$0x9], $0x80, s25, s29, $0xb8;
	[tilespmem:$0x1F800] =	vst v63  }
0x86: {  	s18 =	sand.u32 $0x380, s0;
	s25 =	sadd.s32 s8, s14  }
0x87: {  	s22 =	sadd.s32 s7, s14;
	s24 =	sor.u32 s18, s25  }
0x88: {  	s18 =	sor.u32 s18, s22;
	s24 =	sshrl.u32 s24, $0x3  }
0x89: {  	s26 =	simm.s32 $0x13E80;
	s18 =	sshrl.u32 s18, $0x3;
	s24 =	sadd.s32 s5, s24  }
0x8a: {  	[tilespmem:s26], [sflag:$0x6] =	stream.linear.gather [hbm4b:s24+s3], $0x80, $0x38;
	[tilespmem:$0x1F800] =	vst v63  }
0x8b: {  	s18 =	sadd.s32 s6, s18  }
0x8c: {  	[tilespmem:s11], [sflag:$0x6] =	stream.linear.gather [hbm4b:s18+s3], $0x80, $0x38;
	[tilespmem:$0x1F800] =	vst v63  }
0x8d: {  	_ =	swait.ge [sflag:s1], $0x80  }
0x8e: {  	[sflag:s1] =	ssyncset.done $0x0  }
0x8f: {  	[sflag:s1] =	ssyncadd.s32 $0xFFFFFF80  }
0x90: {  	_ =	swait.ge [sflag:s1], $0x80  }
0x91: {  	[sflag:s1] =	ssyncset.done $0x0  }
0x92: {  	[sflag:s1] =	ssyncadd.s32 $0xFFFFFF80  }
0x93: {  	_ =	swait.ge [sflag:s19], $0x3C00  }
0x94: {  	[sflag:s19] =	ssyncset.done $0x0  }
0x95: {  	[sflag:s19] =	ssyncadd.s32 $0xFFFFC400  }
0x96: {  	[tilespmem:s9], [sflag:$0x3] =	stream.indirect.gather [hbm4b:s4+s29], $0x80, s26, s29, $0xb8;
	[tilespmem:$0x1F800] =	vst v63  }
0x97: {  	_ =	swait.ge [sflag:s13], $0x3C00  }
0x98: {  	p0 =	seq.s32 s20, $0x2B00;
	[sflag:s13] =	ssyncset.done $0x0  }
0x99: {  	s18 =	simm.s32 @p0 $0x2;
	[sflag:s13] =	ssyncadd.s32 $0xFFFFC400  }
0x9a: {  	[spmem:s2] =	stream.indirect.scatter.add.f32 [tilespmem:s30], [sflag:$0x7], $0x80, s17, s29, $0xb8;
	[tilespmem:$0x1F800] =	vst v63  }
0x9b: {  	_ =	swait.ge @p0 [sflag:s18], $0x3C00  }
0x9c: {  	s22 =	simm.s32 @p0 $0x14200;
	[sflag:s18] =	ssyncset.done @p0 $0x0  }
0x9d: {  	s24 =	simm.s32 @p0 $0x18000;
	[sflag:s18] =	ssyncadd.s32 @p0 $0xFFFFC400;
	s18 =	simm.s32 @p0 $0x78  }
0x9e: {  	[spmem:s2] =	stream.indirect.scatter.add.f32 @p0 [tilespmem:s24], [sflag:$0x8], $0x80, s22, s18, $0xb8;
	[tilespmem:$0x1F800] =	vst v63  }
0x9f: {  	s18 =	sadd.s32 @!p0 $0xFFFFFF00, s20  }
0xa0: {  	s22 =	sand.u32 @!p0 $0x7C00, s18  }
0xa1: {  	s18 =	sand.u32 @!p0 $0x300, s18;
	s24 =	sadd.s32 @!p0 s8, s22  }
0xa2: {  	s22 =	sadd.s32 @!p0 s7, s22;
	s24 =	sor.u32 @!p0 s18, s24  }
0xa3: {  	s25 =	simm.s32 @!p0 $0x0;
	s18 =	sor.u32 @!p0 s18, s22;
	s24 =	sshrl.u32 @!p0 s24, $0x3  }
0xa4: {  	s26 =	simm.s32 @!p0 $0x13C00;
	s18 =	sshrl.u32 @!p0 s18, $0x3;
	s24 =	sadd.s32 @!p0 s5, s24  }
0xa5: {  	[tilespmem:s26], [sflag:$0x4] =	stream.linear.gather @!p0 [hbm4b:s24+s25], $0x80, $0x38;
	[tilespmem:$0x1F800] =	vst v63  }
0xa6: {  	s22 =	simm.s32 @!p0 $0x14000;
	s18 =	sadd.s32 @!p0 s6, s18  }
0xa7: {  	[tilespmem:s22], [sflag:$0x4] =	stream.linear.gather @!p0 [hbm4b:s18+s25], $0x80, $0x38;
	[tilespmem:$0x1F800] =	vst v63  }
0xa8: {  	s18 =	simm.s32 @!p0 $0x4  }
0xa9: {  	_ =	swait.ge @!p0 [sflag:s18], $0x80  }
0xaa: {  	[sflag:s18] =	ssyncset.done @!p0 $0x0  }
0xab: {  	[sflag:s18] =	ssyncadd.s32 @!p0 $0xFFFFFF80  }
0xac: {  	_ =	swait.ge @!p0 [sflag:s18], $0x80  }
0xad: {  	[sflag:s18] =	ssyncset.done @!p0 $0x0  }
0xae: {  	[sflag:s18] =	ssyncadd.s32 @!p0 $0xFFFFFF80;
	s18 =	simm.s32 @!p0 $0x7  }
0xaf: {  	_ =	swait.ge @!p0 [sflag:s18], $0x3C00  }
0xb0: {  	[sflag:s18] =	ssyncset.done @!p0 $0x0  }
0xb1: {  	s22 =	simm.s32 @!p0 $0x14400;
	[sflag:s18] =	ssyncadd.s32 @!p0 $0xFFFFC400;
	s18 =	simm.s32 @!p0 $0x78  }
0xb2: {  	[tilespmem:s22], [sflag:$0x1] =	stream.indirect.gather @!p0 [hbm4b:s4+s18], $0x80, s26, s18, $0xb8;
	[tilespmem:$0x1F800] =	vst v63  }
0xb3: {  	s22 =	simm.s32 @!p0 $0x2  }
0xb4: {  	_ =	swait.ge @!p0 [sflag:s22], $0x3C00  }
0xb5: {  	[sflag:s22] =	ssyncset.done @!p0 $0x0  }
0xb6: {  	s24 =	simm.s32 @!p0 $0x18000;
	[sflag:s22] =	ssyncadd.s32 @!p0 $0xFFFFC400;
	s22 =	simm.s32 @!p0 $0x14200  }
0xb7: {  	[spmem:s2] =	stream.indirect.scatter.add.f32 @!p0 [tilespmem:s24], [sflag:$0x8], $0x80, s22, s18, $0xb8;
	[tilespmem:$0x1F800] =	vst v63  }
0xb8: {  	s22 =	sadd.s32 @!p0 $0xFFFFFF80, s20  }
0xb9: {  	s26 =	sand.u32 @!p0 $0x7C00, s22  }
0xba: {  	s22 =	sand.u32 @!p0 $0x380, s22;
	s14 =	sadd.s32 @!p0 s8, s26  }
0xbb: {  	s14 =	sor.u32 @!p0 s22, s14  }
0xbc: {  	s14 =	sshrl.u32 @!p0 s14, $0x3  }
0xbd: {  	s0 =	simm.s32 @!p0 $0x13C80;
	s14 =	sadd.s32 @!p0 s5, s14  }
0xbe: {  	[tilespmem:s0], [sflag:$0x5] =	stream.linear.gather @!p0 [hbm4b:s14+s25], $0x80, $0x38;
	[tilespmem:$0x1F800] =	vst v63  }
0xbf: {  	s14 =	sadd.s32 @!p0 s7, s26  }
0xc0: {  	s14 =	sor.u32 @!p0 s22, s14  }
0xc1: {  	s14 =	sshrl.u32 @!p0 s14, $0x3  }
0xc2: {  	s22 =	simm.s32 @!p0 $0x14080;
	s14 =	sadd.s32 @!p0 s6, s14  }
0xc3: {  	[tilespmem:s22], [sflag:$0x5] =	stream.linear.gather @!p0 [hbm4b:s14+s25], $0x80, $0x38;
	[tilespmem:$0x1F800] =	vst v63  }
0xc4: {  	s14 =	simm.s32 @!p0 $0x5  }
0xc5: {  	_ =	swait.ge @!p0 [sflag:s14], $0x80  }
0xc6: {  	[sflag:s14] =	ssyncset.done @!p0 $0x0  }
0xc7: {  	[sflag:s14] =	ssyncadd.s32 @!p0 $0xFFFFFF80  }
0xc8: {  	_ =	swait.ge @!p0 [sflag:s14], $0x80  }
0xc9: {  	[sflag:s14] =	ssyncset.done @!p0 $0x0  }
0xca: {  	[sflag:s14] =	ssyncadd.s32 @!p0 $0xFFFFFF80;
	s14 =	simm.s32 @!p0 $0x8  }
0xcb: {  	_ =	swait.ge @!p0 [sflag:s14], $0x3C00  }
0xcc: {  	[sflag:s14] =	ssyncset.done @!p0 $0x0  }
0xcd: {  	[sflag:s14] =	ssyncadd.s32 @!p0 $0xFFFFC400  }
0xce: {  	[tilespmem:s24], [sflag:$0x2] =	stream.indirect.gather @!p0 [hbm4b:s4+s18], $0x80, s0, s18, $0xb8;
	[tilespmem:$0x1F800] =	vst v63  }
.Ltmp2:
0xcf: {  	_ = 	snop;
	(pc) =	sbr.rel @p0 .LBB2_4-.Ltmp2, $4  }
0xd0: {  	_ =	swait.ge [sflag:s10], $0x3C00  }
0xd1: {  	s15 =	simm.s32 $0x13D00;
	[sflag:s10] =	ssyncset.done $0x0  }
0xd2: {  	s12 =	simm.s32 $0x18000;
	s17 =	simm.s32 $0x14100;
	[sflag:s10] =	ssyncadd.s32 $0xFFFFC400  }
0xd3: {  	[spmem:s2] =	stream.indirect.scatter.add.f32 [tilespmem:s9], [sflag:$0x9], $0x80, s11, s29, $0xb8;
	[tilespmem:$0x1F800] =	vst v63  }
0xd4: {  	s0 =	sadd.s32 $0xFFFFFC00, s20;
	s14 =	sand.u32 $0x7C00, s20  }
0xd5: {  	s18 =	sadd.s32 s8, s14;
	s0 =	sand.u32 $0x300, s0  }
0xd6: {  	s14 =	sadd.s32 s7, s14;
	s18 =	sor.u32 s0, s18  }
.Ltmp3:
0xd7: {  	s0 =	sor.u32 s0, s14;
	s18 =	sshrl.u32 s18, $0x3;
	(pc) =	sbr.rel .LBB2_2-.Ltmp3, $4  }
0xd8: {  	s20 =	sadd.s32 $0x300, s20;
	s0 =	sshrl.u32 s0, $0x3;
	s18 =	sadd.s32 s5, s18  }
0xd9: {  	[tilespmem:s15], [sflag:$0x6] =	stream.linear.gather [hbm4b:s18+s3], $0x80, $0x38;
	[tilespmem:$0x1F800] =	vst v63  }
0xda: {  	s25 =	simm.s32 $0x14100;
	s0 =	sadd.s32 s6, s0;
	s15 =	simm.s32 $0x13D00  }
0xdb: {  	[tilespmem:s17], [sflag:$0x6] =	stream.linear.gather [hbm4b:s0+s3], $0x80, $0x38;
	[tilespmem:$0x1F800] =	vst v63  }
.LBB2_5:
0xdc: {  	_ =	sfence.sel $0x180000  }
0xdd: {  	[bflag:$0x0] =	sbarrier.arrive $0xFFFF  }
0xde: {  	_ =	strace $0x9000004D  }
0xdf: {  	s0 =	stileid.u32;
	[bflag:$0x2] =	sbarrier.arrive $0xFFFF  }
0xe0: {  	p0 =	sne.s32 s0, $0x0;
	s0 =	rddreg [dreg:$0x2]  }
0xe1: {  	s0 =	sadd.s32 @!p0 $0x100000, s0  }
0xe2: {  	[sflag:s0] =	ssyncadd.tile.s32 @!p0 $0x1;
	_ =	shalt  }
.Lfunc_end2:
_tile_overlayer_lowered:
.L_overlay_start_2:
0xe3: {  	(tag) =	ssettag $0x2  }
0xe4: {  	s0 =	rddreg [dreg:$0x0];
	s2 =	stileid.u32  }
0xe5: {  	s1 =	rddreg [dreg:$0x1];
	p0 =	sne.s32 s2, $0x0  }
0xe6: {  	s3 =	rddreg [dreg:$0x2];
	[bflag:$0x3] =	sbarrier.arrive $0xFFFF;
	s2 =	simm.s32 @!p0 $0x1C0A  }
0xe7: {  	[timem:s3], [sflag:s2] =	dma.local @!p0 [hbm:s0], s1  }
0xe8: {  	s0 =	simm.s32 @!p0 $0xA  }
0xe9: {  	_ =	swait.ge @!p0 [sflag:s0], s1  }
0xea: {  	s1 =	ssub.s32 @!p0 $0x0, s1;
	[sflag:s0] =	ssyncset.done @!p0 $0x0  }
0xeb: {  	[sflag:s0] =	ssyncadd.s32 @!p0 s1  }
0xec: {  	[bflag:$0x3] =	sbarrier.arrive $0xFFFF  }
0xed: {  	_ =	shalt  }

// kernel: kernel.20.cloned.1.call-start
scs
__scs_entry_jumppad:
0x0: {  	(pc) =	sbr.rel $0x88, $3  }
0x1: {  	(tag) =	ssettag $0x0;
	lr =	simm.s32 $0x1  }
0x2: {  	[smem:$0x3F91] =	sst lr;
	_ =	strace $0xD0000000  }
0x3: {  	_ = 	snop  }
0x4: {  	_ = 	snop  }
0x5: {  	_ = 	snop  }
0x6: {  	_ = 	snop  }
0x7: {  	_ = 	snop  }
__scs_overlays_trampoline_lowered:
0x8: {  	[smem:$0x3FA0] =	sst s0  }
0x9: {  	[smem:$0x3FA1] =	sst s1  }
0xa: {  	[smem:$0x3FA2] =	sst s2  }
0xb: {  	[smem:$0x3FA3] =	sst s3  }
0xc: {  	[smem:$0x3FA4] =	sst s4  }
0xd: {  	[smem:$0x3FA5] =	sst s5  }
0xe: {  	[smem:$0x3FA6] =	sst s6  }
0xf: {  	[smem:$0x3FA7] =	sst s7  }
0x10: {  	[smem:$0x3FA8] =	sst s8  }
0x11: {  	[smem:$0x3FA9] =	sst s9;
	s0 =	simm.s32 @!p0 $0x0  }
0x12: {  	s1 =	sld [smem:$0x3F8F];
	s0 =	simm.s32 @p0 $0x1  }
0x13: {  	[smem:$0x3FAA] =	sst s0;
	s0 =	simm.s32 @!p1 $0x0  }
0x14: {  	s2 =	sld [smem:$0x3F8E];
	s0 =	simm.s32 @p1 $0x1  }
0x15: {  	[smem:$0x3FAB] =	sst s0;
	s0 =	simm.s32 @!p2 $0x0  }
0x16: {  	s3 =	sld [smem:$0x3FDB];
	s0 =	simm.s32 @p2 $0x1  }
0x17: {  	s4 =	simm.s32 $0x1BF5;
	[smem:$0x3FAD] =	sst s0  }
0x18: {  	s0 =	sld [smem:$0x3F90];
	_ =	swait.ge [sflag:s4], $0x0  }
0x19: {  	s7 =	sld [smem:$0x3F91]  }
0x1a: {  	s8 =	sadd.s32 $0xFFFFE003, lr  }
0x1b: {  	s9 =	sadd.s32 $0xFFFFFEF7, lr;
	s5 =	simm.s32 $0xFFFFFFFF;
	p2 =	slt.u32 s8, $0xFFFFF086  }
0x1c: {  	p1 =	slt.u32 s9, $0xF7A;
	s5 =	simm.s32 @!p2 $0x0  }
0x1d: {  	s5 =	simm.s32 @p1 $0x1;
	p0 =	seq.s32 s7, s2  }
0x1e: {  	s7 =	smul.u32 @!p0 $0xF7A, s2;
	p2 =	seq.s32 @!p0 s5, $0x0  }
0x1f: {  	s9 =	smul.u32 $0xF7A, s1;
	s8 =	simm.s32 @!p0 $0x1BF5;
	p2 =	por !p2, p0  }
0x20: {  	[sflag:s8] =	ssyncset.s32 @!p0 $0xFFFFF086;
	s6 =	sadd.s32 @!p0 s3, s7;
	s7 =	simm.s32 @!p0 $0x108  }
0x21: {  	s3 =	sadd.s32 s3, s9;
	s6 =	sadd.s32 @!p0 $0x88, s6;
	s7 =	simm.s32 @p2 $0x1082  }
0x22: {  	[simem:s7], [sflag:s8] =	dma.local @!p0 [hbm:s6], $0xF7A  }
0x23: {  	s9 =	sor.u32 $0xD0000000, s2;
	s6 =	simm.s32 $0x108;
	_ =	swait.ge @!p0 [sflag:s8], $0x0  }
0x24: {  	s3 =	sadd.s32 $0x88, s3;
	s6 =	simm.s32 @!p1 $0x1082;
	[sflag:s4] =	ssyncset.s32 $0xFFFFF086  }
0x25: {  	[simem:s6], [sflag:s4] =	dma.local [hbm:s3], $0xF7A  }
0x26: {  	[smem:$0x3F91] =	sst s1;
	(tag) =	ssettag s2;
	_ =	strace s9  }
0x27: {  	s1 =	sld [smem:$0x3FA1]  }
0x28: {  	s2 =	sld [smem:$0x3FA2]  }
0x29: {  	s4 =	sld [smem:$0x3FA4]  }
0x2a: {  	p0 =	seq.s32 s5, $0x0;
	s5 =	sld [smem:$0x3FA5]  }
0x2b: {  	s6 =	sld [smem:$0x3FA6]  }
0x2c: {  	s7 =	sld [smem:$0x3FA7]  }
0x2d: {  	s3 =	simm.s32 $0x108;
	s8 =	sld [smem:$0x3FA8]  }
0x2e: {  	s3 =	simm.s32 @!p0 $0x1082;
	s9 =	sld [smem:$0x3FA9]  }
0x2f: {  	lr =	sadd.s32 s0, s3;
	s0 =	sld [smem:$0x3FA0]  }
0x30: {  	s3 =	sld [smem:$0x3FA3]  }
0x31: {  	[smem:$0x3FAC] =	sst s10  }
0x32: {  	s10 =	sld [smem:$0x3FAA];
	_ =	sdelay $0x3  }
0x33: {  	p0 =	seq.s32 s10, $0x1;
	s10 =	sld [smem:$0x3FAC];
	_ =	sdelay $0x3  }
0x34: {  	[smem:$0x3FAC] =	sst s10  }
0x35: {  	s10 =	sld [smem:$0x3FAB];
	_ =	sdelay $0x3  }
0x36: {  	p1 =	seq.s32 s10, $0x1;
	s10 =	sld [smem:$0x3FAC];
	_ =	sdelay $0x3  }
0x37: {  	[smem:$0x3FAC] =	sst s10  }
0x38: {  	s10 =	sld [smem:$0x3FAD]  }
0x39: {  	_ = 	snop;
	(pc) =	sbr.ind lr, $3  }
0x3a: {  	_ = 	snop  }
0x3b: {  	_ = 	snop  }
0x3c: {  	p2 =	seq.s32 s10, $0x1;
	s10 =	sld [smem:$0x3FAC]  }
0x3d: {  	_ =	shalt  }
0x3e: {  	_ =	shalt  }
0x3f: {  	_ =	shalt  }
0x40: {  	_ =	shalt  }
0x41: {  	_ =	shalt  }
0x42: {  	_ =	shalt  }
0x43: {  	_ =	shalt  }
0x44: {  	_ =	shalt  }
0x45: {  	_ =	shalt  }
0x46: {  	_ =	shalt  }
0x47: {  	_ =	shalt  }
0x48: {  	_ =	shalt  }
0x49: {  	_ =	shalt  }
0x4a: {  	_ =	shalt  }
0x4b: {  	_ =	shalt  }
0x4c: {  	_ =	shalt  }
0x4d: {  	_ =	shalt  }
0x4e: {  	_ =	shalt  }
0x4f: {  	_ =	shalt  }
0x50: {  	_ =	shalt  }
0x51: {  	_ =	shalt  }
0x52: {  	_ =	shalt  }
0x53: {  	_ =	shalt  }
0x54: {  	_ =	shalt  }
0x55: {  	_ =	shalt  }
0x56: {  	_ =	shalt  }
0x57: {  	_ =	shalt  }
0x58: {  	_ =	shalt  }
0x59: {  	_ =	shalt  }
0x5a: {  	_ =	shalt  }
0x5b: {  	_ =	shalt  }
0x5c: {  	_ =	shalt  }
0x5d: {  	_ =	shalt  }
0x5e: {  	_ =	shalt  }
0x5f: {  	_ =	shalt  }
0x60: {  	_ =	shalt  }
0x61: {  	_ =	shalt  }
0x62: {  	_ =	shalt  }
0x63: {  	_ =	shalt  }
0x64: {  	_ =	shalt  }
0x65: {  	_ =	shalt  }
0x66: {  	_ =	shalt  }
0x67: {  	_ =	shalt  }
0x68: {  	_ =	shalt  }
0x69: {  	_ =	shalt  }
0x6a: {  	_ =	shalt  }
0x6b: {  	_ =	shalt  }
0x6c: {  	_ =	shalt  }
0x6d: {  	_ =	shalt  }
0x6e: {  	_ =	shalt  }
0x6f: {  	_ =	shalt  }
0x70: {  	_ =	shalt  }
0x71: {  	_ =	shalt  }
0x72: {  	_ =	shalt  }
0x73: {  	_ =	shalt  }
0x74: {  	_ =	shalt  }
0x75: {  	_ =	shalt  }
0x76: {  	_ =	shalt  }
0x77: {  	_ =	shalt  }
0x78: {  	_ =	shalt  }
0x79: {  	_ =	shalt  }
0x7a: {  	_ =	shalt  }
0x7b: {  	_ =	shalt  }
0x7c: {  	_ =	shalt  }
0x7d: {  	_ =	shalt  }
0x7e: {  	_ =	shalt  }
0x7f: {  	_ =	shalt  }
0x80: {  	_ =	shalt  }
0x81: {  	_ =	shalt  }
0x82: {  	_ =	shalt  }
0x83: {  	_ =	shalt  }
0x84: {  	_ =	shalt  }
0x85: {  	_ =	shalt  }
0x86: {  	_ =	shalt  }
0x87: {  	_ =	shalt  }
.Lfunc_end0:
.L_simem_size_0:
called_computation.3_lowered:
.L_overlay_start_0:
0x88: {  	s2 =	sld [smem:$0x3FD9]  }
0x89: {  	s3 =	sld [smem:$0x3FFE];
	_ =	sdelay $0x1  }
0x8a: {  	s1 =	srdreg.scid  }
0x8b: {  	s0 =	sand.u32 $0x1, s1  }
0x8c: {  	s16 =	sshll.u32 s0, $0xA;
	s2 =	sadd.s32 s3, s2  }
0x8d: {  	s2 =	sadd.s32 s2, s16  }
0x8e: {  	[smem:$0x3FB8] =	sst s2  }
0x8f: {  	_ = 	snop  }
0x90: {  	(tm) =	ssettm $0x1  }
0x91: {  	s17 =	sld [smem:$0x3FFB];
	_ =	sdelay $0x3  }
0x92: {  	_ =	strace s17  }
0x93: {  	s2 =	sld [smem:$0x3FFC];
	_ =	sdelay $0x3  }
0x94: {  	_ =	strace s2  }
0x95: {  	s2 =	sld [smem:$0x3FFD];
	_ =	sdelay $0x3  }
0x96: {  	_ =	strace s2  }
0x97: {  	_ =	strace $0x8FFFFFFF  }
0x98: {  	s18 =	sld [smem:$0x3FDB];
	_ =	sdelay $0x1  }
0x99: {  	s19 =	simm.s32 $_scs_section_size  }
0x9a: {  	s4 =	simm.s32 $_size__tile_overlayer_lowered;
	s5 =	simm.s32 $_tile_overlayer_lowered  }
0x9b: {  	s22 =	simm.s32 $0x1BFF;
	s21 =	sshll.u32 s5, $0x1;
	s2 =	sadd.s32 s19, s18  }
0x9c: {  	s6 =	simm.s32 $0x0;
	s20 =	sshll.u32 s4, $0x1;
	s4 =	sadd.s32 s21, s2  }
0x9d: {  	[timem:s6], [sflag:s22] =	dma.local [hbm:s4], s20  }
0x9e: {  	_ =	swait.ge [sflag:s22], s20  }
0x9f: {  	s3 =	ssub.s32 $0x0, s20;
	[sflag:s22] =	ssyncset.done $0x0  }
0xa0: {  	[sflag:s22] =	ssyncadd.s32 s3;
	_ =	sdelay $0x1  }
0xa1: {  	s23 =	simm.s32 $0x1B8B  }
0xa2: {  	_ =	swait.ge [sflag:s23], $0x1  }
0xa3: {  	[sflag:s23] =	ssyncset.done $0x0  }
0xa4: {  	s25 =	simm.s32 $0x1B8E;
	s24 =	sld [smem:$0x3FFE];
	[sflag:s23] =	ssyncadd.s32 $0xFFFFFFFF  }
0xa5: {  	s26 =	simm.s32 $execute0_lowered;
	[smem:$0x3FD2] =	sst s25  }
0xa6: {  	s4 =	sshll.u32 s26, $0x1;
	_ =	strace $0x8000004F;
	[dreg:$0x1] =	wrdreg $0xFFFFFFFF  }
0xa7: {  	s28 =	simm.s32 $_size_execute0_lowered;
	s2 =	sadd.s32 s2, s4;
	[dreg:$0x0] =	wrdreg $0x0  }
0xa8: {  	s4 =	sshll.u32 s28, $0x1;
	[dreg:$0x2] =	wrdreg s2  }
0xa9: {  	[dreg:$0x3] =	wrdreg s4  }
0xaa: {  	[dreg:$0x4] =	wrdreg $0xC0  }
0xab: {  	_ =	task [dreg:s6], $0x5FFFF  }
0xac: {  	[dreg:$0x1] =	wrdreg $0xFFFFFFFF  }
0xad: {  	[dreg:$0x0] =	wrdreg $0x60  }
0xae: {  	[dreg:$0x2] =	wrdreg s24  }
0xaf: {  	[dreg:$0x3] =	wrdreg $0x0  }
0xb0: {  	[dreg:$0x4] =	wrdreg $0x9  }
0xb1: {  	_ =	task.clear_ibuf [dreg:s6], $0x5FFFF;
	_ =	strace $0x9000004F  }
0xb2: {  	s29 =	simm.s32 $0x9;
	_ =	strace $0x80000051  }
0xb3: {  	_ =	swait.ge [sflag:s29], $0x1  }
0xb4: {  	[sflag:s29] =	ssyncadd.s32 $0xFFFFFFFF  }
0xb5: {  	_ =	strace $0x90000051  }
0xb6: {  	_ =	sfence  }
0xb7: {  	s30 =	sld [smem:$0x0];
	_ =	sdelay $0x2  }
0xb8: {  	s31 =	sshll.u32 s1, $0xD;
	s1 =	sshrl.u32 s1, $0x2  }
0xb9: {  	s3 =	sand.u32 $0x4000, s31;
	s1 =	sadd.s32 s1, s30  }
0xba: {  	s0 =	sor.u32 s3, s0;
	s1 =	sshll.u32 s1, $0x11  }
0xbb: {  	s0 =	sor.u32 s1, s0  }
0xbc: {  	s0 =	sadd.s32 $0x8F2B, s0  }
0xbd: {  	[sflag:s0] =	ssyncadd.remote.s32 $0x1  }
0xbe: {  	_ =	sfence.sel $0xFFFF  }
0xbf: {  	[dreg:$0x0] =	wrdreg $0xFFFFFFFF;
	(pc) =	sbr.abs _section_cstart, $3  }
0xc0: {  	[dreg:$0x1] =	wrdreg $0xFFFFFFFF  }
0xc1: {  	_ =	task.clear_ibuf [dreg:s6], $0x2FFFF;
	_ =	strace $0x9FFFFFFF  }
0xc2: {  	(tm) =	ssettm $0x7FFFFFFF  }
0xc3: {  	_ =	shalt  }
tec
execute0_lowered:
.L_overlay_start_1:
0x0: {  	(tag) =	ssettag $0x1  }
0x1: {  	s0 =	rddreg [dreg:$0x0]  }
0x2: {  	s2 =	rddreg [dreg:$0x1];
	s3 =	simm.s32 $0x0  }
0x3: {  	s13 =	stileid.u32;
	s1 =	srdreg.scid;
	s15 =	simm.s32 $0x13D00  }
0x4: {  	s28 =	simm.s32 $0x4;
	s29 =	simm.s32 $0x78;
	s30 =	simm.s32 $0x14400  }
0x5: {  	s31 =	simm.s32 $0x5;
	s16 =	simm.s32 $0x7;
	[smem:$0x7FF] =	sst s3  }
0x6: {  	s8 =	smul.u32 $0x2780, s13;
	s1 =	sand.u32 $0x1, s1;
	s4 =	sadd.s32 $0x140200, s0  }
0x7: {  	s9 =	smul.u32 $0x4F000, s13;
	s5 =	sadd.s32 $0x7800, s0;
	s6 =	sadd.s32 $0x2000, s0  }
0x8: {  	s20 =	sshll.u32 s13, $0x6;
	_ =	strace $0x80000050;
	s7 =	smul.u32 $0x27800, s1  }
0x9: {  	s10 =	smul.u32 $0x2C000, s1;
	s1 =	ssub.s32 $0x2, s1;
	s14 =	sor.u32 $0x1C0A, s20  }
0xa: {  	s20 =	simm.s32 $0xA;
	s12 =	sadd.s32 s8, s0;
	s17 =	sshrl.u32 s1, $0x1  }
0xb: {  	s9 =	sshrl.u32 s9, $0x2;
	[dreg:$0x5] =	wrdreg s14;
	s11 =	sadd.s32 s8, s7  }
0xc: {  	s7 =	smul.u32 $0x2C00, s13;
	s1 =	ssub.s32 s1, s17;
	s9 =	sadd.s32 s9, s2  }
0xd: {  	s18 =	sadd.s32 $0x12800, s12;
	s12 =	simm.s32 $0x18000;
	s13 =	simm.s32 $0x1  }
0xe: {  	s17 =	simm.s32 $0x0;
	s0 =	sadd.s32 s11, s0;
	[dreg:$0x3] =	wrdreg s18  }
0xf: {  	s26 =	smax.u32 s1, $0x1;
	s18 =	sshrl.u32 s9, $0x3;
	s1 =	simm.s32 $0x6  }
0x10: {  	s9 =	simm.s32 $0x1BC00;
	s11 =	simm.s32 $0x14280;
	[dreg:$0xc] =	wrdreg s26  }
0x11: {  	s22 =	sshrl.u32 s7, $0x3;
	s0 =	sadd.s32 $0x3A000, s0;
	[dreg:$0xd] =	wrdreg s18  }
0x12: {  	s8 =	sadd.s32 s7, s10;
	s10 =	sadd.s32 s6, s22;
	[dreg:$0xb] =	wrdreg s0  }
0x13: {  	s19 =	sshrl.u32 s8, $0x3;
	s24 =	sadd.s32 $0x10, s10;
	[dreg:$0x6] =	wrdreg s10  }
.Ltmp0:
0x14: {  	s21 =	sadd.s32 s5, s19;
	[dreg:$0x8] =	wrdreg s24;
	(pc) =	sbr.rel .LBB2_1-.Ltmp0, $4  }
0x15: {  	s10 =	sadd.s32 $0x20, s10;
	s19 =	simm.s32 $0x9;
	[dreg:$0x4] =	wrdreg s21  }
0x16: {  	s23 =	sadd.s32 $0x10, s21;
	s25 =	sadd.s32 $0x20, s21;
	[dreg:$0xa] =	wrdreg s10  }
0x17: {  	s21 =	simm.s32 $0x2;
	s10 =	simm.s32 $0x3;
	[dreg:$0x7] =	wrdreg s23  }
0x18: {  	[dreg:$0x9] =	wrdreg s25;
	s25 =	simm.s32 $0x14100;
	s23 =	simm.s32 $0x8  }
.LBB2_4:
0x19: {  	_ =	swait.ge [sflag:s16], $0x3C00  }
0x1a: {  	[sflag:s16] =	ssyncset.done $0x0  }
0x1b: {  	[sflag:s16] =	ssyncadd.s32 $0xFFFFC400  }
0x1c: {  	_ =	swait.ge [sflag:s23], $0x3C00  }
0x1d: {  	[sflag:s23] =	ssyncset.done $0x0  }
0x1e: {  	[sflag:s23] =	ssyncadd.s32 $0xFFFFC400  }
0x1f: {  	_ =	swait.ge [sflag:s19], $0x3C00  }
0x20: {  	[sflag:s19] =	ssyncset.done $0x0  }
0x21: {  	[sflag:s19] =	ssyncadd.s32 $0xFFFFC400  }
0x22: {  	[bflag:$0x0] =	sbarrier.arrive $0xFFFF  }
0x23: {  	s14 =	rddreg [dreg:$0x5]  }
0x24: {  	s0 =	rddreg [dreg:$0xb]  }
0x25: {  	s20 =	simm.s32 $0xA;
	s18 =	rddreg [dreg:$0xd]  }
0x26: {  	[hbm:s0], [sflag:s14] =	dma.local [spmem:s18], $0x2780  }
0x27: {  	_ =	swait.ge [sflag:s20], $0x2780  }
0x28: {  	s17 =	rddreg [dreg:$0xe]  }
0x29: {  	s26 =	rddreg [dreg:$0xc];
	s17 =	sadd.s32 $0x1, s17  }
0x2a: {  	p0 =	sne.s32 s17, s26  }
.Ltmp1:
0x2b: {  	_ = 	snop;
	(pc) =	sbr.rel @!p0 .LBB2_5-.Ltmp1, $3  }
0x2c: {  	_ =	sdelay $0x1  }
0x2d: {  	[sflag:s20] =	ssyncset.done $0x0  }
0x2e: {  	s15 =	simm.s32 $0x13D00;
	s25 =	simm.s32 $0x14100;
	[sflag:s20] =	ssyncadd.s32 $0xFFFFD880  }
.LBB2_1:
0x2f: {  	[dreg:$0xe] =	wrdreg s17  }
0x30: {  	s0 =	rddreg [dreg:$0x3]  }
0x31: {  	[spmem:s18], [sflag:s14] =	dma.local [hbm:s0], $0x2780  }
0x32: {  	_ =	swait.ge [sflag:s20], $0x2780  }
0x33: {  	[sflag:s20] =	ssyncset.done $0x0  }
0x34: {  	[sflag:s20] =	ssyncadd.s32 $0xFFFFD880  }
0x35: {  	[bflag:$0x0] =	sbarrier.arrive $0xFFFF  }
0x36: {  	s14 =	simm.s32 $0x13C00;
	s20 =	rddreg [dreg:$0x4]  }
0x37: {  	[tilespmem:s14], [sflag:$0x4] =	stream.linear.gather [hbm4b:s20+s3], $0x80, $0x38;
	[tilespmem:$0x1F800] =	vst v63  }
0x38: {  	s24 =	simm.s32 $0x14000;
	s22 =	rddreg [dreg:$0x6]  }
0x39: {  	[tilespmem:s24], [sflag:$0x4] =	stream.linear.gather [hbm4b:s22+s3], $0x80, $0x38;
	[tilespmem:$0x1F800] =	vst v63  }
0x3a: {  	s17 =	simm.s32 $0x13C80;
	s26 =	rddreg [dreg:$0x7]  }
0x3b: {  	[tilespmem:s17], [sflag:$0x5] =	stream.linear.gather [hbm4b:s26+s3], $0x80, $0x38;
	[tilespmem:$0x1F800] =	vst v63  }
0x3c: {  	s20 =	rddreg [dreg:$0x8];
	s22 =	simm.s32 $0x14080  }
0x3d: {  	[tilespmem:s22], [sflag:$0x5] =	stream.linear.gather [hbm4b:s20+s3], $0x80, $0x38;
	[tilespmem:$0x1F800] =	vst v63  }
0x3e: {  	s24 =	rddreg [dreg:$0x9]  }
0x3f: {  	[tilespmem:s15], [sflag:$0x6] =	stream.linear.gather [hbm4b:s24+s3], $0x80, $0x38;
	[tilespmem:$0x1F800] =	vst v63  }
0x40: {  	s26 =	rddreg [dreg:$0xa]  }
0x41: {  	[tilespmem:s25], [sflag:$0x6] =	stream.linear.gather [hbm4b:s26+s3], $0x80, $0x38;
	[tilespmem:$0x1F800] =	vst v63  }
0x42: {  	_ =	swait.ge [sflag:s28], $0x80  }
0x43: {  	[sflag:s28] =	ssyncset.done $0x0  }
0x44: {  	[sflag:s28] =	ssyncadd.s32 $0xFFFFFF80  }
0x45: {  	_ =	swait.ge [sflag:s28], $0x80  }
0x46: {  	[sflag:s28] =	ssyncset.done $0x0  }
0x47: {  	[sflag:s28] =	ssyncadd.s32 $0xFFFFFF80  }
0x48: {  	[tilespmem:s30], [sflag:$0x1] =	stream.indirect.gather [hbm4b:s4+s29], $0x80, s14, s29, $0xb8;
	[tilespmem:$0x1F800] =	vst v63  }
0x49: {  	_ =	swait.ge [sflag:s31], $0x80  }
0x4a: {  	[sflag:s31] =	ssyncset.done $0x0  }
0x4b: {  	[sflag:s31] =	ssyncadd.s32 $0xFFFFFF80  }
0x4c: {  	_ =	swait.ge [sflag:s31], $0x80  }
0x4d: {  	[sflag:s31] =	ssyncset.done $0x0  }
0x4e: {  	s20 =	simm.s32 $0x400;
	[sflag:s31] =	ssyncadd.s32 $0xFFFFFF80  }
0x4f: {  	[tilespmem:s12], [sflag:$0x2] =	stream.indirect.gather [hbm4b:s4+s29], $0x80, s17, s29, $0xb8;
	[tilespmem:$0x1F800] =	vst v63  }
.LBB2_2:
0x50: {  	_ =	swait.ge [sflag:s1], $0x80  }
0x51: {  	[sflag:s1] =	ssyncset.done $0x0  }
0x52: {  	[sflag:s1] =	ssyncadd.s32 $0xFFFFFF80  }
0x53: {  	_ =	swait.ge [sflag:s1], $0x80  }
0x54: {  	p0 =	seq.s32 s20, $0x400;
	[sflag:s1] =	ssyncset.done $0x0  }
0x55: {  	s22 =	simm.s32 @!p0 $0x9;
	[sflag:s1] =	ssyncadd.s32 $0xFFFFFF80  }
0x56: {  	_ =	swait.ge @!p0 [sflag:s22], $0x3C00  }
0x57: {  	s12 =	sadd.s32 $0xFFFFFD80, s20;
	[sflag:s22] =	ssyncset.done @!p0 $0x0  }
0x58: {  	s24 =	sand.u32 $0x7C00, s12;
	[sflag:s22] =	ssyncadd.s32 @!p0 $0xFFFFC400  }
0x59: {  	[tilespmem:s9], [sflag:$0x3] =	stream.indirect.gather [hbm4b:s4+s29], $0x80, s15, s29, $0xb8;
	[tilespmem:$0x1F800] =	vst v63  }
0x5a: {  	s18 =	sadd.s32 s8, s24;
	s22 =	sand.u32 $0x380, s12;
	_ =	swait.ge [sflag:s13], $0x3C00  }
0x5b: {  	s18 =	sor.u32 s22, s18;
	[sflag:s13] =	ssyncset.done $0x0  }
0x5c: {  	s0 =	simm.s32 $0x14000;
	s18 =	sshrl.u32 s18, $0x3;
	[sflag:s13] =	ssyncadd.s32 $0xFFFFC400  }
0x5d: {  	[spmem:s2] =	stream.indirect.scatter.add.f32 [tilespmem:s30], [sflag:$0x7], $0x80, s0, s29, $0xb8;
	[tilespmem:$0x1F800] =	vst v63  }
0x5e: {  	s14 =	simm.s32 $0x13D80;
	s17 =	sadd.s32 s7, s24;
	s18 =	sadd.s32 s5, s18  }
0x5f: {  	[tilespmem:s14], [sflag:$0x4] =	stream.linear.gather [hbm4b:s18+s3], $0x80, $0x38;
	[tilespmem:$0x1F800] =	vst v63  }
0x60: {  	s18 =	sor.u32 s22, s17  }
0x61: {  	s18 =	sshrl.u32 s18, $0x3  }
0x62: {  	s17 =	simm.s32 $0x14180;
	s18 =	sadd.s32 s6, s18  }
0x63: {  	[tilespmem:s17], [sflag:$0x4] =	stream.linear.gather [hbm4b:s18+s3], $0x80, $0x38;
	[tilespmem:$0x1F800] =	vst v63  }
0x64: {  	_ =	swait.ge [sflag:s28], $0x80  }
0x65: {  	[sflag:s28] =	ssyncset.done $0x0  }
0x66: {  	[sflag:s28] =	ssyncadd.s32 $0xFFFFFF80  }
0x67: {  	_ =	swait.ge [sflag:s28], $0x80  }
0x68: {  	[sflag:s28] =	ssyncset.done $0x0  }
0x69: {  	[sflag:s28] =	ssyncadd.s32 $0xFFFFFF80  }
0x6a: {  	_ =	swait.ge [sflag:s16], $0x3C00  }
0x6b: {  	[sflag:s16] =	ssyncset.done $0x0  }
0x6c: {  	s26 =	sadd.s32 $0xFFFFFE00, s20;
	[sflag:s16] =	ssyncadd.s32 $0xFFFFC400  }
0x6d: {  	[tilespmem:s30], [sflag:$0x1] =	stream.indirect.gather [hbm4b:s4+s29], $0x80, s14, s29, $0xb8;
	[tilespmem:$0x1F800] =	vst v63  }
0x6e: {  	s0 =	sand.u32 $0x7C00, s26;
	_ =	swait.ge [sflag:s21], $0x3C00  }
0x6f: {  	s24 =	simm.s32 $0x14080;
	s12 =	sadd.s32 s8, s0;
	[sflag:s21] =	ssyncset.done $0x0  }
0x70: {  	s18 =	sand.u32 $0x300, s26;
	s14 =	simm.s32 $0x18000;
	[sflag:s21] =	ssyncadd.s32 $0xFFFFC400  }
0x71: {  	[spmem:s2] =	stream.indirect.scatter.add.f32 [tilespmem:s14], [sflag:$0x8], $0x80, s24, s29, $0xb8;
	[tilespmem:$0x1F800] =	vst v63  }
0x72: {  	s22 =	sadd.s32 s7, s0;
	s24 =	sor.u32 s18, s12  }
0x73: {  	s18 =	sor.u32 s18, s22;
	s24 =	sshrl.u32 s24, $0x3  }
0x74: {  	s26 =	simm.s32 $0x13E00;
	s18 =	sshrl.u32 s18, $0x3;
	s24 =	sadd.s32 s5, s24  }
0x75: {  	[tilespmem:s26], [sflag:$0x5] =	stream.linear.gather [hbm4b:s24+s3], $0x80, $0x38;
	[tilespmem:$0x1F800] =	vst v63  }
0x76: {  	s12 =	simm.s32 $0x14200;
	s18 =	sadd.s32 s6, s18  }
0x77: {  	[tilespmem:s12], [sflag:$0x5] =	stream.linear.gather [hbm4b:s18+s3], $0x80, $0x38;
	[tilespmem:$0x1F800] =	vst v63  }
0x78: {  	_ =	swait.ge [sflag:s31], $0x80  }
0x79: {  	[sflag:s31] =	ssyncset.done $0x0  }
0x7a: {  	[sflag:s31] =	ssyncadd.s32 $0xFFFFFF80  }
0x7b: {  	_ =	swait.ge [sflag:s31], $0x80  }
0x7c: {  	[sflag:s31] =	ssyncset.done $0x0  }
0x7d: {  	[sflag:s31] =	ssyncadd.s32 $0xFFFFFF80  }
0x7e: {  	_ =	swait.ge [sflag:s23], $0x3C00  }
0x7f: {  	[sflag:s23] =	ssyncset.done $0x0  }
0x80: {  	[sflag:s23] =	ssyncadd.s32 $0xFFFFC400  }
0x81: {  	[tilespmem:s14], [sflag:$0x2] =	stream.indirect.gather [hbm4b:s4+s29], $0x80, s26, s29, $0xb8;
	[tilespmem:$0x1F800] =	vst v63  }
0x82: {  	_ =	swait.ge [sflag:s10], $0x3C00  }
0x83: {  	s0 =	sadd.s32 $0xFFFFFE80, s20;
	[sflag:s10] =	ssyncset.done $0x0  }
0x84: {  	s14 =	sand.u32 $0x7C00, s0;
	[sflag:s10] =	ssyncadd.s32 $0xFFFFC400  }
0x85: {  	[spmem:s2] =	stream.indirect.scatter.add.f32 [tilespmem:s9], [sflag:$0x9], $0x80, s25, s29, $0xb8;
	[tilespmem:$0x1F800] =	vst v63  }
0x86: {  	s18 =	sand.u32 $0x380, s0;
	s25 =	sadd.s32 s8, s14  }
0x87: {  	s22 =	sadd.s32 s7, s14;
	s24 =	sor.u32 s18, s25  }
0x88: {  	s18 =	sor.u32 s18, s22;
	s24 =	sshrl.u32 s24, $0x3  }
0x89: {  	s26 =	simm.s32 $0x13E80;
	s18 =	sshrl.u32 s18, $0x3;
	s24 =	sadd.s32 s5, s24  }
0x8a: {  	[tilespmem:s26], [sflag:$0x6] =	stream.linear.gather [hbm4b:s24+s3], $0x80, $0x38;
	[tilespmem:$0x1F800] =	vst v63  }
0x8b: {  	s18 =	sadd.s32 s6, s18  }
0x8c: {  	[tilespmem:s11], [sflag:$0x6] =	stream.linear.gather [hbm4b:s18+s3], $0x80, $0x38;
	[tilespmem:$0x1F800] =	vst v63  }
0x8d: {  	_ =	swait.ge [sflag:s1], $0x80  }
0x8e: {  	[sflag:s1] =	ssyncset.done $0x0  }
0x8f: {  	[sflag:s1] =	ssyncadd.s32 $0xFFFFFF80  }
0x90: {  	_ =	swait.ge [sflag:s1], $0x80  }
0x91: {  	[sflag:s1] =	ssyncset.done $0x0  }
0x92: {  	[sflag:s1] =	ssyncadd.s32 $0xFFFFFF80  }
0x93: {  	_ =	swait.ge [sflag:s19], $0x3C00  }
0x94: {  	[sflag:s19] =	ssyncset.done $0x0  }
0x95: {  	[sflag:s19] =	ssyncadd.s32 $0xFFFFC400  }
0x96: {  	[tilespmem:s9], [sflag:$0x3] =	stream.indirect.gather [hbm4b:s4+s29], $0x80, s26, s29, $0xb8;
	[tilespmem:$0x1F800] =	vst v63  }
0x97: {  	_ =	swait.ge [sflag:s13], $0x3C00  }
0x98: {  	p0 =	seq.s32 s20, $0x2B00;
	[sflag:s13] =	ssyncset.done $0x0  }
0x99: {  	s18 =	simm.s32 @p0 $0x2;
	[sflag:s13] =	ssyncadd.s32 $0xFFFFC400  }
0x9a: {  	[spmem:s2] =	stream.indirect.scatter.add.f32 [tilespmem:s30], [sflag:$0x7], $0x80, s17, s29, $0xb8;
	[tilespmem:$0x1F800] =	vst v63  }
0x9b: {  	_ =	swait.ge @p0 [sflag:s18], $0x3C00  }
0x9c: {  	s22 =	simm.s32 @p0 $0x14200;
	[sflag:s18] =	ssyncset.done @p0 $0x0  }
0x9d: {  	s24 =	simm.s32 @p0 $0x18000;
	[sflag:s18] =	ssyncadd.s32 @p0 $0xFFFFC400;
	s18 =	simm.s32 @p0 $0x78  }
0x9e: {  	[spmem:s2] =	stream.indirect.scatter.add.f32 @p0 [tilespmem:s24], [sflag:$0x8], $0x80, s22, s18, $0xb8;
	[tilespmem:$0x1F800] =	vst v63  }
0x9f: {  	s18 =	sadd.s32 @!p0 $0xFFFFFF00, s20  }
0xa0: {  	s22 =	sand.u32 @!p0 $0x7C00, s18  }
0xa1: {  	s18 =	sand.u32 @!p0 $0x300, s18;
	s24 =	sadd.s32 @!p0 s8, s22  }
0xa2: {  	s22 =	sadd.s32 @!p0 s7, s22;
	s24 =	sor.u32 @!p0 s18, s24  }
0xa3: {  	s25 =	simm.s32 @!p0 $0x0;
	s18 =	sor.u32 @!p0 s18, s22;
	s24 =	sshrl.u32 @!p0 s24, $0x3  }
0xa4: {  	s26 =	simm.s32 @!p0 $0x13C00;
	s18 =	sshrl.u32 @!p0 s18, $0x3;
	s24 =	sadd.s32 @!p0 s5, s24  }
0xa5: {  	[tilespmem:s26], [sflag:$0x4] =	stream.linear.gather @!p0 [hbm4b:s24+s25], $0x80, $0x38;
	[tilespmem:$0x1F800] =	vst v63  }
0xa6: {  	s22 =	simm.s32 @!p0 $0x14000;
	s18 =	sadd.s32 @!p0 s6, s18  }
0xa7: {  	[tilespmem:s22], [sflag:$0x4] =	stream.linear.gather @!p0 [hbm4b:s18+s25], $0x80, $0x38;
	[tilespmem:$0x1F800] =	vst v63  }
0xa8: {  	s18 =	simm.s32 @!p0 $0x4  }
0xa9: {  	_ =	swait.ge @!p0 [sflag:s18], $0x80  }
0xaa: {  	[sflag:s18] =	ssyncset.done @!p0 $0x0  }
0xab: {  	[sflag:s18] =	ssyncadd.s32 @!p0 $0xFFFFFF80  }
0xac: {  	_ =	swait.ge @!p0 [sflag:s18], $0x80  }
0xad: {  	[sflag:s18] =	ssyncset.done @!p0 $0x0  }
0xae: {  	[sflag:s18] =	ssyncadd.s32 @!p0 $0xFFFFFF80;
	s18 =	simm.s32 @!p0 $0x7  }
0xaf: {  	_ =	swait.ge @!p0 [sflag:s18], $0x3C00  }
0xb0: {  	[sflag:s18] =	ssyncset.done @!p0 $0x0  }
0xb1: {  	s22 =	simm.s32 @!p0 $0x14400;
	[sflag:s18] =	ssyncadd.s32 @!p0 $0xFFFFC400;
	s18 =	simm.s32 @!p0 $0x78  }
0xb2: {  	[tilespmem:s22], [sflag:$0x1] =	stream.indirect.gather @!p0 [hbm4b:s4+s18], $0x80, s26, s18, $0xb8;
	[tilespmem:$0x1F800] =	vst v63  }
0xb3: {  	s22 =	simm.s32 @!p0 $0x2  }
0xb4: {  	_ =	swait.ge @!p0 [sflag:s22], $0x3C00  }
0xb5: {  	[sflag:s22] =	ssyncset.done @!p0 $0x0  }
0xb6: {  	s24 =	simm.s32 @!p0 $0x18000;
	[sflag:s22] =	ssyncadd.s32 @!p0 $0xFFFFC400;
	s22 =	simm.s32 @!p0 $0x14200  }
0xb7: {  	[spmem:s2] =	stream.indirect.scatter.add.f32 @!p0 [tilespmem:s24], [sflag:$0x8], $0x80, s22, s18, $0xb8;
	[tilespmem:$0x1F800] =	vst v63  }
0xb8: {  	s22 =	sadd.s32 @!p0 $0xFFFFFF80, s20  }
0xb9: {  	s26 =	sand.u32 @!p0 $0x7C00, s22  }
0xba: {  	s22 =	sand.u32 @!p0 $0x380, s22;
	s14 =	sadd.s32 @!p0 s8, s26  }
0xbb: {  	s14 =	sor.u32 @!p0 s22, s14  }
0xbc: {  	s14 =	sshrl.u32 @!p0 s14, $0x3  }
0xbd: {  	s0 =	simm.s32 @!p0 $0x13C80;
	s14 =	sadd.s32 @!p0 s5, s14  }
0xbe: {  	[tilespmem:s0], [sflag:$0x5] =	stream.linear.gather @!p0 [hbm4b:s14+s25], $0x80, $0x38;
	[tilespmem:$0x1F800] =	vst v63  }
0xbf: {  	s14 =	sadd.s32 @!p0 s7, s26  }
0xc0: {  	s14 =	sor.u32 @!p0 s22, s14  }
0xc1: {  	s14 =	sshrl.u32 @!p0 s14, $0x3  }
0xc2: {  	s22 =	simm.s32 @!p0 $0x14080;
	s14 =	sadd.s32 @!p0 s6, s14  }
0xc3: {  	[tilespmem:s22], [sflag:$0x5] =	stream.linear.gather @!p0 [hbm4b:s14+s25], $0x80, $0x38;
	[tilespmem:$0x1F800] =	vst v63  }
0xc4: {  	s14 =	simm.s32 @!p0 $0x5  }
0xc5: {  	_ =	swait.ge @!p0 [sflag:s14], $0x80  }
0xc6: {  	[sflag:s14] =	ssyncset.done @!p0 $0x0  }
0xc7: {  	[sflag:s14] =	ssyncadd.s32 @!p0 $0xFFFFFF80  }
0xc8: {  	_ =	swait.ge @!p0 [sflag:s14], $0x80  }
0xc9: {  	[sflag:s14] =	ssyncset.done @!p0 $0x0  }
0xca: {  	[sflag:s14] =	ssyncadd.s32 @!p0 $0xFFFFFF80;
	s14 =	simm.s32 @!p0 $0x8  }
0xcb: {  	_ =	swait.ge @!p0 [sflag:s14], $0x3C00  }
0xcc: {  	[sflag:s14] =	ssyncset.done @!p0 $0x0  }
0xcd: {  	[sflag:s14] =	ssyncadd.s32 @!p0 $0xFFFFC400  }
0xce: {  	[tilespmem:s24], [sflag:$0x2] =	stream.indirect.gather @!p0 [hbm4b:s4+s18], $0x80, s0, s18, $0xb8;
	[tilespmem:$0x1F800] =	vst v63  }
.Ltmp2:
0xcf: {  	_ = 	snop;
	(pc) =	sbr.rel @p0 .LBB2_4-.Ltmp2, $4  }
0xd0: {  	_ =	swait.ge [sflag:s10], $0x3C00  }
0xd1: {  	s15 =	simm.s32 $0x13D00;
	[sflag:s10] =	ssyncset.done $0x0  }
0xd2: {  	s12 =	simm.s32 $0x18000;
	s17 =	simm.s32 $0x14100;
	[sflag:s10] =	ssyncadd.s32 $0xFFFFC400  }
0xd3: {  	[spmem:s2] =	stream.indirect.scatter.add.f32 [tilespmem:s9], [sflag:$0x9], $0x80, s11, s29, $0xb8;
	[tilespmem:$0x1F800] =	vst v63  }
0xd4: {  	s0 =	sadd.s32 $0xFFFFFC00, s20;
	s14 =	sand.u32 $0x7C00, s20  }
0xd5: {  	s18 =	sadd.s32 s8, s14;
	s0 =	sand.u32 $0x300, s0  }
0xd6: {  	s14 =	sadd.s32 s7, s14;
	s18 =	sor.u32 s0, s18  }
.Ltmp3:
0xd7: {  	s0 =	sor.u32 s0, s14;
	s18 =	sshrl.u32 s18, $0x3;
	(pc) =	sbr.rel .LBB2_2-.Ltmp3, $4  }
0xd8: {  	s20 =	sadd.s32 $0x300, s20;
	s0 =	sshrl.u32 s0, $0x3;
	s18 =	sadd.s32 s5, s18  }
0xd9: {  	[tilespmem:s15], [sflag:$0x6] =	stream.linear.gather [hbm4b:s18+s3], $0x80, $0x38;
	[tilespmem:$0x1F800] =	vst v63  }
0xda: {  	s25 =	simm.s32 $0x14100;
	s0 =	sadd.s32 s6, s0;
	s15 =	simm.s32 $0x13D00  }
0xdb: {  	[tilespmem:s17], [sflag:$0x6] =	stream.linear.gather [hbm4b:s0+s3], $0x80, $0x38;
	[tilespmem:$0x1F800] =	vst v63  }
.LBB2_5:
0xdc: {  	_ =	sfence.sel $0x180000  }
0xdd: {  	[bflag:$0x0] =	sbarrier.arrive $0xFFFF  }
0xde: {  	_ =	strace $0x90000050  }
0xdf: {  	s0 =	stileid.u32;
	[bflag:$0x2] =	sbarrier.arrive $0xFFFF  }
0xe0: {  	p0 =	sne.s32 s0, $0x0;
	s0 =	rddreg [dreg:$0x2]  }
0xe1: {  	s0 =	sadd.s32 @!p0 $0x100000, s0  }
0xe2: {  	[sflag:s0] =	ssyncadd.tile.s32 @!p0 $0x1;
	_ =	shalt  }
.Lfunc_end2:
_tile_overlayer_lowered:
.L_overlay_start_2:
0xe3: {  	(tag) =	ssettag $0x2  }
0xe4: {  	s0 =	rddreg [dreg:$0x0];
	s2 =	stileid.u32  }
0xe5: {  	s1 =	rddreg [dreg:$0x1];
	p0 =	sne.s32 s2, $0x0  }
0xe6: {  	s3 =	rddreg [dreg:$0x2];
	[bflag:$0x3] =	sbarrier.arrive $0xFFFF;
	s2 =	simm.s32 @!p0 $0x1C0A  }
0xe7: {  	[timem:s3], [sflag:s2] =	dma.local @!p0 [hbm:s0], s1  }
0xe8: {  	s0 =	simm.s32 @!p0 $0xA  }
0xe9: {  	_ =	swait.ge @!p0 [sflag:s0], s1  }
0xea: {  	s1 =	ssub.s32 @!p0 $0x0, s1;
	[sflag:s0] =	ssyncset.done @!p0 $0x0  }
0xeb: {  	[sflag:s0] =	ssyncadd.s32 @!p0 s1  }
0xec: {  	[bflag:$0x3] =	sbarrier.arrive $0xFFFF  }
0xed: {  	_ =	shalt  }

</sc_bundles>
